<compile_context>
chip_gen: v7x
topology: tpu7x:2x2x1
jax: 0.10.2.dev20260603
libtpu: 0.0.44.dev20260713+nightly
codegen_flags: <defaults>
</compile_context>

<pallas_src>
import dataclasses

import jax
import jax.numpy as jnp
from jax import lax
from jax.experimental import pallas as pl
from jax.experimental.pallas import tpu as pltpu
from jax.experimental.pallas import tpu_sc as plsc

N = 10000
DIM_O = 64
H = 128
NP = 10240
E = 320000
EP = 327680
TRASH = N
L = 16
NTILES = 16
STRIPE = NP // NTILES
REG = EP // 32
RCAP = REG + 256
RROWS = RCAP // 128

_HIGH = lax.Precision.HIGHEST

_mesh = plsc.VectorSubcoreMesh(core_axis_name="c", subcore_axis_name="s")

_sc_params = pltpu.CompilerParams()
if "needs_layout_passes" in pltpu.CompilerParams.__dataclass_fields__:
    _sc_params = dataclasses.replace(_sc_params, needs_layout_passes=False)


def _zeros16():
    return jnp.zeros((L,), jnp.int32)


def _ones16():
    return jnp.ones((L,), jnp.int32)



def _m1_body(src_hbm, dst_hbm, cm_hbm,
             srcc_hbm, dstc_hbm, cnt_hbm, cpart_hbm,
             cm_v, srcb, dstb, sstage, dstage, cnt_v, red_v, part_st, cnt_st,
             shared_cnt):
    cid = lax.axis_index("c")
    sid = lax.axis_index("s")
    r = cid * NTILES + sid

    pltpu.sync_copy(cm_hbm, cm_v)
    pltpu.sync_copy(src_hbm.at[pl.ds(r * REG, REG)], srcb)
    pltpu.sync_copy(dst_hbm.at[pl.ds(r * REG, REG)], dstb)

    @pl.loop(0, NP, step=L)
    def _(i):
        cnt_v[pl.ds(i, L)] = _zeros16()

    trash16 = jnp.full((L,), TRASH, jnp.int32)

    @pl.loop(0, REG, step=L, init_carry=jnp.int32(0))
    def comp(i, off):
        s16 = srcb[pl.ds(i, L)]
        d16 = dstb[pl.ds(i, L)]
        cs = plsc.load_gather(cm_v, [s16])
        cd = plsc.load_gather(cm_v, [d16])
        m = jnp.logical_and(cs > 0, cd == 0)
        plsc.store_compressed(sstage.at[pl.ds(off, L)], s16, mask=m)
        plsc.store_compressed(dstage.at[pl.ds(off, L)], d16, mask=m)
        plsc.addupdate_scatter(cnt_v, [d16], _ones16(), mask=m)
        return off + jnp.sum(m.astype(jnp.int32))

    off = comp

    iota16 = lax.iota(jnp.int32, L)

    @pl.loop(0, 256, step=L)
    def _(j):
        tv = TRASH + jnp.bitwise_and(iota16 + j, 127)
        sstage[pl.ds(off + j, L)] = tv
        dstage[pl.ds(off + j, L)] = tv

    rows_cnt = lax.shift_right_logical(off + 127, 7)
    cnt_st[...] = jnp.broadcast_to(rows_cnt, (L,)).astype(jnp.int32)
    pltpu.sync_copy(sstage, srcc_hbm.at[pl.ds(r * RCAP, RCAP)])
    pltpu.sync_copy(dstage, dstc_hbm.at[pl.ds(r * RCAP, RCAP)])
    pltpu.sync_copy(cnt_st, cnt_hbm.at[r])

    pltpu.sync_copy(cnt_v, shared_cnt.at[sid])
    plsc.subcore_barrier()

    nbase = sid * STRIPE
    for t in range(NTILES):
        pltpu.sync_copy(shared_cnt.at[t, pl.ds(nbase, STRIPE)],
                        red_v.at[pl.ds(t * STRIPE, STRIPE)])

    @pl.loop(0, STRIPE, step=L)
    def _(k):
        tot = red_v[pl.ds(k, L)]
        for t in range(1, NTILES):
            tot = tot + red_v[pl.ds(t * STRIPE + k, L)]
        part_st[pl.ds(k, L)] = tot

    pltpu.sync_copy(part_st, cpart_hbm.at[cid].at[pl.ds(nbase, STRIPE)])


_m1_call = pl.kernel(
    _m1_body,
    out_type=(
        jax.ShapeDtypeStruct((32 * RCAP,), jnp.int32),
        jax.ShapeDtypeStruct((32 * RCAP,), jnp.int32),
        jax.ShapeDtypeStruct((32, L), jnp.int32),
        jax.ShapeDtypeStruct((2, NP), jnp.int32),
    ),
    mesh=_mesh,
    scratch_types=[
        pltpu.VMEM((NP,), jnp.int32),
        pltpu.VMEM((REG,), jnp.int32),
        pltpu.VMEM((REG,), jnp.int32),
        pltpu.VMEM((RCAP,), jnp.int32),
        pltpu.VMEM((RCAP,), jnp.int32),
        pltpu.VMEM((NP,), jnp.int32),
        pltpu.VMEM((NTILES * STRIPE,), jnp.int32),
        pltpu.VMEM((STRIPE,), jnp.int32),
        pltpu.VMEM((L,), jnp.int32),
        pltpu.VMEM_SHARED((NTILES, NP), jnp.int32),
    ],
    compiler_params=_sc_params,
    name="sc_mask_step1",
)


def _m2_body(src_hbm, dst_hbm, ns_hbm, mt2_hbm,
             srcc_hbm, dstc_hbm, cnt_hbm, cpart_hbm,
             ns_v, mt_v, srcb, dstb, sstage, dstage, cnt_v, red_v, part_st,
             cnt_st, shared_cnt):
    cid = lax.axis_index("c")
    sid = lax.axis_index("s")
    r = cid * NTILES + sid

    pltpu.sync_copy(ns_hbm, ns_v)
    pltpu.sync_copy(mt2_hbm, mt_v)
    pltpu.sync_copy(src_hbm.at[pl.ds(r * REG, REG)], srcb)
    pltpu.sync_copy(dst_hbm.at[pl.ds(r * REG, REG)], dstb)

    @pl.loop(0, NP, step=L)
    def _(i):
        cnt_v[pl.ds(i, L)] = _zeros16()

    trash16 = jnp.full((L,), TRASH, jnp.int32)

    @pl.loop(0, REG, step=L, init_carry=jnp.int32(0))
    def comp(i, off):
        s16 = srcb[pl.ds(i, L)]
        d16 = dstb[pl.ds(i, L)]
        ms = plsc.load_gather(ns_v, [s16])
        mt = plsc.load_gather(mt_v, [d16])
        m = jnp.logical_and(ms > 0, mt > 0)
        plsc.store_compressed(sstage.at[pl.ds(off, L)], s16, mask=m)
        plsc.store_compressed(dstage.at[pl.ds(off, L)], d16, mask=m)
        plsc.addupdate_scatter(cnt_v, [d16], _ones16(), mask=m)
        return off + jnp.sum(m.astype(jnp.int32))

    off = comp

    iota16 = lax.iota(jnp.int32, L)

    @pl.loop(0, 256, step=L)
    def _(j):
        tv = TRASH + jnp.bitwise_and(iota16 + j, 127)
        sstage[pl.ds(off + j, L)] = tv
        dstage[pl.ds(off + j, L)] = tv

    rows_cnt = lax.shift_right_logical(off + 127, 7)
    cnt_st[...] = jnp.broadcast_to(rows_cnt, (L,)).astype(jnp.int32)
    pltpu.sync_copy(sstage, srcc_hbm.at[pl.ds(r * RCAP, RCAP)])
    pltpu.sync_copy(dstage, dstc_hbm.at[pl.ds(r * RCAP, RCAP)])
    pltpu.sync_copy(cnt_st, cnt_hbm.at[r])

    pltpu.sync_copy(cnt_v, shared_cnt.at[sid])
    plsc.subcore_barrier()

    nbase = sid * STRIPE
    for t in range(NTILES):
        pltpu.sync_copy(shared_cnt.at[t, pl.ds(nbase, STRIPE)],
                        red_v.at[pl.ds(t * STRIPE, STRIPE)])

    @pl.loop(0, STRIPE, step=L)
    def _(k):
        tot = red_v[pl.ds(k, L)]
        for t in range(1, NTILES):
            tot = tot + red_v[pl.ds(t * STRIPE + k, L)]
        part_st[pl.ds(k, L)] = tot

    pltpu.sync_copy(part_st, cpart_hbm.at[cid].at[pl.ds(nbase, STRIPE)])


_m2_call = pl.kernel(
    _m2_body,
    out_type=(
        jax.ShapeDtypeStruct((32 * RCAP,), jnp.int32),
        jax.ShapeDtypeStruct((32 * RCAP,), jnp.int32),
        jax.ShapeDtypeStruct((32, L), jnp.int32),
        jax.ShapeDtypeStruct((2, NP), jnp.int32),
    ),
    mesh=_mesh,
    scratch_types=[
        pltpu.VMEM((NP,), jnp.int32),
        pltpu.VMEM((NP,), jnp.int32),
        pltpu.VMEM((REG,), jnp.int32),
        pltpu.VMEM((REG,), jnp.int32),
        pltpu.VMEM((RCAP,), jnp.int32),
        pltpu.VMEM((RCAP,), jnp.int32),
        pltpu.VMEM((NP,), jnp.int32),
        pltpu.VMEM((NTILES * STRIPE,), jnp.int32),
        pltpu.VMEM((STRIPE,), jnp.int32),
        pltpu.VMEM((L,), jnp.int32),
        pltpu.VMEM_SHARED((NTILES, NP), jnp.int32),
    ],
    compiler_params=_sc_params,
    name="sc_mask_step2",
)



def _agg_body(p_hbm, srcc_hbm, dstc_hbm, cnt_hbm, zer_hbm, out_hbm,
              srcb, didx, cntb, rows0, rows1, zbuf, acc,
              sem0, sem1, semd0, semd1):
    cid = lax.axis_index("c")
    sid = lax.axis_index("s")
    r = cid * NTILES + sid
    nbase = sid * STRIPE

    pltpu.sync_copy(zer_hbm, zbuf)

    @pl.loop(0, STRIPE, step=32)
    def _(k):
        pltpu.sync_copy(zbuf, acc.at[pl.ds(nbase + k, 32)])

    pltpu.sync_copy(cnt_hbm.at[r], cntb)
    pltpu.sync_copy(srcc_hbm.at[pl.ds(r * RCAP, RCAP)], srcb)
    rows_cnt = jnp.max(cntb[...])
    plsc.subcore_barrier()

    even_cnt = jnp.bitwise_and(rows_cnt, jnp.int32(-2))

    @pl.loop(0, even_cnt, step=2)
    def _(c):
        dd0 = pltpu.async_copy(
            dstc_hbm.at[pl.ds(r * RCAP + c * 128, 128)], didx.at[0], semd0)
        g0 = pltpu.async_copy(
            p_hbm.at[srcb.at[pl.ds(c * 128, 128)]], rows0, sem0)
        dd1 = pltpu.async_copy(
            dstc_hbm.at[pl.ds(r * RCAP + c * 128 + 128, 128)], didx.at[1],
            semd1)
        g1 = pltpu.async_copy(
            p_hbm.at[srcb.at[pl.ds(c * 128 + 128, 128)]], rows1, sem1)
        dd0.wait()
        g0.wait()
        pltpu.sync_copy(rows0, acc.at[didx.at[0]], add=True)
        dd1.wait()
        g1.wait()
        pltpu.sync_copy(rows1, acc.at[didx.at[1]], add=True)

    @pl.when(even_cnt != rows_cnt)
    def _():
        c = even_cnt
        dd0 = pltpu.async_copy(
            dstc_hbm.at[pl.ds(r * RCAP + c * 128, 128)], didx.at[0], semd0)
        g0 = pltpu.async_copy(
            p_hbm.at[srcb.at[pl.ds(c * 128, 128)]], rows0, sem0)
        dd0.wait()
        g0.wait()
        pltpu.sync_copy(rows0, acc.at[didx.at[0]], add=True)

    plsc.subcore_barrier()
    pltpu.sync_copy(acc.at[pl.ds(nbase, STRIPE)],
                    out_hbm.at[cid].at[pl.ds(nbase, STRIPE)])


_agg_call = pl.kernel(
    _agg_body,
    out_type=jax.ShapeDtypeStruct((2, NP, H), jnp.float32),
    mesh=_mesh,
    scratch_types=[
        pltpu.VMEM((RCAP,), jnp.int32),
        pltpu.VMEM((2, 128), jnp.int32),
        pltpu.VMEM((L,), jnp.int32),
        pltpu.VMEM((128, H), jnp.float32),
        pltpu.VMEM((128, H), jnp.float32),
        pltpu.VMEM((32, H), jnp.float32),
        pltpu.VMEM_SHARED((NP, H), jnp.float32),
        pltpu.SemaphoreType.DMA,
        pltpu.SemaphoreType.DMA,
        pltpu.SemaphoreType.DMA,
        pltpu.SemaphoreType.DMA,
    ],
    compiler_params=_sc_params,
    name="sc_gather_segsum",
)



B = 2560
GP = NP // B


def _pre_body(x_ref, cm_ref, wio_ref, wiu_ref, wo1_ref, wu1_ref,
              xo_ref, xu_ref, p1_ref, s1_ref, s0_ref, sc_ref):
    i = pl.program_id(0)
    x = x_ref[...]
    cm = cm_ref[...]
    xo = lax.dot(x[:, :DIM_O], wio_ref[...], precision=_HIGH)
    xu = lax.dot(x[:, DIM_O:], wiu_ref[...], precision=_HIGH)
    xo_ref[...] = xo
    xu_ref[...] = xu
    p1_ref[...] = (lax.dot(xo, wo1_ref[...], precision=_HIGH)
                   + lax.dot(xu, wu1_ref[...], precision=_HIGH))

    @pl.when(i == 0)
    def _():
        s1_ref[...] = jnp.zeros_like(s1_ref)
        s0_ref[...] = jnp.zeros_like(s0_ref)
        sc_ref[...] = jnp.zeros_like(sc_ref)

    s1_ref[...] += jnp.sum(xo * cm, axis=0, keepdims=True)
    s0_ref[...] += jnp.sum(xo * (1.0 - cm), axis=0, keepdims=True)
    sc_ref[...] += jnp.sum(cm, keepdims=True)


_pre_call = pl.pallas_call(
    _pre_body,
    grid=(GP,),
    in_specs=[
        pl.BlockSpec((B, 2 * DIM_O), lambda i: (i, 0)),
        pl.BlockSpec((B, 1), lambda i: (i, 0)),
        pl.BlockSpec((DIM_O, H), lambda i: (0, 0)),
        pl.BlockSpec((DIM_O, H), lambda i: (0, 0)),
        pl.BlockSpec((H, H), lambda i: (0, 0)),
        pl.BlockSpec((H, H), lambda i: (0, 0)),
    ],
    out_specs=[
        pl.BlockSpec((B, H), lambda i: (i, 0)),
        pl.BlockSpec((B, H), lambda i: (i, 0)),
        pl.BlockSpec((B, H), lambda i: (i, 0)),
        pl.BlockSpec((1, H), lambda i: (0, 0)),
        pl.BlockSpec((1, H), lambda i: (0, 0)),
        pl.BlockSpec((1, 1), lambda i: (0, 0)),
    ],
    out_shape=(
        jax.ShapeDtypeStruct((NP, H), jnp.float32),
        jax.ShapeDtypeStruct((NP, H), jnp.float32),
        jax.ShapeDtypeStruct((NP, H), jnp.float32),
        jax.ShapeDtypeStruct((1, H), jnp.float32),
        jax.ShapeDtypeStruct((1, H), jnp.float32),
        jax.ShapeDtypeStruct((1, 1), jnp.float32),
    ),
)


def _t1_body(cpart_ref, cm_ref, ns_ref, mt_ref):
    tot = cpart_ref[0:1, :] + cpart_ref[1:2, :]
    cm = cm_ref[...]
    one = jnp.ones_like(tot)
    zero = jnp.zeros_like(tot)
    ns_ref[...] = jnp.where(tot > 0, one, zero)
    mt_ref[...] = jnp.where((tot == 0) & (cm == 0), one, zero)


_t1_call = pl.pallas_call(
    _t1_body,
    out_shape=(
        jax.ShapeDtypeStruct((1, NP), jnp.int32),
        jax.ShapeDtypeStruct((1, NP), jnp.int32),
    ),
)


def _mid_body(xo_ref, xu_ref, part_ref, cnt_ref, s1_ref, s0_ref, sc_ref,
              wd_ref, wo2_ref, wu2_ref, xuh_ref, p2_ref):
    nc = jnp.maximum(sc_ref[0, 0], 1.0)
    nnc = jnp.maximum(jnp.float32(N) - sc_ref[0, 0], 1.0)
    delta = s1_ref[...] / nc - s0_ref[...] / nnc
    add = lax.dot(delta, wd_ref[...], precision=_HIGH)
    deg = (cnt_ref[0] + cnt_ref[1]).astype(jnp.float32)
    agg = (part_ref[0] + part_ref[1]) / jnp.maximum(deg, 1.0)
    xuh = xu_ref[...] + agg + add
    xuh_ref[...] = xuh
    p2_ref[...] = (lax.dot(xo_ref[...], wo2_ref[...], precision=_HIGH)
                   + lax.dot(xuh, wu2_ref[...], precision=_HIGH))


_mid_call = pl.pallas_call(
    _mid_body,
    grid=(GP,),
    in_specs=[
        pl.BlockSpec((B, H), lambda i: (i, 0)),
        pl.BlockSpec((B, H), lambda i: (i, 0)),
        pl.BlockSpec((2, B, H), lambda i: (0, i, 0)),
        pl.BlockSpec((2, B, 1), lambda i: (0, i, 0)),
        pl.BlockSpec((1, H), lambda i: (0, 0)),
        pl.BlockSpec((1, H), lambda i: (0, 0)),
        pl.BlockSpec((1, 1), lambda i: (0, 0)),
        pl.BlockSpec((H, H), lambda i: (0, 0)),
        pl.BlockSpec((H, H), lambda i: (0, 0)),
        pl.BlockSpec((H, H), lambda i: (0, 0)),
    ],
    out_specs=[
        pl.BlockSpec((B, H), lambda i: (i, 0)),
        pl.BlockSpec((B, H), lambda i: (i, 0)),
    ],
    out_shape=(
        jax.ShapeDtypeStruct((NP, H), jnp.float32),
        jax.ShapeDtypeStruct((NP, H), jnp.float32),
    ),
)


def _post_body(xo_ref, xu_ref, xuh_ref, part_ref, cnt_ref, cm_ref, out_ref):
    deg = (cnt_ref[0] + cnt_ref[1]).astype(jnp.float32)
    final_u = xuh_ref[...] + (part_ref[0] + part_ref[1]) / jnp.maximum(deg, 1.0)
    final_u = jnp.where(cm_ref[...] > 0.0, xu_ref[...], final_u)
    out_ref[...] = jnp.concatenate([xo_ref[...], final_u], axis=1)


_post_call = pl.pallas_call(
    _post_body,
    grid=(GP,),
    in_specs=[
        pl.BlockSpec((B, H), lambda i: (i, 0)),
        pl.BlockSpec((B, H), lambda i: (i, 0)),
        pl.BlockSpec((B, H), lambda i: (i, 0)),
        pl.BlockSpec((2, B, H), lambda i: (0, i, 0)),
        pl.BlockSpec((2, B, 1), lambda i: (0, i, 0)),
        pl.BlockSpec((B, 1), lambda i: (i, 0)),
    ],
    out_specs=pl.BlockSpec((B, 2 * H), lambda i: (i, 0)),
    out_shape=jax.ShapeDtypeStruct((NP, 2 * H), jnp.float32),
)



@jax.jit
def _impl(x, edge_index, central_mask,
          W_in_o, W_in_u, W_o1, W_u1, W_delta, W_o2, W_u2):
    xp = jnp.zeros((NP, DIM_O + DIM_O), x.dtype).at[:N].set(x)
    cm_i = jnp.zeros((NP,), jnp.int32).at[:N].set(central_mask.astype(jnp.int32))
    cm_f = cm_i.astype(jnp.float32).reshape(NP, 1)
    pad = jnp.full((EP - E,), TRASH, jnp.int32)
    src1 = jnp.concatenate([edge_index[0], pad])
    dst1 = jnp.concatenate([edge_index[1], pad])
    zer = jnp.zeros((32, H), jnp.float32)

    sc1, dc1, cnt1, cp1 = _m1_call(src1, dst1, cm_i)
    xo, xu, p1, s1, s0, sc = _pre_call(xp, cm_f, W_in_o, W_in_u, W_o1, W_u1)
    ns, mt2 = _t1_call(cp1, cm_i.reshape(1, NP))
    part1 = _agg_call(p1, sc1, dc1, cnt1, zer)
    sc2, dc2, cnt2, cp2 = _m2_call(src1, dst1, ns.reshape(NP), mt2.reshape(NP))
    xuh, p2 = _mid_call(xo, xu, part1, cp1.reshape(2, NP, 1), s1, s0, sc,
                        W_delta, W_o2, W_u2)
    part2 = _agg_call(p2, sc2, dc2, cnt2, zer)
    out = _post_call(xo, xu, xuh, part2, cp2.reshape(2, NP, 1), cm_f)
    return out[:N]


def kernel(x, edge_index, central_mask,
           W_in_o, W_in_u, W_o1, W_u1, W_delta, W_o2, W_u2):
    return _impl(x, edge_index, central_mask,
                 W_in_o, W_in_u, W_o1, W_u1, W_delta, W_o2, W_u2)

# --- scband reference (transcript-rebuilt; emitter-appended) ---
"""Pipeline reference for scband-adapted-complementor-18167711662427 (READ-ONLY COPY).

The authoritative reference and input builder live on the scoring server;
editing this copy changes nothing except your own understanding.
"""

import jax, jax.numpy as jnp
import numpy as np

N = 10000
E = 320000
DIM_O = 64
DIM_U = 64
H_O = 128
H_U = 128
STEP = 2


def prepare_graph(edge_index, central_mask, step):
    # Faithful eager translation of Adapted_complementor.prepare_graph
    mask_src = central_mask
    mask_tar = jnp.logical_not(mask_src)
    graphs = []
    for _ in range(step):
        mask_e = mask_src[edge_index[0]] & mask_tar[edge_index[1]]
        graphs.append((edge_index, mask_e))
        counts = jnp.zeros((mask_src.shape[0],), dtype=jnp.int32).at[edge_index[1]].add(
            mask_e.astype(jnp.int32))
        new_src_mask = counts > 0
        mask_tar = jnp.where(new_src_mask, False, mask_tar)
        mask_src = new_src_mask
    return graphs


def complete_layer(x_o, x_u, edges, W_o, W_u, deltaX=None, W_delta=None):
    # Message passing: gather src features, linear transform, mean-aggregate by dst
    edge_index, mask_e = edges
    src = edge_index[0]
    dst = edge_index[1]
    msg = jnp.take(x_o, src, axis=0) @ W_o + jnp.take(x_u, src, axis=0) @ W_u
    m = mask_e.astype(x_o.dtype)
    msg = msg * m[:, None]
    agg = jax.ops.segment_sum(msg, dst, num_segments=N)
    deg = jax.ops.segment_sum(m, dst, num_segments=N)
    agg = agg / jnp.maximum(deg, 1.0)[:, None]
    if deltaX is not None:
        add = deltaX @ W_delta
        x_u_hat = x_u + agg + add[None, :]
        return x_u_hat, add[None, :]
    return x_u + agg, None


def setup_inputs(seed: int = 0):
    key = jax.random.key(seed)
    ks = jax.random.split(key, 12)
    x = jax.random.normal(ks[0], (N, DIM_O + DIM_U), dtype=jnp.float32)
    edge_index = jax.random.randint(ks[1], (2, E), 0, N, dtype=jnp.int32)
    central_mask = jax.random.randint(ks[2], (N,), 0, 2, dtype=jnp.int32).astype(bool)
    s = 0.05
    W_in_o = jax.random.normal(ks[3], (DIM_O, H_O), dtype=jnp.float32) * s
    W_in_u = jax.random.normal(ks[4], (DIM_U, H_U), dtype=jnp.float32) * s
    W_o1 = jax.random.normal(ks[5], (H_O, H_U), dtype=jnp.float32) * s
    W_u1 = jax.random.normal(ks[6], (H_U, H_U), dtype=jnp.float32) * s
    W_delta = jax.random.normal(ks[7], (H_O, H_U), dtype=jnp.float32) * s
    W_o2 = jax.random.normal(ks[8], (H_O, H_U), dtype=jnp.float32) * s
    W_u2 = jax.random.normal(ks[9], (H_U, H_U), dtype=jnp.float32) * s
    return {"x": x, "edge_index": edge_index, "central_mask": central_mask,
            "W_in_o": W_in_o, "W_in_u": W_in_u, "W_o1": W_o1, "W_u1": W_u1,
            "W_delta": W_delta, "W_o2": W_o2, "W_u2": W_u2}


def reference(x, edge_index, central_mask, W_in_o, W_in_u, W_o1, W_u1, W_delta, W_o2, W_u2):
    graphs = prepare_graph(edge_index, central_mask, STEP)
    x_o = x[:, :DIM_O] @ W_in_o
    x_u = x[:, DIM_O:] @ W_in_u
    cm = central_mask.astype(x.dtype)
    n_c = jnp.maximum(cm.sum(), 1.0)
    n_nc = jnp.maximum((1.0 - cm).sum(), 1.0)
    deltaX = (x_o * cm[:, None]).sum(0) / n_c - (x_o * (1.0 - cm)[:, None]).sum(0) / n_nc
    x_u_hat, _ = complete_layer(x_o, x_u, graphs[0], W_o1, W_u1, deltaX, W_delta)
    x_u_hat, _ = complete_layer(x_o, x_u_hat, graphs[1], W_o2, W_u2)
    out = jnp.concatenate([x_o, x_u * cm[:, None] + x_u_hat * (1.0 - cm)[:, None]], axis=1)
    return out

if __name__ == "__main__":
    import jax
    _d = setup_inputs()
    print(jax.jit(kernel)(*tuple(_d.values())))

</pallas_src>

<mosaic_0001>
#map = affine_map<(d0, d1) -> (0)>
#map1 = affine_map<(d0, d1) -> (0, 0)>
module attributes {stable_mosaic.version = 14 : i64} {
  func.func @sc_mask_step1(%arg0: i32, %arg1: i32, %arg2: memref<327680xi32, #tpu.memory_space<hbm>>, %arg3: memref<327680xi32, #tpu.memory_space<hbm>>, %arg4: memref<10240xi32, #tpu.memory_space<hbm>>, %arg5: memref<335872xi32, #tpu.memory_space<hbm>>, %arg6: memref<335872xi32, #tpu.memory_space<hbm>>, %arg7: memref<32x16xi32, #tpu.memory_space<hbm>>, %arg8: memref<2x10240xi32, #tpu.memory_space<hbm>>, %arg9: memref<10240xi32, #tpu.memory_space<vmem>>, %arg10: memref<10240xi32, #tpu.memory_space<vmem>>, %arg11: memref<10240xi32, #tpu.memory_space<vmem>>, %arg12: memref<10496xi32, #tpu.memory_space<vmem>>, %arg13: memref<10496xi32, #tpu.memory_space<vmem>>, %arg14: memref<10240xi32, #tpu.memory_space<vmem>>, %arg15: memref<10240xi32, #tpu.memory_space<vmem>>, %arg16: memref<640xi32, #tpu.memory_space<vmem>>, %arg17: memref<16xi32, #tpu.memory_space<vmem>>, %arg18: memref<16x10240xi32, #tpu.memory_space<vmem_shared>>) attributes {dimension_semantics = [#tpu.dimension_semantics<core_parallel>, #tpu.dimension_semantics<subcore_parallel>], iteration_bounds = array<i64: 2, 16>, scalar_prefetch = 0 : i64, scratch_operands = 10 : i64, tpu.core_type = #tpu.core_type<sc_vector_subcore>, window_params = [{transform_indices = #map}, {transform_indices = #map}, {transform_indices = #map}, {transform_indices = #map}, {transform_indices = #map}, {transform_indices = #map1}, {transform_indices = #map1}]} {
    %mul3A = arith.constant 16 : i32
    %mul3A_0 = arith.muli %arg0, %mul3A : i32
    %add3A = arith.addi %mul3A_0, %arg1 : i32
    "tpu.region"() ({
      %run_scoped3A_53 = tpu.sem_alloc : memref<!tpu.dma_semaphore, #tpu.memory_space<semaphore_mem>>
      tpu.enqueue_dma source(%arg4 : memref<10240xi32, #tpu.memory_space<hbm>>) target(%arg9 : memref<10240xi32, #tpu.memory_space<vmem>>) target_semaphore(%run_scoped3A_53 : memref<!tpu.dma_semaphore, #tpu.memory_space<semaphore_mem>>)
      tpu.wait_dma2 semaphore(%run_scoped3A_53 : memref<!tpu.dma_semaphore, #tpu.memory_space<semaphore_mem>>) src(%arg4 : memref<10240xi32, #tpu.memory_space<hbm>>) dst(%arg9 : memref<10240xi32, #tpu.memory_space<vmem>>)
      tpu.yield
    }) : () -> ()
    %mul3A_1 = arith.constant 10240 : i32
    %mul3A_2 = arith.muli %add3A, %mul3A_1 : i32
    "tpu.region"() ({
      %run_scoped3A_53 = tpu.sem_alloc : memref<!tpu.dma_semaphore, #tpu.memory_space<semaphore_mem>>
      %dma_start3A = tpu.memref_slice %arg2[%mul3A_2] : memref<327680xi32, #tpu.memory_space<hbm>> -> memref<10240xi32, #tpu.memory_space<hbm>>
      %dma_start3A_54 = tpu.memref_slice %arg2[%mul3A_2] : memref<327680xi32, #tpu.memory_space<hbm>> -> memref<10240xi32, #tpu.memory_space<hbm>>
      tpu.enqueue_dma source(%dma_start3A_54 : memref<10240xi32, #tpu.memory_space<hbm>>) target(%arg10 : memref<10240xi32, #tpu.memory_space<vmem>>) target_semaphore(%run_scoped3A_53 : memref<!tpu.dma_semaphore, #tpu.memory_space<semaphore_mem>>)
      %dma_wait3A = tpu.memref_slice %arg2[%mul3A_2] : memref<327680xi32, #tpu.memory_space<hbm>> -> memref<10240xi32, #tpu.memory_space<hbm>>
      %dma_wait3A_55 = tpu.memref_slice %arg2[%mul3A_2] : memref<327680xi32, #tpu.memory_space<hbm>> -> memref<10240xi32, #tpu.memory_space<hbm>>
      tpu.wait_dma2 semaphore(%run_scoped3A_53 : memref<!tpu.dma_semaphore, #tpu.memory_space<semaphore_mem>>) src(%dma_wait3A_55 : memref<10240xi32, #tpu.memory_space<hbm>>) dst(%arg10 : memref<10240xi32, #tpu.memory_space<vmem>>)
      tpu.yield
    }) : () -> ()
    %mul3A_3 = arith.constant 10240 : i32
    %mul3A_4 = arith.muli %add3A, %mul3A_3 : i32
    "tpu.region"() ({
      %run_scoped3A_53 = tpu.sem_alloc : memref<!tpu.dma_semaphore, #tpu.memory_space<semaphore_mem>>
      %dma_start3A = tpu.memref_slice %arg3[%mul3A_4] : memref<327680xi32, #tpu.memory_space<hbm>> -> memref<10240xi32, #tpu.memory_space<hbm>>
      %dma_start3A_54 = tpu.memref_slice %arg3[%mul3A_4] : memref<327680xi32, #tpu.memory_space<hbm>> -> memref<10240xi32, #tpu.memory_space<hbm>>
      tpu.enqueue_dma source(%dma_start3A_54 : memref<10240xi32, #tpu.memory_space<hbm>>) target(%arg11 : memref<10240xi32, #tpu.memory_space<vmem>>) target_semaphore(%run_scoped3A_53 : memref<!tpu.dma_semaphore, #tpu.memory_space<semaphore_mem>>)
      %dma_wait3A = tpu.memref_slice %arg3[%mul3A_4] : memref<327680xi32, #tpu.memory_space<hbm>> -> memref<10240xi32, #tpu.memory_space<hbm>>
      %dma_wait3A_55 = tpu.memref_slice %arg3[%mul3A_4] : memref<327680xi32, #tpu.memory_space<hbm>> -> memref<10240xi32, #tpu.memory_space<hbm>>
      tpu.wait_dma2 semaphore(%run_scoped3A_53 : memref<!tpu.dma_semaphore, #tpu.memory_space<semaphore_mem>>) src(%dma_wait3A_55 : memref<10240xi32, #tpu.memory_space<hbm>>) dst(%arg11 : memref<10240xi32, #tpu.memory_space<vmem>>)
      tpu.yield
    }) : () -> ()
    %scan3A = arith.constant 0 : i32
    %scan3A_5 = arith.constant 640 : i32
    %scan3A_6 = arith.addi %scan3A, %scan3A_5 : i32
    %scan3A_7 = arith.constant 1 : i32
    scf.for %scan3A_53 = %scan3A to %scan3A_6 step %scan3A_7  : i32 {
      %mul3A_54 = arith.constant 16 : i32
      %mul3A_55 = arith.muli %scan3A_53, %mul3A_54 : i32
      %add3A_56 = arith.constant 0 : i32
      %add3A_57 = arith.addi %add3A_56, %mul3A_55 : i32
      %broadcast_in_dim3A_58 = arith.constant 0 : i32
      %broadcast_in_dim3A_59 = vector.broadcast %broadcast_in_dim3A_58 : i32 to vector<16xi32>
      %swap3A_60 = arith.index_cast %add3A_57 : i32 to index
      %swap3A_61 = tpu.vector_load %arg14[%swap3A_60] {strides = array<i32>} : memref<10240xi32, #tpu.memory_space<vmem>>, vector<16xi32>,
      tpu.vector_store %arg14[%swap3A_60], %broadcast_in_dim3A_59 {strides = array<i32>} : memref<10240xi32, #tpu.memory_space<vmem>>, vector<16xi32>,
    }
    %scan3A_8 = arith.constant 640 : i32
    %broadcast_in_dim3A = arith.constant 10000 : i32
    %broadcast_in_dim3A_9 = vector.broadcast %broadcast_in_dim3A : i32 to vector<16xi32>
    %scan3A_10 = arith.constant 0 : i32
    %scan3A_11 = arith.constant 0 : i32
    %scan3A_12 = arith.constant 640 : i32
    %scan3A_13 = arith.addi %scan3A_11, %scan3A_12 : i32
    %scan3A_14 = arith.constant 1 : i32
    %scan3A_15 = scf.for %scan3A_53 = %scan3A_11 to %scan3A_13 step %scan3A_14 iter_args(%scan3A_54 = %scan3A_10) -> (i32)  : i32 {
      %mul3A_55 = arith.constant 16 : i32
      %mul3A_56 = arith.muli %scan3A_53, %mul3A_55 : i32
      %add3A_57 = arith.constant 0 : i32
      %add3A_58 = arith.addi %add3A_57, %mul3A_56 : i32
      %get3A = arith.index_cast %add3A_58 : i32 to index
      %get3A_59 = tpu.vector_load %arg10[%get3A] {strides = array<i32>} : memref<10240xi32, #tpu.memory_space<vmem>>, vector<16xi32>,
      %get3A_60 = arith.index_cast %add3A_58 : i32 to index
      %get3A_61 = tpu.vector_load %arg11[%get3A_60] {strides = array<i32>} : memref<10240xi32, #tpu.memory_space<vmem>>, vector<16xi32>,
      %gather3A = tpu.vector_load_idx %arg9[%get3A_59] : memref<10240xi32, #tpu.memory_space<vmem>>[vector<16xi32>], vector<16xi32>,
      %gather3A_62 = tpu.vector_load_idx %arg9[%get3A_61] : memref<10240xi32, #tpu.memory_space<vmem>>[vector<16xi32>], vector<16xi32>,
      %gt3A = arith.constant 0 : i32
      %gt3A_63 = vector.broadcast %gt3A : i32 to vector<16xi32>
      %gt3A_64 = arith.cmpi sgt, %gather3A, %gt3A_63 : vector<16xi32>
      %eq3A = arith.constant 0 : i32
      %eq3A_65 = vector.broadcast %eq3A : i32 to vector<16xi32>
      %eq3A_66 = arith.cmpi eq, %gather3A_62, %eq3A_65 : vector<16xi32>
      %and3A = arith.andi %gt3A_64, %eq3A_66 : vector<16xi1>
      %swap3A_67 = arith.index_cast %scan3A_54 : i32 to index
      %swap3A_68 = tpu.vector_load %arg12[%swap3A_67] masked %and3A {strides = array<i32>} : memref<10496xi32, #tpu.memory_space<vmem>>, vector<16xi32>, vector<16xi1>
      tpu.vector_store %arg12[%swap3A_67], %get3A_59 masked %and3A {strides = array<i32>} : memref<10496xi32, #tpu.memory_space<vmem>>, vector<16xi32>, vector<16xi1>
      %swap3A_69 = arith.index_cast %scan3A_54 : i32 to index
      %swap3A_70 = tpu.vector_load %arg13[%swap3A_69] masked %and3A {strides = array<i32>} : memref<10496xi32, #tpu.memory_space<vmem>>, vector<16xi32>, vector<16xi1>
      tpu.vector_store %arg13[%swap3A_69], %get3A_61 masked %and3A {strides = array<i32>} : memref<10496xi32, #tpu.memory_space<vmem>>, vector<16xi32>, vector<16xi1>
      %broadcast_in_dim3A_71 = arith.constant 1 : i32
      %broadcast_in_dim3A_72 = vector.broadcast %broadcast_in_dim3A_71 : i32 to vector<16xi32>
      tpu.vector_store_idx %arg14[%get3A_61], %broadcast_in_dim3A_72 masked %and3A {add = true} : memref<10240xi32, #tpu.memory_space<vmem>>[vector<16xi32>], vector<16xi32>, vector<16xi1>
      %convert_element_type3A = arith.extui %and3A : vector<16xi1> to vector<16xi32>
      %reduce_sum3A = arith.constant true
      %reduce_sum3A_73 = vector.broadcast %reduce_sum3A : i1 to vector<16xi1>
      %reduce_sum3A_74 = tpu.scan <sum>, %convert_element_type3A masked %reduce_sum3A_73 : vector<16xi32>, vector<16xi1> -> vector<16xi32>
      %reduce_sum3A_75 = vector.extract %reduce_sum3A_74[15] : i32 from vector<16xi32>
      %add3A_76 = arith.addi %scan3A_54, %reduce_sum3A_75 : i32
      scf.yield %add3A_76 : i32
    }
    %scan3A_16 = arith.constant 640 : i32
    %iota3A = tpu.iota {dimensions = array<i32: 0>} : vector<16xi32>
    %scan3A_17 = arith.constant 0 : i32
    %scan3A_18 = arith.constant 16 : i32
    %scan3A_19 = arith.addi %scan3A_17, %scan3A_18 : i32
    %scan3A_20 = arith.constant 1 : i32
    scf.for %scan3A_53 = %scan3A_17 to %scan3A_19 step %scan3A_20  : i32 {
      %mul3A_54 = arith.constant 16 : i32
      %mul3A_55 = arith.muli %scan3A_53, %mul3A_54 : i32
      %add3A_56 = arith.constant 0 : i32
      %add3A_57 = arith.addi %add3A_56, %mul3A_55 : i32
      %add3A_58 = vector.broadcast %add3A_57 : i32 to vector<16xi32>
      %add3A_59 = arith.addi %iota3A, %add3A_58 : vector<16xi32>
      %and3A = arith.constant 127 : i32
      %and3A_60 = vector.broadcast %and3A : i32 to vector<16xi32>
      %and3A_61 = arith.andi %add3A_59, %and3A_60 : vector<16xi32>
      %add3A_62 = arith.constant 10000 : i32
      %add3A_63 = vector.broadcast %add3A_62 : i32 to vector<16xi32>
      %add3A_64 = arith.addi %add3A_63, %and3A_61 : vector<16xi32>
      %add3A_65 = arith.addi %scan3A_15, %add3A_57 : i32
      %swap3A_66 = arith.index_cast %add3A_65 : i32 to index
      %swap3A_67 = tpu.vector_load %arg12[%swap3A_66] {strides = array<i32>} : memref<10496xi32, #tpu.memory_space<vmem>>, vector<16xi32>,
      tpu.vector_store %arg12[%swap3A_66], %add3A_64 {strides = array<i32>} : memref<10496xi32, #tpu.memory_space<vmem>>, vector<16xi32>,
      %add3A_68 = arith.addi %scan3A_15, %add3A_57 : i32
      %swap3A_69 = arith.index_cast %add3A_68 : i32 to index
      %swap3A_70 = tpu.vector_load %arg13[%swap3A_69] {strides = array<i32>} : memref<10496xi32, #tpu.memory_space<vmem>>, vector<16xi32>,
      tpu.vector_store %arg13[%swap3A_69], %add3A_64 {strides = array<i32>} : memref<10496xi32, #tpu.memory_space<vmem>>, vector<16xi32>,
    }
    %scan3A_21 = arith.constant 16 : i32
    %add3A_22 = arith.constant 127 : i32
    %add3A_23 = arith.addi %scan3A_15, %add3A_22 : i32
    %shift_right_logical3A = arith.constant 7 : i32
    %shift_right_logical3A_24 = arith.shrui %add3A_23, %shift_right_logical3A : i32
    %broadcast_in_dim3A_25 = vector.broadcast %shift_right_logical3A_24 : i32 to vector<16xi32>
    %swap3A = arith.constant 0 : index
    %swap3A_26 = tpu.vector_load %arg17[%swap3A] {strides = array<i32>} : memref<16xi32, #tpu.memory_space<vmem>>, vector<16xi32>,
    tpu.vector_store %arg17[%swap3A], %broadcast_in_dim3A_25 {strides = array<i32>} : memref<16xi32, #tpu.memory_space<vmem>>, vector<16xi32>,
    %mul3A_27 = arith.constant 10496 : i32
    %mul3A_28 = arith.muli %add3A, %mul3A_27 : i32
    "tpu.region"() ({
      %run_scoped3A_53 = tpu.sem_alloc : memref<!tpu.dma_semaphore, #tpu.memory_space<semaphore_mem>>
      %dma_start3A = tpu.memref_slice %arg5[%mul3A_28] : memref<335872xi32, #tpu.memory_space<hbm>> -> memref<10496xi32, #tpu.memory_space<hbm>>
      %dma_start3A_54 = tpu.memref_slice %arg5[%mul3A_28] : memref<335872xi32, #tpu.memory_space<hbm>> -> memref<10496xi32, #tpu.memory_space<hbm>>
      tpu.enqueue_dma source(%arg12 : memref<10496xi32, #tpu.memory_space<vmem>>) target(%dma_start3A_54 : memref<10496xi32, #tpu.memory_space<hbm>>) target_semaphore(%run_scoped3A_53 : memref<!tpu.dma_semaphore, #tpu.memory_space<semaphore_mem>>)
      %dma_wait3A = tpu.memref_slice %arg5[%mul3A_28] : memref<335872xi32, #tpu.memory_space<hbm>> -> memref<10496xi32, #tpu.memory_space<hbm>>
      %dma_wait3A_55 = tpu.memref_slice %arg5[%mul3A_28] : memref<335872xi32, #tpu.memory_space<hbm>> -> memref<10496xi32, #tpu.memory_space<hbm>>
      tpu.wait_dma2 semaphore(%run_scoped3A_53 : memref<!tpu.dma_semaphore, #tpu.memory_space<semaphore_mem>>) src(%arg12 : memref<10496xi32, #tpu.memory_space<vmem>>) dst(%dma_wait3A_55 : memref<10496xi32, #tpu.memory_space<hbm>>)
      tpu.yield
    }) : () -> ()
    %mul3A_29 = arith.constant 10496 : i32
    %mul3A_30 = arith.muli %add3A, %mul3A_29 : i32
    "tpu.region"() ({
      %run_scoped3A_53 = tpu.sem_alloc : memref<!tpu.dma_semaphore, #tpu.memory_space<semaphore_mem>>
      %dma_start3A = tpu.memref_slice %arg6[%mul3A_30] : memref<335872xi32, #tpu.memory_space<hbm>> -> memref<10496xi32, #tpu.memory_space<hbm>>
      %dma_start3A_54 = tpu.memref_slice %arg6[%mul3A_30] : memref<335872xi32, #tpu.memory_space<hbm>> -> memref<10496xi32, #tpu.memory_space<hbm>>
      tpu.enqueue_dma source(%arg13 : memref<10496xi32, #tpu.memory_space<vmem>>) target(%dma_start3A_54 : memref<10496xi32, #tpu.memory_space<hbm>>) target_semaphore(%run_scoped3A_53 : memref<!tpu.dma_semaphore, #tpu.memory_space<semaphore_mem>>)
      %dma_wait3A = tpu.memref_slice %arg6[%mul3A_30] : memref<335872xi32, #tpu.memory_space<hbm>> -> memref<10496xi32, #tpu.memory_space<hbm>>
      %dma_wait3A_55 = tpu.memref_slice %arg6[%mul3A_30] : memref<335872xi32, #tpu.memory_space<hbm>> -> memref<10496xi32, #tpu.memory_space<hbm>>
      tpu.wait_dma2 semaphore(%run_scoped3A_53 : memref<!tpu.dma_semaphore, #tpu.memory_space<semaphore_mem>>) src(%arg13 : memref<10496xi32, #tpu.memory_space<vmem>>) dst(%dma_wait3A_55 : memref<10496xi32, #tpu.memory_space<hbm>>)
      tpu.yield
    }) : () -> ()
    "tpu.region"() ({
      %run_scoped3A_53 = tpu.sem_alloc : memref<!tpu.dma_semaphore, #tpu.memory_space<semaphore_mem>>
      %dma_start3A = arith.constant 0 : i32
      %dma_start3A_54 = tpu.memref_slice %arg7[%add3A, %dma_start3A] : memref<32x16xi32, #tpu.memory_space<hbm>> -> memref<1x16xi32, #tpu.memory_space<hbm>>
      %dma_start3A_55 = tpu.memref_squeeze %dma_start3A_54 : memref<1x16xi32, #tpu.memory_space<hbm>> -> memref<16xi32, #tpu.memory_space<hbm>>
      %dma_start3A_56 = arith.constant 0 : i32
      %dma_start3A_57 = tpu.memref_slice %arg7[%add3A, %dma_start3A_56] : memref<32x16xi32, #tpu.memory_space<hbm>> -> memref<1x16xi32, #tpu.memory_space<hbm>>
      %dma_start3A_58 = tpu.memref_squeeze %dma_start3A_57 : memref<1x16xi32, #tpu.memory_space<hbm>> -> memref<16xi32, #tpu.memory_space<hbm>>
      tpu.enqueue_dma source(%arg17 : memref<16xi32, #tpu.memory_space<vmem>>) target(%dma_start3A_58 : memref<16xi32, #tpu.memory_space<hbm>>) target_semaphore(%run_scoped3A_53 : memref<!tpu.dma_semaphore, #tpu.memory_space<semaphore_mem>>)
      %dma_wait3A = arith.constant 0 : i32
      %dma_wait3A_59 = tpu.memref_slice %arg7[%add3A, %dma_wait3A] : memref<32x16xi32, #tpu.memory_space<hbm>> -> memref<1x16xi32, #tpu.memory_space<hbm>>
      %dma_wait3A_60 = tpu.memref_squeeze %dma_wait3A_59 : memref<1x16xi32, #tpu.memory_space<hbm>> -> memref<16xi32, #tpu.memory_space<hbm>>
      %dma_wait3A_61 = arith.constant 0 : i32
      %dma_wait3A_62 = tpu.memref_slice %arg7[%add3A, %dma_wait3A_61] : memref<32x16xi32, #tpu.memory_space<hbm>> -> memref<1x16xi32, #tpu.memory_space<hbm>>
      %dma_wait3A_63 = tpu.memref_squeeze %dma_wait3A_62 : memref<1x16xi32, #tpu.memory_space<hbm>> -> memref<16xi32, #tpu.memory_space<hbm>>
      tpu.wait_dma2 semaphore(%run_scoped3A_53 : memref<!tpu.dma_semaphore, #tpu.memory_space<semaphore_mem>>) src(%arg17 : memref<16xi32, #tpu.memory_space<vmem>>) dst(%dma_wait3A_63 : memref<16xi32, #tpu.memory_space<hbm>>)
      tpu.yield
    }) : () -> ()
    "tpu.region"() ({
      %run_scoped3A_53 = tpu.sem_alloc : memref<!tpu.dma_semaphore, #tpu.memory_space<semaphore_mem>>
      %dma_start3A = arith.constant 0 : i32
      %dma_start3A_54 = tpu.memref_slice %arg18[%arg1, %dma_start3A] : memref<16x10240xi32, #tpu.memory_space<vmem_shared>> -> memref<1x10240xi32, #tpu.memory_space<vmem_shared>>
      %dma_start3A_55 = tpu.memref_squeeze %dma_start3A_54 : memref<1x10240xi32, #tpu.memory_space<vmem_shared>> -> memref<10240xi32, #tpu.memory_space<vmem_shared>>
      %dma_start3A_56 = arith.constant 0 : i32
      %dma_start3A_57 = tpu.memref_slice %arg18[%arg1, %dma_start3A_56] : memref<16x10240xi32, #tpu.memory_space<vmem_shared>> -> memref<1x10240xi32, #tpu.memory_space<vmem_shared>>
      %dma_start3A_58 = tpu.memref_squeeze %dma_start3A_57 : memref<1x10240xi32, #tpu.memory_space<vmem_shared>> -> memref<10240xi32, #tpu.memory_space<vmem_shared>>
      tpu.enqueue_dma source(%arg14 : memref<10240xi32, #tpu.memory_space<vmem>>) target(%dma_start3A_58 : memref<10240xi32, #tpu.memory_space<vmem_shared>>) target_semaphore(%run_scoped3A_53 : memref<!tpu.dma_semaphore, #tpu.memory_space<semaphore_mem>>)
      %dma_wait3A = arith.constant 0 : i32
      %dma_wait3A_59 = tpu.memref_slice %arg18[%arg1, %dma_wait3A] : memref<16x10240xi32, #tpu.memory_space<vmem_shared>> -> memref<1x10240xi32, #tpu.memory_space<vmem_shared>>
      %dma_wait3A_60 = tpu.memref_squeeze %dma_wait3A_59 : memref<1x10240xi32, #tpu.memory_space<vmem_shared>> -> memref<10240xi32, #tpu.memory_space<vmem_shared>>
      %dma_wait3A_61 = arith.constant 0 : i32
      %dma_wait3A_62 = tpu.memref_slice %arg18[%arg1, %dma_wait3A_61] : memref<16x10240xi32, #tpu.memory_space<vmem_shared>> -> memref<1x10240xi32, #tpu.memory_space<vmem_shared>>
      %dma_wait3A_63 = tpu.memref_squeeze %dma_wait3A_62 : memref<1x10240xi32, #tpu.memory_space<vmem_shared>> -> memref<10240xi32, #tpu.memory_space<vmem_shared>>
      tpu.wait_dma2 semaphore(%run_scoped3A_53 : memref<!tpu.dma_semaphore, #tpu.memory_space<semaphore_mem>>) src(%arg14 : memref<10240xi32, #tpu.memory_space<vmem>>) dst(%dma_wait3A_63 : memref<10240xi32, #tpu.memory_space<vmem_shared>>)
      tpu.yield
    }) : () -> ()
    %barrier3A = arith.constant 0 : index
    tpu.barrier barrier_id(%barrier3A)
    %mul3A_31 = arith.constant 640 : i32
    %mul3A_32 = arith.muli %arg1, %mul3A_31 : i32
    %run_scoped3A = arith.constant 0 : i32
    "tpu.region"() ({
      %run_scoped3A_53 = tpu.sem_alloc : memref<!tpu.dma_semaphore, #tpu.memory_space<semaphore_mem>>
      %dma_start3A = arith.constant 0 : i32
      %dma_start3A_54 = tpu.memref_slice %arg15[%dma_start3A] : memref<10240xi32, #tpu.memory_space<vmem>> -> memref<640xi32, #tpu.memory_space<vmem>>
      %dma_start3A_55 = tpu.memref_slice %arg18[%run_scoped3A, %mul3A_32] : memref<16x10240xi32, #tpu.memory_space<vmem_shared>> -> memref<1x640xi32, #tpu.memory_space<vmem_shared>>
      %dma_start3A_56 = tpu.memref_squeeze %dma_start3A_55 : memref<1x640xi32, #tpu.memory_space<vmem_shared>> -> memref<640xi32, #tpu.memory_space<vmem_shared>>
      %dma_start3A_57 = arith.constant 0 : i32
      %dma_start3A_58 = tpu.memref_slice %arg15[%dma_start3A_57] : memref<10240xi32, #tpu.memory_space<vmem>> -> memref<640xi32, #tpu.memory_space<vmem>>
      %dma_start3A_59 = tpu.memref_slice %arg18[%run_scoped3A, %mul3A_32] : memref<16x10240xi32, #tpu.memory_space<vmem_shared>> -> memref<1x640xi32, #tpu.memory_space<vmem_shared>>
      %dma_start3A_60 = tpu.memref_squeeze %dma_start3A_59 : memref<1x640xi32, #tpu.memory_space<vmem_shared>> -> memref<640xi32, #tpu.memory_space<vmem_shared>>
      tpu.enqueue_dma source(%dma_start3A_60 : memref<640xi32, #tpu.memory_space<vmem_shared>>) target(%dma_start3A_58 : memref<640xi32, #tpu.memory_space<vmem>>) target_semaphore(%run_scoped3A_53 : memref<!tpu.dma_semaphore, #tpu.memory_space<semaphore_mem>>)
      %dma_wait3A = arith.constant 0 : i32
      %dma_wait3A_61 = tpu.memref_slice %arg15[%dma_wait3A] : memref<10240xi32, #tpu.memory_space<vmem>> -> memref<640xi32, #tpu.memory_space<vmem>>
      %dma_wait3A_62 = tpu.memref_slice %arg18[%run_scoped3A, %mul3A_32] : memref<16x10240xi32, #tpu.memory_space<vmem_shared>> -> memref<1x640xi32, #tpu.memory_space<vmem_shared>>
      %dma_wait3A_63 = tpu.memref_squeeze %dma_wait3A_62 : memref<1x640xi32, #tpu.memory_space<vmem_shared>> -> memref<640xi32, #tpu.memory_space<vmem_shared>>
      %dma_wait3A_64 = arith.constant 0 : i32
      %dma_wait3A_65 = tpu.memref_slice %arg15[%dma_wait3A_64] : memref<10240xi32, #tpu.memory_space<vmem>> -> memref<640xi32, #tpu.memory_space<vmem>>
      %dma_wait3A_66 = tpu.memref_slice %arg18[%run_scoped3A, %mul3A_32] : memref<16x10240xi32, #tpu.memory_space<vmem_shared>> -> memref<1x640xi32, #tpu.memory_space<vmem_shared>>
      %dma_wait3A_67 = tpu.memref_squeeze %dma_wait3A_66 : memref<1x640xi32, #tpu.memory_space<vmem_shared>> -> memref<640xi32, #tpu.memory_space<vmem_shared>>
      tpu.wait_dma2 semaphore(%run_scoped3A_53 : memref<!tpu.dma_semaphore, #tpu.memory_space<semaphore_mem>>) src(%dma_wait3A_67 : memref<640xi32, #tpu.memory_space<vmem_shared>>) dst(%dma_wait3A_65 : memref<640xi32, #tpu.memory_space<vmem>>)
      tpu.yield
    }) : () -> ()
    %run_scoped3A_33 = arith.constant 1 : i32
    "tpu.region"() ({
      %run_scoped3A_53 = tpu.sem_alloc : memref<!tpu.dma_semaphore, #tpu.memory_space<semaphore_mem>>
      %dma_start3A = arith.constant 640 : i32
      %dma_start3A_54 = tpu.memref_slice %arg15[%dma_start3A] : memref<10240xi32, #tpu.memory_space<vmem>> -> memref<640xi32, #tpu.memory_space<vmem>>
      %dma_start3A_55 = tpu.memref_slice %arg18[%run_scoped3A_33, %mul3A_32] : memref<16x10240xi32, #tpu.memory_space<vmem_shared>> -> memref<1x640xi32, #tpu.memory_space<vmem_shared>>
      %dma_start3A_56 = tpu.memref_squeeze %dma_start3A_55 : memref<1x640xi32, #tpu.memory_space<vmem_shared>> -> memref<640xi32, #tpu.memory_space<vmem_shared>>
      %dma_start3A_57 = arith.constant 640 : i32
      %dma_start3A_58 = tpu.memref_slice %arg15[%dma_start3A_57] : memref<10240xi32, #tpu.memory_space<vmem>> -> memref<640xi32, #tpu.memory_space<vmem>>
      %dma_start3A_59 = tpu.memref_slice %arg18[%run_scoped3A_33, %mul3A_32] : memref<16x10240xi32, #tpu.memory_space<vmem_shared>> -> memref<1x640xi32, #tpu.memory_space<vmem_shared>>
      %dma_start3A_60 = tpu.memref_squeeze %dma_start3A_59 : memref<1x640xi32, #tpu.memory_space<vmem_shared>> -> memref<640xi32, #tpu.memory_space<vmem_shared>>
      tpu.enqueue_dma source(%dma_start3A_60 : memref<640xi32, #tpu.memory_space<vmem_shared>>) target(%dma_start3A_58 : memref<640xi32, #tpu.memory_space<vmem>>) target_semaphore(%run_scoped3A_53 : memref<!tpu.dma_semaphore, #tpu.memory_space<semaphore_mem>>)
      %dma_wait3A = arith.constant 640 : i32
      %dma_wait3A_61 = tpu.memref_slice %arg15[%dma_wait3A] : memref<10240xi32, #tpu.memory_space<vmem>> -> memref<640xi32, #tpu.memory_space<vmem>>
      %dma_wait3A_62 = tpu.memref_slice %arg18[%run_scoped3A_33, %mul3A_32] : memref<16x10240xi32, #tpu.memory_space<vmem_shared>> -> memref<1x640xi32, #tpu.memory_space<vmem_shared>>
      %dma_wait3A_63 = tpu.memref_squeeze %dma_wait3A_62 : memref<1x640xi32, #tpu.memory_space<vmem_shared>> -> memref<640xi32, #tpu.memory_space<vmem_shared>>
      %dma_wait3A_64 = arith.constant 640 : i32
      %dma_wait3A_65 = tpu.memref_slice %arg15[%dma_wait3A_64] : memref<10240xi32, #tpu.memory_space<vmem>> -> memref<640xi32, #tpu.memory_space<vmem>>
      %dma_wait3A_66 = tpu.memref_slice %arg18[%run_scoped3A_33, %mul3A_32] : memref<16x10240xi32, #tpu.memory_space<vmem_shared>> -> memref<1x640xi32, #tpu.memory_space<vmem_shared>>
      %dma_wait3A_67 = tpu.memref_squeeze %dma_wait3A_66 : memref<1x640xi32, #tpu.memory_space<vmem_shared>> -> memref<640xi32, #tpu.memory_space<vmem_shared>>
      tpu.wait_dma2 semaphore(%run_scoped3A_53 : memref<!tpu.dma_semaphore, #tpu.memory_space<semaphore_mem>>) src(%dma_wait3A_67 : memref<640xi32, #tpu.memory_space<vmem_shared>>) dst(%dma_wait3A_65 : memref<640xi32, #tpu.memory_space<vmem>>)
      tpu.yield
    }) : () -> ()
    %run_scoped3A_34 = arith.constant 2 : i32
    "tpu.region"() ({
      %run_scoped3A_53 = tpu.sem_alloc : memref<!tpu.dma_semaphore, #tpu.memory_space<semaphore_mem>>
      %dma_start3A = arith.constant 1280 : i32
      %dma_start3A_54 = tpu.memref_slice %arg15[%dma_start3A] : memref<10240xi32, #tpu.memory_space<vmem>> -> memref<640xi32, #tpu.memory_space<vmem>>
      %dma_start3A_55 = tpu.memref_slice %arg18[%run_scoped3A_34, %mul3A_32] : memref<16x10240xi32, #tpu.memory_space<vmem_shared>> -> memref<1x640xi32, #tpu.memory_space<vmem_shared>>
      %dma_start3A_56 = tpu.memref_squeeze %dma_start3A_55 : memref<1x640xi32, #tpu.memory_space<vmem_shared>> -> memref<640xi32, #tpu.memory_space<vmem_shared>>
      %dma_start3A_57 = arith.constant 1280 : i32
      %dma_start3A_58 = tpu.memref_slice %arg15[%dma_start3A_57] : memref<10240xi32, #tpu.memory_space<vmem>> -> memref<640xi32, #tpu.memory_space<vmem>>
      %dma_start3A_59 = tpu.memref_slice %arg18[%run_scoped3A_34, %mul3A_32] : memref<16x10240xi32, #tpu.memory_space<vmem_shared>> -> memref<1x640xi32, #tpu.memory_space<vmem_shared>>
      %dma_start3A_60 = tpu.memref_squeeze %dma_start3A_59 : memref<1x640xi32, #tpu.memory_space<vmem_shared>> -> memref<640xi32, #tpu.memory_space<vmem_shared>>
      tpu.enqueue_dma source(%dma_start3A_60 : memref<640xi32, #tpu.memory_space<vmem_shared>>) target(%dma_start3A_58 : memref<640xi32, #tpu.memory_space<vmem>>) target_semaphore(%run_scoped3A_53 : memref<!tpu.dma_semaphore, #tpu.memory_space<semaphore_mem>>)
      %dma_wait3A = arith.constant 1280 : i32
      %dma_wait3A_61 = tpu.memref_slice %arg15[%dma_wait3A] : memref<10240xi32, #tpu.memory_space<vmem>> -> memref<640xi32, #tpu.memory_space<vmem>>
      %dma_wait3A_62 = tpu.memref_slice %arg18[%run_scoped3A_34, %mul3A_32] : memref<16x10240xi32, #tpu.memory_space<vmem_shared>> -> memref<1x640xi32, #tpu.memory_space<vmem_shared>>
      %dma_wait3A_63 = tpu.memref_squeeze %dma_wait3A_62 : memref<1x640xi32, #tpu.memory_space<vmem_shared>> -> memref<640xi32, #tpu.memory_space<vmem_shared>>
      %dma_wait3A_64 = arith.constant 1280 : i32
      %dma_wait3A_65 = tpu.memref_slice %arg15[%dma_wait3A_64] : memref<10240xi32, #tpu.memory_space<vmem>> -> memref<640xi32, #tpu.memory_space<vmem>>
      %dma_wait3A_66 = tpu.memref_slice %arg18[%run_scoped3A_34, %mul3A_32] : memref<16x10240xi32, #tpu.memory_space<vmem_shared>> -> memref<1x640xi32, #tpu.memory_space<vmem_shared>>
      %dma_wait3A_67 = tpu.memref_squeeze %dma_wait3A_66 : memref<1x640xi32, #tpu.memory_space<vmem_shared>> -> memref<640xi32, #tpu.memory_space<vmem_shared>>
      tpu.wait_dma2 semaphore(%run_scoped3A_53 : memref<!tpu.dma_semaphore, #tpu.memory_space<semaphore_mem>>) src(%dma_wait3A_67 : memref<640xi32, #tpu.memory_space<vmem_shared>>) dst(%dma_wait3A_65 : memref<640xi32, #tpu.memory_space<vmem>>)
      tpu.yield
    }) : () -> ()
    %run_scoped3A_35 = arith.constant 3 : i32
    "tpu.region"() ({
      %run_scoped3A_53 = tpu.sem_alloc : memref<!tpu.dma_semaphore, #tpu.memory_space<semaphore_mem>>
      %dma_start3A = arith.constant 1920 : i32
      %dma_start3A_54 = tpu.memref_slice %arg15[%dma_start3A] : memref<10240xi32, #tpu.memory_space<vmem>> -> memref<640xi32, #tpu.memory_space<vmem>>
      %dma_start3A_55 = tpu.memref_slice %arg18[%run_scoped3A_35, %mul3A_32] : memref<16x10240xi32, #tpu.memory_space<vmem_shared>> -> memref<1x640xi32, #tpu.memory_space<vmem_shared>>
      %dma_start3A_56 = tpu.memref_squeeze %dma_start3A_55 : memref<1x640xi32, #tpu.memory_space<vmem_shared>> -> memref<640xi32, #tpu.memory_space<vmem_shared>>
      %dma_start3A_57 = arith.constant 1920 : i32
      %dma_start3A_58 = tpu.memref_slice %arg15[%dma_start3A_57] : memref<10240xi32, #tpu.memory_space<vmem>> -> memref<640xi32, #tpu.memory_space<vmem>>
      %dma_start3A_59 = tpu.memref_slice %arg18[%run_scoped3A_35, %mul3A_32] : memref<16x10240xi32, #tpu.memory_space<vmem_shared>> -> memref<1x640xi32, #tpu.memory_space<vmem_shared>>
      %dma_start3A_60 = tpu.memref_squeeze %dma_start3A_59 : memref<1x640xi32, #tpu.memory_space<vmem_shared>> -> memref<640xi32, #tpu.memory_space<vmem_shared>>
      tpu.enqueue_dma source(%dma_start3A_60 : memref<640xi32, #tpu.memory_space<vmem_shared>>) target(%dma_start3A_58 : memref<640xi32, #tpu.memory_space<vmem>>) target_semaphore(%run_scoped3A_53 : memref<!tpu.dma_semaphore, #tpu.memory_space<semaphore_mem>>)
      %dma_wait3A = arith.constant 1920 : i32
      %dma_wait3A_61 = tpu.memref_slice %arg15[%dma_wait3A] : memref<10240xi32, #tpu.memory_space<vmem>> -> memref<640xi32, #tpu.memory_space<vmem>>
      %dma_wait3A_62 = tpu.memref_slice %arg18[%run_scoped3A_35, %mul3A_32] : memref<16x10240xi32, #tpu.memory_space<vmem_shared>> -> memref<1x640xi32, #tpu.memory_space<vmem_shared>>
      %dma_wait3A_63 = tpu.memref_squeeze %dma_wait3A_62 : memref<1x640xi32, #tpu.memory_space<vmem_shared>> -> memref<640xi32, #tpu.memory_space<vmem_shared>>
      %dma_wait3A_64 = arith.constant 1920 : i32
      %dma_wait3A_65 = tpu.memref_slice %arg15[%dma_wait3A_64] : memref<10240xi32, #tpu.memory_space<vmem>> -> memref<640xi32, #tpu.memory_space<vmem>>
      %dma_wait3A_66 = tpu.memref_slice %arg18[%run_scoped3A_35, %mul3A_32] : memref<16x10240xi32, #tpu.memory_space<vmem_shared>> -> memref<1x640xi32, #tpu.memory_space<vmem_shared>>
      %dma_wait3A_67 = tpu.memref_squeeze %dma_wait3A_66 : memref<1x640xi32, #tpu.memory_space<vmem_shared>> -> memref<640xi32, #tpu.memory_space<vmem_shared>>
      tpu.wait_dma2 semaphore(%run_scoped3A_53 : memref<!tpu.dma_semaphore, #tpu.memory_space<semaphore_mem>>) src(%dma_wait3A_67 : memref<640xi32, #tpu.memory_space<vmem_shared>>) dst(%dma_wait3A_65 : memref<640xi32, #tpu.memory_space<vmem>>)
      tpu.yield
    }) : () -> ()
    %run_scoped3A_36 = arith.constant 4 : i32
    "tpu.region"() ({
      %run_scoped3A_53 = tpu.sem_alloc : memref<!tpu.dma_semaphore, #tpu.memory_space<semaphore_mem>>
      %dma_start3A = arith.constant 2560 : i32
      %dma_start3A_54 = tpu.memref_slice %arg15[%dma_start3A] : memref<10240xi32, #tpu.memory_space<vmem>> -> memref<640xi32, #tpu.memory_space<vmem>>
      %dma_start3A_55 = tpu.memref_slice %arg18[%run_scoped3A_36, %mul3A_32] : memref<16x10240xi32, #tpu.memory_space<vmem_shared>> -> memref<1x640xi32, #tpu.memory_space<vmem_shared>>
      %dma_start3A_56 = tpu.memref_squeeze %dma_start3A_55 : memref<1x640xi32, #tpu.memory_space<vmem_shared>> -> memref<640xi32, #tpu.memory_space<vmem_shared>>
      %dma_start3A_57 = arith.constant 2560 : i32
      %dma_start3A_58 = tpu.memref_slice %arg15[%dma_start3A_57] : memref<10240xi32, #tpu.memory_space<vmem>> -> memref<640xi32, #tpu.memory_space<vmem>>
      %dma_start3A_59 = tpu.memref_slice %arg18[%run_scoped3A_36, %mul3A_32] : memref<16x10240xi32, #tpu.memory_space<vmem_shared>> -> memref<1x640xi32, #tpu.memory_space<vmem_shared>>
      %dma_start3A_60 = tpu.memref_squeeze %dma_start3A_59 : memref<1x640xi32, #tpu.memory_space<vmem_shared>> -> memref<640xi32, #tpu.memory_space<vmem_shared>>
      tpu.enqueue_dma source(%dma_start3A_60 : memref<640xi32, #tpu.memory_space<vmem_shared>>) target(%dma_start3A_58 : memref<640xi32, #tpu.memory_space<vmem>>) target_semaphore(%run_scoped3A_53 : memref<!tpu.dma_semaphore, #tpu.memory_space<semaphore_mem>>)
      %dma_wait3A = arith.constant 2560 : i32
      %dma_wait3A_61 = tpu.memref_slice %arg15[%dma_wait3A] : memref<10240xi32, #tpu.memory_space<vmem>> -> memref<640xi32, #tpu.memory_space<vmem>>
      %dma_wait3A_62 = tpu.memref_slice %arg18[%run_scoped3A_36, %mul3A_32] : memref<16x10240xi32, #tpu.memory_space<vmem_shared>> -> memref<1x640xi32, #tpu.memory_space<vmem_shared>>
      %dma_wait3A_63 = tpu.memref_squeeze %dma_wait3A_62 : memref<1x640xi32, #tpu.memory_space<vmem_shared>> -> memref<640xi32, #tpu.memory_space<vmem_shared>>
      %dma_wait3A_64 = arith.constant 2560 : i32
      %dma_wait3A_65 = tpu.memref_slice %arg15[%dma_wait3A_64] : memref<10240xi32, #tpu.memory_space<vmem>> -> memref<640xi32, #tpu.memory_space<vmem>>
      %dma_wait3A_66 = tpu.memref_slice %arg18[%run_scoped3A_36, %mul3A_32] : memref<16x10240xi32, #tpu.memory_space<vmem_shared>> -> memref<1x640xi32, #tpu.memory_space<vmem_shared>>
      %dma_wait3A_67 = tpu.memref_squeeze %dma_wait3A_66 : memref<1x640xi32, #tpu.memory_space<vmem_shared>> -> memref<640xi32, #tpu.memory_space<vmem_shared>>
      tpu.wait_dma2 semaphore(%run_scoped3A_53 : memref<!tpu.dma_semaphore, #tpu.memory_space<semaphore_mem>>) src(%dma_wait3A_67 : memref<640xi32, #tpu.memory_space<vmem_shared>>) dst(%dma_wait3A_65 : memref<640xi32, #tpu.memory_space<vmem>>)
      tpu.yield
    }) : () -> ()
    %run_scoped3A_37 = arith.constant 5 : i32
    "tpu.region"() ({
      %run_scoped3A_53 = tpu.sem_alloc : memref<!tpu.dma_semaphore, #tpu.memory_space<semaphore_mem>>
      %dma_start3A = arith.constant 3200 : i32
      %dma_start3A_54 = tpu.memref_slice %arg15[%dma_start3A] : memref<10240xi32, #tpu.memory_space<vmem>> -> memref<640xi32, #tpu.memory_space<vmem>>
      %dma_start3A_55 = tpu.memref_slice %arg18[%run_scoped3A_37, %mul3A_32] : memref<16x10240xi32, #tpu.memory_space<vmem_shared>> -> memref<1x640xi32, #tpu.memory_space<vmem_shared>>
      %dma_start3A_56 = tpu.memref_squeeze %dma_start3A_55 : memref<1x640xi32, #tpu.memory_space<vmem_shared>> -> memref<640xi32, #tpu.memory_space<vmem_shared>>
      %dma_start3A_57 = arith.constant 3200 : i32
      %dma_start3A_58 = tpu.memref_slice %arg15[%dma_start3A_57] : memref<10240xi32, #tpu.memory_space<vmem>> -> memref<640xi32, #tpu.memory_space<vmem>>
      %dma_start3A_59 = tpu.memref_slice %arg18[%run_scoped3A_37, %mul3A_32] : memref<16x10240xi32, #tpu.memory_space<vmem_shared>> -> memref<1x640xi32, #tpu.memory_space<vmem_shared>>
      %dma_start3A_60 = tpu.memref_squeeze %dma_start3A_59 : memref<1x640xi32, #tpu.memory_space<vmem_shared>> -> memref<640xi32, #tpu.memory_space<vmem_shared>>
      tpu.enqueue_dma source(%dma_start3A_60 : memref<640xi32, #tpu.memory_space<vmem_shared>>) target(%dma_start3A_58 : memref<640xi32, #tpu.memory_space<vmem>>) target_semaphore(%run_scoped3A_53 : memref<!tpu.dma_semaphore, #tpu.memory_space<semaphore_mem>>)
      %dma_wait3A = arith.constant 3200 : i32
      %dma_wait3A_61 = tpu.memref_slice %arg15[%dma_wait3A] : memref<10240xi32, #tpu.memory_space<vmem>> -> memref<640xi32, #tpu.memory_space<vmem>>
      %dma_wait3A_62 = tpu.memref_slice %arg18[%run_scoped3A_37, %mul3A_32] : memref<16x10240xi32, #tpu.memory_space<vmem_shared>> -> memref<1x640xi32, #tpu.memory_space<vmem_shared>>
      %dma_wait3A_63 = tpu.memref_squeeze %dma_wait3A_62 : memref<1x640xi32, #tpu.memory_space<vmem_shared>> -> memref<640xi32, #tpu.memory_space<vmem_shared>>
      %dma_wait3A_64 = arith.constant 3200 : i32
      %dma_wait3A_65 = tpu.memref_slice %arg15[%dma_wait3A_64] : memref<10240xi32, #tpu.memory_space<vmem>> -> memref<640xi32, #tpu.memory_space<vmem>>
      %dma_wait3A_66 = tpu.memref_slice %arg18[%run_scoped3A_37, %mul3A_32] : memref<16x10240xi32, #tpu.memory_space<vmem_shared>> -> memref<1x640xi32, #tpu.memory_space<vmem_shared>>
      %dma_wait3A_67 = tpu.memref_squeeze %dma_wait3A_66 : memref<1x640xi32, #tpu.memory_space<vmem_shared>> -> memref<640xi32, #tpu.memory_space<vmem_shared>>
      tpu.wait_dma2 semaphore(%run_scoped3A_53 : memref<!tpu.dma_semaphore, #tpu.memory_space<semaphore_mem>>) src(%dma_wait3A_67 : memref<640xi32, #tpu.memory_space<vmem_shared>>) dst(%dma_wait3A_65 : memref<640xi32, #tpu.memory_space<vmem>>)
      tpu.yield
    }) : () -> ()
    %run_scoped3A_38 = arith.constant 6 : i32
    "tpu.region"() ({
      %run_scoped3A_53 = tpu.sem_alloc : memref<!tpu.dma_semaphore, #tpu.memory_space<semaphore_mem>>
      %dma_start3A = arith.constant 3840 : i32
      %dma_start3A_54 = tpu.memref_slice %arg15[%dma_start3A] : memref<10240xi32, #tpu.memory_space<vmem>> -> memref<640xi32, #tpu.memory_space<vmem>>
      %dma_start3A_55 = tpu.memref_slice %arg18[%run_scoped3A_38, %mul3A_32] : memref<16x10240xi32, #tpu.memory_space<vmem_shared>> -> memref<1x640xi32, #tpu.memory_space<vmem_shared>>
      %dma_start3A_56 = tpu.memref_squeeze %dma_start3A_55 : memref<1x640xi32, #tpu.memory_space<vmem_shared>> -> memref<640xi32, #tpu.memory_space<vmem_shared>>
      %dma_start3A_57 = arith.constant 3840 : i32
      %dma_start3A_58 = tpu.memref_slice %arg15[%dma_start3A_57] : memref<10240xi32, #tpu.memory_space<vmem>> -> memref<640xi32, #tpu.memory_space<vmem>>
      %dma_start3A_59 = tpu.memref_slice %arg18[%run_scoped3A_38, %mul3A_32] : memref<16x10240xi32, #tpu.memory_space<vmem_shared>> -> memref<1x640xi32, #tpu.memory_space<vmem_shared>>
      %dma_start3A_60 = tpu.memref_squeeze %dma_start3A_59 : memref<1x640xi32, #tpu.memory_space<vmem_shared>> -> memref<640xi32, #tpu.memory_space<vmem_shared>>
      tpu.enqueue_dma source(%dma_start3A_60 : memref<640xi32, #tpu.memory_space<vmem_shared>>) target(%dma_start3A_58 : memref<640xi32, #tpu.memory_space<vmem>>) target_semaphore(%run_scoped3A_53 : memref<!tpu.dma_semaphore, #tpu.memory_space<semaphore_mem>>)
      %dma_wait3A = arith.constant 3840 : i32
      %dma_wait3A_61 = tpu.memref_slice %arg15[%dma_wait3A] : memref<10240xi32, #tpu.memory_space<vmem>> -> memref<640xi32, #tpu.memory_space<vmem>>
      %dma_wait3A_62 = tpu.memref_slice %arg18[%run_scoped3A_38, %mul3A_32] : memref<16x10240xi32, #tpu.memory_space<vmem_shared>> -> memref<1x640xi32, #tpu.memory_space<vmem_shared>>
      %dma_wait3A_63 = tpu.memref_squeeze %dma_wait3A_62 : memref<1x640xi32, #tpu.memory_space<vmem_shared>> -> memref<640xi32, #tpu.memory_space<vmem_shared>>
      %dma_wait3A_64 = arith.constant 3840 : i32
      %dma_wait3A_65 = tpu.memref_slice %arg15[%dma_wait3A_64] : memref<10240xi32, #tpu.memory_space<vmem>> -> memref<640xi32, #tpu.memory_space<vmem>>
      %dma_wait3A_66 = tpu.memref_slice %arg18[%run_scoped3A_38, %mul3A_32] : memref<16x10240xi32, #tpu.memory_space<vmem_shared>> -> memref<1x640xi32, #tpu.memory_space<vmem_shared>>
      %dma_wait3A_67 = tpu.memref_squeeze %dma_wait3A_66 : memref<1x640xi32, #tpu.memory_space<vmem_shared>> -> memref<640xi32, #tpu.memory_space<vmem_shared>>
      tpu.wait_dma2 semaphore(%run_scoped3A_53 : memref<!tpu.dma_semaphore, #tpu.memory_space<semaphore_mem>>) src(%dma_wait3A_67 : memref<640xi32, #tpu.memory_space<vmem_shared>>) dst(%dma_wait3A_65 : memref<640xi32, #tpu.memory_space<vmem>>)
      tpu.yield
    }) : () -> ()
    %run_scoped3A_39 = arith.constant 7 : i32
    "tpu.region"() ({
      %run_scoped3A_53 = tpu.sem_alloc : memref<!tpu.dma_semaphore, #tpu.memory_space<semaphore_mem>>
      %dma_start3A = arith.constant 4480 : i32
      %dma_start3A_54 = tpu.memref_slice %arg15[%dma_start3A] : memref<10240xi32, #tpu.memory_space<vmem>> -> memref<640xi32, #tpu.memory_space<vmem>>
      %dma_start3A_55 = tpu.memref_slice %arg18[%run_scoped3A_39, %mul3A_32] : memref<16x10240xi32, #tpu.memory_space<vmem_shared>> -> memref<1x640xi32, #tpu.memory_space<vmem_shared>>
      %dma_start3A_56 = tpu.memref_squeeze %dma_start3A_55 : memref<1x640xi32, #tpu.memory_space<vmem_shared>> -> memref<640xi32, #tpu.memory_space<vmem_shared>>
      %dma_start3A_57 = arith.constant 4480 : i32
      %dma_start3A_58 = tpu.memref_slice %arg15[%dma_start3A_57] : memref<10240xi32, #tpu.memory_space<vmem>> -> memref<640xi32, #tpu.memory_space<vmem>>
      %dma_start3A_59 = tpu.memref_slice %arg18[%run_scoped3A_39, %mul3A_32] : memref<16x10240xi32, #tpu.memory_space<vmem_shared>> -> memref<1x640xi32, #tpu.memory_space<vmem_shared>>
      %dma_start3A_60 = tpu.memref_squeeze %dma_start3A_59 : memref<1x640xi32, #tpu.memory_space<vmem_shared>> -> memref<640xi32, #tpu.memory_space<vmem_shared>>
      tpu.enqueue_dma source(%dma_start3A_60 : memref<640xi32, #tpu.memory_space<vmem_shared>>) target(%dma_start3A_58 : memref<640xi32, #tpu.memory_space<vmem>>) target_semaphore(%run_scoped3A_53 : memref<!tpu.dma_semaphore, #tpu.memory_space<semaphore_mem>>)
      %dma_wait3A = arith.constant 4480 : i32
      %dma_wait3A_61 = tpu.memref_slice %arg15[%dma_wait3A] : memref<10240xi32, #tpu.memory_space<vmem>> -> memref<640xi32, #tpu.memory_space<vmem>>
      %dma_wait3A_62 = tpu.memref_slice %arg18[%run_scoped3A_39, %mul3A_32] : memref<16x10240xi32, #tpu.memory_space<vmem_shared>> -> memref<1x640xi32, #tpu.memory_space<vmem_shared>>
      %dma_wait3A_63 = tpu.memref_squeeze %dma_wait3A_62 : memref<1x640xi32, #tpu.memory_space<vmem_shared>> -> memref<640xi32, #tpu.memory_space<vmem_shared>>
      %dma_wait3A_64 = arith.constant 4480 : i32
      %dma_wait3A_65 = tpu.memref_slice %arg15[%dma_wait3A_64] : memref<10240xi32, #tpu.memory_space<vmem>> -> memref<640xi32, #tpu.memory_space<vmem>>
      %dma_wait3A_66 = tpu.memref_slice %arg18[%run_scoped3A_39, %mul3A_32] : memref<16x10240xi32, #tpu.memory_space<vmem_shared>> -> memref<1x640xi32, #tpu.memory_space<vmem_shared>>
      %dma_wait3A_67 = tpu.memref_squeeze %dma_wait3A_66 : memref<1x640xi32, #tpu.memory_space<vmem_shared>> -> memref<640xi32, #tpu.memory_space<vmem_shared>>
      tpu.wait_dma2 semaphore(%run_scoped3A_53 : memref<!tpu.dma_semaphore, #tpu.memory_space<semaphore_mem>>) src(%dma_wait3A_67 : memref<640xi32, #tpu.memory_space<vmem_shared>>) dst(%dma_wait3A_65 : memref<640xi32, #tpu.memory_space<vmem>>)
      tpu.yield
    }) : () -> ()
    %run_scoped3A_40 = arith.constant 8 : i32
    "tpu.region"() ({
      %run_scoped3A_53 = tpu.sem_alloc : memref<!tpu.dma_semaphore, #tpu.memory_space<semaphore_mem>>
      %dma_start3A = arith.constant 5120 : i32
      %dma_start3A_54 = tpu.memref_slice %arg15[%dma_start3A] : memref<10240xi32, #tpu.memory_space<vmem>> -> memref<640xi32, #tpu.memory_space<vmem>>
      %dma_start3A_55 = tpu.memref_slice %arg18[%run_scoped3A_40, %mul3A_32] : memref<16x10240xi32, #tpu.memory_space<vmem_shared>> -> memref<1x640xi32, #tpu.memory_space<vmem_shared>>
      %dma_start3A_56 = tpu.memref_squeeze %dma_start3A_55 : memref<1x640xi32, #tpu.memory_space<vmem_shared>> -> memref<640xi32, #tpu.memory_space<vmem_shared>>
      %dma_start3A_57 = arith.constant 5120 : i32
      %dma_start3A_58 = tpu.memref_slice %arg15[%dma_start3A_57] : memref<10240xi32, #tpu.memory_space<vmem>> -> memref<640xi32, #tpu.memory_space<vmem>>
      %dma_start3A_59 = tpu.memref_slice %arg18[%run_scoped3A_40, %mul3A_32] : memref<16x10240xi32, #tpu.memory_space<vmem_shared>> -> memref<1x640xi32, #tpu.memory_space<vmem_shared>>
      %dma_start3A_60 = tpu.memref_squeeze %dma_start3A_59 : memref<1x640xi32, #tpu.memory_space<vmem_shared>> -> memref<640xi32, #tpu.memory_space<vmem_shared>>
      tpu.enqueue_dma source(%dma_start3A_60 : memref<640xi32, #tpu.memory_space<vmem_shared>>) target(%dma_start3A_58 : memref<640xi32, #tpu.memory_space<vmem>>) target_semaphore(%run_scoped3A_53 : memref<!tpu.dma_semaphore, #tpu.memory_space<semaphore_mem>>)
      %dma_wait3A = arith.constant 5120 : i32
      %dma_wait3A_61 = tpu.memref_slice %arg15[%dma_wait3A] : memref<10240xi32, #tpu.memory_space<vmem>> -> memref<640xi32, #tpu.memory_space<vmem>>
      %dma_wait3A_62 = tpu.memref_slice %arg18[%run_scoped3A_40, %mul3A_32] : memref<16x10240xi32, #tpu.memory_space<vmem_shared>> -> memref<1x640xi32, #tpu.memory_space<vmem_shared>>
      %dma_wait3A_63 = tpu.memref_squeeze %dma_wait3A_62 : memref<1x640xi32, #tpu.memory_space<vmem_shared>> -> memref<640xi32, #tpu.memory_space<vmem_shared>>
      %dma_wait3A_64 = arith.constant 5120 : i32
      %dma_wait3A_65 = tpu.memref_slice %arg15[%dma_wait3A_64] : memref<10240xi32, #tpu.memory_space<vmem>> -> memref<640xi32, #tpu.memory_space<vmem>>
      %dma_wait3A_66 = tpu.memref_slice %arg18[%run_scoped3A_40, %mul3A_32] : memref<16x10240xi32, #tpu.memory_space<vmem_shared>> -> memref<1x640xi32, #tpu.memory_space<vmem_shared>>
      %dma_wait3A_67 = tpu.memref_squeeze %dma_wait3A_66 : memref<1x640xi32, #tpu.memory_space<vmem_shared>> -> memref<640xi32, #tpu.memory_space<vmem_shared>>
      tpu.wait_dma2 semaphore(%run_scoped3A_53 : memref<!tpu.dma_semaphore, #tpu.memory_space<semaphore_mem>>) src(%dma_wait3A_67 : memref<640xi32, #tpu.memory_space<vmem_shared>>) dst(%dma_wait3A_65 : memref<640xi32, #tpu.memory_space<vmem>>)
      tpu.yield
    }) : () -> ()
    %run_scoped3A_41 = arith.constant 9 : i32
    "tpu.region"() ({
      %run_scoped3A_53 = tpu.sem_alloc : memref<!tpu.dma_semaphore, #tpu.memory_space<semaphore_mem>>
      %dma_start3A = arith.constant 5760 : i32
      %dma_start3A_54 = tpu.memref_slice %arg15[%dma_start3A] : memref<10240xi32, #tpu.memory_space<vmem>> -> memref<640xi32, #tpu.memory_space<vmem>>
      %dma_start3A_55 = tpu.memref_slice %arg18[%run_scoped3A_41, %mul3A_32] : memref<16x10240xi32, #tpu.memory_space<vmem_shared>> -> memref<1x640xi32, #tpu.memory_space<vmem_shared>>
      %dma_start3A_56 = tpu.memref_squeeze %dma_start3A_55 : memref<1x640xi32, #tpu.memory_space<vmem_shared>> -> memref<640xi32, #tpu.memory_space<vmem_shared>>
      %dma_start3A_57 = arith.constant 5760 : i32
      %dma_start3A_58 = tpu.memref_slice %arg15[%dma_start3A_57] : memref<10240xi32, #tpu.memory_space<vmem>> -> memref<640xi32, #tpu.memory_space<vmem>>
      %dma_start3A_59 = tpu.memref_slice %arg18[%run_scoped3A_41, %mul3A_32] : memref<16x10240xi32, #tpu.memory_space<vmem_shared>> -> memref<1x640xi32, #tpu.memory_space<vmem_shared>>
      %dma_start3A_60 = tpu.memref_squeeze %dma_start3A_59 : memref<1x640xi32, #tpu.memory_space<vmem_shared>> -> memref<640xi32, #tpu.memory_space<vmem_shared>>
      tpu.enqueue_dma source(%dma_start3A_60 : memref<640xi32, #tpu.memory_space<vmem_shared>>) target(%dma_start3A_58 : memref<640xi32, #tpu.memory_space<vmem>>) target_semaphore(%run_scoped3A_53 : memref<!tpu.dma_semaphore, #tpu.memory_space<semaphore_mem>>)
      %dma_wait3A = arith.constant 5760 : i32
      %dma_wait3A_61 = tpu.memref_slice %arg15[%dma_wait3A] : memref<10240xi32, #tpu.memory_space<vmem>> -> memref<640xi32, #tpu.memory_space<vmem>>
      %dma_wait3A_62 = tpu.memref_slice %arg18[%run_scoped3A_41, %mul3A_32] : memref<16x10240xi32, #tpu.memory_space<vmem_shared>> -> memref<1x640xi32, #tpu.memory_space<vmem_shared>>
      %dma_wait3A_63 = tpu.memref_squeeze %dma_wait3A_62 : memref<1x640xi32, #tpu.memory_space<vmem_shared>> -> memref<640xi32, #tpu.memory_space<vmem_shared>>
      %dma_wait3A_64 = arith.constant 5760 : i32
      %dma_wait3A_65 = tpu.memref_slice %arg15[%dma_wait3A_64] : memref<10240xi32, #tpu.memory_space<vmem>> -> memref<640xi32, #tpu.memory_space<vmem>>
      %dma_wait3A_66 = tpu.memref_slice %arg18[%run_scoped3A_41, %mul3A_32] : memref<16x10240xi32, #tpu.memory_space<vmem_shared>> -> memref<1x640xi32, #tpu.memory_space<vmem_shared>>
      %dma_wait3A_67 = tpu.memref_squeeze %dma_wait3A_66 : memref<1x640xi32, #tpu.memory_space<vmem_shared>> -> memref<640xi32, #tpu.memory_space<vmem_shared>>
      tpu.wait_dma2 semaphore(%run_scoped3A_53 : memref<!tpu.dma_semaphore, #tpu.memory_space<semaphore_mem>>) src(%dma_wait3A_67 : memref<640xi32, #tpu.memory_space<vmem_shared>>) dst(%dma_wait3A_65 : memref<640xi32, #tpu.memory_space<vmem>>)
      tpu.yield
    }) : () -> ()
    %run_scoped3A_42 = arith.constant 10 : i32
    "tpu.region"() ({
      %run_scoped3A_53 = tpu.sem_alloc : memref<!tpu.dma_semaphore, #tpu.memory_space<semaphore_mem>>
      %dma_start3A = arith.constant 6400 : i32
      %dma_start3A_54 = tpu.memref_slice %arg15[%dma_start3A] : memref<10240xi32, #tpu.memory_space<vmem>> -> memref<640xi32, #tpu.memory_space<vmem>>
      %dma_start3A_55 = tpu.memref_slice %arg18[%run_scoped3A_42, %mul3A_32] : memref<16x10240xi32, #tpu.memory_space<vmem_shared>> -> memref<1x640xi32, #tpu.memory_space<vmem_shared>>
      %dma_start3A_56 = tpu.memref_squeeze %dma_start3A_55 : memref<1x640xi32, #tpu.memory_space<vmem_shared>> -> memref<640xi32, #tpu.memory_space<vmem_shared>>
      %dma_start3A_57 = arith.constant 6400 : i32
      %dma_start3A_58 = tpu.memref_slice %arg15[%dma_start3A_57] : memref<10240xi32, #tpu.memory_space<vmem>> -> memref<640xi32, #tpu.memory_space<vmem>>
      %dma_start3A_59 = tpu.memref_slice %arg18[%run_scoped3A_42, %mul3A_32] : memref<16x10240xi32, #tpu.memory_space<vmem_shared>> -> memref<1x640xi32, #tpu.memory_space<vmem_shared>>
      %dma_start3A_60 = tpu.memref_squeeze %dma_start3A_59 : memref<1x640xi32, #tpu.memory_space<vmem_shared>> -> memref<640xi32, #tpu.memory_space<vmem_shared>>
      tpu.enqueue_dma source(%dma_start3A_60 : memref<640xi32, #tpu.memory_space<vmem_shared>>) target(%dma_start3A_58 : memref<640xi32, #tpu.memory_space<vmem>>) target_semaphore(%run_scoped3A_53 : memref<!tpu.dma_semaphore, #tpu.memory_space<semaphore_mem>>)
      %dma_wait3A = arith.constant 6400 : i32
      %dma_wait3A_61 = tpu.memref_slice %arg15[%dma_wait3A] : memref<10240xi32, #tpu.memory_space<vmem>> -> memref<640xi32, #tpu.memory_space<vmem>>
      %dma_wait3A_62 = tpu.memref_slice %arg18[%run_scoped3A_42, %mul3A_32] : memref<16x10240xi32, #tpu.memory_space<vmem_shared>> -> memref<1x640xi32, #tpu.memory_space<vmem_shared>>
      %dma_wait3A_63 = tpu.memref_squeeze %dma_wait3A_62 : memref<1x640xi32, #tpu.memory_space<vmem_shared>> -> memref<640xi32, #tpu.memory_space<vmem_shared>>
      %dma_wait3A_64 = arith.constant 6400 : i32
      %dma_wait3A_65 = tpu.memref_slice %arg15[%dma_wait3A_64] : memref<10240xi32, #tpu.memory_space<vmem>> -> memref<640xi32, #tpu.memory_space<vmem>>
      %dma_wait3A_66 = tpu.memref_slice %arg18[%run_scoped3A_42, %mul3A_32] : memref<16x10240xi32, #tpu.memory_space<vmem_shared>> -> memref<1x640xi32, #tpu.memory_space<vmem_shared>>
      %dma_wait3A_67 = tpu.memref_squeeze %dma_wait3A_66 : memref<1x640xi32, #tpu.memory_space<vmem_shared>> -> memref<640xi32, #tpu.memory_space<vmem_shared>>
      tpu.wait_dma2 semaphore(%run_scoped3A_53 : memref<!tpu.dma_semaphore, #tpu.memory_space<semaphore_mem>>) src(%dma_wait3A_67 : memref<640xi32, #tpu.memory_space<vmem_shared>>) dst(%dma_wait3A_65 : memref<640xi32, #tpu.memory_space<vmem>>)
      tpu.yield
    }) : () -> ()
    %run_scoped3A_43 = arith.constant 11 : i32
    "tpu.region"() ({
      %run_scoped3A_53 = tpu.sem_alloc : memref<!tpu.dma_semaphore, #tpu.memory_space<semaphore_mem>>
      %dma_start3A = arith.constant 7040 : i32
      %dma_start3A_54 = tpu.memref_slice %arg15[%dma_start3A] : memref<10240xi32, #tpu.memory_space<vmem>> -> memref<640xi32, #tpu.memory_space<vmem>>
      %dma_start3A_55 = tpu.memref_slice %arg18[%run_scoped3A_43, %mul3A_32] : memref<16x10240xi32, #tpu.memory_space<vmem_shared>> -> memref<1x640xi32, #tpu.memory_space<vmem_shared>>
      %dma_start3A_56 = tpu.memref_squeeze %dma_start3A_55 : memref<1x640xi32, #tpu.memory_space<vmem_shared>> -> memref<640xi32, #tpu.memory_space<vmem_shared>>
      %dma_start3A_57 = arith.constant 7040 : i32
      %dma_start3A_58 = tpu.memref_slice %arg15[%dma_start3A_57] : memref<10240xi32, #tpu.memory_space<vmem>> -> memref<640xi32, #tpu.memory_space<vmem>>
      %dma_start3A_59 = tpu.memref_slice %arg18[%run_scoped3A_43, %mul3A_32] : memref<16x10240xi32, #tpu.memory_space<vmem_shared>> -> memref<1x640xi32, #tpu.memory_space<vmem_shared>>
      %dma_start3A_60 = tpu.memref_squeeze %dma_start3A_59 : memref<1x640xi32, #tpu.memory_space<vmem_shared>> -> memref<640xi32, #tpu.memory_space<vmem_shared>>
      tpu.enqueue_dma source(%dma_start3A_60 : memref<640xi32, #tpu.memory_space<vmem_shared>>) target(%dma_start3A_58 : memref<640xi32, #tpu.memory_space<vmem>>) target_semaphore(%run_scoped3A_53 : memref<!tpu.dma_semaphore, #tpu.memory_space<semaphore_mem>>)
      %dma_wait3A = arith.constant 7040 : i32
      %dma_wait3A_61 = tpu.memref_slice %arg15[%dma_wait3A] : memref<10240xi32, #tpu.memory_space<vmem>> -> memref<640xi32, #tpu.memory_space<vmem>>
      %dma_wait3A_62 = tpu.memref_slice %arg18[%run_scoped3A_43, %mul3A_32] : memref<16x10240xi32, #tpu.memory_space<vmem_shared>> -> memref<1x640xi32, #tpu.memory_space<vmem_shared>>
      %dma_wait3A_63 = tpu.memref_squeeze %dma_wait3A_62 : memref<1x640xi32, #tpu.memory_space<vmem_shared>> -> memref<640xi32, #tpu.memory_space<vmem_shared>>
      %dma_wait3A_64 = arith.constant 7040 : i32
      %dma_wait3A_65 = tpu.memref_slice %arg15[%dma_wait3A_64] : memref<10240xi32, #tpu.memory_space<vmem>> -> memref<640xi32, #tpu.memory_space<vmem>>
      %dma_wait3A_66 = tpu.memref_slice %arg18[%run_scoped3A_43, %mul3A_32] : memref<16x10240xi32, #tpu.memory_space<vmem_shared>> -> memref<1x640xi32, #tpu.memory_space<vmem_shared>>
      %dma_wait3A_67 = tpu.memref_squeeze %dma_wait3A_66 : memref<1x640xi32, #tpu.memory_space<vmem_shared>> -> memref<640xi32, #tpu.memory_space<vmem_shared>>
      tpu.wait_dma2 semaphore(%run_scoped3A_53 : memref<!tpu.dma_semaphore, #tpu.memory_space<semaphore_mem>>) src(%dma_wait3A_67 : memref<640xi32, #tpu.memory_space<vmem_shared>>) dst(%dma_wait3A_65 : memref<640xi32, #tpu.memory_space<vmem>>)
      tpu.yield
    }) : () -> ()
    %run_scoped3A_44 = arith.constant 12 : i32
    "tpu.region"() ({
      %run_scoped3A_53 = tpu.sem_alloc : memref<!tpu.dma_semaphore, #tpu.memory_space<semaphore_mem>>
      %dma_start3A = arith.constant 7680 : i32
      %dma_start3A_54 = tpu.memref_slice %arg15[%dma_start3A] : memref<10240xi32, #tpu.memory_space<vmem>> -> memref<640xi32, #tpu.memory_space<vmem>>
      %dma_start3A_55 = tpu.memref_slice %arg18[%run_scoped3A_44, %mul3A_32] : memref<16x10240xi32, #tpu.memory_space<vmem_shared>> -> memref<1x640xi32, #tpu.memory_space<vmem_shared>>
      %dma_start3A_56 = tpu.memref_squeeze %dma_start3A_55 : memref<1x640xi32, #tpu.memory_space<vmem_shared>> -> memref<640xi32, #tpu.memory_space<vmem_shared>>
      %dma_start3A_57 = arith.constant 7680 : i32
      %dma_start3A_58 = tpu.memref_slice %arg15[%dma_start3A_57] : memref<10240xi32, #tpu.memory_space<vmem>> -> memref<640xi32, #tpu.memory_space<vmem>>
      %dma_start3A_59 = tpu.memref_slice %arg18[%run_scoped3A_44, %mul3A_32] : memref<16x10240xi32, #tpu.memory_space<vmem_shared>> -> memref<1x640xi32, #tpu.memory_space<vmem_shared>>
      %dma_start3A_60 = tpu.memref_squeeze %dma_start3A_59 : memref<1x640xi32, #tpu.memory_space<vmem_shared>> -> memref<640xi32, #tpu.memory_space<vmem_shared>>
      tpu.enqueue_dma source(%dma_start3A_60 : memref<640xi32, #tpu.memory_space<vmem_shared>>) target(%dma_start3A_58 : memref<640xi32, #tpu.memory_space<vmem>>) target_semaphore(%run_scoped3A_53 : memref<!tpu.dma_semaphore, #tpu.memory_space<semaphore_mem>>)
      %dma_wait3A = arith.constant 7680 : i32
      %dma_wait3A_61 = tpu.memref_slice %arg15[%dma_wait3A] : memref<10240xi32, #tpu.memory_space<vmem>> -> memref<640xi32, #tpu.memory_space<vmem>>
      %dma_wait3A_62 = tpu.memref_slice %arg18[%run_scoped3A_44, %mul3A_32] : memref<16x10240xi32, #tpu.memory_space<vmem_shared>> -> memref<1x640xi32, #tpu.memory_space<vmem_shared>>
      %dma_wait3A_63 = tpu.memref_squeeze %dma_wait3A_62 : memref<1x640xi32, #tpu.memory_space<vmem_shared>> -> memref<640xi32, #tpu.memory_space<vmem_shared>>
      %dma_wait3A_64 = arith.constant 7680 : i32
      %dma_wait3A_65 = tpu.memref_slice %arg15[%dma_wait3A_64] : memref<10240xi32, #tpu.memory_space<vmem>> -> memref<640xi32, #tpu.memory_space<vmem>>
      %dma_wait3A_66 = tpu.memref_slice %arg18[%run_scoped3A_44, %mul3A_32] : memref<16x10240xi32, #tpu.memory_space<vmem_shared>> -> memref<1x640xi32, #tpu.memory_space<vmem_shared>>
      %dma_wait3A_67 = tpu.memref_squeeze %dma_wait3A_66 : memref<1x640xi32, #tpu.memory_space<vmem_shared>> -> memref<640xi32, #tpu.memory_space<vmem_shared>>
      tpu.wait_dma2 semaphore(%run_scoped3A_53 : memref<!tpu.dma_semaphore, #tpu.memory_space<semaphore_mem>>) src(%dma_wait3A_67 : memref<640xi32, #tpu.memory_space<vmem_shared>>) dst(%dma_wait3A_65 : memref<640xi32, #tpu.memory_space<vmem>>)
      tpu.yield
    }) : () -> ()
    %run_scoped3A_45 = arith.constant 13 : i32
    "tpu.region"() ({
      %run_scoped3A_53 = tpu.sem_alloc : memref<!tpu.dma_semaphore, #tpu.memory_space<semaphore_mem>>
      %dma_start3A = arith.constant 8320 : i32
      %dma_start3A_54 = tpu.memref_slice %arg15[%dma_start3A] : memref<10240xi32, #tpu.memory_space<vmem>> -> memref<640xi32, #tpu.memory_space<vmem>>
      %dma_start3A_55 = tpu.memref_slice %arg18[%run_scoped3A_45, %mul3A_32] : memref<16x10240xi32, #tpu.memory_space<vmem_shared>> -> memref<1x640xi32, #tpu.memory_space<vmem_shared>>
      %dma_start3A_56 = tpu.memref_squeeze %dma_start3A_55 : memref<1x640xi32, #tpu.memory_space<vmem_shared>> -> memref<640xi32, #tpu.memory_space<vmem_shared>>
      %dma_start3A_57 = arith.constant 8320 : i32
      %dma_start3A_58 = tpu.memref_slice %arg15[%dma_start3A_57] : memref<10240xi32, #tpu.memory_space<vmem>> -> memref<640xi32, #tpu.memory_space<vmem>>
      %dma_start3A_59 = tpu.memref_slice %arg18[%run_scoped3A_45, %mul3A_32] : memref<16x10240xi32, #tpu.memory_space<vmem_shared>> -> memref<1x640xi32, #tpu.memory_space<vmem_shared>>
      %dma_start3A_60 = tpu.memref_squeeze %dma_start3A_59 : memref<1x640xi32, #tpu.memory_space<vmem_shared>> -> memref<640xi32, #tpu.memory_space<vmem_shared>>
      tpu.enqueue_dma source(%dma_start3A_60 : memref<640xi32, #tpu.memory_space<vmem_shared>>) target(%dma_start3A_58 : memref<640xi32, #tpu.memory_space<vmem>>) target_semaphore(%run_scoped3A_53 : memref<!tpu.dma_semaphore, #tpu.memory_space<semaphore_mem>>)
      %dma_wait3A = arith.constant 8320 : i32
      %dma_wait3A_61 = tpu.memref_slice %arg15[%dma_wait3A] : memref<10240xi32, #tpu.memory_space<vmem>> -> memref<640xi32, #tpu.memory_space<vmem>>
      %dma_wait3A_62 = tpu.memref_slice %arg18[%run_scoped3A_45, %mul3A_32] : memref<16x10240xi32, #tpu.memory_space<vmem_shared>> -> memref<1x640xi32, #tpu.memory_space<vmem_shared>>
      %dma_wait3A_63 = tpu.memref_squeeze %dma_wait3A_62 : memref<1x640xi32, #tpu.memory_space<vmem_shared>> -> memref<640xi32, #tpu.memory_space<vmem_shared>>
      %dma_wait3A_64 = arith.constant 8320 : i32
      %dma_wait3A_65 = tpu.memref_slice %arg15[%dma_wait3A_64] : memref<10240xi32, #tpu.memory_space<vmem>> -> memref<640xi32, #tpu.memory_space<vmem>>
      %dma_wait3A_66 = tpu.memref_slice %arg18[%run_scoped3A_45, %mul3A_32] : memref<16x10240xi32, #tpu.memory_space<vmem_shared>> -> memref<1x640xi32, #tpu.memory_space<vmem_shared>>
      %dma_wait3A_67 = tpu.memref_squeeze %dma_wait3A_66 : memref<1x640xi32, #tpu.memory_space<vmem_shared>> -> memref<640xi32, #tpu.memory_space<vmem_shared>>
      tpu.wait_dma2 semaphore(%run_scoped3A_53 : memref<!tpu.dma_semaphore, #tpu.memory_space<semaphore_mem>>) src(%dma_wait3A_67 : memref<640xi32, #tpu.memory_space<vmem_shared>>) dst(%dma_wait3A_65 : memref<640xi32, #tpu.memory_space<vmem>>)
      tpu.yield
    }) : () -> ()
    %run_scoped3A_46 = arith.constant 14 : i32
    "tpu.region"() ({
      %run_scoped3A_53 = tpu.sem_alloc : memref<!tpu.dma_semaphore, #tpu.memory_space<semaphore_mem>>
      %dma_start3A = arith.constant 8960 : i32
      %dma_start3A_54 = tpu.memref_slice %arg15[%dma_start3A] : memref<10240xi32, #tpu.memory_space<vmem>> -> memref<640xi32, #tpu.memory_space<vmem>>
      %dma_start3A_55 = tpu.memref_slice %arg18[%run_scoped3A_46, %mul3A_32] : memref<16x10240xi32, #tpu.memory_space<vmem_shared>> -> memref<1x640xi32, #tpu.memory_space<vmem_shared>>
      %dma_start3A_56 = tpu.memref_squeeze %dma_start3A_55 : memref<1x640xi32, #tpu.memory_space<vmem_shared>> -> memref<640xi32, #tpu.memory_space<vmem_shared>>
      %dma_start3A_57 = arith.constant 8960 : i32
      %dma_start3A_58 = tpu.memref_slice %arg15[%dma_start3A_57] : memref<10240xi32, #tpu.memory_space<vmem>> -> memref<640xi32, #tpu.memory_space<vmem>>
      %dma_start3A_59 = tpu.memref_slice %arg18[%run_scoped3A_46, %mul3A_32] : memref<16x10240xi32, #tpu.memory_space<vmem_shared>> -> memref<1x640xi32, #tpu.memory_space<vmem_shared>>
      %dma_start3A_60 = tpu.memref_squeeze %dma_start3A_59 : memref<1x640xi32, #tpu.memory_space<vmem_shared>> -> memref<640xi32, #tpu.memory_space<vmem_shared>>
      tpu.enqueue_dma source(%dma_start3A_60 : memref<640xi32, #tpu.memory_space<vmem_shared>>) target(%dma_start3A_58 : memref<640xi32, #tpu.memory_space<vmem>>) target_semaphore(%run_scoped3A_53 : memref<!tpu.dma_semaphore, #tpu.memory_space<semaphore_mem>>)
      %dma_wait3A = arith.constant 8960 : i32
      %dma_wait3A_61 = tpu.memref_slice %arg15[%dma_wait3A] : memref<10240xi32, #tpu.memory_space<vmem>> -> memref<640xi32, #tpu.memory_space<vmem>>
      %dma_wait3A_62 = tpu.memref_slice %arg18[%run_scoped3A_46, %mul3A_32] : memref<16x10240xi32, #tpu.memory_space<vmem_shared>> -> memref<1x640xi32, #tpu.memory_space<vmem_shared>>
      %dma_wait3A_63 = tpu.memref_squeeze %dma_wait3A_62 : memref<1x640xi32, #tpu.memory_space<vmem_shared>> -> memref<640xi32, #tpu.memory_space<vmem_shared>>
      %dma_wait3A_64 = arith.constant 8960 : i32
      %dma_wait3A_65 = tpu.memref_slice %arg15[%dma_wait3A_64] : memref<10240xi32, #tpu.memory_space<vmem>> -> memref<640xi32, #tpu.memory_space<vmem>>
      %dma_wait3A_66 = tpu.memref_slice %arg18[%run_scoped3A_46, %mul3A_32] : memref<16x10240xi32, #tpu.memory_space<vmem_shared>> -> memref<1x640xi32, #tpu.memory_space<vmem_shared>>
      %dma_wait3A_67 = tpu.memref_squeeze %dma_wait3A_66 : memref<1x640xi32, #tpu.memory_space<vmem_shared>> -> memref<640xi32, #tpu.memory_space<vmem_shared>>
      tpu.wait_dma2 semaphore(%run_scoped3A_53 : memref<!tpu.dma_semaphore, #tpu.memory_space<semaphore_mem>>) src(%dma_wait3A_67 : memref<640xi32, #tpu.memory_space<vmem_shared>>) dst(%dma_wait3A_65 : memref<640xi32, #tpu.memory_space<vmem>>)
      tpu.yield
    }) : () -> ()
    %run_scoped3A_47 = arith.constant 15 : i32
    "tpu.region"() ({
      %run_scoped3A_53 = tpu.sem_alloc : memref<!tpu.dma_semaphore, #tpu.memory_space<semaphore_mem>>
      %dma_start3A = arith.constant 9600 : i32
      %dma_start3A_54 = tpu.memref_slice %arg15[%dma_start3A] : memref<10240xi32, #tpu.memory_space<vmem>> -> memref<640xi32, #tpu.memory_space<vmem>>
      %dma_start3A_55 = tpu.memref_slice %arg18[%run_scoped3A_47, %mul3A_32] : memref<16x10240xi32, #tpu.memory_space<vmem_shared>> -> memref<1x640xi32, #tpu.memory_space<vmem_shared>>
      %dma_start3A_56 = tpu.memref_squeeze %dma_start3A_55 : memref<1x640xi32, #tpu.memory_space<vmem_shared>> -> memref<640xi32, #tpu.memory_space<vmem_shared>>
      %dma_start3A_57 = arith.constant 9600 : i32
      %dma_start3A_58 = tpu.memref_slice %arg15[%dma_start3A_57] : memref<10240xi32, #tpu.memory_space<vmem>> -> memref<640xi32, #tpu.memory_space<vmem>>
      %dma_start3A_59 = tpu.memref_slice %arg18[%run_scoped3A_47, %mul3A_32] : memref<16x10240xi32, #tpu.memory_space<vmem_shared>> -> memref<1x640xi32, #tpu.memory_space<vmem_shared>>
      %dma_start3A_60 = tpu.memref_squeeze %dma_start3A_59 : memref<1x640xi32, #tpu.memory_space<vmem_shared>> -> memref<640xi32, #tpu.memory_space<vmem_shared>>
      tpu.enqueue_dma source(%dma_start3A_60 : memref<640xi32, #tpu.memory_space<vmem_shared>>) target(%dma_start3A_58 : memref<640xi32, #tpu.memory_space<vmem>>) target_semaphore(%run_scoped3A_53 : memref<!tpu.dma_semaphore, #tpu.memory_space<semaphore_mem>>)
      %dma_wait3A = arith.constant 9600 : i32
      %dma_wait3A_61 = tpu.memref_slice %arg15[%dma_wait3A] : memref<10240xi32, #tpu.memory_space<vmem>> -> memref<640xi32, #tpu.memory_space<vmem>>
      %dma_wait3A_62 = tpu.memref_slice %arg18[%run_scoped3A_47, %mul3A_32] : memref<16x10240xi32, #tpu.memory_space<vmem_shared>> -> memref<1x640xi32, #tpu.memory_space<vmem_shared>>
      %dma_wait3A_63 = tpu.memref_squeeze %dma_wait3A_62 : memref<1x640xi32, #tpu.memory_space<vmem_shared>> -> memref<640xi32, #tpu.memory_space<vmem_shared>>
      %dma_wait3A_64 = arith.constant 9600 : i32
      %dma_wait3A_65 = tpu.memref_slice %arg15[%dma_wait3A_64] : memref<10240xi32, #tpu.memory_space<vmem>> -> memref<640xi32, #tpu.memory_space<vmem>>
      %dma_wait3A_66 = tpu.memref_slice %arg18[%run_scoped3A_47, %mul3A_32] : memref<16x10240xi32, #tpu.memory_space<vmem_shared>> -> memref<1x640xi32, #tpu.memory_space<vmem_shared>>
      %dma_wait3A_67 = tpu.memref_squeeze %dma_wait3A_66 : memref<1x640xi32, #tpu.memory_space<vmem_shared>> -> memref<640xi32, #tpu.memory_space<vmem_shared>>
      tpu.wait_dma2 semaphore(%run_scoped3A_53 : memref<!tpu.dma_semaphore, #tpu.memory_space<semaphore_mem>>) src(%dma_wait3A_67 : memref<640xi32, #tpu.memory_space<vmem_shared>>) dst(%dma_wait3A_65 : memref<640xi32, #tpu.memory_space<vmem>>)
      tpu.yield
    }) : () -> ()
    %scan3A_48 = arith.constant 0 : i32
    %scan3A_49 = arith.constant 40 : i32
    %scan3A_50 = arith.addi %scan3A_48, %scan3A_49 : i32
    %scan3A_51 = arith.constant 1 : i32
    scf.for %scan3A_53 = %scan3A_48 to %scan3A_50 step %scan3A_51  : i32 {
      %mul3A_54 = arith.constant 16 : i32
      %mul3A_55 = arith.muli %scan3A_53, %mul3A_54 : i32
      %add3A_56 = arith.constant 0 : i32
      %add3A_57 = arith.addi %add3A_56, %mul3A_55 : i32
      %get3A = arith.index_cast %add3A_57 : i32 to index
      %get3A_58 = tpu.vector_load %arg15[%get3A] {strides = array<i32>} : memref<10240xi32, #tpu.memory_space<vmem>>, vector<16xi32>,
      %add3A_59 = arith.constant 640 : i32
      %add3A_60 = arith.addi %add3A_59, %add3A_57 : i32
      %get3A_61 = arith.index_cast %add3A_60 : i32 to index
      %get3A_62 = tpu.vector_load %arg15[%get3A_61] {strides = array<i32>} : memref<10240xi32, #tpu.memory_space<vmem>>, vector<16xi32>,
      %add3A_63 = arith.addi %get3A_58, %get3A_62 : vector<16xi32>
      %add3A_64 = arith.constant 1280 : i32
      %add3A_65 = arith.addi %add3A_64, %add3A_57 : i32
      %get3A_66 = arith.index_cast %add3A_65 : i32 to index
      %get3A_67 = tpu.vector_load %arg15[%get3A_66] {strides = array<i32>} : memref<10240xi32, #tpu.memory_space<vmem>>, vector<16xi32>,
      %add3A_68 = arith.addi %add3A_63, %get3A_67 : vector<16xi32>
      %add3A_69 = arith.constant 1920 : i32
      %add3A_70 = arith.addi %add3A_69, %add3A_57 : i32
      %get3A_71 = arith.index_cast %add3A_70 : i32 to index
      %get3A_72 = tpu.vector_load %arg15[%get3A_71] {strides = array<i32>} : memref<10240xi32, #tpu.memory_space<vmem>>, vector<16xi32>,
      %add3A_73 = arith.addi %add3A_68, %get3A_72 : vector<16xi32>
      %add3A_74 = arith.constant 2560 : i32
      %add3A_75 = arith.addi %add3A_74, %add3A_57 : i32
      %get3A_76 = arith.index_cast %add3A_75 : i32 to index
      %get3A_77 = tpu.vector_load %arg15[%get3A_76] {strides = array<i32>} : memref<10240xi32, #tpu.memory_space<vmem>>, vector<16xi32>,
      %add3A_78 = arith.addi %add3A_73, %get3A_77 : vector<16xi32>
      %add3A_79 = arith.constant 3200 : i32
      %add3A_80 = arith.addi %add3A_79, %add3A_57 : i32
      %get3A_81 = arith.index_cast %add3A_80 : i32 to index
      %get3A_82 = tpu.vector_load %arg15[%get3A_81] {strides = array<i32>} : memref<10240xi32, #tpu.memory_space<vmem>>, vector<16xi32>,
      %add3A_83 = arith.addi %add3A_78, %get3A_82 : vector<16xi32>
      %add3A_84 = arith.constant 3840 : i32
      %add3A_85 = arith.addi %add3A_84, %add3A_57 : i32
      %get3A_86 = arith.index_cast %add3A_85 : i32 to index
      %get3A_87 = tpu.vector_load %arg15[%get3A_86] {strides = array<i32>} : memref<10240xi32, #tpu.memory_space<vmem>>, vector<16xi32>,
      %add3A_88 = arith.addi %add3A_83, %get3A_87 : vector<16xi32>
      %add3A_89 = arith.constant 4480 : i32
      %add3A_90 = arith.addi %add3A_89, %add3A_57 : i32
      %get3A_91 = arith.index_cast %add3A_90 : i32 to index
      %get3A_92 = tpu.vector_load %arg15[%get3A_91] {strides = array<i32>} : memref<10240xi32, #tpu.memory_space<vmem>>, vector<16xi32>,
      %add3A_93 = arith.addi %add3A_88, %get3A_92 : vector<16xi32>
      %add3A_94 = arith.constant 5120 : i32
      %add3A_95 = arith.addi %add3A_94, %add3A_57 : i32
      %get3A_96 = arith.index_cast %add3A_95 : i32 to index
      %get3A_97 = tpu.vector_load %arg15[%get3A_96] {strides = array<i32>} : memref<10240xi32, #tpu.memory_space<vmem>>, vector<16xi32>,
      %add3A_98 = arith.addi %add3A_93, %get3A_97 : vector<16xi32>
      %add3A_99 = arith.constant 5760 : i32
      %add3A_100 = arith.addi %add3A_99, %add3A_57 : i32
      %get3A_101 = arith.index_cast %add3A_100 : i32 to index
      %get3A_102 = tpu.vector_load %arg15[%get3A_101] {strides = array<i32>} : memref<10240xi32, #tpu.memory_space<vmem>>, vector<16xi32>,
      %add3A_103 = arith.addi %add3A_98, %get3A_102 : vector<16xi32>
      %add3A_104 = arith.constant 6400 : i32
      %add3A_105 = arith.addi %add3A_104, %add3A_57 : i32
      %get3A_106 = arith.index_cast %add3A_105 : i32 to index
      %get3A_107 = tpu.vector_load %arg15[%get3A_106] {strides = array<i32>} : memref<10240xi32, #tpu.memory_space<vmem>>, vector<16xi32>,
      %add3A_108 = arith.addi %add3A_103, %get3A_107 : vector<16xi32>
      %add3A_109 = arith.constant 7040 : i32
      %add3A_110 = arith.addi %add3A_109, %add3A_57 : i32
      %get3A_111 = arith.index_cast %add3A_110 : i32 to index
      %get3A_112 = tpu.vector_load %arg15[%get3A_111] {strides = array<i32>} : memref<10240xi32, #tpu.memory_space<vmem>>, vector<16xi32>,
      %add3A_113 = arith.addi %add3A_108, %get3A_112 : vector<16xi32>
      %add3A_114 = arith.constant 7680 : i32
      %add3A_115 = arith.addi %add3A_114, %add3A_57 : i32
      %get3A_116 = arith.index_cast %add3A_115 : i32 to index
      %get3A_117 = tpu.vector_load %arg15[%get3A_116] {strides = array<i32>} : memref<10240xi32, #tpu.memory_space<vmem>>, vector<16xi32>,
      %add3A_118 = arith.addi %add3A_113, %get3A_117 : vector<16xi32>
      %add3A_119 = arith.constant 8320 : i32
      %add3A_120 = arith.addi %add3A_119, %add3A_57 : i32
      %get3A_121 = arith.index_cast %add3A_120 : i32 to index
      %get3A_122 = tpu.vector_load %arg15[%get3A_121] {strides = array<i32>} : memref<10240xi32, #tpu.memory_space<vmem>>, vector<16xi32>,
      %add3A_123 = arith.addi %add3A_118, %get3A_122 : vector<16xi32>
      %add3A_124 = arith.constant 8960 : i32
      %add3A_125 = arith.addi %add3A_124, %add3A_57 : i32
      %get3A_126 = arith.index_cast %add3A_125 : i32 to index
      %get3A_127 = tpu.vector_load %arg15[%get3A_126] {strides = array<i32>} : memref<10240xi32, #tpu.memory_space<vmem>>, vector<16xi32>,
      %add3A_128 = arith.addi %add3A_123, %get3A_127 : vector<16xi32>
      %add3A_129 = arith.constant 9600 : i32
      %add3A_130 = arith.addi %add3A_129, %add3A_57 : i32
      %get3A_131 = arith.index_cast %add3A_130 : i32 to index
      %get3A_132 = tpu.vector_load %arg15[%get3A_131] {strides = array<i32>} : memref<10240xi32, #tpu.memory_space<vmem>>, vector<16xi32>,
      %add3A_133 = arith.addi %add3A_128, %get3A_132 : vector<16xi32>
      %swap3A_134 = arith.index_cast %add3A_57 : i32 to index
      %swap3A_135 = tpu.vector_load %arg16[%swap3A_134] {strides = array<i32>} : memref<640xi32, #tpu.memory_space<vmem>>, vector<16xi32>,
      tpu.vector_store %arg16[%swap3A_134], %add3A_133 {strides = array<i32>} : memref<640xi32, #tpu.memory_space<vmem>>, vector<16xi32>,
    }
    %scan3A_52 = arith.constant 40 : i32
    "tpu.region"() ({
      %run_scoped3A_53 = tpu.sem_alloc : memref<!tpu.dma_semaphore, #tpu.memory_space<semaphore_mem>>
      %dma_start3A = arith.constant 0 : i32
      %dma_start3A_54 = tpu.memref_slice %arg8[%arg0, %dma_start3A] : memref<2x10240xi32, #tpu.memory_space<hbm>> -> memref<1x10240xi32, #tpu.memory_space<hbm>>
      %dma_start3A_55 = tpu.memref_squeeze %dma_start3A_54 : memref<1x10240xi32, #tpu.memory_space<hbm>> -> memref<10240xi32, #tpu.memory_space<hbm>>
      %dma_start3A_56 = tpu.memref_slice %dma_start3A_55[%mul3A_32] : memref<10240xi32, #tpu.memory_space<hbm>> -> memref<640xi32, #tpu.memory_space<hbm>>
      %dma_start3A_57 = arith.constant 0 : i32
      %dma_start3A_58 = tpu.memref_slice %arg8[%arg0, %dma_start3A_57] : memref<2x10240xi32, #tpu.memory_space<hbm>> -> memref<1x10240xi32, #tpu.memory_space<hbm>>
      %dma_start3A_59 = tpu.memref_squeeze %dma_start3A_58 : memref<1x10240xi32, #tpu.memory_space<hbm>> -> memref<10240xi32, #tpu.memory_space<hbm>>
      %dma_start3A_60 = tpu.memref_slice %dma_start3A_59[%mul3A_32] : memref<10240xi32, #tpu.memory_space<hbm>> -> memref<640xi32, #tpu.memory_space<hbm>>
      tpu.enqueue_dma source(%arg16 : memref<640xi32, #tpu.memory_space<vmem>>) target(%dma_start3A_60 : memref<640xi32, #tpu.memory_space<hbm>>) target_semaphore(%run_scoped3A_53 : memref<!tpu.dma_semaphore, #tpu.memory_space<semaphore_mem>>)
      %dma_wait3A = arith.constant 0 : i32
      %dma_wait3A_61 = tpu.memref_slice %arg8[%arg0, %dma_wait3A] : memref<2x10240xi32, #tpu.memory_space<hbm>> -> memref<1x10240xi32, #tpu.memory_space<hbm>>
      %dma_wait3A_62 = tpu.memref_squeeze %dma_wait3A_61 : memref<1x10240xi32, #tpu.memory_space<hbm>> -> memref<10240xi32, #tpu.memory_space<hbm>>
      %dma_wait3A_63 = tpu.memref_slice %dma_wait3A_62[%mul3A_32] : memref<10240xi32, #tpu.memory_space<hbm>> -> memref<640xi32, #tpu.memory_space<hbm>>
      %dma_wait3A_64 = arith.constant 0 : i32
      %dma_wait3A_65 = tpu.memref_slice %arg8[%arg0, %dma_wait3A_64] : memref<2x10240xi32, #tpu.memory_space<hbm>> -> memref<1x10240xi32, #tpu.memory_space<hbm>>
      %dma_wait3A_66 = tpu.memref_squeeze %dma_wait3A_65 : memref<1x10240xi32, #tpu.memory_space<hbm>> -> memref<10240xi32, #tpu.memory_space<hbm>>
      %dma_wait3A_67 = tpu.memref_slice %dma_wait3A_66[%mul3A_32] : memref<10240xi32, #tpu.memory_space<hbm>> -> memref<640xi32, #tpu.memory_space<hbm>>
      tpu.wait_dma2 semaphore(%run_scoped3A_53 : memref<!tpu.dma_semaphore, #tpu.memory_space<semaphore_mem>>) src(%arg16 : memref<640xi32, #tpu.memory_space<vmem>>) dst(%dma_wait3A_67 : memref<640xi32, #tpu.memory_space<hbm>>)
      tpu.yield
    }) : () -> ()
    return
  }
}

#map = affine_map<(d0, d1) -> (0, 0)>
#map1 = affine_map<(d0, d1) -> (0)>
#map2 = affine_map<(d0, d1) -> (0, 0, 0)>
module attributes {stable_mosaic.version = 14 : i64} {
  func.func @sc_gather_segsum(%arg0: i32, %arg1: i32, %arg2: memref<10240x128xf32, #tpu.memory_space<hbm>>, %arg3: memref<335872xi32, #tpu.memory_space<hbm>>, %arg4: memref<335872xi32, #tpu.memory_space<hbm>>, %arg5: memref<32x16xi32, #tpu.memory_space<hbm>>, %arg6: memref<32x128xf32, #tpu.memory_space<hbm>>, %arg7: memref<2x10240x128xf32, #tpu.memory_space<hbm>>, %arg8: memref<10496xi32, #tpu.memory_space<vmem>>, %arg9: memref<2x128xi32, #tpu.memory_space<vmem>>, %arg10: memref<16xi32, #tpu.memory_space<vmem>>, %arg11: memref<128x128xf32, #tpu.memory_space<vmem>>, %arg12: memref<128x128xf32, #tpu.memory_space<vmem>>, %arg13: memref<32x128xf32, #tpu.memory_space<vmem>>, %arg14: memref<10240x128xf32, #tpu.memory_space<vmem_shared>>, %arg15: memref<!tpu.dma_semaphore, #tpu.memory_space<semaphore_mem>>, %arg16: memref<!tpu.dma_semaphore, #tpu.memory_space<semaphore_mem>>, %arg17: memref<!tpu.dma_semaphore, #tpu.memory_space<semaphore_mem>>, %arg18: memref<!tpu.dma_semaphore, #tpu.memory_space<semaphore_mem>>) attributes {dimension_semantics = [#tpu.dimension_semantics<core_parallel>, #tpu.dimension_semantics<subcore_parallel>], iteration_bounds = array<i64: 2, 16>, scalar_prefetch = 0 : i64, scratch_operands = 11 : i64, tpu.core_type = #tpu.core_type<sc_vector_subcore>, window_params = [{transform_indices = #map}, {transform_indices = #map1}, {transform_indices = #map1}, {transform_indices = #map}, {transform_indices = #map}, {transform_indices = #map2}]} {
    %mul3A = arith.constant 16 : i32
    %mul3A_0 = arith.muli %arg0, %mul3A : i32
    %add3A = arith.addi %mul3A_0, %arg1 : i32
    %mul3A_1 = arith.constant 640 : i32
    %mul3A_2 = arith.muli %arg1, %mul3A_1 : i32
    "tpu.region"() ({
      %run_scoped3A = tpu.sem_alloc : memref<!tpu.dma_semaphore, #tpu.memory_space<semaphore_mem>>
      tpu.enqueue_dma source(%arg6 : memref<32x128xf32, #tpu.memory_space<hbm>>) target(%arg13 : memref<32x128xf32, #tpu.memory_space<vmem>>) target_semaphore(%run_scoped3A : memref<!tpu.dma_semaphore, #tpu.memory_space<semaphore_mem>>)
      tpu.wait_dma2 semaphore(%run_scoped3A : memref<!tpu.dma_semaphore, #tpu.memory_space<semaphore_mem>>) src(%arg6 : memref<32x128xf32, #tpu.memory_space<hbm>>) dst(%arg13 : memref<32x128xf32, #tpu.memory_space<vmem>>)
      tpu.yield
    }) : () -> ()
    %scan3A = arith.constant 0 : i32
    %scan3A_3 = arith.constant 20 : i32
    %scan3A_4 = arith.addi %scan3A, %scan3A_3 : i32
    %scan3A_5 = arith.constant 1 : i32
    scf.for %scan3A_36 = %scan3A to %scan3A_4 step %scan3A_5  : i32 {
      %mul3A_37 = arith.constant 32 : i32
      %mul3A_38 = arith.muli %scan3A_36, %mul3A_37 : i32
      %add3A_39 = arith.constant 0 : i32
      %add3A_40 = arith.addi %add3A_39, %mul3A_38 : i32
      %add3A_41 = arith.addi %mul3A_2, %add3A_40 : i32
      "tpu.region"() ({
        %run_scoped3A = tpu.sem_alloc : memref<!tpu.dma_semaphore, #tpu.memory_space<semaphore_mem>>
        %dma_start3A = arith.constant 0 : i32
        %dma_start3A_42 = tpu.memref_slice %arg14[%add3A_41, %dma_start3A] : memref<10240x128xf32, #tpu.memory_space<vmem_shared>> -> memref<32x128xf32, #tpu.memory_space<vmem_shared>>
        %dma_start3A_43 = arith.constant 0 : i32
        %dma_start3A_44 = tpu.memref_slice %arg14[%add3A_41, %dma_start3A_43] : memref<10240x128xf32, #tpu.memory_space<vmem_shared>> -> memref<32x128xf32, #tpu.memory_space<vmem_shared>>
        tpu.enqueue_dma source(%arg13 : memref<32x128xf32, #tpu.memory_space<vmem>>) target(%dma_start3A_44 : memref<32x128xf32, #tpu.memory_space<vmem_shared>>) target_semaphore(%run_scoped3A : memref<!tpu.dma_semaphore, #tpu.memory_space<semaphore_mem>>)
        %dma_wait3A = arith.constant 0 : i32
        %dma_wait3A_45 = tpu.memref_slice %arg14[%add3A_41, %dma_wait3A] : memref<10240x128xf32, #tpu.memory_space<vmem_shared>> -> memref<32x128xf32, #tpu.memory_space<vmem_shared>>
        %dma_wait3A_46 = arith.constant 0 : i32
        %dma_wait3A_47 = tpu.memref_slice %arg14[%add3A_41, %dma_wait3A_46] : memref<10240x128xf32, #tpu.memory_space<vmem_shared>> -> memref<32x128xf32, #tpu.memory_space<vmem_shared>>
        tpu.wait_dma2 semaphore(%run_scoped3A : memref<!tpu.dma_semaphore, #tpu.memory_space<semaphore_mem>>) src(%arg13 : memref<32x128xf32, #tpu.memory_space<vmem>>) dst(%dma_wait3A_47 : memref<32x128xf32, #tpu.memory_space<vmem_shared>>)
        tpu.yield
      }) : () -> ()
    }
    %scan3A_6 = arith.constant 20 : i32
    "tpu.region"() ({
      %run_scoped3A = tpu.sem_alloc : memref<!tpu.dma_semaphore, #tpu.memory_space<semaphore_mem>>
      %dma_start3A = arith.constant 0 : i32
      %dma_start3A_36 = tpu.memref_slice %arg5[%add3A, %dma_start3A] : memref<32x16xi32, #tpu.memory_space<hbm>> -> memref<1x16xi32, #tpu.memory_space<hbm>>
      %dma_start3A_37 = tpu.memref_squeeze %dma_start3A_36 : memref<1x16xi32, #tpu.memory_space<hbm>> -> memref<16xi32, #tpu.memory_space<hbm>>
      %dma_start3A_38 = arith.constant 0 : i32
      %dma_start3A_39 = tpu.memref_slice %arg5[%add3A, %dma_start3A_38] : memref<32x16xi32, #tpu.memory_space<hbm>> -> memref<1x16xi32, #tpu.memory_space<hbm>>
      %dma_start3A_40 = tpu.memref_squeeze %dma_start3A_39 : memref<1x16xi32, #tpu.memory_space<hbm>> -> memref<16xi32, #tpu.memory_space<hbm>>
      tpu.enqueue_dma source(%dma_start3A_40 : memref<16xi32, #tpu.memory_space<hbm>>) target(%arg10 : memref<16xi32, #tpu.memory_space<vmem>>) target_semaphore(%run_scoped3A : memref<!tpu.dma_semaphore, #tpu.memory_space<semaphore_mem>>)
      %dma_wait3A = arith.constant 0 : i32
      %dma_wait3A_41 = tpu.memref_slice %arg5[%add3A, %dma_wait3A] : memref<32x16xi32, #tpu.memory_space<hbm>> -> memref<1x16xi32, #tpu.memory_space<hbm>>
      %dma_wait3A_42 = tpu.memref_squeeze %dma_wait3A_41 : memref<1x16xi32, #tpu.memory_space<hbm>> -> memref<16xi32, #tpu.memory_space<hbm>>
      %dma_wait3A_43 = arith.constant 0 : i32
      %dma_wait3A_44 = tpu.memref_slice %arg5[%add3A, %dma_wait3A_43] : memref<32x16xi32, #tpu.memory_space<hbm>> -> memref<1x16xi32, #tpu.memory_space<hbm>>
      %dma_wait3A_45 = tpu.memref_squeeze %dma_wait3A_44 : memref<1x16xi32, #tpu.memory_space<hbm>> -> memref<16xi32, #tpu.memory_space<hbm>>
      tpu.wait_dma2 semaphore(%run_scoped3A : memref<!tpu.dma_semaphore, #tpu.memory_space<semaphore_mem>>) src(%dma_wait3A_45 : memref<16xi32, #tpu.memory_space<hbm>>) dst(%arg10 : memref<16xi32, #tpu.memory_space<vmem>>)
      tpu.yield
    }) : () -> ()
    %mul3A_7 = arith.constant 10496 : i32
    %mul3A_8 = arith.muli %add3A, %mul3A_7 : i32
    "tpu.region"() ({
      %run_scoped3A = tpu.sem_alloc : memref<!tpu.dma_semaphore, #tpu.memory_space<semaphore_mem>>
      %dma_start3A = tpu.memref_slice %arg3[%mul3A_8] : memref<335872xi32, #tpu.memory_space<hbm>> -> memref<10496xi32, #tpu.memory_space<hbm>>
      %dma_start3A_36 = tpu.memref_slice %arg3[%mul3A_8] : memref<335872xi32, #tpu.memory_space<hbm>> -> memref<10496xi32, #tpu.memory_space<hbm>>
      tpu.enqueue_dma source(%dma_start3A_36 : memref<10496xi32, #tpu.memory_space<hbm>>) target(%arg8 : memref<10496xi32, #tpu.memory_space<vmem>>) target_semaphore(%run_scoped3A : memref<!tpu.dma_semaphore, #tpu.memory_space<semaphore_mem>>)
      %dma_wait3A = tpu.memref_slice %arg3[%mul3A_8] : memref<335872xi32, #tpu.memory_space<hbm>> -> memref<10496xi32, #tpu.memory_space<hbm>>
      %dma_wait3A_37 = tpu.memref_slice %arg3[%mul3A_8] : memref<335872xi32, #tpu.memory_space<hbm>> -> memref<10496xi32, #tpu.memory_space<hbm>>
      tpu.wait_dma2 semaphore(%run_scoped3A : memref<!tpu.dma_semaphore, #tpu.memory_space<semaphore_mem>>) src(%dma_wait3A_37 : memref<10496xi32, #tpu.memory_space<hbm>>) dst(%arg8 : memref<10496xi32, #tpu.memory_space<vmem>>)
      tpu.yield
    }) : () -> ()
    %get3A = arith.constant 0 : index
    %get3A_9 = tpu.vector_load %arg10[%get3A] {strides = array<i32>} : memref<16xi32, #tpu.memory_space<vmem>>, vector<16xi32>,
    %reduce_max3A = arith.constant true
    %reduce_max3A_10 = vector.broadcast %reduce_max3A : i1 to vector<16xi1>
    %reduce_max3A_11 = arith.constant -2147483648 : i32
    %reduce_max3A_12 = vector.broadcast %reduce_max3A_11 : i32 to vector<16xi32>
    %reduce_max3A_13 = arith.xori %get3A_9, %reduce_max3A_12 : vector<16xi32>
    %reduce_max3A_14 = tpu.scan <max>, %reduce_max3A_13 masked %reduce_max3A_10 : vector<16xi32>, vector<16xi1> -> vector<16xi32>
    %reduce_max3A_15 = arith.xori %reduce_max3A_14, %reduce_max3A_12 : vector<16xi32>
    %reduce_max3A_16 = vector.extract %reduce_max3A_15[15] : i32 from vector<16xi32>
    %barrier3A = arith.constant 0 : index
    tpu.barrier barrier_id(%barrier3A)
    %and3A = arith.constant -2 : i32
    %and3A_17 = arith.andi %reduce_max3A_16, %and3A : i32
    %sub3A = arith.constant 0 : i32
    %sub3A_18 = arith.subi %and3A_17, %sub3A : i32
    %sub3A_19 = arith.constant 2 : i32
    %sub3A_20 = arith.constant 1 : i32
    %sub3A_21 = arith.subi %sub3A_19, %sub3A_20 : i32
    %add3A_22 = arith.addi %sub3A_18, %sub3A_21 : i32
    %div3A = arith.constant 2 : i32
    %div3A_23 = arith.divsi %add3A_22, %div3A : i32
    %while3A = arith.constant 2 : i32
    %while3A_24 = arith.constant 0 : i32
    %while3A_25 = arith.constant 0 : i32
    %while3A_26 = arith.subi %div3A_23, %while3A_25 : i32
    %while3A_27 = arith.addi %while3A_25, %while3A_26 : i32
    %while3A_28 = arith.constant 1 : i32
    %while3A_29 = arith.divsi %while3A_26, %while3A_28 : i32
    %while3A_30 = arith.muli %while3A_29, %while3A_28 : i32
    %while3A_31 = arith.addi %while3A_25, %while3A_30 : i32
    %while3A_32 = arith.constant 1 : i32
    scf.for %while3A_36 = %while3A_25 to %while3A_31 step %while3A_32  : i32 {
      %mul3A_37 = arith.muli %while3A_36, %while3A : i32
      %add3A_38 = arith.addi %while3A_24, %mul3A_37 : i32
      %mul3A_39 = arith.constant 10496 : i32
      %mul3A_40 = arith.muli %add3A, %mul3A_39 : i32
      %mul3A_41 = arith.constant 128 : i32
      %mul3A_42 = arith.muli %add3A_38, %mul3A_41 : i32
      %add3A_43 = arith.addi %mul3A_40, %mul3A_42 : i32
      %dma_start3A = arith.constant 0 : i32
      %dma_start3A_44 = arith.constant 0 : i32
      %dma_start3A_45 = tpu.memref_slice %arg9[%dma_start3A, %dma_start3A_44] : memref<2x128xi32, #tpu.memory_space<vmem>> -> memref<1x128xi32, #tpu.memory_space<vmem>>
      %dma_start3A_46 = tpu.memref_squeeze %dma_start3A_45 : memref<1x128xi32, #tpu.memory_space<vmem>> -> memref<128xi32, #tpu.memory_space<vmem>>
      %dma_start3A_47 = tpu.memref_slice %arg4[%add3A_43] : memref<335872xi32, #tpu.memory_space<hbm>> -> memref<128xi32, #tpu.memory_space<hbm>>
      %dma_start3A_48 = arith.constant 0 : i32
      %dma_start3A_49 = tpu.memref_slice %arg9[%dma_start3A, %dma_start3A_48] : memref<2x128xi32, #tpu.memory_space<vmem>> -> memref<1x128xi32, #tpu.memory_space<vmem>>
      %dma_start3A_50 = tpu.memref_squeeze %dma_start3A_49 : memref<1x128xi32, #tpu.memory_space<vmem>> -> memref<128xi32, #tpu.memory_space<vmem>>
      %dma_start3A_51 = tpu.memref_slice %arg4[%add3A_43] : memref<335872xi32, #tpu.memory_space<hbm>> -> memref<128xi32, #tpu.memory_space<hbm>>
      tpu.enqueue_dma source(%dma_start3A_51 : memref<128xi32, #tpu.memory_space<hbm>>) target(%dma_start3A_50 : memref<128xi32, #tpu.memory_space<vmem>>) target_semaphore(%arg17 : memref<!tpu.dma_semaphore, #tpu.memory_space<semaphore_mem>>)
      %mul3A_52 = arith.constant 128 : i32
      %mul3A_53 = arith.muli %add3A_38, %mul3A_52 : i32
      %dma_start3A_54 = tpu.memref_slice %arg8[%mul3A_53] : memref<10496xi32, #tpu.memory_space<vmem>> -> memref<128xi32, #tpu.memory_space<vmem>>
      %dma_start3A_55 = arith.constant 0 : i32
      %dma_start3A_56 = arith.constant 0 : i32
      %dma_start3A_57 = tpu.memref_slice %arg2[%dma_start3A_55, %dma_start3A_56] : memref<10240x128xf32, #tpu.memory_space<hbm>> -> memref<10240x128xf32, #tpu.memory_space<hbm>>
      tpu.enqueue_indirect_dma source(%dma_start3A_57 : memref<10240x128xf32, #tpu.memory_space<hbm>>) target(%arg11 : memref<128x128xf32, #tpu.memory_space<vmem>>) offsets(%dma_start3A_54 : memref<128xi32, #tpu.memory_space<vmem>>) semaphore(%arg15 : memref<!tpu.dma_semaphore, #tpu.memory_space<semaphore_mem>>)
      %mul3A_58 = arith.constant 10496 : i32
      %mul3A_59 = arith.muli %add3A, %mul3A_58 : i32
      %mul3A_60 = arith.constant 128 : i32
      %mul3A_61 = arith.muli %add3A_38, %mul3A_60 : i32
      %add3A_62 = arith.addi %mul3A_59, %mul3A_61 : i32
      %add3A_63 = arith.constant 128 : i32
      %add3A_64 = arith.addi %add3A_62, %add3A_63 : i32
      %dma_start3A_65 = arith.constant 1 : i32
      %dma_start3A_66 = arith.constant 0 : i32
      %dma_start3A_67 = tpu.memref_slice %arg9[%dma_start3A_65, %dma_start3A_66] : memref<2x128xi32, #tpu.memory_space<vmem>> -> memref<1x128xi32, #tpu.memory_space<vmem>>
      %dma_start3A_68 = tpu.memref_squeeze %dma_start3A_67 : memref<1x128xi32, #tpu.memory_space<vmem>> -> memref<128xi32, #tpu.memory_space<vmem>>
      %dma_start3A_69 = tpu.memref_slice %arg4[%add3A_64] : memref<335872xi32, #tpu.memory_space<hbm>> -> memref<128xi32, #tpu.memory_space<hbm>>
      %dma_start3A_70 = arith.constant 0 : i32
      %dma_start3A_71 = tpu.memref_slice %arg9[%dma_start3A_65, %dma_start3A_70] : memref<2x128xi32, #tpu.memory_space<vmem>> -> memref<1x128xi32, #tpu.memory_space<vmem>>
      %dma_start3A_72 = tpu.memref_squeeze %dma_start3A_71 : memref<1x128xi32, #tpu.memory_space<vmem>> -> memref<128xi32, #tpu.memory_space<vmem>>
      %dma_start3A_73 = tpu.memref_slice %arg4[%add3A_64] : memref<335872xi32, #tpu.memory_space<hbm>> -> memref<128xi32, #tpu.memory_space<hbm>>
      tpu.enqueue_dma source(%dma_start3A_73 : memref<128xi32, #tpu.memory_space<hbm>>) target(%dma_start3A_72 : memref<128xi32, #tpu.memory_space<vmem>>) target_semaphore(%arg18 : memref<!tpu.dma_semaphore, #tpu.memory_space<semaphore_mem>>)
      %mul3A_74 = arith.constant 128 : i32
      %mul3A_75 = arith.muli %add3A_38, %mul3A_74 : i32
      %add3A_76 = arith.constant 128 : i32
      %add3A_77 = arith.addi %mul3A_75, %add3A_76 : i32
      %dma_start3A_78 = tpu.memref_slice %arg8[%add3A_77] : memref<10496xi32, #tpu.memory_space<vmem>> -> memref<128xi32, #tpu.memory_space<vmem>>
      %dma_start3A_79 = arith.constant 0 : i32
      %dma_start3A_80 = arith.constant 0 : i32
      %dma_start3A_81 = tpu.memref_slice %arg2[%dma_start3A_79, %dma_start3A_80] : memref<10240x128xf32, #tpu.memory_space<hbm>> -> memref<10240x128xf32, #tpu.memory_space<hbm>>
      tpu.enqueue_indirect_dma source(%dma_start3A_81 : memref<10240x128xf32, #tpu.memory_space<hbm>>) target(%arg12 : memref<128x128xf32, #tpu.memory_space<vmem>>) offsets(%dma_start3A_78 : memref<128xi32, #tpu.memory_space<vmem>>) semaphore(%arg16 : memref<!tpu.dma_semaphore, #tpu.memory_space<semaphore_mem>>)
      %dma_wait3A = arith.constant 0 : i32
      %dma_wait3A_82 = arith.constant 0 : i32
      %dma_wait3A_83 = tpu.memref_slice %arg9[%dma_wait3A, %dma_wait3A_82] : memref<2x128xi32, #tpu.memory_space<vmem>> -> memref<1x128xi32, #tpu.memory_space<vmem>>
      %dma_wait3A_84 = tpu.memref_squeeze %dma_wait3A_83 : memref<1x128xi32, #tpu.memory_space<vmem>> -> memref<128xi32, #tpu.memory_space<vmem>>
      %dma_wait3A_85 = tpu.memref_slice %arg4[%add3A_43] : memref<335872xi32, #tpu.memory_space<hbm>> -> memref<128xi32, #tpu.memory_space<hbm>>
      %dma_wait3A_86 = arith.constant 0 : i32
      %dma_wait3A_87 = tpu.memref_slice %arg9[%dma_wait3A, %dma_wait3A_86] : memref<2x128xi32, #tpu.memory_space<vmem>> -> memref<1x128xi32, #tpu.memory_space<vmem>>
      %dma_wait3A_88 = tpu.memref_squeeze %dma_wait3A_87 : memref<1x128xi32, #tpu.memory_space<vmem>> -> memref<128xi32, #tpu.memory_space<vmem>>
      %dma_wait3A_89 = tpu.memref_slice %arg4[%add3A_43] : memref<335872xi32, #tpu.memory_space<hbm>> -> memref<128xi32, #tpu.memory_space<hbm>>
      tpu.wait_dma2 semaphore(%arg17 : memref<!tpu.dma_semaphore, #tpu.memory_space<semaphore_mem>>) src(%dma_wait3A_89 : memref<128xi32, #tpu.memory_space<hbm>>) dst(%dma_wait3A_88 : memref<128xi32, #tpu.memory_space<vmem>>)
      %dma_wait3A_90 = tpu.memref_slice %arg8[%mul3A_53] : memref<10496xi32, #tpu.memory_space<vmem>> -> memref<128xi32, #tpu.memory_space<vmem>>
      %dma_wait3A_91 = arith.constant 0 : i32
      %dma_wait3A_92 = arith.constant 0 : i32
      %dma_wait3A_93 = tpu.memref_slice %arg2[%dma_wait3A_91, %dma_wait3A_92] : memref<10240x128xf32, #tpu.memory_space<hbm>> -> memref<10240x128xf32, #tpu.memory_space<hbm>>
      tpu.wait_indirect_dma semaphore(%arg15 : memref<!tpu.dma_semaphore, #tpu.memory_space<semaphore_mem>>) src(%dma_wait3A_93 : memref<10240x128xf32, #tpu.memory_space<hbm>>) dst(%arg11 : memref<128x128xf32, #tpu.memory_space<vmem>>)
      %run_scoped3A = arith.constant 0 : i32
      "tpu.region"() ({
        %run_scoped3A_108 = tpu.sem_alloc : memref<!tpu.dma_semaphore, #tpu.memory_space<semaphore_mem>>
        %dma_start3A_109 = arith.constant 0 : i32
        %dma_start3A_110 = tpu.memref_slice %arg9[%run_scoped3A, %dma_start3A_109] : memref<2x128xi32, #tpu.memory_space<vmem>> -> memref<1x128xi32, #tpu.memory_space<vmem>>
        %dma_start3A_111 = tpu.memref_squeeze %dma_start3A_110 : memref<1x128xi32, #tpu.memory_space<vmem>> -> memref<128xi32, #tpu.memory_space<vmem>>
        %dma_start3A_112 = arith.constant 0 : i32
        %dma_start3A_113 = arith.constant 0 : i32
        %dma_start3A_114 = tpu.memref_slice %arg14[%dma_start3A_112, %dma_start3A_113] : memref<10240x128xf32, #tpu.memory_space<vmem_shared>> -> memref<10240x128xf32, #tpu.memory_space<vmem_shared>>
        tpu.enqueue_indirect_dma source(%arg11 : memref<128x128xf32, #tpu.memory_space<vmem>>) target(%dma_start3A_114 : memref<10240x128xf32, #tpu.memory_space<vmem_shared>>) offsets(%dma_start3A_111 : memref<128xi32, #tpu.memory_space<vmem>>) semaphore(%run_scoped3A_108 : memref<!tpu.dma_semaphore, #tpu.memory_space<semaphore_mem>>) {add = true}
        %dma_wait3A_115 = arith.constant 0 : i32
        %dma_wait3A_116 = tpu.memref_slice %arg9[%run_scoped3A, %dma_wait3A_115] : memref<2x128xi32, #tpu.memory_space<vmem>> -> memref<1x128xi32, #tpu.memory_space<vmem>>
        %dma_wait3A_117 = tpu.memref_squeeze %dma_wait3A_116 : memref<1x128xi32, #tpu.memory_space<vmem>> -> memref<128xi32, #tpu.memory_space<vmem>>
        %dma_wait3A_118 = arith.constant 0 : i32
        %dma_wait3A_119 = arith.constant 0 : i32
        %dma_wait3A_120 = tpu.memref_slice %arg14[%dma_wait3A_118, %dma_wait3A_119] : memref<10240x128xf32, #tpu.memory_space<vmem_shared>> -> memref<10240x128xf32, #tpu.memory_space<vmem_shared>>
        tpu.wait_indirect_dma semaphore(%run_scoped3A_108 : memref<!tpu.dma_semaphore, #tpu.memory_space<semaphore_mem>>) src(%arg11 : memref<128x128xf32, #tpu.memory_space<vmem>>) dst(%dma_wait3A_120 : memref<10240x128xf32, #tpu.memory_space<vmem_shared>>)
        tpu.yield
      }) : () -> ()
      %dma_wait3A_94 = arith.constant 1 : i32
      %dma_wait3A_95 = arith.constant 0 : i32
      %dma_wait3A_96 = tpu.memref_slice %arg9[%dma_wait3A_94, %dma_wait3A_95] : memref<2x128xi32, #tpu.memory_space<vmem>> -> memref<1x128xi32, #tpu.memory_space<vmem>>
      %dma_wait3A_97 = tpu.memref_squeeze %dma_wait3A_96 : memref<1x128xi32, #tpu.memory_space<vmem>> -> memref<128xi32, #tpu.memory_space<vmem>>
      %dma_wait3A_98 = tpu.memref_slice %arg4[%add3A_64] : memref<335872xi32, #tpu.memory_space<hbm>> -> memref<128xi32, #tpu.memory_space<hbm>>
      %dma_wait3A_99 = arith.constant 0 : i32
      %dma_wait3A_100 = tpu.memref_slice %arg9[%dma_wait3A_94, %dma_wait3A_99] : memref<2x128xi32, #tpu.memory_space<vmem>> -> memref<1x128xi32, #tpu.memory_space<vmem>>
      %dma_wait3A_101 = tpu.memref_squeeze %dma_wait3A_100 : memref<1x128xi32, #tpu.memory_space<vmem>> -> memref<128xi32, #tpu.memory_space<vmem>>
      %dma_wait3A_102 = tpu.memref_slice %arg4[%add3A_64] : memref<335872xi32, #tpu.memory_space<hbm>> -> memref<128xi32, #tpu.memory_space<hbm>>
      tpu.wait_dma2 semaphore(%arg18 : memref<!tpu.dma_semaphore, #tpu.memory_space<semaphore_mem>>) src(%dma_wait3A_102 : memref<128xi32, #tpu.memory_space<hbm>>) dst(%dma_wait3A_101 : memref<128xi32, #tpu.memory_space<vmem>>)
      %dma_wait3A_103 = tpu.memref_slice %arg8[%add3A_77] : memref<10496xi32, #tpu.memory_space<vmem>> -> memref<128xi32, #tpu.memory_space<vmem>>
      %dma_wait3A_104 = arith.constant 0 : i32
      %dma_wait3A_105 = arith.constant 0 : i32
      %dma_wait3A_106 = tpu.memref_slice %arg2[%dma_wait3A_104, %dma_wait3A_105] : memref<10240x128xf32, #tpu.memory_space<hbm>> -> memref<10240x128xf32, #tpu.memory_space<hbm>>
      tpu.wait_indirect_dma semaphore(%arg16 : memref<!tpu.dma_semaphore, #tpu.memory_space<semaphore_mem>>) src(%dma_wait3A_106 : memref<10240x128xf32, #tpu.memory_space<hbm>>) dst(%arg12 : memref<128x128xf32, #tpu.memory_space<vmem>>)
      %run_scoped3A_107 = arith.constant 1 : i32
      "tpu.region"() ({
        %run_scoped3A_108 = tpu.sem_alloc : memref<!tpu.dma_semaphore, #tpu.memory_space<semaphore_mem>>
        %dma_start3A_109 = arith.constant 0 : i32
        %dma_start3A_110 = tpu.memref_slice %arg9[%run_scoped3A_107, %dma_start3A_109] : memref<2x128xi32, #tpu.memory_space<vmem>> -> memref<1x128xi32, #tpu.memory_space<vmem>>
        %dma_start3A_111 = tpu.memref_squeeze %dma_start3A_110 : memref<1x128xi32, #tpu.memory_space<vmem>> -> memref<128xi32, #tpu.memory_space<vmem>>
        %dma_start3A_112 = arith.constant 0 : i32
        %dma_start3A_113 = arith.constant 0 : i32
        %dma_start3A_114 = tpu.memref_slice %arg14[%dma_start3A_112, %dma_start3A_113] : memref<10240x128xf32, #tpu.memory_space<vmem_shared>> -> memref<10240x128xf32, #tpu.memory_space<vmem_shared>>
        tpu.enqueue_indirect_dma source(%arg12 : memref<128x128xf32, #tpu.memory_space<vmem>>) target(%dma_start3A_114 : memref<10240x128xf32, #tpu.memory_space<vmem_shared>>) offsets(%dma_start3A_111 : memref<128xi32, #tpu.memory_space<vmem>>) semaphore(%run_scoped3A_108 : memref<!tpu.dma_semaphore, #tpu.memory_space<semaphore_mem>>) {add = true}
        %dma_wait3A_115 = arith.constant 0 : i32
        %dma_wait3A_116 = tpu.memref_slice %arg9[%run_scoped3A_107, %dma_wait3A_115] : memref<2x128xi32, #tpu.memory_space<vmem>> -> memref<1x128xi32, #tpu.memory_space<vmem>>
        %dma_wait3A_117 = tpu.memref_squeeze %dma_wait3A_116 : memref<1x128xi32, #tpu.memory_space<vmem>> -> memref<128xi32, #tpu.memory_space<vmem>>
        %dma_wait3A_118 = arith.constant 0 : i32
        %dma_wait3A_119 = arith.constant 0 : i32
        %dma_wait3A_120 = tpu.memref_slice %arg14[%dma_wait3A_118, %dma_wait3A_119] : memref<10240x128xf32, #tpu.memory_space<vmem_shared>> -> memref<10240x128xf32, #tpu.memory_space<vmem_shared>>
        tpu.wait_indirect_dma semaphore(%run_scoped3A_108 : memref<!tpu.dma_semaphore, #tpu.memory_space<semaphore_mem>>) src(%arg12 : memref<128x128xf32, #tpu.memory_space<vmem>>) dst(%dma_wait3A_120 : memref<10240x128xf32, #tpu.memory_space<vmem_shared>>)
        tpu.yield
      }) : () -> ()
    }
    %while3A_33 = arith.constant 1 : i32
    scf.for %while3A_36 = %while3A_31 to %while3A_27 step %while3A_33  : i32 {
      %mul3A_37 = arith.muli %while3A_36, %while3A : i32
      %add3A_38 = arith.addi %while3A_24, %mul3A_37 : i32
      %mul3A_39 = arith.constant 10496 : i32
      %mul3A_40 = arith.muli %add3A, %mul3A_39 : i32
      %mul3A_41 = arith.constant 128 : i32
      %mul3A_42 = arith.muli %add3A_38, %mul3A_41 : i32
      %add3A_43 = arith.addi %mul3A_40, %mul3A_42 : i32
      %dma_start3A = arith.constant 0 : i32
      %dma_start3A_44 = arith.constant 0 : i32
      %dma_start3A_45 = tpu.memref_slice %arg9[%dma_start3A, %dma_start3A_44] : memref<2x128xi32, #tpu.memory_space<vmem>> -> memref<1x128xi32, #tpu.memory_space<vmem>>
      %dma_start3A_46 = tpu.memref_squeeze %dma_start3A_45 : memref<1x128xi32, #tpu.memory_space<vmem>> -> memref<128xi32, #tpu.memory_space<vmem>>
      %dma_start3A_47 = tpu.memref_slice %arg4[%add3A_43] : memref<335872xi32, #tpu.memory_space<hbm>> -> memref<128xi32, #tpu.memory_space<hbm>>
      %dma_start3A_48 = arith.constant 0 : i32
      %dma_start3A_49 = tpu.memref_slice %arg9[%dma_start3A, %dma_start3A_48] : memref<2x128xi32, #tpu.memory_space<vmem>> -> memref<1x128xi32, #tpu.memory_space<vmem>>
      %dma_start3A_50 = tpu.memref_squeeze %dma_start3A_49 : memref<1x128xi32, #tpu.memory_space<vmem>> -> memref<128xi32, #tpu.memory_space<vmem>>
      %dma_start3A_51 = tpu.memref_slice %arg4[%add3A_43] : memref<335872xi32, #tpu.memory_space<hbm>> -> memref<128xi32, #tpu.memory_space<hbm>>
      tpu.enqueue_dma source(%dma_start3A_51 : memref<128xi32, #tpu.memory_space<hbm>>) target(%dma_start3A_50 : memref<128xi32, #tpu.memory_space<vmem>>) target_semaphore(%arg17 : memref<!tpu.dma_semaphore, #tpu.memory_space<semaphore_mem>>)
      %mul3A_52 = arith.constant 128 : i32
      %mul3A_53 = arith.muli %add3A_38, %mul3A_52 : i32
      %dma_start3A_54 = tpu.memref_slice %arg8[%mul3A_53] : memref<10496xi32, #tpu.memory_space<vmem>> -> memref<128xi32, #tpu.memory_space<vmem>>
      %dma_start3A_55 = arith.constant 0 : i32
      %dma_start3A_56 = arith.constant 0 : i32
      %dma_start3A_57 = tpu.memref_slice %arg2[%dma_start3A_55, %dma_start3A_56] : memref<10240x128xf32, #tpu.memory_space<hbm>> -> memref<10240x128xf32, #tpu.memory_space<hbm>>
      tpu.enqueue_indirect_dma source(%dma_start3A_57 : memref<10240x128xf32, #tpu.memory_space<hbm>>) target(%arg11 : memref<128x128xf32, #tpu.memory_space<vmem>>) offsets(%dma_start3A_54 : memref<128xi32, #tpu.memory_space<vmem>>) semaphore(%arg15 : memref<!tpu.dma_semaphore, #tpu.memory_space<semaphore_mem>>)
      %mul3A_58 = arith.constant 10496 : i32
      %mul3A_59 = arith.muli %add3A, %mul3A_58 : i32
      %mul3A_60 = arith.constant 128 : i32
      %mul3A_61 = arith.muli %add3A_38, %mul3A_60 : i32
      %add3A_62 = arith.addi %mul3A_59, %mul3A_61 : i32
      %add3A_63 = arith.constant 128 : i32
      %add3A_64 = arith.addi %add3A_62, %add3A_63 : i32
      %dma_start3A_65 = arith.constant 1 : i32
      %dma_start3A_66 = arith.constant 0 : i32
      %dma_start3A_67 = tpu.memref_slice %arg9[%dma_start3A_65, %dma_start3A_66] : memref<2x128xi32, #tpu.memory_space<vmem>> -> memref<1x128xi32, #tpu.memory_space<vmem>>
      %dma_start3A_68 = tpu.memref_squeeze %dma_start3A_67 : memref<1x128xi32, #tpu.memory_space<vmem>> -> memref<128xi32, #tpu.memory_space<vmem>>
      %dma_start3A_69 = tpu.memref_slice %arg4[%add3A_64] : memref<335872xi32, #tpu.memory_space<hbm>> -> memref<128xi32, #tpu.memory_space<hbm>>
      %dma_start3A_70 = arith.constant 0 : i32
      %dma_start3A_71 = tpu.memref_slice %arg9[%dma_start3A_65, %dma_start3A_70] : memref<2x128xi32, #tpu.memory_space<vmem>> -> memref<1x128xi32, #tpu.memory_space<vmem>>
      %dma_start3A_72 = tpu.memref_squeeze %dma_start3A_71 : memref<1x128xi32, #tpu.memory_space<vmem>> -> memref<128xi32, #tpu.memory_space<vmem>>
      %dma_start3A_73 = tpu.memref_slice %arg4[%add3A_64] : memref<335872xi32, #tpu.memory_space<hbm>> -> memref<128xi32, #tpu.memory_space<hbm>>
      tpu.enqueue_dma source(%dma_start3A_73 : memref<128xi32, #tpu.memory_space<hbm>>) target(%dma_start3A_72 : memref<128xi32, #tpu.memory_space<vmem>>) target_semaphore(%arg18 : memref<!tpu.dma_semaphore, #tpu.memory_space<semaphore_mem>>)
      %mul3A_74 = arith.constant 128 : i32
      %mul3A_75 = arith.muli %add3A_38, %mul3A_74 : i32
      %add3A_76 = arith.constant 128 : i32
      %add3A_77 = arith.addi %mul3A_75, %add3A_76 : i32
      %dma_start3A_78 = tpu.memref_slice %arg8[%add3A_77] : memref<10496xi32, #tpu.memory_space<vmem>> -> memref<128xi32, #tpu.memory_space<vmem>>
      %dma_start3A_79 = arith.constant 0 : i32
      %dma_start3A_80 = arith.constant 0 : i32
      %dma_start3A_81 = tpu.memref_slice %arg2[%dma_start3A_79, %dma_start3A_80] : memref<10240x128xf32, #tpu.memory_space<hbm>> -> memref<10240x128xf32, #tpu.memory_space<hbm>>
      tpu.enqueue_indirect_dma source(%dma_start3A_81 : memref<10240x128xf32, #tpu.memory_space<hbm>>) target(%arg12 : memref<128x128xf32, #tpu.memory_space<vmem>>) offsets(%dma_start3A_78 : memref<128xi32, #tpu.memory_space<vmem>>) semaphore(%arg16 : memref<!tpu.dma_semaphore, #tpu.memory_space<semaphore_mem>>)
      %dma_wait3A = arith.constant 0 : i32
      %dma_wait3A_82 = arith.constant 0 : i32
      %dma_wait3A_83 = tpu.memref_slice %arg9[%dma_wait3A, %dma_wait3A_82] : memref<2x128xi32, #tpu.memory_space<vmem>> -> memref<1x128xi32, #tpu.memory_space<vmem>>
      %dma_wait3A_84 = tpu.memref_squeeze %dma_wait3A_83 : memref<1x128xi32, #tpu.memory_space<vmem>> -> memref<128xi32, #tpu.memory_space<vmem>>
      %dma_wait3A_85 = tpu.memref_slice %arg4[%add3A_43] : memref<335872xi32, #tpu.memory_space<hbm>> -> memref<128xi32, #tpu.memory_space<hbm>>
      %dma_wait3A_86 = arith.constant 0 : i32
      %dma_wait3A_87 = tpu.memref_slice %arg9[%dma_wait3A, %dma_wait3A_86] : memref<2x128xi32, #tpu.memory_space<vmem>> -> memref<1x128xi32, #tpu.memory_space<vmem>>
      %dma_wait3A_88 = tpu.memref_squeeze %dma_wait3A_87 : memref<1x128xi32, #tpu.memory_space<vmem>> -> memref<128xi32, #tpu.memory_space<vmem>>
      %dma_wait3A_89 = tpu.memref_slice %arg4[%add3A_43] : memref<335872xi32, #tpu.memory_space<hbm>> -> memref<128xi32, #tpu.memory_space<hbm>>
      tpu.wait_dma2 semaphore(%arg17 : memref<!tpu.dma_semaphore, #tpu.memory_space<semaphore_mem>>) src(%dma_wait3A_89 : memref<128xi32, #tpu.memory_space<hbm>>) dst(%dma_wait3A_88 : memref<128xi32, #tpu.memory_space<vmem>>)
      %dma_wait3A_90 = tpu.memref_slice %arg8[%mul3A_53] : memref<10496xi32, #tpu.memory_space<vmem>> -> memref<128xi32, #tpu.memory_space<vmem>>
      %dma_wait3A_91 = arith.constant 0 : i32
      %dma_wait3A_92 = arith.constant 0 : i32
      %dma_wait3A_93 = tpu.memref_slice %arg2[%dma_wait3A_91, %dma_wait3A_92] : memref<10240x128xf32, #tpu.memory_space<hbm>> -> memref<10240x128xf32, #tpu.memory_space<hbm>>
      tpu.wait_indirect_dma semaphore(%arg15 : memref<!tpu.dma_semaphore, #tpu.memory_space<semaphore_mem>>) src(%dma_wait3A_93 : memref<10240x128xf32, #tpu.memory_space<hbm>>) dst(%arg11 : memref<128x128xf32, #tpu.memory_space<vmem>>)
      %run_scoped3A = arith.constant 0 : i32
      "tpu.region"() ({
        %run_scoped3A_108 = tpu.sem_alloc : memref<!tpu.dma_semaphore, #tpu.memory_space<semaphore_mem>>
        %dma_start3A_109 = arith.constant 0 : i32
        %dma_start3A_110 = tpu.memref_slice %arg9[%run_scoped3A, %dma_start3A_109] : memref<2x128xi32, #tpu.memory_space<vmem>> -> memref<1x128xi32, #tpu.memory_space<vmem>>
        %dma_start3A_111 = tpu.memref_squeeze %dma_start3A_110 : memref<1x128xi32, #tpu.memory_space<vmem>> -> memref<128xi32, #tpu.memory_space<vmem>>
        %dma_start3A_112 = arith.constant 0 : i32
        %dma_start3A_113 = arith.constant 0 : i32
        %dma_start3A_114 = tpu.memref_slice %arg14[%dma_start3A_112, %dma_start3A_113] : memref<10240x128xf32, #tpu.memory_space<vmem_shared>> -> memref<10240x128xf32, #tpu.memory_space<vmem_shared>>
        tpu.enqueue_indirect_dma source(%arg11 : memref<128x128xf32, #tpu.memory_space<vmem>>) target(%dma_start3A_114 : memref<10240x128xf32, #tpu.memory_space<vmem_shared>>) offsets(%dma_start3A_111 : memref<128xi32, #tpu.memory_space<vmem>>) semaphore(%run_scoped3A_108 : memref<!tpu.dma_semaphore, #tpu.memory_space<semaphore_mem>>) {add = true}
        %dma_wait3A_115 = arith.constant 0 : i32
        %dma_wait3A_116 = tpu.memref_slice %arg9[%run_scoped3A, %dma_wait3A_115] : memref<2x128xi32, #tpu.memory_space<vmem>> -> memref<1x128xi32, #tpu.memory_space<vmem>>
        %dma_wait3A_117 = tpu.memref_squeeze %dma_wait3A_116 : memref<1x128xi32, #tpu.memory_space<vmem>> -> memref<128xi32, #tpu.memory_space<vmem>>
        %dma_wait3A_118 = arith.constant 0 : i32
        %dma_wait3A_119 = arith.constant 0 : i32
        %dma_wait3A_120 = tpu.memref_slice %arg14[%dma_wait3A_118, %dma_wait3A_119] : memref<10240x128xf32, #tpu.memory_space<vmem_shared>> -> memref<10240x128xf32, #tpu.memory_space<vmem_shared>>
        tpu.wait_indirect_dma semaphore(%run_scoped3A_108 : memref<!tpu.dma_semaphore, #tpu.memory_space<semaphore_mem>>) src(%arg11 : memref<128x128xf32, #tpu.memory_space<vmem>>) dst(%dma_wait3A_120 : memref<10240x128xf32, #tpu.memory_space<vmem_shared>>)
        tpu.yield
      }) : () -> ()
      %dma_wait3A_94 = arith.constant 1 : i32
      %dma_wait3A_95 = arith.constant 0 : i32
      %dma_wait3A_96 = tpu.memref_slice %arg9[%dma_wait3A_94, %dma_wait3A_95] : memref<2x128xi32, #tpu.memory_space<vmem>> -> memref<1x128xi32, #tpu.memory_space<vmem>>
      %dma_wait3A_97 = tpu.memref_squeeze %dma_wait3A_96 : memref<1x128xi32, #tpu.memory_space<vmem>> -> memref<128xi32, #tpu.memory_space<vmem>>
      %dma_wait3A_98 = tpu.memref_slice %arg4[%add3A_64] : memref<335872xi32, #tpu.memory_space<hbm>> -> memref<128xi32, #tpu.memory_space<hbm>>
      %dma_wait3A_99 = arith.constant 0 : i32
      %dma_wait3A_100 = tpu.memref_slice %arg9[%dma_wait3A_94, %dma_wait3A_99] : memref<2x128xi32, #tpu.memory_space<vmem>> -> memref<1x128xi32, #tpu.memory_space<vmem>>
      %dma_wait3A_101 = tpu.memref_squeeze %dma_wait3A_100 : memref<1x128xi32, #tpu.memory_space<vmem>> -> memref<128xi32, #tpu.memory_space<vmem>>
      %dma_wait3A_102 = tpu.memref_slice %arg4[%add3A_64] : memref<335872xi32, #tpu.memory_space<hbm>> -> memref<128xi32, #tpu.memory_space<hbm>>
      tpu.wait_dma2 semaphore(%arg18 : memref<!tpu.dma_semaphore, #tpu.memory_space<semaphore_mem>>) src(%dma_wait3A_102 : memref<128xi32, #tpu.memory_space<hbm>>) dst(%dma_wait3A_101 : memref<128xi32, #tpu.memory_space<vmem>>)
      %dma_wait3A_103 = tpu.memref_slice %arg8[%add3A_77] : memref<10496xi32, #tpu.memory_space<vmem>> -> memref<128xi32, #tpu.memory_space<vmem>>
      %dma_wait3A_104 = arith.constant 0 : i32
      %dma_wait3A_105 = arith.constant 0 : i32
      %dma_wait3A_106 = tpu.memref_slice %arg2[%dma_wait3A_104, %dma_wait3A_105] : memref<10240x128xf32, #tpu.memory_space<hbm>> -> memref<10240x128xf32, #tpu.memory_space<hbm>>
      tpu.wait_indirect_dma semaphore(%arg16 : memref<!tpu.dma_semaphore, #tpu.memory_space<semaphore_mem>>) src(%dma_wait3A_106 : memref<10240x128xf32, #tpu.memory_space<hbm>>) dst(%arg12 : memref<128x128xf32, #tpu.memory_space<vmem>>)
      %run_scoped3A_107 = arith.constant 1 : i32
      "tpu.region"() ({
        %run_scoped3A_108 = tpu.sem_alloc : memref<!tpu.dma_semaphore, #tpu.memory_space<semaphore_mem>>
        %dma_start3A_109 = arith.constant 0 : i32
        %dma_start3A_110 = tpu.memref_slice %arg9[%run_scoped3A_107, %dma_start3A_109] : memref<2x128xi32, #tpu.memory_space<vmem>> -> memref<1x128xi32, #tpu.memory_space<vmem>>
        %dma_start3A_111 = tpu.memref_squeeze %dma_start3A_110 : memref<1x128xi32, #tpu.memory_space<vmem>> -> memref<128xi32, #tpu.memory_space<vmem>>
        %dma_start3A_112 = arith.constant 0 : i32
        %dma_start3A_113 = arith.constant 0 : i32
        %dma_start3A_114 = tpu.memref_slice %arg14[%dma_start3A_112, %dma_start3A_113] : memref<10240x128xf32, #tpu.memory_space<vmem_shared>> -> memref<10240x128xf32, #tpu.memory_space<vmem_shared>>
        tpu.enqueue_indirect_dma source(%arg12 : memref<128x128xf32, #tpu.memory_space<vmem>>) target(%dma_start3A_114 : memref<10240x128xf32, #tpu.memory_space<vmem_shared>>) offsets(%dma_start3A_111 : memref<128xi32, #tpu.memory_space<vmem>>) semaphore(%run_scoped3A_108 : memref<!tpu.dma_semaphore, #tpu.memory_space<semaphore_mem>>) {add = true}
        %dma_wait3A_115 = arith.constant 0 : i32
        %dma_wait3A_116 = tpu.memref_slice %arg9[%run_scoped3A_107, %dma_wait3A_115] : memref<2x128xi32, #tpu.memory_space<vmem>> -> memref<1x128xi32, #tpu.memory_space<vmem>>
        %dma_wait3A_117 = tpu.memref_squeeze %dma_wait3A_116 : memref<1x128xi32, #tpu.memory_space<vmem>> -> memref<128xi32, #tpu.memory_space<vmem>>
        %dma_wait3A_118 = arith.constant 0 : i32
        %dma_wait3A_119 = arith.constant 0 : i32
        %dma_wait3A_120 = tpu.memref_slice %arg14[%dma_wait3A_118, %dma_wait3A_119] : memref<10240x128xf32, #tpu.memory_space<vmem_shared>> -> memref<10240x128xf32, #tpu.memory_space<vmem_shared>>
        tpu.wait_indirect_dma semaphore(%run_scoped3A_108 : memref<!tpu.dma_semaphore, #tpu.memory_space<semaphore_mem>>) src(%arg12 : memref<128x128xf32, #tpu.memory_space<vmem>>) dst(%dma_wait3A_120 : memref<10240x128xf32, #tpu.memory_space<vmem_shared>>)
        tpu.yield
      }) : () -> ()
    }
    %ne3A = arith.cmpi ne, %and3A_17, %reduce_max3A_16 : i32
    %convert_element_type3A = arith.extui %ne3A : i1 to i32
    %cond3A = arith.constant 0 : i32
    %cond3A_34 = arith.cmpi ne, %convert_element_type3A, %cond3A : i32
    scf.if %cond3A_34 {
      %mul3A_36 = arith.constant 10496 : i32
      %mul3A_37 = arith.muli %add3A, %mul3A_36 : i32
      %mul3A_38 = arith.constant 128 : i32
      %mul3A_39 = arith.muli %and3A_17, %mul3A_38 : i32
      %add3A_40 = arith.addi %mul3A_37, %mul3A_39 : i32
      %dma_start3A = arith.constant 0 : i32
      %dma_start3A_41 = arith.constant 0 : i32
      %dma_start3A_42 = tpu.memref_slice %arg9[%dma_start3A, %dma_start3A_41] : memref<2x128xi32, #tpu.memory_space<vmem>> -> memref<1x128xi32, #tpu.memory_space<vmem>>
      %dma_start3A_43 = tpu.memref_squeeze %dma_start3A_42 : memref<1x128xi32, #tpu.memory_space<vmem>> -> memref<128xi32, #tpu.memory_space<vmem>>
      %dma_start3A_44 = tpu.memref_slice %arg4[%add3A_40] : memref<335872xi32, #tpu.memory_space<hbm>> -> memref<128xi32, #tpu.memory_space<hbm>>
      %dma_start3A_45 = arith.constant 0 : i32
      %dma_start3A_46 = tpu.memref_slice %arg9[%dma_start3A, %dma_start3A_45] : memref<2x128xi32, #tpu.memory_space<vmem>> -> memref<1x128xi32, #tpu.memory_space<vmem>>
      %dma_start3A_47 = tpu.memref_squeeze %dma_start3A_46 : memref<1x128xi32, #tpu.memory_space<vmem>> -> memref<128xi32, #tpu.memory_space<vmem>>
      %dma_start3A_48 = tpu.memref_slice %arg4[%add3A_40] : memref<335872xi32, #tpu.memory_space<hbm>> -> memref<128xi32, #tpu.memory_space<hbm>>
      tpu.enqueue_dma source(%dma_start3A_48 : memref<128xi32, #tpu.memory_space<hbm>>) target(%dma_start3A_47 : memref<128xi32, #tpu.memory_space<vmem>>) target_semaphore(%arg17 : memref<!tpu.dma_semaphore, #tpu.memory_space<semaphore_mem>>)
      %mul3A_49 = arith.constant 128 : i32
      %mul3A_50 = arith.muli %and3A_17, %mul3A_49 : i32
      %dma_start3A_51 = tpu.memref_slice %arg8[%mul3A_50] : memref<10496xi32, #tpu.memory_space<vmem>> -> memref<128xi32, #tpu.memory_space<vmem>>
      %dma_start3A_52 = arith.constant 0 : i32
      %dma_start3A_53 = arith.constant 0 : i32
      %dma_start3A_54 = tpu.memref_slice %arg2[%dma_start3A_52, %dma_start3A_53] : memref<10240x128xf32, #tpu.memory_space<hbm>> -> memref<10240x128xf32, #tpu.memory_space<hbm>>
      tpu.enqueue_indirect_dma source(%dma_start3A_54 : memref<10240x128xf32, #tpu.memory_space<hbm>>) target(%arg11 : memref<128x128xf32, #tpu.memory_space<vmem>>) offsets(%dma_start3A_51 : memref<128xi32, #tpu.memory_space<vmem>>) semaphore(%arg15 : memref<!tpu.dma_semaphore, #tpu.memory_space<semaphore_mem>>)
      %dma_wait3A = arith.constant 0 : i32
      %dma_wait3A_55 = arith.constant 0 : i32
      %dma_wait3A_56 = tpu.memref_slice %arg9[%dma_wait3A, %dma_wait3A_55] : memref<2x128xi32, #tpu.memory_space<vmem>> -> memref<1x128xi32, #tpu.memory_space<vmem>>
      %dma_wait3A_57 = tpu.memref_squeeze %dma_wait3A_56 : memref<1x128xi32, #tpu.memory_space<vmem>> -> memref<128xi32, #tpu.memory_space<vmem>>
      %dma_wait3A_58 = tpu.memref_slice %arg4[%add3A_40] : memref<335872xi32, #tpu.memory_space<hbm>> -> memref<128xi32, #tpu.memory_space<hbm>>
      %dma_wait3A_59 = arith.constant 0 : i32
      %dma_wait3A_60 = tpu.memref_slice %arg9[%dma_wait3A, %dma_wait3A_59] : memref<2x128xi32, #tpu.memory_space<vmem>> -> memref<1x128xi32, #tpu.memory_space<vmem>>
      %dma_wait3A_61 = tpu.memref_squeeze %dma_wait3A_60 : memref<1x128xi32, #tpu.memory_space<vmem>> -> memref<128xi32, #tpu.memory_space<vmem>>
      %dma_wait3A_62 = tpu.memref_slice %arg4[%add3A_40] : memref<335872xi32, #tpu.memory_space<hbm>> -> memref<128xi32, #tpu.memory_space<hbm>>
      tpu.wait_dma2 semaphore(%arg17 : memref<!tpu.dma_semaphore, #tpu.memory_space<semaphore_mem>>) src(%dma_wait3A_62 : memref<128xi32, #tpu.memory_space<hbm>>) dst(%dma_wait3A_61 : memref<128xi32, #tpu.memory_space<vmem>>)
      %dma_wait3A_63 = tpu.memref_slice %arg8[%mul3A_50] : memref<10496xi32, #tpu.memory_space<vmem>> -> memref<128xi32, #tpu.memory_space<vmem>>
      %dma_wait3A_64 = arith.constant 0 : i32
      %dma_wait3A_65 = arith.constant 0 : i32
      %dma_wait3A_66 = tpu.memref_slice %arg2[%dma_wait3A_64, %dma_wait3A_65] : memref<10240x128xf32, #tpu.memory_space<hbm>> -> memref<10240x128xf32, #tpu.memory_space<hbm>>
      tpu.wait_indirect_dma semaphore(%arg15 : memref<!tpu.dma_semaphore, #tpu.memory_space<semaphore_mem>>) src(%dma_wait3A_66 : memref<10240x128xf32, #tpu.memory_space<hbm>>) dst(%arg11 : memref<128x128xf32, #tpu.memory_space<vmem>>)
      %run_scoped3A = arith.constant 0 : i32
      "tpu.region"() ({
        %run_scoped3A_67 = tpu.sem_alloc : memref<!tpu.dma_semaphore, #tpu.memory_space<semaphore_mem>>
        %dma_start3A_68 = arith.constant 0 : i32
        %dma_start3A_69 = tpu.memref_slice %arg9[%run_scoped3A, %dma_start3A_68] : memref<2x128xi32, #tpu.memory_space<vmem>> -> memref<1x128xi32, #tpu.memory_space<vmem>>
        %dma_start3A_70 = tpu.memref_squeeze %dma_start3A_69 : memref<1x128xi32, #tpu.memory_space<vmem>> -> memref<128xi32, #tpu.memory_space<vmem>>
        %dma_start3A_71 = arith.constant 0 : i32
        %dma_start3A_72 = arith.constant 0 : i32
        %dma_start3A_73 = tpu.memref_slice %arg14[%dma_start3A_71, %dma_start3A_72] : memref<10240x128xf32, #tpu.memory_space<vmem_shared>> -> memref<10240x128xf32, #tpu.memory_space<vmem_shared>>
        tpu.enqueue_indirect_dma source(%arg11 : memref<128x128xf32, #tpu.memory_space<vmem>>) target(%dma_start3A_73 : memref<10240x128xf32, #tpu.memory_space<vmem_shared>>) offsets(%dma_start3A_70 : memref<128xi32, #tpu.memory_space<vmem>>) semaphore(%run_scoped3A_67 : memref<!tpu.dma_semaphore, #tpu.memory_space<semaphore_mem>>) {add = true}
        %dma_wait3A_74 = arith.constant 0 : i32
        %dma_wait3A_75 = tpu.memref_slice %arg9[%run_scoped3A, %dma_wait3A_74] : memref<2x128xi32, #tpu.memory_space<vmem>> -> memref<1x128xi32, #tpu.memory_space<vmem>>
        %dma_wait3A_76 = tpu.memref_squeeze %dma_wait3A_75 : memref<1x128xi32, #tpu.memory_space<vmem>> -> memref<128xi32, #tpu.memory_space<vmem>>
        %dma_wait3A_77 = arith.constant 0 : i32
        %dma_wait3A_78 = arith.constant 0 : i32
        %dma_wait3A_79 = tpu.memref_slice %arg14[%dma_wait3A_77, %dma_wait3A_78] : memref<10240x128xf32, #tpu.memory_space<vmem_shared>> -> memref<10240x128xf32, #tpu.memory_space<vmem_shared>>
        tpu.wait_indirect_dma semaphore(%run_scoped3A_67 : memref<!tpu.dma_semaphore, #tpu.memory_space<semaphore_mem>>) src(%arg11 : memref<128x128xf32, #tpu.memory_space<vmem>>) dst(%dma_wait3A_79 : memref<10240x128xf32, #tpu.memory_space<vmem_shared>>)
        tpu.yield
      }) : () -> ()
    } else {
    }
    %barrier3A_35 = arith.constant 0 : index
    tpu.barrier barrier_id(%barrier3A_35)
    "tpu.region"() ({
      %run_scoped3A = tpu.sem_alloc : memref<!tpu.dma_semaphore, #tpu.memory_space<semaphore_mem>>
      %dma_start3A = arith.constant 0 : i32
      %dma_start3A_36 = arith.constant 0 : i32
      %dma_start3A_37 = tpu.memref_slice %arg7[%arg0, %dma_start3A, %dma_start3A_36] : memref<2x10240x128xf32, #tpu.memory_space<hbm>> -> memref<1x10240x128xf32, #tpu.memory_space<hbm>>
      %dma_start3A_38 = tpu.memref_squeeze %dma_start3A_37 : memref<1x10240x128xf32, #tpu.memory_space<hbm>> -> memref<10240x128xf32, #tpu.memory_space<hbm>>
      %dma_start3A_39 = arith.constant 0 : i32
      %dma_start3A_40 = tpu.memref_slice %dma_start3A_38[%mul3A_2, %dma_start3A_39] : memref<10240x128xf32, #tpu.memory_space<hbm>> -> memref<640x128xf32, #tpu.memory_space<hbm>>
      %dma_start3A_41 = arith.constant 0 : i32
      %dma_start3A_42 = tpu.memref_slice %arg14[%mul3A_2, %dma_start3A_41] : memref<10240x128xf32, #tpu.memory_space<vmem_shared>> -> memref<640x128xf32, #tpu.memory_space<vmem_shared>>
      tpu.enqueue_dma source(%dma_start3A_42 : memref<640x128xf32, #tpu.memory_space<vmem_shared>>) target(%dma_start3A_40 : memref<640x128xf32, #tpu.memory_space<hbm>>) target_semaphore(%run_scoped3A : memref<!tpu.dma_semaphore, #tpu.memory_space<semaphore_mem>>)
      %dma_wait3A = arith.constant 0 : i32
      %dma_wait3A_43 = arith.constant 0 : i32
      %dma_wait3A_44 = tpu.memref_slice %arg7[%arg0, %dma_wait3A, %dma_wait3A_43] : memref<2x10240x128xf32, #tpu.memory_space<hbm>> -> memref<1x10240x128xf32, #tpu.memory_space<hbm>>
      %dma_wait3A_45 = tpu.memref_squeeze %dma_wait3A_44 : memref<1x10240x128xf32, #tpu.memory_space<hbm>> -> memref<10240x128xf32, #tpu.memory_space<hbm>>
      %dma_wait3A_46 = arith.constant 0 : i32
      %dma_wait3A_47 = tpu.memref_slice %dma_wait3A_45[%mul3A_2, %dma_wait3A_46] : memref<10240x128xf32, #tpu.memory_space<hbm>> -> memref<640x128xf32, #tpu.memory_space<hbm>>
      %dma_wait3A_48 = arith.constant 0 : i32
      %dma_wait3A_49 = tpu.memref_slice %arg14[%mul3A_2, %dma_wait3A_48] : memref<10240x128xf32, #tpu.memory_space<vmem_shared>> -> memref<640x128xf32, #tpu.memory_space<vmem_shared>>
      tpu.wait_dma2 semaphore(%run_scoped3A : memref<!tpu.dma_semaphore, #tpu.memory_space<semaphore_mem>>) src(%dma_wait3A_49 : memref<640x128xf32, #tpu.memory_space<vmem_shared>>) dst(%dma_wait3A_47 : memref<640x128xf32, #tpu.memory_space<hbm>>)
      tpu.yield
    }) : () -> ()
    return
  }
}

#map = affine_map<(d0, d1) -> (0, 0)>
#map1 = affine_map<(d0, d1) -> (0)>
#map2 = affine_map<(d0, d1) -> (0, 0, 0)>
module attributes {stable_mosaic.version = 14 : i64} {
  func.func @sc_gather_segsum(%arg0: i32, %arg1: i32, %arg2: memref<10240x128xf32, #tpu.memory_space<hbm>>, %arg3: memref<335872xi32, #tpu.memory_space<hbm>>, %arg4: memref<335872xi32, #tpu.memory_space<hbm>>, %arg5: memref<32x16xi32, #tpu.memory_space<hbm>>, %arg6: memref<32x128xf32, #tpu.memory_space<hbm>>, %arg7: memref<2x10240x128xf32, #tpu.memory_space<hbm>>, %arg8: memref<10496xi32, #tpu.memory_space<vmem>>, %arg9: memref<2x128xi32, #tpu.memory_space<vmem>>, %arg10: memref<16xi32, #tpu.memory_space<vmem>>, %arg11: memref<128x128xf32, #tpu.memory_space<vmem>>, %arg12: memref<128x128xf32, #tpu.memory_space<vmem>>, %arg13: memref<32x128xf32, #tpu.memory_space<vmem>>, %arg14: memref<10240x128xf32, #tpu.memory_space<vmem_shared>>, %arg15: memref<!tpu.dma_semaphore, #tpu.memory_space<semaphore_mem>>, %arg16: memref<!tpu.dma_semaphore, #tpu.memory_space<semaphore_mem>>, %arg17: memref<!tpu.dma_semaphore, #tpu.memory_space<semaphore_mem>>, %arg18: memref<!tpu.dma_semaphore, #tpu.memory_space<semaphore_mem>>) attributes {dimension_semantics = [#tpu.dimension_semantics<core_parallel>, #tpu.dimension_semantics<subcore_parallel>], iteration_bounds = array<i64: 2, 16>, scalar_prefetch = 0 : i64, scratch_operands = 11 : i64, tpu.core_type = #tpu.core_type<sc_vector_subcore>, window_params = [{transform_indices = #map}, {transform_indices = #map1}, {transform_indices = #map1}, {transform_indices = #map}, {transform_indices = #map}, {transform_indices = #map2}]} {
    %mul3A = arith.constant 16 : i32
    %mul3A_0 = arith.muli %arg0, %mul3A : i32
    %add3A = arith.addi %mul3A_0, %arg1 : i32
    %mul3A_1 = arith.constant 640 : i32
    %mul3A_2 = arith.muli %arg1, %mul3A_1 : i32
    "tpu.region"() ({
      %run_scoped3A = tpu.sem_alloc : memref<!tpu.dma_semaphore, #tpu.memory_space<semaphore_mem>>
      tpu.enqueue_dma source(%arg6 : memref<32x128xf32, #tpu.memory_space<hbm>>) target(%arg13 : memref<32x128xf32, #tpu.memory_space<vmem>>) target_semaphore(%run_scoped3A : memref<!tpu.dma_semaphore, #tpu.memory_space<semaphore_mem>>)
      tpu.wait_dma2 semaphore(%run_scoped3A : memref<!tpu.dma_semaphore, #tpu.memory_space<semaphore_mem>>) src(%arg6 : memref<32x128xf32, #tpu.memory_space<hbm>>) dst(%arg13 : memref<32x128xf32, #tpu.memory_space<vmem>>)
      tpu.yield
    }) : () -> ()
    %scan3A = arith.constant 0 : i32
    %scan3A_3 = arith.constant 20 : i32
    %scan3A_4 = arith.addi %scan3A, %scan3A_3 : i32
    %scan3A_5 = arith.constant 1 : i32
    scf.for %scan3A_36 = %scan3A to %scan3A_4 step %scan3A_5  : i32 {
      %mul3A_37 = arith.constant 32 : i32
      %mul3A_38 = arith.muli %scan3A_36, %mul3A_37 : i32
      %add3A_39 = arith.constant 0 : i32
      %add3A_40 = arith.addi %add3A_39, %mul3A_38 : i32
      %add3A_41 = arith.addi %mul3A_2, %add3A_40 : i32
      "tpu.region"() ({
        %run_scoped3A = tpu.sem_alloc : memref<!tpu.dma_semaphore, #tpu.memory_space<semaphore_mem>>
        %dma_start3A = arith.constant 0 : i32
        %dma_start3A_42 = tpu.memref_slice %arg14[%add3A_41, %dma_start3A] : memref<10240x128xf32, #tpu.memory_space<vmem_shared>> -> memref<32x128xf32, #tpu.memory_space<vmem_shared>>
        %dma_start3A_43 = arith.constant 0 : i32
        %dma_start3A_44 = tpu.memref_slice %arg14[%add3A_41, %dma_start3A_43] : memref<10240x128xf32, #tpu.memory_space<vmem_shared>> -> memref<32x128xf32, #tpu.memory_space<vmem_shared>>
        tpu.enqueue_dma source(%arg13 : memref<32x128xf32, #tpu.memory_space<vmem>>) target(%dma_start3A_44 : memref<32x128xf32, #tpu.memory_space<vmem_shared>>) target_semaphore(%run_scoped3A : memref<!tpu.dma_semaphore, #tpu.memory_space<semaphore_mem>>)
        %dma_wait3A = arith.constant 0 : i32
        %dma_wait3A_45 = tpu.memref_slice %arg14[%add3A_41, %dma_wait3A] : memref<10240x128xf32, #tpu.memory_space<vmem_shared>> -> memref<32x128xf32, #tpu.memory_space<vmem_shared>>
        %dma_wait3A_46 = arith.constant 0 : i32
        %dma_wait3A_47 = tpu.memref_slice %arg14[%add3A_41, %dma_wait3A_46] : memref<10240x128xf32, #tpu.memory_space<vmem_shared>> -> memref<32x128xf32, #tpu.memory_space<vmem_shared>>
        tpu.wait_dma2 semaphore(%run_scoped3A : memref<!tpu.dma_semaphore, #tpu.memory_space<semaphore_mem>>) src(%arg13 : memref<32x128xf32, #tpu.memory_space<vmem>>) dst(%dma_wait3A_47 : memref<32x128xf32, #tpu.memory_space<vmem_shared>>)
        tpu.yield
      }) : () -> ()
    }
    %scan3A_6 = arith.constant 20 : i32
    "tpu.region"() ({
      %run_scoped3A = tpu.sem_alloc : memref<!tpu.dma_semaphore, #tpu.memory_space<semaphore_mem>>
      %dma_start3A = arith.constant 0 : i32
      %dma_start3A_36 = tpu.memref_slice %arg5[%add3A, %dma_start3A] : memref<32x16xi32, #tpu.memory_space<hbm>> -> memref<1x16xi32, #tpu.memory_space<hbm>>
      %dma_start3A_37 = tpu.memref_squeeze %dma_start3A_36 : memref<1x16xi32, #tpu.memory_space<hbm>> -> memref<16xi32, #tpu.memory_space<hbm>>
      %dma_start3A_38 = arith.constant 0 : i32
      %dma_start3A_39 = tpu.memref_slice %arg5[%add3A, %dma_start3A_38] : memref<32x16xi32, #tpu.memory_space<hbm>> -> memref<1x16xi32, #tpu.memory_space<hbm>>
      %dma_start3A_40 = tpu.memref_squeeze %dma_start3A_39 : memref<1x16xi32, #tpu.memory_space<hbm>> -> memref<16xi32, #tpu.memory_space<hbm>>
      tpu.enqueue_dma source(%dma_start3A_40 : memref<16xi32, #tpu.memory_space<hbm>>) target(%arg10 : memref<16xi32, #tpu.memory_space<vmem>>) target_semaphore(%run_scoped3A : memref<!tpu.dma_semaphore, #tpu.memory_space<semaphore_mem>>)
      %dma_wait3A = arith.constant 0 : i32
      %dma_wait3A_41 = tpu.memref_slice %arg5[%add3A, %dma_wait3A] : memref<32x16xi32, #tpu.memory_space<hbm>> -> memref<1x16xi32, #tpu.memory_space<hbm>>
      %dma_wait3A_42 = tpu.memref_squeeze %dma_wait3A_41 : memref<1x16xi32, #tpu.memory_space<hbm>> -> memref<16xi32, #tpu.memory_space<hbm>>
      %dma_wait3A_43 = arith.constant 0 : i32
      %dma_wait3A_44 = tpu.memref_slice %arg5[%add3A, %dma_wait3A_43] : memref<32x16xi32, #tpu.memory_space<hbm>> -> memref<1x16xi32, #tpu.memory_space<hbm>>
      %dma_wait3A_45 = tpu.memref_squeeze %dma_wait3A_44 : memref<1x16xi32, #tpu.memory_space<hbm>> -> memref<16xi32, #tpu.memory_space<hbm>>
      tpu.wait_dma2 semaphore(%run_scoped3A : memref<!tpu.dma_semaphore, #tpu.memory_space<semaphore_mem>>) src(%dma_wait3A_45 : memref<16xi32, #tpu.memory_space<hbm>>) dst(%arg10 : memref<16xi32, #tpu.memory_space<vmem>>)
      tpu.yield
    }) : () -> ()
    %mul3A_7 = arith.constant 10496 : i32
    %mul3A_8 = arith.muli %add3A, %mul3A_7 : i32
    "tpu.region"() ({
      %run_scoped3A = tpu.sem_alloc : memref<!tpu.dma_semaphore, #tpu.memory_space<semaphore_mem>>
      %dma_start3A = tpu.memref_slice %arg3[%mul3A_8] : memref<335872xi32, #tpu.memory_space<hbm>> -> memref<10496xi32, #tpu.memory_space<hbm>>
      %dma_start3A_36 = tpu.memref_slice %arg3[%mul3A_8] : memref<335872xi32, #tpu.memory_space<hbm>> -> memref<10496xi32, #tpu.memory_space<hbm>>
      tpu.enqueue_dma source(%dma_start3A_36 : memref<10496xi32, #tpu.memory_space<hbm>>) target(%arg8 : memref<10496xi32, #tpu.memory_space<vmem>>) target_semaphore(%run_scoped3A : memref<!tpu.dma_semaphore, #tpu.memory_space<semaphore_mem>>)
      %dma_wait3A = tpu.memref_slice %arg3[%mul3A_8] : memref<335872xi32, #tpu.memory_space<hbm>> -> memref<10496xi32, #tpu.memory_space<hbm>>
      %dma_wait3A_37 = tpu.memref_slice %arg3[%mul3A_8] : memref<335872xi32, #tpu.memory_space<hbm>> -> memref<10496xi32, #tpu.memory_space<hbm>>
      tpu.wait_dma2 semaphore(%run_scoped3A : memref<!tpu.dma_semaphore, #tpu.memory_space<semaphore_mem>>) src(%dma_wait3A_37 : memref<10496xi32, #tpu.memory_space<hbm>>) dst(%arg8 : memref<10496xi32, #tpu.memory_space<vmem>>)
      tpu.yield
    }) : () -> ()
    %get3A = arith.constant 0 : index
    %get3A_9 = tpu.vector_load %arg10[%get3A] {strides = array<i32>} : memref<16xi32, #tpu.memory_space<vmem>>, vector<16xi32>,
    %reduce_max3A = arith.constant true
    %reduce_max3A_10 = vector.broadcast %reduce_max3A : i1 to vector<16xi1>
    %reduce_max3A_11 = arith.constant -2147483648 : i32
    %reduce_max3A_12 = vector.broadcast %reduce_max3A_11 : i32 to vector<16xi32>
    %reduce_max3A_13 = arith.xori %get3A_9, %reduce_max3A_12 : vector<16xi32>
    %reduce_max3A_14 = tpu.scan <max>, %reduce_max3A_13 masked %reduce_max3A_10 : vector<16xi32>, vector<16xi1> -> vector<16xi32>
    %reduce_max3A_15 = arith.xori %reduce_max3A_14, %reduce_max3A_12 : vector<16xi32>
    %reduce_max3A_16 = vector.extract %reduce_max3A_15[15] : i32 from vector<16xi32>
    %barrier3A = arith.constant 0 : index
    tpu.barrier barrier_id(%barrier3A)
    %and3A = arith.constant -2 : i32
    %and3A_17 = arith.andi %reduce_max3A_16, %and3A : i32
    %sub3A = arith.constant 0 : i32
    %sub3A_18 = arith.subi %and3A_17, %sub3A : i32
    %sub3A_19 = arith.constant 2 : i32
    %sub3A_20 = arith.constant 1 : i32
    %sub3A_21 = arith.subi %sub3A_19, %sub3A_20 : i32
    %add3A_22 = arith.addi %sub3A_18, %sub3A_21 : i32
    %div3A = arith.constant 2 : i32
    %div3A_23 = arith.divsi %add3A_22, %div3A : i32
    %while3A = arith.constant 2 : i32
    %while3A_24 = arith.constant 0 : i32
    %while3A_25 = arith.constant 0 : i32
    %while3A_26 = arith.subi %div3A_23, %while3A_25 : i32
    %while3A_27 = arith.addi %while3A_25, %while3A_26 : i32
    %while3A_28 = arith.constant 1 : i32
    %while3A_29 = arith.divsi %while3A_26, %while3A_28 : i32
    %while3A_30 = arith.muli %while3A_29, %while3A_28 : i32
    %while3A_31 = arith.addi %while3A_25, %while3A_30 : i32
    %while3A_32 = arith.constant 1 : i32
    scf.for %while3A_36 = %while3A_25 to %while3A_31 step %while3A_32  : i32 {
      %mul3A_37 = arith.muli %while3A_36, %while3A : i32
      %add3A_38 = arith.addi %while3A_24, %mul3A_37 : i32
      %mul3A_39 = arith.constant 10496 : i32
      %mul3A_40 = arith.muli %add3A, %mul3A_39 : i32
      %mul3A_41 = arith.constant 128 : i32
      %mul3A_42 = arith.muli %add3A_38, %mul3A_41 : i32
      %add3A_43 = arith.addi %mul3A_40, %mul3A_42 : i32
      %dma_start3A = arith.constant 0 : i32
      %dma_start3A_44 = arith.constant 0 : i32
      %dma_start3A_45 = tpu.memref_slice %arg9[%dma_start3A, %dma_start3A_44] : memref<2x128xi32, #tpu.memory_space<vmem>> -> memref<1x128xi32, #tpu.memory_space<vmem>>
      %dma_start3A_46 = tpu.memref_squeeze %dma_start3A_45 : memref<1x128xi32, #tpu.memory_space<vmem>> -> memref<128xi32, #tpu.memory_space<vmem>>
      %dma_start3A_47 = tpu.memref_slice %arg4[%add3A_43] : memref<335872xi32, #tpu.memory_space<hbm>> -> memref<128xi32, #tpu.memory_space<hbm>>
      %dma_start3A_48 = arith.constant 0 : i32
      %dma_start3A_49 = tpu.memref_slice %arg9[%dma_start3A, %dma_start3A_48] : memref<2x128xi32, #tpu.memory_space<vmem>> -> memref<1x128xi32, #tpu.memory_space<vmem>>
      %dma_start3A_50 = tpu.memref_squeeze %dma_start3A_49 : memref<1x128xi32, #tpu.memory_space<vmem>> -> memref<128xi32, #tpu.memory_space<vmem>>
      %dma_start3A_51 = tpu.memref_slice %arg4[%add3A_43] : memref<335872xi32, #tpu.memory_space<hbm>> -> memref<128xi32, #tpu.memory_space<hbm>>
      tpu.enqueue_dma source(%dma_start3A_51 : memref<128xi32, #tpu.memory_space<hbm>>) target(%dma_start3A_50 : memref<128xi32, #tpu.memory_space<vmem>>) target_semaphore(%arg17 : memref<!tpu.dma_semaphore, #tpu.memory_space<semaphore_mem>>)
      %mul3A_52 = arith.constant 128 : i32
      %mul3A_53 = arith.muli %add3A_38, %mul3A_52 : i32
      %dma_start3A_54 = tpu.memref_slice %arg8[%mul3A_53] : memref<10496xi32, #tpu.memory_space<vmem>> -> memref<128xi32, #tpu.memory_space<vmem>>
      %dma_start3A_55 = arith.constant 0 : i32
      %dma_start3A_56 = arith.constant 0 : i32
      %dma_start3A_57 = tpu.memref_slice %arg2[%dma_start3A_55, %dma_start3A_56] : memref<10240x128xf32, #tpu.memory_space<hbm>> -> memref<10240x128xf32, #tpu.memory_space<hbm>>
      tpu.enqueue_indirect_dma source(%dma_start3A_57 : memref<10240x128xf32, #tpu.memory_space<hbm>>) target(%arg11 : memref<128x128xf32, #tpu.memory_space<vmem>>) offsets(%dma_start3A_54 : memref<128xi32, #tpu.memory_space<vmem>>) semaphore(%arg15 : memref<!tpu.dma_semaphore, #tpu.memory_space<semaphore_mem>>)
      %mul3A_58 = arith.constant 10496 : i32
      %mul3A_59 = arith.muli %add3A, %mul3A_58 : i32
      %mul3A_60 = arith.constant 128 : i32
      %mul3A_61 = arith.muli %add3A_38, %mul3A_60 : i32
      %add3A_62 = arith.addi %mul3A_59, %mul3A_61 : i32
      %add3A_63 = arith.constant 128 : i32
      %add3A_64 = arith.addi %add3A_62, %add3A_63 : i32
      %dma_start3A_65 = arith.constant 1 : i32
      %dma_start3A_66 = arith.constant 0 : i32
      %dma_start3A_67 = tpu.memref_slice %arg9[%dma_start3A_65, %dma_start3A_66] : memref<2x128xi32, #tpu.memory_space<vmem>> -> memref<1x128xi32, #tpu.memory_space<vmem>>
      %dma_start3A_68 = tpu.memref_squeeze %dma_start3A_67 : memref<1x128xi32, #tpu.memory_space<vmem>> -> memref<128xi32, #tpu.memory_space<vmem>>
      %dma_start3A_69 = tpu.memref_slice %arg4[%add3A_64] : memref<335872xi32, #tpu.memory_space<hbm>> -> memref<128xi32, #tpu.memory_space<hbm>>
      %dma_start3A_70 = arith.constant 0 : i32
      %dma_start3A_71 = tpu.memref_slice %arg9[%dma_start3A_65, %dma_start3A_70] : memref<2x128xi32, #tpu.memory_space<vmem>> -> memref<1x128xi32, #tpu.memory_space<vmem>>
      %dma_start3A_72 = tpu.memref_squeeze %dma_start3A_71 : memref<1x128xi32, #tpu.memory_space<vmem>> -> memref<128xi32, #tpu.memory_space<vmem>>
      %dma_start3A_73 = tpu.memref_slice %arg4[%add3A_64] : memref<335872xi32, #tpu.memory_space<hbm>> -> memref<128xi32, #tpu.memory_space<hbm>>
      tpu.enqueue_dma source(%dma_start3A_73 : memref<128xi32, #tpu.memory_space<hbm>>) target(%dma_start3A_72 : memref<128xi32, #tpu.memory_space<vmem>>) target_semaphore(%arg18 : memref<!tpu.dma_semaphore, #tpu.memory_space<semaphore_mem>>)
      %mul3A_74 = arith.constant 128 : i32
      %mul3A_75 = arith.muli %add3A_38, %mul3A_74 : i32
      %add3A_76 = arith.constant 128 : i32
      %add3A_77 = arith.addi %mul3A_75, %add3A_76 : i32
      %dma_start3A_78 = tpu.memref_slice %arg8[%add3A_77] : memref<10496xi32, #tpu.memory_space<vmem>> -> memref<128xi32, #tpu.memory_space<vmem>>
      %dma_start3A_79 = arith.constant 0 : i32
      %dma_start3A_80 = arith.constant 0 : i32
      %dma_start3A_81 = tpu.memref_slice %arg2[%dma_start3A_79, %dma_start3A_80] : memref<10240x128xf32, #tpu.memory_space<hbm>> -> memref<10240x128xf32, #tpu.memory_space<hbm>>
      tpu.enqueue_indirect_dma source(%dma_start3A_81 : memref<10240x128xf32, #tpu.memory_space<hbm>>) target(%arg12 : memref<128x128xf32, #tpu.memory_space<vmem>>) offsets(%dma_start3A_78 : memref<128xi32, #tpu.memory_space<vmem>>) semaphore(%arg16 : memref<!tpu.dma_semaphore, #tpu.memory_space<semaphore_mem>>)
      %dma_wait3A = arith.constant 0 : i32
      %dma_wait3A_82 = arith.constant 0 : i32
      %dma_wait3A_83 = tpu.memref_slice %arg9[%dma_wait3A, %dma_wait3A_82] : memref<2x128xi32, #tpu.memory_space<vmem>> -> memref<1x128xi32, #tpu.memory_space<vmem>>
      %dma_wait3A_84 = tpu.memref_squeeze %dma_wait3A_83 : memref<1x128xi32, #tpu.memory_space<vmem>> -> memref<128xi32, #tpu.memory_space<vmem>>
      %dma_wait3A_85 = tpu.memref_slice %arg4[%add3A_43] : memref<335872xi32, #tpu.memory_space<hbm>> -> memref<128xi32, #tpu.memory_space<hbm>>
      %dma_wait3A_86 = arith.constant 0 : i32
      %dma_wait3A_87 = tpu.memref_slice %arg9[%dma_wait3A, %dma_wait3A_86] : memref<2x128xi32, #tpu.memory_space<vmem>> -> memref<1x128xi32, #tpu.memory_space<vmem>>
      %dma_wait3A_88 = tpu.memref_squeeze %dma_wait3A_87 : memref<1x128xi32, #tpu.memory_space<vmem>> -> memref<128xi32, #tpu.memory_space<vmem>>
      %dma_wait3A_89 = tpu.memref_slice %arg4[%add3A_43] : memref<335872xi32, #tpu.memory_space<hbm>> -> memref<128xi32, #tpu.memory_space<hbm>>
      tpu.wait_dma2 semaphore(%arg17 : memref<!tpu.dma_semaphore, #tpu.memory_space<semaphore_mem>>) src(%dma_wait3A_89 : memref<128xi32, #tpu.memory_space<hbm>>) dst(%dma_wait3A_88 : memref<128xi32, #tpu.memory_space<vmem>>)
      %dma_wait3A_90 = tpu.memref_slice %arg8[%mul3A_53] : memref<10496xi32, #tpu.memory_space<vmem>> -> memref<128xi32, #tpu.memory_space<vmem>>
      %dma_wait3A_91 = arith.constant 0 : i32
      %dma_wait3A_92 = arith.constant 0 : i32
      %dma_wait3A_93 = tpu.memref_slice %arg2[%dma_wait3A_91, %dma_wait3A_92] : memref<10240x128xf32, #tpu.memory_space<hbm>> -> memref<10240x128xf32, #tpu.memory_space<hbm>>
      tpu.wait_indirect_dma semaphore(%arg15 : memref<!tpu.dma_semaphore, #tpu.memory_space<semaphore_mem>>) src(%dma_wait3A_93 : memref<10240x128xf32, #tpu.memory_space<hbm>>) dst(%arg11 : memref<128x128xf32, #tpu.memory_space<vmem>>)
      %run_scoped3A = arith.constant 0 : i32
      "tpu.region"() ({
        %run_scoped3A_108 = tpu.sem_alloc : memref<!tpu.dma_semaphore, #tpu.memory_space<semaphore_mem>>
        %dma_start3A_109 = arith.constant 0 : i32
        %dma_start3A_110 = tpu.memref_slice %arg9[%run_scoped3A, %dma_start3A_109] : memref<2x128xi32, #tpu.memory_space<vmem>> -> memref<1x128xi32, #tpu.memory_space<vmem>>
        %dma_start3A_111 = tpu.memref_squeeze %dma_start3A_110 : memref<1x128xi32, #tpu.memory_space<vmem>> -> memref<128xi32, #tpu.memory_space<vmem>>
        %dma_start3A_112 = arith.constant 0 : i32
        %dma_start3A_113 = arith.constant 0 : i32
        %dma_start3A_114 = tpu.memref_slice %arg14[%dma_start3A_112, %dma_start3A_113] : memref<10240x128xf32, #tpu.memory_space<vmem_shared>> -> memref<10240x128xf32, #tpu.memory_space<vmem_shared>>
        tpu.enqueue_indirect_dma source(%arg11 : memref<128x128xf32, #tpu.memory_space<vmem>>) target(%dma_start3A_114 : memref<10240x128xf32, #tpu.memory_space<vmem_shared>>) offsets(%dma_start3A_111 : memref<128xi32, #tpu.memory_space<vmem>>) semaphore(%run_scoped3A_108 : memref<!tpu.dma_semaphore, #tpu.memory_space<semaphore_mem>>) {add = true}
        %dma_wait3A_115 = arith.constant 0 : i32
        %dma_wait3A_116 = tpu.memref_slice %arg9[%run_scoped3A, %dma_wait3A_115] : memref<2x128xi32, #tpu.memory_space<vmem>> -> memref<1x128xi32, #tpu.memory_space<vmem>>
        %dma_wait3A_117 = tpu.memref_squeeze %dma_wait3A_116 : memref<1x128xi32, #tpu.memory_space<vmem>> -> memref<128xi32, #tpu.memory_space<vmem>>
        %dma_wait3A_118 = arith.constant 0 : i32
        %dma_wait3A_119 = arith.constant 0 : i32
        %dma_wait3A_120 = tpu.memref_slice %arg14[%dma_wait3A_118, %dma_wait3A_119] : memref<10240x128xf32, #tpu.memory_space<vmem_shared>> -> memref<10240x128xf32, #tpu.memory_space<vmem_shared>>
        tpu.wait_indirect_dma semaphore(%run_scoped3A_108 : memref<!tpu.dma_semaphore, #tpu.memory_space<semaphore_mem>>) src(%arg11 : memref<128x128xf32, #tpu.memory_space<vmem>>) dst(%dma_wait3A_120 : memref<10240x128xf32, #tpu.memory_space<vmem_shared>>)
        tpu.yield
      }) : () -> ()
      %dma_wait3A_94 = arith.constant 1 : i32
      %dma_wait3A_95 = arith.constant 0 : i32
      %dma_wait3A_96 = tpu.memref_slice %arg9[%dma_wait3A_94, %dma_wait3A_95] : memref<2x128xi32, #tpu.memory_space<vmem>> -> memref<1x128xi32, #tpu.memory_space<vmem>>
      %dma_wait3A_97 = tpu.memref_squeeze %dma_wait3A_96 : memref<1x128xi32, #tpu.memory_space<vmem>> -> memref<128xi32, #tpu.memory_space<vmem>>
      %dma_wait3A_98 = tpu.memref_slice %arg4[%add3A_64] : memref<335872xi32, #tpu.memory_space<hbm>> -> memref<128xi32, #tpu.memory_space<hbm>>
      %dma_wait3A_99 = arith.constant 0 : i32
      %dma_wait3A_100 = tpu.memref_slice %arg9[%dma_wait3A_94, %dma_wait3A_99] : memref<2x128xi32, #tpu.memory_space<vmem>> -> memref<1x128xi32, #tpu.memory_space<vmem>>
      %dma_wait3A_101 = tpu.memref_squeeze %dma_wait3A_100 : memref<1x128xi32, #tpu.memory_space<vmem>> -> memref<128xi32, #tpu.memory_space<vmem>>
      %dma_wait3A_102 = tpu.memref_slice %arg4[%add3A_64] : memref<335872xi32, #tpu.memory_space<hbm>> -> memref<128xi32, #tpu.memory_space<hbm>>
      tpu.wait_dma2 semaphore(%arg18 : memref<!tpu.dma_semaphore, #tpu.memory_space<semaphore_mem>>) src(%dma_wait3A_102 : memref<128xi32, #tpu.memory_space<hbm>>) dst(%dma_wait3A_101 : memref<128xi32, #tpu.memory_space<vmem>>)
      %dma_wait3A_103 = tpu.memref_slice %arg8[%add3A_77] : memref<10496xi32, #tpu.memory_space<vmem>> -> memref<128xi32, #tpu.memory_space<vmem>>
      %dma_wait3A_104 = arith.constant 0 : i32
      %dma_wait3A_105 = arith.constant 0 : i32
      %dma_wait3A_106 = tpu.memref_slice %arg2[%dma_wait3A_104, %dma_wait3A_105] : memref<10240x128xf32, #tpu.memory_space<hbm>> -> memref<10240x128xf32, #tpu.memory_space<hbm>>
      tpu.wait_indirect_dma semaphore(%arg16 : memref<!tpu.dma_semaphore, #tpu.memory_space<semaphore_mem>>) src(%dma_wait3A_106 : memref<10240x128xf32, #tpu.memory_space<hbm>>) dst(%arg12 : memref<128x128xf32, #tpu.memory_space<vmem>>)
      %run_scoped3A_107 = arith.constant 1 : i32
      "tpu.region"() ({
        %run_scoped3A_108 = tpu.sem_alloc : memref<!tpu.dma_semaphore, #tpu.memory_space<semaphore_mem>>
        %dma_start3A_109 = arith.constant 0 : i32
        %dma_start3A_110 = tpu.memref_slice %arg9[%run_scoped3A_107, %dma_start3A_109] : memref<2x128xi32, #tpu.memory_space<vmem>> -> memref<1x128xi32, #tpu.memory_space<vmem>>
        %dma_start3A_111 = tpu.memref_squeeze %dma_start3A_110 : memref<1x128xi32, #tpu.memory_space<vmem>> -> memref<128xi32, #tpu.memory_space<vmem>>
        %dma_start3A_112 = arith.constant 0 : i32
        %dma_start3A_113 = arith.constant 0 : i32
        %dma_start3A_114 = tpu.memref_slice %arg14[%dma_start3A_112, %dma_start3A_113] : memref<10240x128xf32, #tpu.memory_space<vmem_shared>> -> memref<10240x128xf32, #tpu.memory_space<vmem_shared>>
        tpu.enqueue_indirect_dma source(%arg12 : memref<128x128xf32, #tpu.memory_space<vmem>>) target(%dma_start3A_114 : memref<10240x128xf32, #tpu.memory_space<vmem_shared>>) offsets(%dma_start3A_111 : memref<128xi32, #tpu.memory_space<vmem>>) semaphore(%run_scoped3A_108 : memref<!tpu.dma_semaphore, #tpu.memory_space<semaphore_mem>>) {add = true}
        %dma_wait3A_115 = arith.constant 0 : i32
        %dma_wait3A_116 = tpu.memref_slice %arg9[%run_scoped3A_107, %dma_wait3A_115] : memref<2x128xi32, #tpu.memory_space<vmem>> -> memref<1x128xi32, #tpu.memory_space<vmem>>
        %dma_wait3A_117 = tpu.memref_squeeze %dma_wait3A_116 : memref<1x128xi32, #tpu.memory_space<vmem>> -> memref<128xi32, #tpu.memory_space<vmem>>
        %dma_wait3A_118 = arith.constant 0 : i32
        %dma_wait3A_119 = arith.constant 0 : i32
        %dma_wait3A_120 = tpu.memref_slice %arg14[%dma_wait3A_118, %dma_wait3A_119] : memref<10240x128xf32, #tpu.memory_space<vmem_shared>> -> memref<10240x128xf32, #tpu.memory_space<vmem_shared>>
        tpu.wait_indirect_dma semaphore(%run_scoped3A_108 : memref<!tpu.dma_semaphore, #tpu.memory_space<semaphore_mem>>) src(%arg12 : memref<128x128xf32, #tpu.memory_space<vmem>>) dst(%dma_wait3A_120 : memref<10240x128xf32, #tpu.memory_space<vmem_shared>>)
        tpu.yield
      }) : () -> ()
    }
    %while3A_33 = arith.constant 1 : i32
    scf.for %while3A_36 = %while3A_31 to %while3A_27 step %while3A_33  : i32 {
      %mul3A_37 = arith.muli %while3A_36, %while3A : i32
      %add3A_38 = arith.addi %while3A_24, %mul3A_37 : i32
      %mul3A_39 = arith.constant 10496 : i32
      %mul3A_40 = arith.muli %add3A, %mul3A_39 : i32
      %mul3A_41 = arith.constant 128 : i32
      %mul3A_42 = arith.muli %add3A_38, %mul3A_41 : i32
      %add3A_43 = arith.addi %mul3A_40, %mul3A_42 : i32
      %dma_start3A = arith.constant 0 : i32
      %dma_start3A_44 = arith.constant 0 : i32
      %dma_start3A_45 = tpu.memref_slice %arg9[%dma_start3A, %dma_start3A_44] : memref<2x128xi32, #tpu.memory_space<vmem>> -> memref<1x128xi32, #tpu.memory_space<vmem>>
      %dma_start3A_46 = tpu.memref_squeeze %dma_start3A_45 : memref<1x128xi32, #tpu.memory_space<vmem>> -> memref<128xi32, #tpu.memory_space<vmem>>
      %dma_start3A_47 = tpu.memref_slice %arg4[%add3A_43] : memref<335872xi32, #tpu.memory_space<hbm>> -> memref<128xi32, #tpu.memory_space<hbm>>
      %dma_start3A_48 = arith.constant 0 : i32
      %dma_start3A_49 = tpu.memref_slice %arg9[%dma_start3A, %dma_start3A_48] : memref<2x128xi32, #tpu.memory_space<vmem>> -> memref<1x128xi32, #tpu.memory_space<vmem>>
      %dma_start3A_50 = tpu.memref_squeeze %dma_start3A_49 : memref<1x128xi32, #tpu.memory_space<vmem>> -> memref<128xi32, #tpu.memory_space<vmem>>
      %dma_start3A_51 = tpu.memref_slice %arg4[%add3A_43] : memref<335872xi32, #tpu.memory_space<hbm>> -> memref<128xi32, #tpu.memory_space<hbm>>
      tpu.enqueue_dma source(%dma_start3A_51 : memref<128xi32, #tpu.memory_space<hbm>>) target(%dma_start3A_50 : memref<128xi32, #tpu.memory_space<vmem>>) target_semaphore(%arg17 : memref<!tpu.dma_semaphore, #tpu.memory_space<semaphore_mem>>)
      %mul3A_52 = arith.constant 128 : i32
      %mul3A_53 = arith.muli %add3A_38, %mul3A_52 : i32
      %dma_start3A_54 = tpu.memref_slice %arg8[%mul3A_53] : memref<10496xi32, #tpu.memory_space<vmem>> -> memref<128xi32, #tpu.memory_space<vmem>>
      %dma_start3A_55 = arith.constant 0 : i32
      %dma_start3A_56 = arith.constant 0 : i32
      %dma_start3A_57 = tpu.memref_slice %arg2[%dma_start3A_55, %dma_start3A_56] : memref<10240x128xf32, #tpu.memory_space<hbm>> -> memref<10240x128xf32, #tpu.memory_space<hbm>>
      tpu.enqueue_indirect_dma source(%dma_start3A_57 : memref<10240x128xf32, #tpu.memory_space<hbm>>) target(%arg11 : memref<128x128xf32, #tpu.memory_space<vmem>>) offsets(%dma_start3A_54 : memref<128xi32, #tpu.memory_space<vmem>>) semaphore(%arg15 : memref<!tpu.dma_semaphore, #tpu.memory_space<semaphore_mem>>)
      %mul3A_58 = arith.constant 10496 : i32
      %mul3A_59 = arith.muli %add3A, %mul3A_58 : i32
      %mul3A_60 = arith.constant 128 : i32
      %mul3A_61 = arith.muli %add3A_38, %mul3A_60 : i32
      %add3A_62 = arith.addi %mul3A_59, %mul3A_61 : i32
      %add3A_63 = arith.constant 128 : i32
      %add3A_64 = arith.addi %add3A_62, %add3A_63 : i32
      %dma_start3A_65 = arith.constant 1 : i32
      %dma_start3A_66 = arith.constant 0 : i32
      %dma_start3A_67 = tpu.memref_slice %arg9[%dma_start3A_65, %dma_start3A_66] : memref<2x128xi32, #tpu.memory_space<vmem>> -> memref<1x128xi32, #tpu.memory_space<vmem>>
      %dma_start3A_68 = tpu.memref_squeeze %dma_start3A_67 : memref<1x128xi32, #tpu.memory_space<vmem>> -> memref<128xi32, #tpu.memory_space<vmem>>
      %dma_start3A_69 = tpu.memref_slice %arg4[%add3A_64] : memref<335872xi32, #tpu.memory_space<hbm>> -> memref<128xi32, #tpu.memory_space<hbm>>
      %dma_start3A_70 = arith.constant 0 : i32
      %dma_start3A_71 = tpu.memref_slice %arg9[%dma_start3A_65, %dma_start3A_70] : memref<2x128xi32, #tpu.memory_space<vmem>> -> memref<1x128xi32, #tpu.memory_space<vmem>>
      %dma_start3A_72 = tpu.memref_squeeze %dma_start3A_71 : memref<1x128xi32, #tpu.memory_space<vmem>> -> memref<128xi32, #tpu.memory_space<vmem>>
      %dma_start3A_73 = tpu.memref_slice %arg4[%add3A_64] : memref<335872xi32, #tpu.memory_space<hbm>> -> memref<128xi32, #tpu.memory_space<hbm>>
      tpu.enqueue_dma source(%dma_start3A_73 : memref<128xi32, #tpu.memory_space<hbm>>) target(%dma_start3A_72 : memref<128xi32, #tpu.memory_space<vmem>>) target_semaphore(%arg18 : memref<!tpu.dma_semaphore, #tpu.memory_space<semaphore_mem>>)
      %mul3A_74 = arith.constant 128 : i32
      %mul3A_75 = arith.muli %add3A_38, %mul3A_74 : i32
      %add3A_76 = arith.constant 128 : i32
      %add3A_77 = arith.addi %mul3A_75, %add3A_76 : i32
      %dma_start3A_78 = tpu.memref_slice %arg8[%add3A_77] : memref<10496xi32, #tpu.memory_space<vmem>> -> memref<128xi32, #tpu.memory_space<vmem>>
      %dma_start3A_79 = arith.constant 0 : i32
      %dma_start3A_80 = arith.constant 0 : i32
      %dma_start3A_81 = tpu.memref_slice %arg2[%dma_start3A_79, %dma_start3A_80] : memref<10240x128xf32, #tpu.memory_space<hbm>> -> memref<10240x128xf32, #tpu.memory_space<hbm>>
      tpu.enqueue_indirect_dma source(%dma_start3A_81 : memref<10240x128xf32, #tpu.memory_space<hbm>>) target(%arg12 : memref<128x128xf32, #tpu.memory_space<vmem>>) offsets(%dma_start3A_78 : memref<128xi32, #tpu.memory_space<vmem>>) semaphore(%arg16 : memref<!tpu.dma_semaphore, #tpu.memory_space<semaphore_mem>>)
      %dma_wait3A = arith.constant 0 : i32
      %dma_wait3A_82 = arith.constant 0 : i32
      %dma_wait3A_83 = tpu.memref_slice %arg9[%dma_wait3A, %dma_wait3A_82] : memref<2x128xi32, #tpu.memory_space<vmem>> -> memref<1x128xi32, #tpu.memory_space<vmem>>
      %dma_wait3A_84 = tpu.memref_squeeze %dma_wait3A_83 : memref<1x128xi32, #tpu.memory_space<vmem>> -> memref<128xi32, #tpu.memory_space<vmem>>
      %dma_wait3A_85 = tpu.memref_slice %arg4[%add3A_43] : memref<335872xi32, #tpu.memory_space<hbm>> -> memref<128xi32, #tpu.memory_space<hbm>>
      %dma_wait3A_86 = arith.constant 0 : i32
      %dma_wait3A_87 = tpu.memref_slice %arg9[%dma_wait3A, %dma_wait3A_86] : memref<2x128xi32, #tpu.memory_space<vmem>> -> memref<1x128xi32, #tpu.memory_space<vmem>>
      %dma_wait3A_88 = tpu.memref_squeeze %dma_wait3A_87 : memref<1x128xi32, #tpu.memory_space<vmem>> -> memref<128xi32, #tpu.memory_space<vmem>>
      %dma_wait3A_89 = tpu.memref_slice %arg4[%add3A_43] : memref<335872xi32, #tpu.memory_space<hbm>> -> memref<128xi32, #tpu.memory_space<hbm>>
      tpu.wait_dma2 semaphore(%arg17 : memref<!tpu.dma_semaphore, #tpu.memory_space<semaphore_mem>>) src(%dma_wait3A_89 : memref<128xi32, #tpu.memory_space<hbm>>) dst(%dma_wait3A_88 : memref<128xi32, #tpu.memory_space<vmem>>)
      %dma_wait3A_90 = tpu.memref_slice %arg8[%mul3A_53] : memref<10496xi32, #tpu.memory_space<vmem>> -> memref<128xi32, #tpu.memory_space<vmem>>
      %dma_wait3A_91 = arith.constant 0 : i32
      %dma_wait3A_92 = arith.constant 0 : i32
      %dma_wait3A_93 = tpu.memref_slice %arg2[%dma_wait3A_91, %dma_wait3A_92] : memref<10240x128xf32, #tpu.memory_space<hbm>> -> memref<10240x128xf32, #tpu.memory_space<hbm>>
      tpu.wait_indirect_dma semaphore(%arg15 : memref<!tpu.dma_semaphore, #tpu.memory_space<semaphore_mem>>) src(%dma_wait3A_93 : memref<10240x128xf32, #tpu.memory_space<hbm>>) dst(%arg11 : memref<128x128xf32, #tpu.memory_space<vmem>>)
      %run_scoped3A = arith.constant 0 : i32
      "tpu.region"() ({
        %run_scoped3A_108 = tpu.sem_alloc : memref<!tpu.dma_semaphore, #tpu.memory_space<semaphore_mem>>
        %dma_start3A_109 = arith.constant 0 : i32
        %dma_start3A_110 = tpu.memref_slice %arg9[%run_scoped3A, %dma_start3A_109] : memref<2x128xi32, #tpu.memory_space<vmem>> -> memref<1x128xi32, #tpu.memory_space<vmem>>
        %dma_start3A_111 = tpu.memref_squeeze %dma_start3A_110 : memref<1x128xi32, #tpu.memory_space<vmem>> -> memref<128xi32, #tpu.memory_space<vmem>>
        %dma_start3A_112 = arith.constant 0 : i32
        %dma_start3A_113 = arith.constant 0 : i32
        %dma_start3A_114 = tpu.memref_slice %arg14[%dma_start3A_112, %dma_start3A_113] : memref<10240x128xf32, #tpu.memory_space<vmem_shared>> -> memref<10240x128xf32, #tpu.memory_space<vmem_shared>>
        tpu.enqueue_indirect_dma source(%arg11 : memref<128x128xf32, #tpu.memory_space<vmem>>) target(%dma_start3A_114 : memref<10240x128xf32, #tpu.memory_space<vmem_shared>>) offsets(%dma_start3A_111 : memref<128xi32, #tpu.memory_space<vmem>>) semaphore(%run_scoped3A_108 : memref<!tpu.dma_semaphore, #tpu.memory_space<semaphore_mem>>) {add = true}
        %dma_wait3A_115 = arith.constant 0 : i32
        %dma_wait3A_116 = tpu.memref_slice %arg9[%run_scoped3A, %dma_wait3A_115] : memref<2x128xi32, #tpu.memory_space<vmem>> -> memref<1x128xi32, #tpu.memory_space<vmem>>
        %dma_wait3A_117 = tpu.memref_squeeze %dma_wait3A_116 : memref<1x128xi32, #tpu.memory_space<vmem>> -> memref<128xi32, #tpu.memory_space<vmem>>
        %dma_wait3A_118 = arith.constant 0 : i32
        %dma_wait3A_119 = arith.constant 0 : i32
        %dma_wait3A_120 = tpu.memref_slice %arg14[%dma_wait3A_118, %dma_wait3A_119] : memref<10240x128xf32, #tpu.memory_space<vmem_shared>> -> memref<10240x128xf32, #tpu.memory_space<vmem_shared>>
        tpu.wait_indirect_dma semaphore(%run_scoped3A_108 : memref<!tpu.dma_semaphore, #tpu.memory_space<semaphore_mem>>) src(%arg11 : memref<128x128xf32, #tpu.memory_space<vmem>>) dst(%dma_wait3A_120 : memref<10240x128xf32, #tpu.memory_space<vmem_shared>>)
        tpu.yield
      }) : () -> ()
      %dma_wait3A_94 = arith.constant 1 : i32
      %dma_wait3A_95 = arith.constant 0 : i32
      %dma_wait3A_96 = tpu.memref_slice %arg9[%dma_wait3A_94, %dma_wait3A_95] : memref<2x128xi32, #tpu.memory_space<vmem>> -> memref<1x128xi32, #tpu.memory_space<vmem>>
      %dma_wait3A_97 = tpu.memref_squeeze %dma_wait3A_96 : memref<1x128xi32, #tpu.memory_space<vmem>> -> memref<128xi32, #tpu.memory_space<vmem>>
      %dma_wait3A_98 = tpu.memref_slice %arg4[%add3A_64] : memref<335872xi32, #tpu.memory_space<hbm>> -> memref<128xi32, #tpu.memory_space<hbm>>
      %dma_wait3A_99 = arith.constant 0 : i32
      %dma_wait3A_100 = tpu.memref_slice %arg9[%dma_wait3A_94, %dma_wait3A_99] : memref<2x128xi32, #tpu.memory_space<vmem>> -> memref<1x128xi32, #tpu.memory_space<vmem>>
      %dma_wait3A_101 = tpu.memref_squeeze %dma_wait3A_100 : memref<1x128xi32, #tpu.memory_space<vmem>> -> memref<128xi32, #tpu.memory_space<vmem>>
      %dma_wait3A_102 = tpu.memref_slice %arg4[%add3A_64] : memref<335872xi32, #tpu.memory_space<hbm>> -> memref<128xi32, #tpu.memory_space<hbm>>
      tpu.wait_dma2 semaphore(%arg18 : memref<!tpu.dma_semaphore, #tpu.memory_space<semaphore_mem>>) src(%dma_wait3A_102 : memref<128xi32, #tpu.memory_space<hbm>>) dst(%dma_wait3A_101 : memref<128xi32, #tpu.memory_space<vmem>>)
      %dma_wait3A_103 = tpu.memref_slice %arg8[%add3A_77] : memref<10496xi32, #tpu.memory_space<vmem>> -> memref<128xi32, #tpu.memory_space<vmem>>
      %dma_wait3A_104 = arith.constant 0 : i32
      %dma_wait3A_105 = arith.constant 0 : i32
      %dma_wait3A_106 = tpu.memref_slice %arg2[%dma_wait3A_104, %dma_wait3A_105] : memref<10240x128xf32, #tpu.memory_space<hbm>> -> memref<10240x128xf32, #tpu.memory_space<hbm>>
      tpu.wait_indirect_dma semaphore(%arg16 : memref<!tpu.dma_semaphore, #tpu.memory_space<semaphore_mem>>) src(%dma_wait3A_106 : memref<10240x128xf32, #tpu.memory_space<hbm>>) dst(%arg12 : memref<128x128xf32, #tpu.memory_space<vmem>>)
      %run_scoped3A_107 = arith.constant 1 : i32
      "tpu.region"() ({
        %run_scoped3A_108 = tpu.sem_alloc : memref<!tpu.dma_semaphore, #tpu.memory_space<semaphore_mem>>
        %dma_start3A_109 = arith.constant 0 : i32
        %dma_start3A_110 = tpu.memref_slice %arg9[%run_scoped3A_107, %dma_start3A_109] : memref<2x128xi32, #tpu.memory_space<vmem>> -> memref<1x128xi32, #tpu.memory_space<vmem>>
        %dma_start3A_111 = tpu.memref_squeeze %dma_start3A_110 : memref<1x128xi32, #tpu.memory_space<vmem>> -> memref<128xi32, #tpu.memory_space<vmem>>
        %dma_start3A_112 = arith.constant 0 : i32
        %dma_start3A_113 = arith.constant 0 : i32
        %dma_start3A_114 = tpu.memref_slice %arg14[%dma_start3A_112, %dma_start3A_113] : memref<10240x128xf32, #tpu.memory_space<vmem_shared>> -> memref<10240x128xf32, #tpu.memory_space<vmem_shared>>
        tpu.enqueue_indirect_dma source(%arg12 : memref<128x128xf32, #tpu.memory_space<vmem>>) target(%dma_start3A_114 : memref<10240x128xf32, #tpu.memory_space<vmem_shared>>) offsets(%dma_start3A_111 : memref<128xi32, #tpu.memory_space<vmem>>) semaphore(%run_scoped3A_108 : memref<!tpu.dma_semaphore, #tpu.memory_space<semaphore_mem>>) {add = true}
        %dma_wait3A_115 = arith.constant 0 : i32
        %dma_wait3A_116 = tpu.memref_slice %arg9[%run_scoped3A_107, %dma_wait3A_115] : memref<2x128xi32, #tpu.memory_space<vmem>> -> memref<1x128xi32, #tpu.memory_space<vmem>>
        %dma_wait3A_117 = tpu.memref_squeeze %dma_wait3A_116 : memref<1x128xi32, #tpu.memory_space<vmem>> -> memref<128xi32, #tpu.memory_space<vmem>>
        %dma_wait3A_118 = arith.constant 0 : i32
        %dma_wait3A_119 = arith.constant 0 : i32
        %dma_wait3A_120 = tpu.memref_slice %arg14[%dma_wait3A_118, %dma_wait3A_119] : memref<10240x128xf32, #tpu.memory_space<vmem_shared>> -> memref<10240x128xf32, #tpu.memory_space<vmem_shared>>
        tpu.wait_indirect_dma semaphore(%run_scoped3A_108 : memref<!tpu.dma_semaphore, #tpu.memory_space<semaphore_mem>>) src(%arg12 : memref<128x128xf32, #tpu.memory_space<vmem>>) dst(%dma_wait3A_120 : memref<10240x128xf32, #tpu.memory_space<vmem_shared>>)
        tpu.yield
      }) : () -> ()
    }
    %ne3A = arith.cmpi ne, %and3A_17, %reduce_max3A_16 : i32
    %convert_element_type3A = arith.extui %ne3A : i1 to i32
    %cond3A = arith.constant 0 : i32
    %cond3A_34 = arith.cmpi ne, %convert_element_type3A, %cond3A : i32
    scf.if %cond3A_34 {
      %mul3A_36 = arith.constant 10496 : i32
      %mul3A_37 = arith.muli %add3A, %mul3A_36 : i32
      %mul3A_38 = arith.constant 128 : i32
      %mul3A_39 = arith.muli %and3A_17, %mul3A_38 : i32
      %add3A_40 = arith.addi %mul3A_37, %mul3A_39 : i32
      %dma_start3A = arith.constant 0 : i32
      %dma_start3A_41 = arith.constant 0 : i32
      %dma_start3A_42 = tpu.memref_slice %arg9[%dma_start3A, %dma_start3A_41] : memref<2x128xi32, #tpu.memory_space<vmem>> -> memref<1x128xi32, #tpu.memory_space<vmem>>
      %dma_start3A_43 = tpu.memref_squeeze %dma_start3A_42 : memref<1x128xi32, #tpu.memory_space<vmem>> -> memref<128xi32, #tpu.memory_space<vmem>>
      %dma_start3A_44 = tpu.memref_slice %arg4[%add3A_40] : memref<335872xi32, #tpu.memory_space<hbm>> -> memref<128xi32, #tpu.memory_space<hbm>>
      %dma_start3A_45 = arith.constant 0 : i32
      %dma_start3A_46 = tpu.memref_slice %arg9[%dma_start3A, %dma_start3A_45] : memref<2x128xi32, #tpu.memory_space<vmem>> -> memref<1x128xi32, #tpu.memory_space<vmem>>
      %dma_start3A_47 = tpu.memref_squeeze %dma_start3A_46 : memref<1x128xi32, #tpu.memory_space<vmem>> -> memref<128xi32, #tpu.memory_space<vmem>>
      %dma_start3A_48 = tpu.memref_slice %arg4[%add3A_40] : memref<335872xi32, #tpu.memory_space<hbm>> -> memref<128xi32, #tpu.memory_space<hbm>>
      tpu.enqueue_dma source(%dma_start3A_48 : memref<128xi32, #tpu.memory_space<hbm>>) target(%dma_start3A_47 : memref<128xi32, #tpu.memory_space<vmem>>) target_semaphore(%arg17 : memref<!tpu.dma_semaphore, #tpu.memory_space<semaphore_mem>>)
      %mul3A_49 = arith.constant 128 : i32
      %mul3A_50 = arith.muli %and3A_17, %mul3A_49 : i32
      %dma_start3A_51 = tpu.memref_slice %arg8[%mul3A_50] : memref<10496xi32, #tpu.memory_space<vmem>> -> memref<128xi32, #tpu.memory_space<vmem>>
      %dma_start3A_52 = arith.constant 0 : i32
      %dma_start3A_53 = arith.constant 0 : i32
      %dma_start3A_54 = tpu.memref_slice %arg2[%dma_start3A_52, %dma_start3A_53] : memref<10240x128xf32, #tpu.memory_space<hbm>> -> memref<10240x128xf32, #tpu.memory_space<hbm>>
      tpu.enqueue_indirect_dma source(%dma_start3A_54 : memref<10240x128xf32, #tpu.memory_space<hbm>>) target(%arg11 : memref<128x128xf32, #tpu.memory_space<vmem>>) offsets(%dma_start3A_51 : memref<128xi32, #tpu.memory_space<vmem>>) semaphore(%arg15 : memref<!tpu.dma_semaphore, #tpu.memory_space<semaphore_mem>>)
      %dma_wait3A = arith.constant 0 : i32
      %dma_wait3A_55 = arith.constant 0 : i32
      %dma_wait3A_56 = tpu.memref_slice %arg9[%dma_wait3A, %dma_wait3A_55] : memref<2x128xi32, #tpu.memory_space<vmem>> -> memref<1x128xi32, #tpu.memory_space<vmem>>
      %dma_wait3A_57 = tpu.memref_squeeze %dma_wait3A_56 : memref<1x128xi32, #tpu.memory_space<vmem>> -> memref<128xi32, #tpu.memory_space<vmem>>
      %dma_wait3A_58 = tpu.memref_slice %arg4[%add3A_40] : memref<335872xi32, #tpu.memory_space<hbm>> -> memref<128xi32, #tpu.memory_space<hbm>>
      %dma_wait3A_59 = arith.constant 0 : i32
      %dma_wait3A_60 = tpu.memref_slice %arg9[%dma_wait3A, %dma_wait3A_59] : memref<2x128xi32, #tpu.memory_space<vmem>> -> memref<1x128xi32, #tpu.memory_space<vmem>>
      %dma_wait3A_61 = tpu.memref_squeeze %dma_wait3A_60 : memref<1x128xi32, #tpu.memory_space<vmem>> -> memref<128xi32, #tpu.memory_space<vmem>>
      %dma_wait3A_62 = tpu.memref_slice %arg4[%add3A_40] : memref<335872xi32, #tpu.memory_space<hbm>> -> memref<128xi32, #tpu.memory_space<hbm>>
      tpu.wait_dma2 semaphore(%arg17 : memref<!tpu.dma_semaphore, #tpu.memory_space<semaphore_mem>>) src(%dma_wait3A_62 : memref<128xi32, #tpu.memory_space<hbm>>) dst(%dma_wait3A_61 : memref<128xi32, #tpu.memory_space<vmem>>)
      %dma_wait3A_63 = tpu.memref_slice %arg8[%mul3A_50] : memref<10496xi32, #tpu.memory_space<vmem>> -> memref<128xi32, #tpu.memory_space<vmem>>
      %dma_wait3A_64 = arith.constant 0 : i32
      %dma_wait3A_65 = arith.constant 0 : i32
      %dma_wait3A_66 = tpu.memref_slice %arg2[%dma_wait3A_64, %dma_wait3A_65] : memref<10240x128xf32, #tpu.memory_space<hbm>> -> memref<10240x128xf32, #tpu.memory_space<hbm>>
      tpu.wait_indirect_dma semaphore(%arg15 : memref<!tpu.dma_semaphore, #tpu.memory_space<semaphore_mem>>) src(%dma_wait3A_66 : memref<10240x128xf32, #tpu.memory_space<hbm>>) dst(%arg11 : memref<128x128xf32, #tpu.memory_space<vmem>>)
      %run_scoped3A = arith.constant 0 : i32
      "tpu.region"() ({
        %run_scoped3A_67 = tpu.sem_alloc : memref<!tpu.dma_semaphore, #tpu.memory_space<semaphore_mem>>
        %dma_start3A_68 = arith.constant 0 : i32
        %dma_start3A_69 = tpu.memref_slice %arg9[%run_scoped3A, %dma_start3A_68] : memref<2x128xi32, #tpu.memory_space<vmem>> -> memref<1x128xi32, #tpu.memory_space<vmem>>
        %dma_start3A_70 = tpu.memref_squeeze %dma_start3A_69 : memref<1x128xi32, #tpu.memory_space<vmem>> -> memref<128xi32, #tpu.memory_space<vmem>>
        %dma_start3A_71 = arith.constant 0 : i32
        %dma_start3A_72 = arith.constant 0 : i32
        %dma_start3A_73 = tpu.memref_slice %arg14[%dma_start3A_71, %dma_start3A_72] : memref<10240x128xf32, #tpu.memory_space<vmem_shared>> -> memref<10240x128xf32, #tpu.memory_space<vmem_shared>>
        tpu.enqueue_indirect_dma source(%arg11 : memref<128x128xf32, #tpu.memory_space<vmem>>) target(%dma_start3A_73 : memref<10240x128xf32, #tpu.memory_space<vmem_shared>>) offsets(%dma_start3A_70 : memref<128xi32, #tpu.memory_space<vmem>>) semaphore(%run_scoped3A_67 : memref<!tpu.dma_semaphore, #tpu.memory_space<semaphore_mem>>) {add = true}
        %dma_wait3A_74 = arith.constant 0 : i32
        %dma_wait3A_75 = tpu.memref_slice %arg9[%run_scoped3A, %dma_wait3A_74] : memref<2x128xi32, #tpu.memory_space<vmem>> -> memref<1x128xi32, #tpu.memory_space<vmem>>
        %dma_wait3A_76 = tpu.memref_squeeze %dma_wait3A_75 : memref<1x128xi32, #tpu.memory_space<vmem>> -> memref<128xi32, #tpu.memory_space<vmem>>
        %dma_wait3A_77 = arith.constant 0 : i32
        %dma_wait3A_78 = arith.constant 0 : i32
        %dma_wait3A_79 = tpu.memref_slice %arg14[%dma_wait3A_77, %dma_wait3A_78] : memref<10240x128xf32, #tpu.memory_space<vmem_shared>> -> memref<10240x128xf32, #tpu.memory_space<vmem_shared>>
        tpu.wait_indirect_dma semaphore(%run_scoped3A_67 : memref<!tpu.dma_semaphore, #tpu.memory_space<semaphore_mem>>) src(%arg11 : memref<128x128xf32, #tpu.memory_space<vmem>>) dst(%dma_wait3A_79 : memref<10240x128xf32, #tpu.memory_space<vmem_shared>>)
        tpu.yield
      }) : () -> ()
    } else {
    }
    %barrier3A_35 = arith.constant 0 : index
    tpu.barrier barrier_id(%barrier3A_35)
    "tpu.region"() ({
      %run_scoped3A = tpu.sem_alloc : memref<!tpu.dma_semaphore, #tpu.memory_space<semaphore_mem>>
      %dma_start3A = arith.constant 0 : i32
      %dma_start3A_36 = arith.constant 0 : i32
      %dma_start3A_37 = tpu.memref_slice %arg7[%arg0, %dma_start3A, %dma_start3A_36] : memref<2x10240x128xf32, #tpu.memory_space<hbm>> -> memref<1x10240x128xf32, #tpu.memory_space<hbm>>
      %dma_start3A_38 = tpu.memref_squeeze %dma_start3A_37 : memref<1x10240x128xf32, #tpu.memory_space<hbm>> -> memref<10240x128xf32, #tpu.memory_space<hbm>>
      %dma_start3A_39 = arith.constant 0 : i32
      %dma_start3A_40 = tpu.memref_slice %dma_start3A_38[%mul3A_2, %dma_start3A_39] : memref<10240x128xf32, #tpu.memory_space<hbm>> -> memref<640x128xf32, #tpu.memory_space<hbm>>
      %dma_start3A_41 = arith.constant 0 : i32
      %dma_start3A_42 = tpu.memref_slice %arg14[%mul3A_2, %dma_start3A_41] : memref<10240x128xf32, #tpu.memory_space<vmem_shared>> -> memref<640x128xf32, #tpu.memory_space<vmem_shared>>
      tpu.enqueue_dma source(%dma_start3A_42 : memref<640x128xf32, #tpu.memory_space<vmem_shared>>) target(%dma_start3A_40 : memref<640x128xf32, #tpu.memory_space<hbm>>) target_semaphore(%run_scoped3A : memref<!tpu.dma_semaphore, #tpu.memory_space<semaphore_mem>>)
      %dma_wait3A = arith.constant 0 : i32
      %dma_wait3A_43 = arith.constant 0 : i32
      %dma_wait3A_44 = tpu.memref_slice %arg7[%arg0, %dma_wait3A, %dma_wait3A_43] : memref<2x10240x128xf32, #tpu.memory_space<hbm>> -> memref<1x10240x128xf32, #tpu.memory_space<hbm>>
      %dma_wait3A_45 = tpu.memref_squeeze %dma_wait3A_44 : memref<1x10240x128xf32, #tpu.memory_space<hbm>> -> memref<10240x128xf32, #tpu.memory_space<hbm>>
      %dma_wait3A_46 = arith.constant 0 : i32
      %dma_wait3A_47 = tpu.memref_slice %dma_wait3A_45[%mul3A_2, %dma_wait3A_46] : memref<10240x128xf32, #tpu.memory_space<hbm>> -> memref<640x128xf32, #tpu.memory_space<hbm>>
      %dma_wait3A_48 = arith.constant 0 : i32
      %dma_wait3A_49 = tpu.memref_slice %arg14[%mul3A_2, %dma_wait3A_48] : memref<10240x128xf32, #tpu.memory_space<vmem_shared>> -> memref<640x128xf32, #tpu.memory_space<vmem_shared>>
      tpu.wait_dma2 semaphore(%run_scoped3A : memref<!tpu.dma_semaphore, #tpu.memory_space<semaphore_mem>>) src(%dma_wait3A_49 : memref<640x128xf32, #tpu.memory_space<vmem_shared>>) dst(%dma_wait3A_47 : memref<640x128xf32, #tpu.memory_space<hbm>>)
      tpu.yield
    }) : () -> ()
    return
  }
}

#map = affine_map<(d0, d1) -> (0)>
#map1 = affine_map<(d0, d1) -> (0, 0)>
module attributes {stable_mosaic.version = 14 : i64} {
  func.func @sc_mask_step2(%arg0: i32, %arg1: i32, %arg2: memref<327680xi32, #tpu.memory_space<hbm>>, %arg3: memref<327680xi32, #tpu.memory_space<hbm>>, %arg4: memref<10240xi32, #tpu.memory_space<hbm>>, %arg5: memref<10240xi32, #tpu.memory_space<hbm>>, %arg6: memref<335872xi32, #tpu.memory_space<hbm>>, %arg7: memref<335872xi32, #tpu.memory_space<hbm>>, %arg8: memref<32x16xi32, #tpu.memory_space<hbm>>, %arg9: memref<2x10240xi32, #tpu.memory_space<hbm>>, %arg10: memref<10240xi32, #tpu.memory_space<vmem>>, %arg11: memref<10240xi32, #tpu.memory_space<vmem>>, %arg12: memref<10240xi32, #tpu.memory_space<vmem>>, %arg13: memref<10240xi32, #tpu.memory_space<vmem>>, %arg14: memref<10496xi32, #tpu.memory_space<vmem>>, %arg15: memref<10496xi32, #tpu.memory_space<vmem>>, %arg16: memref<10240xi32, #tpu.memory_space<vmem>>, %arg17: memref<10240xi32, #tpu.memory_space<vmem>>, %arg18: memref<640xi32, #tpu.memory_space<vmem>>, %arg19: memref<16xi32, #tpu.memory_space<vmem>>, %arg20: memref<16x10240xi32, #tpu.memory_space<vmem_shared>>) attributes {dimension_semantics = [#tpu.dimension_semantics<core_parallel>, #tpu.dimension_semantics<subcore_parallel>], iteration_bounds = array<i64: 2, 16>, scalar_prefetch = 0 : i64, scratch_operands = 11 : i64, tpu.core_type = #tpu.core_type<sc_vector_subcore>, window_params = [{transform_indices = #map}, {transform_indices = #map}, {transform_indices = #map}, {transform_indices = #map}, {transform_indices = #map}, {transform_indices = #map}, {transform_indices = #map1}, {transform_indices = #map1}]} {
    %mul3A = arith.constant 16 : i32
    %mul3A_0 = arith.muli %arg0, %mul3A : i32
    %add3A = arith.addi %mul3A_0, %arg1 : i32
    "tpu.region"() ({
      %run_scoped3A_53 = tpu.sem_alloc : memref<!tpu.dma_semaphore, #tpu.memory_space<semaphore_mem>>
      tpu.enqueue_dma source(%arg4 : memref<10240xi32, #tpu.memory_space<hbm>>) target(%arg10 : memref<10240xi32, #tpu.memory_space<vmem>>) target_semaphore(%run_scoped3A_53 : memref<!tpu.dma_semaphore, #tpu.memory_space<semaphore_mem>>)
      tpu.wait_dma2 semaphore(%run_scoped3A_53 : memref<!tpu.dma_semaphore, #tpu.memory_space<semaphore_mem>>) src(%arg4 : memref<10240xi32, #tpu.memory_space<hbm>>) dst(%arg10 : memref<10240xi32, #tpu.memory_space<vmem>>)
      tpu.yield
    }) : () -> ()
    "tpu.region"() ({
      %run_scoped3A_53 = tpu.sem_alloc : memref<!tpu.dma_semaphore, #tpu.memory_space<semaphore_mem>>
      tpu.enqueue_dma source(%arg5 : memref<10240xi32, #tpu.memory_space<hbm>>) target(%arg11 : memref<10240xi32, #tpu.memory_space<vmem>>) target_semaphore(%run_scoped3A_53 : memref<!tpu.dma_semaphore, #tpu.memory_space<semaphore_mem>>)
      tpu.wait_dma2 semaphore(%run_scoped3A_53 : memref<!tpu.dma_semaphore, #tpu.memory_space<semaphore_mem>>) src(%arg5 : memref<10240xi32, #tpu.memory_space<hbm>>) dst(%arg11 : memref<10240xi32, #tpu.memory_space<vmem>>)
      tpu.yield
    }) : () -> ()
    %mul3A_1 = arith.constant 10240 : i32
    %mul3A_2 = arith.muli %add3A, %mul3A_1 : i32
    "tpu.region"() ({
      %run_scoped3A_53 = tpu.sem_alloc : memref<!tpu.dma_semaphore, #tpu.memory_space<semaphore_mem>>
      %dma_start3A = tpu.memref_slice %arg2[%mul3A_2] : memref<327680xi32, #tpu.memory_space<hbm>> -> memref<10240xi32, #tpu.memory_space<hbm>>
      %dma_start3A_54 = tpu.memref_slice %arg2[%mul3A_2] : memref<327680xi32, #tpu.memory_space<hbm>> -> memref<10240xi32, #tpu.memory_space<hbm>>
      tpu.enqueue_dma source(%dma_start3A_54 : memref<10240xi32, #tpu.memory_space<hbm>>) target(%arg12 : memref<10240xi32, #tpu.memory_space<vmem>>) target_semaphore(%run_scoped3A_53 : memref<!tpu.dma_semaphore, #tpu.memory_space<semaphore_mem>>)
      %dma_wait3A = tpu.memref_slice %arg2[%mul3A_2] : memref<327680xi32, #tpu.memory_space<hbm>> -> memref<10240xi32, #tpu.memory_space<hbm>>
      %dma_wait3A_55 = tpu.memref_slice %arg2[%mul3A_2] : memref<327680xi32, #tpu.memory_space<hbm>> -> memref<10240xi32, #tpu.memory_space<hbm>>
      tpu.wait_dma2 semaphore(%run_scoped3A_53 : memref<!tpu.dma_semaphore, #tpu.memory_space<semaphore_mem>>) src(%dma_wait3A_55 : memref<10240xi32, #tpu.memory_space<hbm>>) dst(%arg12 : memref<10240xi32, #tpu.memory_space<vmem>>)
      tpu.yield
    }) : () -> ()
    %mul3A_3 = arith.constant 10240 : i32
    %mul3A_4 = arith.muli %add3A, %mul3A_3 : i32
    "tpu.region"() ({
      %run_scoped3A_53 = tpu.sem_alloc : memref<!tpu.dma_semaphore, #tpu.memory_space<semaphore_mem>>
      %dma_start3A = tpu.memref_slice %arg3[%mul3A_4] : memref<327680xi32, #tpu.memory_space<hbm>> -> memref<10240xi32, #tpu.memory_space<hbm>>
      %dma_start3A_54 = tpu.memref_slice %arg3[%mul3A_4] : memref<327680xi32, #tpu.memory_space<hbm>> -> memref<10240xi32, #tpu.memory_space<hbm>>
      tpu.enqueue_dma source(%dma_start3A_54 : memref<10240xi32, #tpu.memory_space<hbm>>) target(%arg13 : memref<10240xi32, #tpu.memory_space<vmem>>) target_semaphore(%run_scoped3A_53 : memref<!tpu.dma_semaphore, #tpu.memory_space<semaphore_mem>>)
      %dma_wait3A = tpu.memref_slice %arg3[%mul3A_4] : memref<327680xi32, #tpu.memory_space<hbm>> -> memref<10240xi32, #tpu.memory_space<hbm>>
      %dma_wait3A_55 = tpu.memref_slice %arg3[%mul3A_4] : memref<327680xi32, #tpu.memory_space<hbm>> -> memref<10240xi32, #tpu.memory_space<hbm>>
      tpu.wait_dma2 semaphore(%run_scoped3A_53 : memref<!tpu.dma_semaphore, #tpu.memory_space<semaphore_mem>>) src(%dma_wait3A_55 : memref<10240xi32, #tpu.memory_space<hbm>>) dst(%arg13 : memref<10240xi32, #tpu.memory_space<vmem>>)
      tpu.yield
    }) : () -> ()
    %scan3A = arith.constant 0 : i32
    %scan3A_5 = arith.constant 640 : i32
    %scan3A_6 = arith.addi %scan3A, %scan3A_5 : i32
    %scan3A_7 = arith.constant 1 : i32
    scf.for %scan3A_53 = %scan3A to %scan3A_6 step %scan3A_7  : i32 {
      %mul3A_54 = arith.constant 16 : i32
      %mul3A_55 = arith.muli %scan3A_53, %mul3A_54 : i32
      %add3A_56 = arith.constant 0 : i32
      %add3A_57 = arith.addi %add3A_56, %mul3A_55 : i32
      %broadcast_in_dim3A_58 = arith.constant 0 : i32
      %broadcast_in_dim3A_59 = vector.broadcast %broadcast_in_dim3A_58 : i32 to vector<16xi32>
      %swap3A_60 = arith.index_cast %add3A_57 : i32 to index
      %swap3A_61 = tpu.vector_load %arg16[%swap3A_60] {strides = array<i32>} : memref<10240xi32, #tpu.memory_space<vmem>>, vector<16xi32>,
      tpu.vector_store %arg16[%swap3A_60], %broadcast_in_dim3A_59 {strides = array<i32>} : memref<10240xi32, #tpu.memory_space<vmem>>, vector<16xi32>,
    }
    %scan3A_8 = arith.constant 640 : i32
    %broadcast_in_dim3A = arith.constant 10000 : i32
    %broadcast_in_dim3A_9 = vector.broadcast %broadcast_in_dim3A : i32 to vector<16xi32>
    %scan3A_10 = arith.constant 0 : i32
    %scan3A_11 = arith.constant 0 : i32
    %scan3A_12 = arith.constant 640 : i32
    %scan3A_13 = arith.addi %scan3A_11, %scan3A_12 : i32
    %scan3A_14 = arith.constant 1 : i32
    %scan3A_15 = scf.for %scan3A_53 = %scan3A_11 to %scan3A_13 step %scan3A_14 iter_args(%scan3A_54 = %scan3A_10) -> (i32)  : i32 {
      %mul3A_55 = arith.constant 16 : i32
      %mul3A_56 = arith.muli %scan3A_53, %mul3A_55 : i32
      %add3A_57 = arith.constant 0 : i32
      %add3A_58 = arith.addi %add3A_57, %mul3A_56 : i32
      %get3A = arith.index_cast %add3A_58 : i32 to index
      %get3A_59 = tpu.vector_load %arg12[%get3A] {strides = array<i32>} : memref<10240xi32, #tpu.memory_space<vmem>>, vector<16xi32>,
      %get3A_60 = arith.index_cast %add3A_58 : i32 to index
      %get3A_61 = tpu.vector_load %arg13[%get3A_60] {strides = array<i32>} : memref<10240xi32, #tpu.memory_space<vmem>>, vector<16xi32>,
      %gather3A = tpu.vector_load_idx %arg10[%get3A_59] : memref<10240xi32, #tpu.memory_space<vmem>>[vector<16xi32>], vector<16xi32>,
      %gather3A_62 = tpu.vector_load_idx %arg11[%get3A_61] : memref<10240xi32, #tpu.memory_space<vmem>>[vector<16xi32>], vector<16xi32>,
      %gt3A = arith.constant 0 : i32
      %gt3A_63 = vector.broadcast %gt3A : i32 to vector<16xi32>
      %gt3A_64 = arith.cmpi sgt, %gather3A, %gt3A_63 : vector<16xi32>
      %gt3A_65 = arith.constant 0 : i32
      %gt3A_66 = vector.broadcast %gt3A_65 : i32 to vector<16xi32>
      %gt3A_67 = arith.cmpi sgt, %gather3A_62, %gt3A_66 : vector<16xi32>
      %and3A = arith.andi %gt3A_64, %gt3A_67 : vector<16xi1>
      %swap3A_68 = arith.index_cast %scan3A_54 : i32 to index
      %swap3A_69 = tpu.vector_load %arg14[%swap3A_68] masked %and3A {strides = array<i32>} : memref<10496xi32, #tpu.memory_space<vmem>>, vector<16xi32>, vector<16xi1>
      tpu.vector_store %arg14[%swap3A_68], %get3A_59 masked %and3A {strides = array<i32>} : memref<10496xi32, #tpu.memory_space<vmem>>, vector<16xi32>, vector<16xi1>
      %swap3A_70 = arith.index_cast %scan3A_54 : i32 to index
      %swap3A_71 = tpu.vector_load %arg15[%swap3A_70] masked %and3A {strides = array<i32>} : memref<10496xi32, #tpu.memory_space<vmem>>, vector<16xi32>, vector<16xi1>
      tpu.vector_store %arg15[%swap3A_70], %get3A_61 masked %and3A {strides = array<i32>} : memref<10496xi32, #tpu.memory_space<vmem>>, vector<16xi32>, vector<16xi1>
      %broadcast_in_dim3A_72 = arith.constant 1 : i32
      %broadcast_in_dim3A_73 = vector.broadcast %broadcast_in_dim3A_72 : i32 to vector<16xi32>
      tpu.vector_store_idx %arg16[%get3A_61], %broadcast_in_dim3A_73 masked %and3A {add = true} : memref<10240xi32, #tpu.memory_space<vmem>>[vector<16xi32>], vector<16xi32>, vector<16xi1>
      %convert_element_type3A = arith.extui %and3A : vector<16xi1> to vector<16xi32>
      %reduce_sum3A = arith.constant true
      %reduce_sum3A_74 = vector.broadcast %reduce_sum3A : i1 to vector<16xi1>
      %reduce_sum3A_75 = tpu.scan <sum>, %convert_element_type3A masked %reduce_sum3A_74 : vector<16xi32>, vector<16xi1> -> vector<16xi32>
      %reduce_sum3A_76 = vector.extract %reduce_sum3A_75[15] : i32 from vector<16xi32>
      %add3A_77 = arith.addi %scan3A_54, %reduce_sum3A_76 : i32
      scf.yield %add3A_77 : i32
    }
    %scan3A_16 = arith.constant 640 : i32
    %iota3A = tpu.iota {dimensions = array<i32: 0>} : vector<16xi32>
    %scan3A_17 = arith.constant 0 : i32
    %scan3A_18 = arith.constant 16 : i32
    %scan3A_19 = arith.addi %scan3A_17, %scan3A_18 : i32
    %scan3A_20 = arith.constant 1 : i32
    scf.for %scan3A_53 = %scan3A_17 to %scan3A_19 step %scan3A_20  : i32 {
      %mul3A_54 = arith.constant 16 : i32
      %mul3A_55 = arith.muli %scan3A_53, %mul3A_54 : i32
      %add3A_56 = arith.constant 0 : i32
      %add3A_57 = arith.addi %add3A_56, %mul3A_55 : i32
      %add3A_58 = vector.broadcast %add3A_57 : i32 to vector<16xi32>
      %add3A_59 = arith.addi %iota3A, %add3A_58 : vector<16xi32>
      %and3A = arith.constant 127 : i32
      %and3A_60 = vector.broadcast %and3A : i32 to vector<16xi32>
      %and3A_61 = arith.andi %add3A_59, %and3A_60 : vector<16xi32>
      %add3A_62 = arith.constant 10000 : i32
      %add3A_63 = vector.broadcast %add3A_62 : i32 to vector<16xi32>
      %add3A_64 = arith.addi %add3A_63, %and3A_61 : vector<16xi32>
      %add3A_65 = arith.addi %scan3A_15, %add3A_57 : i32
      %swap3A_66 = arith.index_cast %add3A_65 : i32 to index
      %swap3A_67 = tpu.vector_load %arg14[%swap3A_66] {strides = array<i32>} : memref<10496xi32, #tpu.memory_space<vmem>>, vector<16xi32>,
      tpu.vector_store %arg14[%swap3A_66], %add3A_64 {strides = array<i32>} : memref<10496xi32, #tpu.memory_space<vmem>>, vector<16xi32>,
      %add3A_68 = arith.addi %scan3A_15, %add3A_57 : i32
      %swap3A_69 = arith.index_cast %add3A_68 : i32 to index
      %swap3A_70 = tpu.vector_load %arg15[%swap3A_69] {strides = array<i32>} : memref<10496xi32, #tpu.memory_space<vmem>>, vector<16xi32>,
      tpu.vector_store %arg15[%swap3A_69], %add3A_64 {strides = array<i32>} : memref<10496xi32, #tpu.memory_space<vmem>>, vector<16xi32>,
    }
    %scan3A_21 = arith.constant 16 : i32
    %add3A_22 = arith.constant 127 : i32
    %add3A_23 = arith.addi %scan3A_15, %add3A_22 : i32
    %shift_right_logical3A = arith.constant 7 : i32
    %shift_right_logical3A_24 = arith.shrui %add3A_23, %shift_right_logical3A : i32
    %broadcast_in_dim3A_25 = vector.broadcast %shift_right_logical3A_24 : i32 to vector<16xi32>
    %swap3A = arith.constant 0 : index
    %swap3A_26 = tpu.vector_load %arg19[%swap3A] {strides = array<i32>} : memref<16xi32, #tpu.memory_space<vmem>>, vector<16xi32>,
    tpu.vector_store %arg19[%swap3A], %broadcast_in_dim3A_25 {strides = array<i32>} : memref<16xi32, #tpu.memory_space<vmem>>, vector<16xi32>,
    %mul3A_27 = arith.constant 10496 : i32
    %mul3A_28 = arith.muli %add3A, %mul3A_27 : i32
    "tpu.region"() ({
      %run_scoped3A_53 = tpu.sem_alloc : memref<!tpu.dma_semaphore, #tpu.memory_space<semaphore_mem>>
      %dma_start3A = tpu.memref_slice %arg6[%mul3A_28] : memref<335872xi32, #tpu.memory_space<hbm>> -> memref<10496xi32, #tpu.memory_space<hbm>>
      %dma_start3A_54 = tpu.memref_slice %arg6[%mul3A_28] : memref<335872xi32, #tpu.memory_space<hbm>> -> memref<10496xi32, #tpu.memory_space<hbm>>
      tpu.enqueue_dma source(%arg14 : memref<10496xi32, #tpu.memory_space<vmem>>) target(%dma_start3A_54 : memref<10496xi32, #tpu.memory_space<hbm>>) target_semaphore(%run_scoped3A_53 : memref<!tpu.dma_semaphore, #tpu.memory_space<semaphore_mem>>)
      %dma_wait3A = tpu.memref_slice %arg6[%mul3A_28] : memref<335872xi32, #tpu.memory_space<hbm>> -> memref<10496xi32, #tpu.memory_space<hbm>>
      %dma_wait3A_55 = tpu.memref_slice %arg6[%mul3A_28] : memref<335872xi32, #tpu.memory_space<hbm>> -> memref<10496xi32, #tpu.memory_space<hbm>>
      tpu.wait_dma2 semaphore(%run_scoped3A_53 : memref<!tpu.dma_semaphore, #tpu.memory_space<semaphore_mem>>) src(%arg14 : memref<10496xi32, #tpu.memory_space<vmem>>) dst(%dma_wait3A_55 : memref<10496xi32, #tpu.memory_space<hbm>>)
      tpu.yield
    }) : () -> ()
    %mul3A_29 = arith.constant 10496 : i32
    %mul3A_30 = arith.muli %add3A, %mul3A_29 : i32
    "tpu.region"() ({
      %run_scoped3A_53 = tpu.sem_alloc : memref<!tpu.dma_semaphore, #tpu.memory_space<semaphore_mem>>
      %dma_start3A = tpu.memref_slice %arg7[%mul3A_30] : memref<335872xi32, #tpu.memory_space<hbm>> -> memref<10496xi32, #tpu.memory_space<hbm>>
      %dma_start3A_54 = tpu.memref_slice %arg7[%mul3A_30] : memref<335872xi32, #tpu.memory_space<hbm>> -> memref<10496xi32, #tpu.memory_space<hbm>>
      tpu.enqueue_dma source(%arg15 : memref<10496xi32, #tpu.memory_space<vmem>>) target(%dma_start3A_54 : memref<10496xi32, #tpu.memory_space<hbm>>) target_semaphore(%run_scoped3A_53 : memref<!tpu.dma_semaphore, #tpu.memory_space<semaphore_mem>>)
      %dma_wait3A = tpu.memref_slice %arg7[%mul3A_30] : memref<335872xi32, #tpu.memory_space<hbm>> -> memref<10496xi32, #tpu.memory_space<hbm>>
      %dma_wait3A_55 = tpu.memref_slice %arg7[%mul3A_30] : memref<335872xi32, #tpu.memory_space<hbm>> -> memref<10496xi32, #tpu.memory_space<hbm>>
      tpu.wait_dma2 semaphore(%run_scoped3A_53 : memref<!tpu.dma_semaphore, #tpu.memory_space<semaphore_mem>>) src(%arg15 : memref<10496xi32, #tpu.memory_space<vmem>>) dst(%dma_wait3A_55 : memref<10496xi32, #tpu.memory_space<hbm>>)
      tpu.yield
    }) : () -> ()
    "tpu.region"() ({
      %run_scoped3A_53 = tpu.sem_alloc : memref<!tpu.dma_semaphore, #tpu.memory_space<semaphore_mem>>
      %dma_start3A = arith.constant 0 : i32
      %dma_start3A_54 = tpu.memref_slice %arg8[%add3A, %dma_start3A] : memref<32x16xi32, #tpu.memory_space<hbm>> -> memref<1x16xi32, #tpu.memory_space<hbm>>
      %dma_start3A_55 = tpu.memref_squeeze %dma_start3A_54 : memref<1x16xi32, #tpu.memory_space<hbm>> -> memref<16xi32, #tpu.memory_space<hbm>>
      %dma_start3A_56 = arith.constant 0 : i32
      %dma_start3A_57 = tpu.memref_slice %arg8[%add3A, %dma_start3A_56] : memref<32x16xi32, #tpu.memory_space<hbm>> -> memref<1x16xi32, #tpu.memory_space<hbm>>
      %dma_start3A_58 = tpu.memref_squeeze %dma_start3A_57 : memref<1x16xi32, #tpu.memory_space<hbm>> -> memref<16xi32, #tpu.memory_space<hbm>>
      tpu.enqueue_dma source(%arg19 : memref<16xi32, #tpu.memory_space<vmem>>) target(%dma_start3A_58 : memref<16xi32, #tpu.memory_space<hbm>>) target_semaphore(%run_scoped3A_53 : memref<!tpu.dma_semaphore, #tpu.memory_space<semaphore_mem>>)
      %dma_wait3A = arith.constant 0 : i32
      %dma_wait3A_59 = tpu.memref_slice %arg8[%add3A, %dma_wait3A] : memref<32x16xi32, #tpu.memory_space<hbm>> -> memref<1x16xi32, #tpu.memory_space<hbm>>
      %dma_wait3A_60 = tpu.memref_squeeze %dma_wait3A_59 : memref<1x16xi32, #tpu.memory_space<hbm>> -> memref<16xi32, #tpu.memory_space<hbm>>
      %dma_wait3A_61 = arith.constant 0 : i32
      %dma_wait3A_62 = tpu.memref_slice %arg8[%add3A, %dma_wait3A_61] : memref<32x16xi32, #tpu.memory_space<hbm>> -> memref<1x16xi32, #tpu.memory_space<hbm>>
      %dma_wait3A_63 = tpu.memref_squeeze %dma_wait3A_62 : memref<1x16xi32, #tpu.memory_space<hbm>> -> memref<16xi32, #tpu.memory_space<hbm>>
      tpu.wait_dma2 semaphore(%run_scoped3A_53 : memref<!tpu.dma_semaphore, #tpu.memory_space<semaphore_mem>>) src(%arg19 : memref<16xi32, #tpu.memory_space<vmem>>) dst(%dma_wait3A_63 : memref<16xi32, #tpu.memory_space<hbm>>)
      tpu.yield
    }) : () -> ()
    "tpu.region"() ({
      %run_scoped3A_53 = tpu.sem_alloc : memref<!tpu.dma_semaphore, #tpu.memory_space<semaphore_mem>>
      %dma_start3A = arith.constant 0 : i32
      %dma_start3A_54 = tpu.memref_slice %arg20[%arg1, %dma_start3A] : memref<16x10240xi32, #tpu.memory_space<vmem_shared>> -> memref<1x10240xi32, #tpu.memory_space<vmem_shared>>
      %dma_start3A_55 = tpu.memref_squeeze %dma_start3A_54 : memref<1x10240xi32, #tpu.memory_space<vmem_shared>> -> memref<10240xi32, #tpu.memory_space<vmem_shared>>
      %dma_start3A_56 = arith.constant 0 : i32
      %dma_start3A_57 = tpu.memref_slice %arg20[%arg1, %dma_start3A_56] : memref<16x10240xi32, #tpu.memory_space<vmem_shared>> -> memref<1x10240xi32, #tpu.memory_space<vmem_shared>>
      %dma_start3A_58 = tpu.memref_squeeze %dma_start3A_57 : memref<1x10240xi32, #tpu.memory_space<vmem_shared>> -> memref<10240xi32, #tpu.memory_space<vmem_shared>>
      tpu.enqueue_dma source(%arg16 : memref<10240xi32, #tpu.memory_space<vmem>>) target(%dma_start3A_58 : memref<10240xi32, #tpu.memory_space<vmem_shared>>) target_semaphore(%run_scoped3A_53 : memref<!tpu.dma_semaphore, #tpu.memory_space<semaphore_mem>>)
      %dma_wait3A = arith.constant 0 : i32
      %dma_wait3A_59 = tpu.memref_slice %arg20[%arg1, %dma_wait3A] : memref<16x10240xi32, #tpu.memory_space<vmem_shared>> -> memref<1x10240xi32, #tpu.memory_space<vmem_shared>>
      %dma_wait3A_60 = tpu.memref_squeeze %dma_wait3A_59 : memref<1x10240xi32, #tpu.memory_space<vmem_shared>> -> memref<10240xi32, #tpu.memory_space<vmem_shared>>
      %dma_wait3A_61 = arith.constant 0 : i32
      %dma_wait3A_62 = tpu.memref_slice %arg20[%arg1, %dma_wait3A_61] : memref<16x10240xi32, #tpu.memory_space<vmem_shared>> -> memref<1x10240xi32, #tpu.memory_space<vmem_shared>>
      %dma_wait3A_63 = tpu.memref_squeeze %dma_wait3A_62 : memref<1x10240xi32, #tpu.memory_space<vmem_shared>> -> memref<10240xi32, #tpu.memory_space<vmem_shared>>
      tpu.wait_dma2 semaphore(%run_scoped3A_53 : memref<!tpu.dma_semaphore, #tpu.memory_space<semaphore_mem>>) src(%arg16 : memref<10240xi32, #tpu.memory_space<vmem>>) dst(%dma_wait3A_63 : memref<10240xi32, #tpu.memory_space<vmem_shared>>)
      tpu.yield
    }) : () -> ()
    %barrier3A = arith.constant 0 : index
    tpu.barrier barrier_id(%barrier3A)
    %mul3A_31 = arith.constant 640 : i32
    %mul3A_32 = arith.muli %arg1, %mul3A_31 : i32
    %run_scoped3A = arith.constant 0 : i32
    "tpu.region"() ({
      %run_scoped3A_53 = tpu.sem_alloc : memref<!tpu.dma_semaphore, #tpu.memory_space<semaphore_mem>>
      %dma_start3A = arith.constant 0 : i32
      %dma_start3A_54 = tpu.memref_slice %arg17[%dma_start3A] : memref<10240xi32, #tpu.memory_space<vmem>> -> memref<640xi32, #tpu.memory_space<vmem>>
      %dma_start3A_55 = tpu.memref_slice %arg20[%run_scoped3A, %mul3A_32] : memref<16x10240xi32, #tpu.memory_space<vmem_shared>> -> memref<1x640xi32, #tpu.memory_space<vmem_shared>>
      %dma_start3A_56 = tpu.memref_squeeze %dma_start3A_55 : memref<1x640xi32, #tpu.memory_space<vmem_shared>> -> memref<640xi32, #tpu.memory_space<vmem_shared>>
      %dma_start3A_57 = arith.constant 0 : i32
      %dma_start3A_58 = tpu.memref_slice %arg17[%dma_start3A_57] : memref<10240xi32, #tpu.memory_space<vmem>> -> memref<640xi32, #tpu.memory_space<vmem>>
      %dma_start3A_59 = tpu.memref_slice %arg20[%run_scoped3A, %mul3A_32] : memref<16x10240xi32, #tpu.memory_space<vmem_shared>> -> memref<1x640xi32, #tpu.memory_space<vmem_shared>>
      %dma_start3A_60 = tpu.memref_squeeze %dma_start3A_59 : memref<1x640xi32, #tpu.memory_space<vmem_shared>> -> memref<640xi32, #tpu.memory_space<vmem_shared>>
      tpu.enqueue_dma source(%dma_start3A_60 : memref<640xi32, #tpu.memory_space<vmem_shared>>) target(%dma_start3A_58 : memref<640xi32, #tpu.memory_space<vmem>>) target_semaphore(%run_scoped3A_53 : memref<!tpu.dma_semaphore, #tpu.memory_space<semaphore_mem>>)
      %dma_wait3A = arith.constant 0 : i32
      %dma_wait3A_61 = tpu.memref_slice %arg17[%dma_wait3A] : memref<10240xi32, #tpu.memory_space<vmem>> -> memref<640xi32, #tpu.memory_space<vmem>>
      %dma_wait3A_62 = tpu.memref_slice %arg20[%run_scoped3A, %mul3A_32] : memref<16x10240xi32, #tpu.memory_space<vmem_shared>> -> memref<1x640xi32, #tpu.memory_space<vmem_shared>>
      %dma_wait3A_63 = tpu.memref_squeeze %dma_wait3A_62 : memref<1x640xi32, #tpu.memory_space<vmem_shared>> -> memref<640xi32, #tpu.memory_space<vmem_shared>>
      %dma_wait3A_64 = arith.constant 0 : i32
      %dma_wait3A_65 = tpu.memref_slice %arg17[%dma_wait3A_64] : memref<10240xi32, #tpu.memory_space<vmem>> -> memref<640xi32, #tpu.memory_space<vmem>>
      %dma_wait3A_66 = tpu.memref_slice %arg20[%run_scoped3A, %mul3A_32] : memref<16x10240xi32, #tpu.memory_space<vmem_shared>> -> memref<1x640xi32, #tpu.memory_space<vmem_shared>>
      %dma_wait3A_67 = tpu.memref_squeeze %dma_wait3A_66 : memref<1x640xi32, #tpu.memory_space<vmem_shared>> -> memref<640xi32, #tpu.memory_space<vmem_shared>>
      tpu.wait_dma2 semaphore(%run_scoped3A_53 : memref<!tpu.dma_semaphore, #tpu.memory_space<semaphore_mem>>) src(%dma_wait3A_67 : memref<640xi32, #tpu.memory_space<vmem_shared>>) dst(%dma_wait3A_65 : memref<640xi32, #tpu.memory_space<vmem>>)
      tpu.yield
    }) : () -> ()
    %run_scoped3A_33 = arith.constant 1 : i32
    "tpu.region"() ({
      %run_scoped3A_53 = tpu.sem_alloc : memref<!tpu.dma_semaphore, #tpu.memory_space<semaphore_mem>>
      %dma_start3A = arith.constant 640 : i32
      %dma_start3A_54 = tpu.memref_slice %arg17[%dma_start3A] : memref<10240xi32, #tpu.memory_space<vmem>> -> memref<640xi32, #tpu.memory_space<vmem>>
      %dma_start3A_55 = tpu.memref_slice %arg20[%run_scoped3A_33, %mul3A_32] : memref<16x10240xi32, #tpu.memory_space<vmem_shared>> -> memref<1x640xi32, #tpu.memory_space<vmem_shared>>
      %dma_start3A_56 = tpu.memref_squeeze %dma_start3A_55 : memref<1x640xi32, #tpu.memory_space<vmem_shared>> -> memref<640xi32, #tpu.memory_space<vmem_shared>>
      %dma_start3A_57 = arith.constant 640 : i32
      %dma_start3A_58 = tpu.memref_slice %arg17[%dma_start3A_57] : memref<10240xi32, #tpu.memory_space<vmem>> -> memref<640xi32, #tpu.memory_space<vmem>>
      %dma_start3A_59 = tpu.memref_slice %arg20[%run_scoped3A_33, %mul3A_32] : memref<16x10240xi32, #tpu.memory_space<vmem_shared>> -> memref<1x640xi32, #tpu.memory_space<vmem_shared>>
      %dma_start3A_60 = tpu.memref_squeeze %dma_start3A_59 : memref<1x640xi32, #tpu.memory_space<vmem_shared>> -> memref<640xi32, #tpu.memory_space<vmem_shared>>
      tpu.enqueue_dma source(%dma_start3A_60 : memref<640xi32, #tpu.memory_space<vmem_shared>>) target(%dma_start3A_58 : memref<640xi32, #tpu.memory_space<vmem>>) target_semaphore(%run_scoped3A_53 : memref<!tpu.dma_semaphore, #tpu.memory_space<semaphore_mem>>)
      %dma_wait3A = arith.constant 640 : i32
      %dma_wait3A_61 = tpu.memref_slice %arg17[%dma_wait3A] : memref<10240xi32, #tpu.memory_space<vmem>> -> memref<640xi32, #tpu.memory_space<vmem>>
      %dma_wait3A_62 = tpu.memref_slice %arg20[%run_scoped3A_33, %mul3A_32] : memref<16x10240xi32, #tpu.memory_space<vmem_shared>> -> memref<1x640xi32, #tpu.memory_space<vmem_shared>>
      %dma_wait3A_63 = tpu.memref_squeeze %dma_wait3A_62 : memref<1x640xi32, #tpu.memory_space<vmem_shared>> -> memref<640xi32, #tpu.memory_space<vmem_shared>>
      %dma_wait3A_64 = arith.constant 640 : i32
      %dma_wait3A_65 = tpu.memref_slice %arg17[%dma_wait3A_64] : memref<10240xi32, #tpu.memory_space<vmem>> -> memref<640xi32, #tpu.memory_space<vmem>>
      %dma_wait3A_66 = tpu.memref_slice %arg20[%run_scoped3A_33, %mul3A_32] : memref<16x10240xi32, #tpu.memory_space<vmem_shared>> -> memref<1x640xi32, #tpu.memory_space<vmem_shared>>
      %dma_wait3A_67 = tpu.memref_squeeze %dma_wait3A_66 : memref<1x640xi32, #tpu.memory_space<vmem_shared>> -> memref<640xi32, #tpu.memory_space<vmem_shared>>
      tpu.wait_dma2 semaphore(%run_scoped3A_53 : memref<!tpu.dma_semaphore, #tpu.memory_space<semaphore_mem>>) src(%dma_wait3A_67 : memref<640xi32, #tpu.memory_space<vmem_shared>>) dst(%dma_wait3A_65 : memref<640xi32, #tpu.memory_space<vmem>>)
      tpu.yield
    }) : () -> ()
    %run_scoped3A_34 = arith.constant 2 : i32
    "tpu.region"() ({
      %run_scoped3A_53 = tpu.sem_alloc : memref<!tpu.dma_semaphore, #tpu.memory_space<semaphore_mem>>
      %dma_start3A = arith.constant 1280 : i32
      %dma_start3A_54 = tpu.memref_slice %arg17[%dma_start3A] : memref<10240xi32, #tpu.memory_space<vmem>> -> memref<640xi32, #tpu.memory_space<vmem>>
      %dma_start3A_55 = tpu.memref_slice %arg20[%run_scoped3A_34, %mul3A_32] : memref<16x10240xi32, #tpu.memory_space<vmem_shared>> -> memref<1x640xi32, #tpu.memory_space<vmem_shared>>
      %dma_start3A_56 = tpu.memref_squeeze %dma_start3A_55 : memref<1x640xi32, #tpu.memory_space<vmem_shared>> -> memref<640xi32, #tpu.memory_space<vmem_shared>>
      %dma_start3A_57 = arith.constant 1280 : i32
      %dma_start3A_58 = tpu.memref_slice %arg17[%dma_start3A_57] : memref<10240xi32, #tpu.memory_space<vmem>> -> memref<640xi32, #tpu.memory_space<vmem>>
      %dma_start3A_59 = tpu.memref_slice %arg20[%run_scoped3A_34, %mul3A_32] : memref<16x10240xi32, #tpu.memory_space<vmem_shared>> -> memref<1x640xi32, #tpu.memory_space<vmem_shared>>
      %dma_start3A_60 = tpu.memref_squeeze %dma_start3A_59 : memref<1x640xi32, #tpu.memory_space<vmem_shared>> -> memref<640xi32, #tpu.memory_space<vmem_shared>>
      tpu.enqueue_dma source(%dma_start3A_60 : memref<640xi32, #tpu.memory_space<vmem_shared>>) target(%dma_start3A_58 : memref<640xi32, #tpu.memory_space<vmem>>) target_semaphore(%run_scoped3A_53 : memref<!tpu.dma_semaphore, #tpu.memory_space<semaphore_mem>>)
      %dma_wait3A = arith.constant 1280 : i32
      %dma_wait3A_61 = tpu.memref_slice %arg17[%dma_wait3A] : memref<10240xi32, #tpu.memory_space<vmem>> -> memref<640xi32, #tpu.memory_space<vmem>>
      %dma_wait3A_62 = tpu.memref_slice %arg20[%run_scoped3A_34, %mul3A_32] : memref<16x10240xi32, #tpu.memory_space<vmem_shared>> -> memref<1x640xi32, #tpu.memory_space<vmem_shared>>
      %dma_wait3A_63 = tpu.memref_squeeze %dma_wait3A_62 : memref<1x640xi32, #tpu.memory_space<vmem_shared>> -> memref<640xi32, #tpu.memory_space<vmem_shared>>
      %dma_wait3A_64 = arith.constant 1280 : i32
      %dma_wait3A_65 = tpu.memref_slice %arg17[%dma_wait3A_64] : memref<10240xi32, #tpu.memory_space<vmem>> -> memref<640xi32, #tpu.memory_space<vmem>>
      %dma_wait3A_66 = tpu.memref_slice %arg20[%run_scoped3A_34, %mul3A_32] : memref<16x10240xi32, #tpu.memory_space<vmem_shared>> -> memref<1x640xi32, #tpu.memory_space<vmem_shared>>
      %dma_wait3A_67 = tpu.memref_squeeze %dma_wait3A_66 : memref<1x640xi32, #tpu.memory_space<vmem_shared>> -> memref<640xi32, #tpu.memory_space<vmem_shared>>
      tpu.wait_dma2 semaphore(%run_scoped3A_53 : memref<!tpu.dma_semaphore, #tpu.memory_space<semaphore_mem>>) src(%dma_wait3A_67 : memref<640xi32, #tpu.memory_space<vmem_shared>>) dst(%dma_wait3A_65 : memref<640xi32, #tpu.memory_space<vmem>>)
      tpu.yield
    }) : () -> ()
    %run_scoped3A_35 = arith.constant 3 : i32
    "tpu.region"() ({
      %run_scoped3A_53 = tpu.sem_alloc : memref<!tpu.dma_semaphore, #tpu.memory_space<semaphore_mem>>
      %dma_start3A = arith.constant 1920 : i32
      %dma_start3A_54 = tpu.memref_slice %arg17[%dma_start3A] : memref<10240xi32, #tpu.memory_space<vmem>> -> memref<640xi32, #tpu.memory_space<vmem>>
      %dma_start3A_55 = tpu.memref_slice %arg20[%run_scoped3A_35, %mul3A_32] : memref<16x10240xi32, #tpu.memory_space<vmem_shared>> -> memref<1x640xi32, #tpu.memory_space<vmem_shared>>
      %dma_start3A_56 = tpu.memref_squeeze %dma_start3A_55 : memref<1x640xi32, #tpu.memory_space<vmem_shared>> -> memref<640xi32, #tpu.memory_space<vmem_shared>>
      %dma_start3A_57 = arith.constant 1920 : i32
      %dma_start3A_58 = tpu.memref_slice %arg17[%dma_start3A_57] : memref<10240xi32, #tpu.memory_space<vmem>> -> memref<640xi32, #tpu.memory_space<vmem>>
      %dma_start3A_59 = tpu.memref_slice %arg20[%run_scoped3A_35, %mul3A_32] : memref<16x10240xi32, #tpu.memory_space<vmem_shared>> -> memref<1x640xi32, #tpu.memory_space<vmem_shared>>
      %dma_start3A_60 = tpu.memref_squeeze %dma_start3A_59 : memref<1x640xi32, #tpu.memory_space<vmem_shared>> -> memref<640xi32, #tpu.memory_space<vmem_shared>>
      tpu.enqueue_dma source(%dma_start3A_60 : memref<640xi32, #tpu.memory_space<vmem_shared>>) target(%dma_start3A_58 : memref<640xi32, #tpu.memory_space<vmem>>) target_semaphore(%run_scoped3A_53 : memref<!tpu.dma_semaphore, #tpu.memory_space<semaphore_mem>>)
      %dma_wait3A = arith.constant 1920 : i32
      %dma_wait3A_61 = tpu.memref_slice %arg17[%dma_wait3A] : memref<10240xi32, #tpu.memory_space<vmem>> -> memref<640xi32, #tpu.memory_space<vmem>>
      %dma_wait3A_62 = tpu.memref_slice %arg20[%run_scoped3A_35, %mul3A_32] : memref<16x10240xi32, #tpu.memory_space<vmem_shared>> -> memref<1x640xi32, #tpu.memory_space<vmem_shared>>
      %dma_wait3A_63 = tpu.memref_squeeze %dma_wait3A_62 : memref<1x640xi32, #tpu.memory_space<vmem_shared>> -> memref<640xi32, #tpu.memory_space<vmem_shared>>
      %dma_wait3A_64 = arith.constant 1920 : i32
      %dma_wait3A_65 = tpu.memref_slice %arg17[%dma_wait3A_64] : memref<10240xi32, #tpu.memory_space<vmem>> -> memref<640xi32, #tpu.memory_space<vmem>>
      %dma_wait3A_66 = tpu.memref_slice %arg20[%run_scoped3A_35, %mul3A_32] : memref<16x10240xi32, #tpu.memory_space<vmem_shared>> -> memref<1x640xi32, #tpu.memory_space<vmem_shared>>
      %dma_wait3A_67 = tpu.memref_squeeze %dma_wait3A_66 : memref<1x640xi32, #tpu.memory_space<vmem_shared>> -> memref<640xi32, #tpu.memory_space<vmem_shared>>
      tpu.wait_dma2 semaphore(%run_scoped3A_53 : memref<!tpu.dma_semaphore, #tpu.memory_space<semaphore_mem>>) src(%dma_wait3A_67 : memref<640xi32, #tpu.memory_space<vmem_shared>>) dst(%dma_wait3A_65 : memref<640xi32, #tpu.memory_space<vmem>>)
      tpu.yield
    }) : () -> ()
    %run_scoped3A_36 = arith.constant 4 : i32
    "tpu.region"() ({
      %run_scoped3A_53 = tpu.sem_alloc : memref<!tpu.dma_semaphore, #tpu.memory_space<semaphore_mem>>
      %dma_start3A = arith.constant 2560 : i32
      %dma_start3A_54 = tpu.memref_slice %arg17[%dma_start3A] : memref<10240xi32, #tpu.memory_space<vmem>> -> memref<640xi32, #tpu.memory_space<vmem>>
      %dma_start3A_55 = tpu.memref_slice %arg20[%run_scoped3A_36, %mul3A_32] : memref<16x10240xi32, #tpu.memory_space<vmem_shared>> -> memref<1x640xi32, #tpu.memory_space<vmem_shared>>
      %dma_start3A_56 = tpu.memref_squeeze %dma_start3A_55 : memref<1x640xi32, #tpu.memory_space<vmem_shared>> -> memref<640xi32, #tpu.memory_space<vmem_shared>>
      %dma_start3A_57 = arith.constant 2560 : i32
      %dma_start3A_58 = tpu.memref_slice %arg17[%dma_start3A_57] : memref<10240xi32, #tpu.memory_space<vmem>> -> memref<640xi32, #tpu.memory_space<vmem>>
      %dma_start3A_59 = tpu.memref_slice %arg20[%run_scoped3A_36, %mul3A_32] : memref<16x10240xi32, #tpu.memory_space<vmem_shared>> -> memref<1x640xi32, #tpu.memory_space<vmem_shared>>
      %dma_start3A_60 = tpu.memref_squeeze %dma_start3A_59 : memref<1x640xi32, #tpu.memory_space<vmem_shared>> -> memref<640xi32, #tpu.memory_space<vmem_shared>>
      tpu.enqueue_dma source(%dma_start3A_60 : memref<640xi32, #tpu.memory_space<vmem_shared>>) target(%dma_start3A_58 : memref<640xi32, #tpu.memory_space<vmem>>) target_semaphore(%run_scoped3A_53 : memref<!tpu.dma_semaphore, #tpu.memory_space<semaphore_mem>>)
      %dma_wait3A = arith.constant 2560 : i32
      %dma_wait3A_61 = tpu.memref_slice %arg17[%dma_wait3A] : memref<10240xi32, #tpu.memory_space<vmem>> -> memref<640xi32, #tpu.memory_space<vmem>>
      %dma_wait3A_62 = tpu.memref_slice %arg20[%run_scoped3A_36, %mul3A_32] : memref<16x10240xi32, #tpu.memory_space<vmem_shared>> -> memref<1x640xi32, #tpu.memory_space<vmem_shared>>
      %dma_wait3A_63 = tpu.memref_squeeze %dma_wait3A_62 : memref<1x640xi32, #tpu.memory_space<vmem_shared>> -> memref<640xi32, #tpu.memory_space<vmem_shared>>
      %dma_wait3A_64 = arith.constant 2560 : i32
      %dma_wait3A_65 = tpu.memref_slice %arg17[%dma_wait3A_64] : memref<10240xi32, #tpu.memory_space<vmem>> -> memref<640xi32, #tpu.memory_space<vmem>>
      %dma_wait3A_66 = tpu.memref_slice %arg20[%run_scoped3A_36, %mul3A_32] : memref<16x10240xi32, #tpu.memory_space<vmem_shared>> -> memref<1x640xi32, #tpu.memory_space<vmem_shared>>
      %dma_wait3A_67 = tpu.memref_squeeze %dma_wait3A_66 : memref<1x640xi32, #tpu.memory_space<vmem_shared>> -> memref<640xi32, #tpu.memory_space<vmem_shared>>
      tpu.wait_dma2 semaphore(%run_scoped3A_53 : memref<!tpu.dma_semaphore, #tpu.memory_space<semaphore_mem>>) src(%dma_wait3A_67 : memref<640xi32, #tpu.memory_space<vmem_shared>>) dst(%dma_wait3A_65 : memref<640xi32, #tpu.memory_space<vmem>>)
      tpu.yield
    }) : () -> ()
    %run_scoped3A_37 = arith.constant 5 : i32
    "tpu.region"() ({
      %run_scoped3A_53 = tpu.sem_alloc : memref<!tpu.dma_semaphore, #tpu.memory_space<semaphore_mem>>
      %dma_start3A = arith.constant 3200 : i32
      %dma_start3A_54 = tpu.memref_slice %arg17[%dma_start3A] : memref<10240xi32, #tpu.memory_space<vmem>> -> memref<640xi32, #tpu.memory_space<vmem>>
      %dma_start3A_55 = tpu.memref_slice %arg20[%run_scoped3A_37, %mul3A_32] : memref<16x10240xi32, #tpu.memory_space<vmem_shared>> -> memref<1x640xi32, #tpu.memory_space<vmem_shared>>
      %dma_start3A_56 = tpu.memref_squeeze %dma_start3A_55 : memref<1x640xi32, #tpu.memory_space<vmem_shared>> -> memref<640xi32, #tpu.memory_space<vmem_shared>>
      %dma_start3A_57 = arith.constant 3200 : i32
      %dma_start3A_58 = tpu.memref_slice %arg17[%dma_start3A_57] : memref<10240xi32, #tpu.memory_space<vmem>> -> memref<640xi32, #tpu.memory_space<vmem>>
      %dma_start3A_59 = tpu.memref_slice %arg20[%run_scoped3A_37, %mul3A_32] : memref<16x10240xi32, #tpu.memory_space<vmem_shared>> -> memref<1x640xi32, #tpu.memory_space<vmem_shared>>
      %dma_start3A_60 = tpu.memref_squeeze %dma_start3A_59 : memref<1x640xi32, #tpu.memory_space<vmem_shared>> -> memref<640xi32, #tpu.memory_space<vmem_shared>>
      tpu.enqueue_dma source(%dma_start3A_60 : memref<640xi32, #tpu.memory_space<vmem_shared>>) target(%dma_start3A_58 : memref<640xi32, #tpu.memory_space<vmem>>) target_semaphore(%run_scoped3A_53 : memref<!tpu.dma_semaphore, #tpu.memory_space<semaphore_mem>>)
      %dma_wait3A = arith.constant 3200 : i32
      %dma_wait3A_61 = tpu.memref_slice %arg17[%dma_wait3A] : memref<10240xi32, #tpu.memory_space<vmem>> -> memref<640xi32, #tpu.memory_space<vmem>>
      %dma_wait3A_62 = tpu.memref_slice %arg20[%run_scoped3A_37, %mul3A_32] : memref<16x10240xi32, #tpu.memory_space<vmem_shared>> -> memref<1x640xi32, #tpu.memory_space<vmem_shared>>
      %dma_wait3A_63 = tpu.memref_squeeze %dma_wait3A_62 : memref<1x640xi32, #tpu.memory_space<vmem_shared>> -> memref<640xi32, #tpu.memory_space<vmem_shared>>
      %dma_wait3A_64 = arith.constant 3200 : i32
      %dma_wait3A_65 = tpu.memref_slice %arg17[%dma_wait3A_64] : memref<10240xi32, #tpu.memory_space<vmem>> -> memref<640xi32, #tpu.memory_space<vmem>>
      %dma_wait3A_66 = tpu.memref_slice %arg20[%run_scoped3A_37, %mul3A_32] : memref<16x10240xi32, #tpu.memory_space<vmem_shared>> -> memref<1x640xi32, #tpu.memory_space<vmem_shared>>
      %dma_wait3A_67 = tpu.memref_squeeze %dma_wait3A_66 : memref<1x640xi32, #tpu.memory_space<vmem_shared>> -> memref<640xi32, #tpu.memory_space<vmem_shared>>
      tpu.wait_dma2 semaphore(%run_scoped3A_53 : memref<!tpu.dma_semaphore, #tpu.memory_space<semaphore_mem>>) src(%dma_wait3A_67 : memref<640xi32, #tpu.memory_space<vmem_shared>>) dst(%dma_wait3A_65 : memref<640xi32, #tpu.memory_space<vmem>>)
      tpu.yield
    }) : () -> ()
    %run_scoped3A_38 = arith.constant 6 : i32
    "tpu.region"() ({
      %run_scoped3A_53 = tpu.sem_alloc : memref<!tpu.dma_semaphore, #tpu.memory_space<semaphore_mem>>
      %dma_start3A = arith.constant 3840 : i32
      %dma_start3A_54 = tpu.memref_slice %arg17[%dma_start3A] : memref<10240xi32, #tpu.memory_space<vmem>> -> memref<640xi32, #tpu.memory_space<vmem>>
      %dma_start3A_55 = tpu.memref_slice %arg20[%run_scoped3A_38, %mul3A_32] : memref<16x10240xi32, #tpu.memory_space<vmem_shared>> -> memref<1x640xi32, #tpu.memory_space<vmem_shared>>
      %dma_start3A_56 = tpu.memref_squeeze %dma_start3A_55 : memref<1x640xi32, #tpu.memory_space<vmem_shared>> -> memref<640xi32, #tpu.memory_space<vmem_shared>>
      %dma_start3A_57 = arith.constant 3840 : i32
      %dma_start3A_58 = tpu.memref_slice %arg17[%dma_start3A_57] : memref<10240xi32, #tpu.memory_space<vmem>> -> memref<640xi32, #tpu.memory_space<vmem>>
      %dma_start3A_59 = tpu.memref_slice %arg20[%run_scoped3A_38, %mul3A_32] : memref<16x10240xi32, #tpu.memory_space<vmem_shared>> -> memref<1x640xi32, #tpu.memory_space<vmem_shared>>
      %dma_start3A_60 = tpu.memref_squeeze %dma_start3A_59 : memref<1x640xi32, #tpu.memory_space<vmem_shared>> -> memref<640xi32, #tpu.memory_space<vmem_shared>>
      tpu.enqueue_dma source(%dma_start3A_60 : memref<640xi32, #tpu.memory_space<vmem_shared>>) target(%dma_start3A_58 : memref<640xi32, #tpu.memory_space<vmem>>) target_semaphore(%run_scoped3A_53 : memref<!tpu.dma_semaphore, #tpu.memory_space<semaphore_mem>>)
      %dma_wait3A = arith.constant 3840 : i32
      %dma_wait3A_61 = tpu.memref_slice %arg17[%dma_wait3A] : memref<10240xi32, #tpu.memory_space<vmem>> -> memref<640xi32, #tpu.memory_space<vmem>>
      %dma_wait3A_62 = tpu.memref_slice %arg20[%run_scoped3A_38, %mul3A_32] : memref<16x10240xi32, #tpu.memory_space<vmem_shared>> -> memref<1x640xi32, #tpu.memory_space<vmem_shared>>
      %dma_wait3A_63 = tpu.memref_squeeze %dma_wait3A_62 : memref<1x640xi32, #tpu.memory_space<vmem_shared>> -> memref<640xi32, #tpu.memory_space<vmem_shared>>
      %dma_wait3A_64 = arith.constant 3840 : i32
      %dma_wait3A_65 = tpu.memref_slice %arg17[%dma_wait3A_64] : memref<10240xi32, #tpu.memory_space<vmem>> -> memref<640xi32, #tpu.memory_space<vmem>>
      %dma_wait3A_66 = tpu.memref_slice %arg20[%run_scoped3A_38, %mul3A_32] : memref<16x10240xi32, #tpu.memory_space<vmem_shared>> -> memref<1x640xi32, #tpu.memory_space<vmem_shared>>
      %dma_wait3A_67 = tpu.memref_squeeze %dma_wait3A_66 : memref<1x640xi32, #tpu.memory_space<vmem_shared>> -> memref<640xi32, #tpu.memory_space<vmem_shared>>
      tpu.wait_dma2 semaphore(%run_scoped3A_53 : memref<!tpu.dma_semaphore, #tpu.memory_space<semaphore_mem>>) src(%dma_wait3A_67 : memref<640xi32, #tpu.memory_space<vmem_shared>>) dst(%dma_wait3A_65 : memref<640xi32, #tpu.memory_space<vmem>>)
      tpu.yield
    }) : () -> ()
    %run_scoped3A_39 = arith.constant 7 : i32
    "tpu.region"() ({
      %run_scoped3A_53 = tpu.sem_alloc : memref<!tpu.dma_semaphore, #tpu.memory_space<semaphore_mem>>
      %dma_start3A = arith.constant 4480 : i32
      %dma_start3A_54 = tpu.memref_slice %arg17[%dma_start3A] : memref<10240xi32, #tpu.memory_space<vmem>> -> memref<640xi32, #tpu.memory_space<vmem>>
      %dma_start3A_55 = tpu.memref_slice %arg20[%run_scoped3A_39, %mul3A_32] : memref<16x10240xi32, #tpu.memory_space<vmem_shared>> -> memref<1x640xi32, #tpu.memory_space<vmem_shared>>
      %dma_start3A_56 = tpu.memref_squeeze %dma_start3A_55 : memref<1x640xi32, #tpu.memory_space<vmem_shared>> -> memref<640xi32, #tpu.memory_space<vmem_shared>>
      %dma_start3A_57 = arith.constant 4480 : i32
      %dma_start3A_58 = tpu.memref_slice %arg17[%dma_start3A_57] : memref<10240xi32, #tpu.memory_space<vmem>> -> memref<640xi32, #tpu.memory_space<vmem>>
      %dma_start3A_59 = tpu.memref_slice %arg20[%run_scoped3A_39, %mul3A_32] : memref<16x10240xi32, #tpu.memory_space<vmem_shared>> -> memref<1x640xi32, #tpu.memory_space<vmem_shared>>
      %dma_start3A_60 = tpu.memref_squeeze %dma_start3A_59 : memref<1x640xi32, #tpu.memory_space<vmem_shared>> -> memref<640xi32, #tpu.memory_space<vmem_shared>>
      tpu.enqueue_dma source(%dma_start3A_60 : memref<640xi32, #tpu.memory_space<vmem_shared>>) target(%dma_start3A_58 : memref<640xi32, #tpu.memory_space<vmem>>) target_semaphore(%run_scoped3A_53 : memref<!tpu.dma_semaphore, #tpu.memory_space<semaphore_mem>>)
      %dma_wait3A = arith.constant 4480 : i32
      %dma_wait3A_61 = tpu.memref_slice %arg17[%dma_wait3A] : memref<10240xi32, #tpu.memory_space<vmem>> -> memref<640xi32, #tpu.memory_space<vmem>>
      %dma_wait3A_62 = tpu.memref_slice %arg20[%run_scoped3A_39, %mul3A_32] : memref<16x10240xi32, #tpu.memory_space<vmem_shared>> -> memref<1x640xi32, #tpu.memory_space<vmem_shared>>
      %dma_wait3A_63 = tpu.memref_squeeze %dma_wait3A_62 : memref<1x640xi32, #tpu.memory_space<vmem_shared>> -> memref<640xi32, #tpu.memory_space<vmem_shared>>
      %dma_wait3A_64 = arith.constant 4480 : i32
      %dma_wait3A_65 = tpu.memref_slice %arg17[%dma_wait3A_64] : memref<10240xi32, #tpu.memory_space<vmem>> -> memref<640xi32, #tpu.memory_space<vmem>>
      %dma_wait3A_66 = tpu.memref_slice %arg20[%run_scoped3A_39, %mul3A_32] : memref<16x10240xi32, #tpu.memory_space<vmem_shared>> -> memref<1x640xi32, #tpu.memory_space<vmem_shared>>
      %dma_wait3A_67 = tpu.memref_squeeze %dma_wait3A_66 : memref<1x640xi32, #tpu.memory_space<vmem_shared>> -> memref<640xi32, #tpu.memory_space<vmem_shared>>
      tpu.wait_dma2 semaphore(%run_scoped3A_53 : memref<!tpu.dma_semaphore, #tpu.memory_space<semaphore_mem>>) src(%dma_wait3A_67 : memref<640xi32, #tpu.memory_space<vmem_shared>>) dst(%dma_wait3A_65 : memref<640xi32, #tpu.memory_space<vmem>>)
      tpu.yield
    }) : () -> ()
    %run_scoped3A_40 = arith.constant 8 : i32
    "tpu.region"() ({
      %run_scoped3A_53 = tpu.sem_alloc : memref<!tpu.dma_semaphore, #tpu.memory_space<semaphore_mem>>
      %dma_start3A = arith.constant 5120 : i32
      %dma_start3A_54 = tpu.memref_slice %arg17[%dma_start3A] : memref<10240xi32, #tpu.memory_space<vmem>> -> memref<640xi32, #tpu.memory_space<vmem>>
      %dma_start3A_55 = tpu.memref_slice %arg20[%run_scoped3A_40, %mul3A_32] : memref<16x10240xi32, #tpu.memory_space<vmem_shared>> -> memref<1x640xi32, #tpu.memory_space<vmem_shared>>
      %dma_start3A_56 = tpu.memref_squeeze %dma_start3A_55 : memref<1x640xi32, #tpu.memory_space<vmem_shared>> -> memref<640xi32, #tpu.memory_space<vmem_shared>>
      %dma_start3A_57 = arith.constant 5120 : i32
      %dma_start3A_58 = tpu.memref_slice %arg17[%dma_start3A_57] : memref<10240xi32, #tpu.memory_space<vmem>> -> memref<640xi32, #tpu.memory_space<vmem>>
      %dma_start3A_59 = tpu.memref_slice %arg20[%run_scoped3A_40, %mul3A_32] : memref<16x10240xi32, #tpu.memory_space<vmem_shared>> -> memref<1x640xi32, #tpu.memory_space<vmem_shared>>
      %dma_start3A_60 = tpu.memref_squeeze %dma_start3A_59 : memref<1x640xi32, #tpu.memory_space<vmem_shared>> -> memref<640xi32, #tpu.memory_space<vmem_shared>>
      tpu.enqueue_dma source(%dma_start3A_60 : memref<640xi32, #tpu.memory_space<vmem_shared>>) target(%dma_start3A_58 : memref<640xi32, #tpu.memory_space<vmem>>) target_semaphore(%run_scoped3A_53 : memref<!tpu.dma_semaphore, #tpu.memory_space<semaphore_mem>>)
      %dma_wait3A = arith.constant 5120 : i32
      %dma_wait3A_61 = tpu.memref_slice %arg17[%dma_wait3A] : memref<10240xi32, #tpu.memory_space<vmem>> -> memref<640xi32, #tpu.memory_space<vmem>>
      %dma_wait3A_62 = tpu.memref_slice %arg20[%run_scoped3A_40, %mul3A_32] : memref<16x10240xi32, #tpu.memory_space<vmem_shared>> -> memref<1x640xi32, #tpu.memory_space<vmem_shared>>
      %dma_wait3A_63 = tpu.memref_squeeze %dma_wait3A_62 : memref<1x640xi32, #tpu.memory_space<vmem_shared>> -> memref<640xi32, #tpu.memory_space<vmem_shared>>
      %dma_wait3A_64 = arith.constant 5120 : i32
      %dma_wait3A_65 = tpu.memref_slice %arg17[%dma_wait3A_64] : memref<10240xi32, #tpu.memory_space<vmem>> -> memref<640xi32, #tpu.memory_space<vmem>>
      %dma_wait3A_66 = tpu.memref_slice %arg20[%run_scoped3A_40, %mul3A_32] : memref<16x10240xi32, #tpu.memory_space<vmem_shared>> -> memref<1x640xi32, #tpu.memory_space<vmem_shared>>
      %dma_wait3A_67 = tpu.memref_squeeze %dma_wait3A_66 : memref<1x640xi32, #tpu.memory_space<vmem_shared>> -> memref<640xi32, #tpu.memory_space<vmem_shared>>
      tpu.wait_dma2 semaphore(%run_scoped3A_53 : memref<!tpu.dma_semaphore, #tpu.memory_space<semaphore_mem>>) src(%dma_wait3A_67 : memref<640xi32, #tpu.memory_space<vmem_shared>>) dst(%dma_wait3A_65 : memref<640xi32, #tpu.memory_space<vmem>>)
      tpu.yield
    }) : () -> ()
    %run_scoped3A_41 = arith.constant 9 : i32
    "tpu.region"() ({
      %run_scoped3A_53 = tpu.sem_alloc : memref<!tpu.dma_semaphore, #tpu.memory_space<semaphore_mem>>
      %dma_start3A = arith.constant 5760 : i32
      %dma_start3A_54 = tpu.memref_slice %arg17[%dma_start3A] : memref<10240xi32, #tpu.memory_space<vmem>> -> memref<640xi32, #tpu.memory_space<vmem>>
      %dma_start3A_55 = tpu.memref_slice %arg20[%run_scoped3A_41, %mul3A_32] : memref<16x10240xi32, #tpu.memory_space<vmem_shared>> -> memref<1x640xi32, #tpu.memory_space<vmem_shared>>
      %dma_start3A_56 = tpu.memref_squeeze %dma_start3A_55 : memref<1x640xi32, #tpu.memory_space<vmem_shared>> -> memref<640xi32, #tpu.memory_space<vmem_shared>>
      %dma_start3A_57 = arith.constant 5760 : i32
      %dma_start3A_58 = tpu.memref_slice %arg17[%dma_start3A_57] : memref<10240xi32, #tpu.memory_space<vmem>> -> memref<640xi32, #tpu.memory_space<vmem>>
      %dma_start3A_59 = tpu.memref_slice %arg20[%run_scoped3A_41, %mul3A_32] : memref<16x10240xi32, #tpu.memory_space<vmem_shared>> -> memref<1x640xi32, #tpu.memory_space<vmem_shared>>
      %dma_start3A_60 = tpu.memref_squeeze %dma_start3A_59 : memref<1x640xi32, #tpu.memory_space<vmem_shared>> -> memref<640xi32, #tpu.memory_space<vmem_shared>>
      tpu.enqueue_dma source(%dma_start3A_60 : memref<640xi32, #tpu.memory_space<vmem_shared>>) target(%dma_start3A_58 : memref<640xi32, #tpu.memory_space<vmem>>) target_semaphore(%run_scoped3A_53 : memref<!tpu.dma_semaphore, #tpu.memory_space<semaphore_mem>>)
      %dma_wait3A = arith.constant 5760 : i32
      %dma_wait3A_61 = tpu.memref_slice %arg17[%dma_wait3A] : memref<10240xi32, #tpu.memory_space<vmem>> -> memref<640xi32, #tpu.memory_space<vmem>>
      %dma_wait3A_62 = tpu.memref_slice %arg20[%run_scoped3A_41, %mul3A_32] : memref<16x10240xi32, #tpu.memory_space<vmem_shared>> -> memref<1x640xi32, #tpu.memory_space<vmem_shared>>
      %dma_wait3A_63 = tpu.memref_squeeze %dma_wait3A_62 : memref<1x640xi32, #tpu.memory_space<vmem_shared>> -> memref<640xi32, #tpu.memory_space<vmem_shared>>
      %dma_wait3A_64 = arith.constant 5760 : i32
      %dma_wait3A_65 = tpu.memref_slice %arg17[%dma_wait3A_64] : memref<10240xi32, #tpu.memory_space<vmem>> -> memref<640xi32, #tpu.memory_space<vmem>>
      %dma_wait3A_66 = tpu.memref_slice %arg20[%run_scoped3A_41, %mul3A_32] : memref<16x10240xi32, #tpu.memory_space<vmem_shared>> -> memref<1x640xi32, #tpu.memory_space<vmem_shared>>
      %dma_wait3A_67 = tpu.memref_squeeze %dma_wait3A_66 : memref<1x640xi32, #tpu.memory_space<vmem_shared>> -> memref<640xi32, #tpu.memory_space<vmem_shared>>
      tpu.wait_dma2 semaphore(%run_scoped3A_53 : memref<!tpu.dma_semaphore, #tpu.memory_space<semaphore_mem>>) src(%dma_wait3A_67 : memref<640xi32, #tpu.memory_space<vmem_shared>>) dst(%dma_wait3A_65 : memref<640xi32, #tpu.memory_space<vmem>>)
      tpu.yield
    }) : () -> ()
    %run_scoped3A_42 = arith.constant 10 : i32
    "tpu.region"() ({
      %run_scoped3A_53 = tpu.sem_alloc : memref<!tpu.dma_semaphore, #tpu.memory_space<semaphore_mem>>
      %dma_start3A = arith.constant 6400 : i32
      %dma_start3A_54 = tpu.memref_slice %arg17[%dma_start3A] : memref<10240xi32, #tpu.memory_space<vmem>> -> memref<640xi32, #tpu.memory_space<vmem>>
      %dma_start3A_55 = tpu.memref_slice %arg20[%run_scoped3A_42, %mul3A_32] : memref<16x10240xi32, #tpu.memory_space<vmem_shared>> -> memref<1x640xi32, #tpu.memory_space<vmem_shared>>
      %dma_start3A_56 = tpu.memref_squeeze %dma_start3A_55 : memref<1x640xi32, #tpu.memory_space<vmem_shared>> -> memref<640xi32, #tpu.memory_space<vmem_shared>>
      %dma_start3A_57 = arith.constant 6400 : i32
      %dma_start3A_58 = tpu.memref_slice %arg17[%dma_start3A_57] : memref<10240xi32, #tpu.memory_space<vmem>> -> memref<640xi32, #tpu.memory_space<vmem>>
      %dma_start3A_59 = tpu.memref_slice %arg20[%run_scoped3A_42, %mul3A_32] : memref<16x10240xi32, #tpu.memory_space<vmem_shared>> -> memref<1x640xi32, #tpu.memory_space<vmem_shared>>
      %dma_start3A_60 = tpu.memref_squeeze %dma_start3A_59 : memref<1x640xi32, #tpu.memory_space<vmem_shared>> -> memref<640xi32, #tpu.memory_space<vmem_shared>>
      tpu.enqueue_dma source(%dma_start3A_60 : memref<640xi32, #tpu.memory_space<vmem_shared>>) target(%dma_start3A_58 : memref<640xi32, #tpu.memory_space<vmem>>) target_semaphore(%run_scoped3A_53 : memref<!tpu.dma_semaphore, #tpu.memory_space<semaphore_mem>>)
      %dma_wait3A = arith.constant 6400 : i32
      %dma_wait3A_61 = tpu.memref_slice %arg17[%dma_wait3A] : memref<10240xi32, #tpu.memory_space<vmem>> -> memref<640xi32, #tpu.memory_space<vmem>>
      %dma_wait3A_62 = tpu.memref_slice %arg20[%run_scoped3A_42, %mul3A_32] : memref<16x10240xi32, #tpu.memory_space<vmem_shared>> -> memref<1x640xi32, #tpu.memory_space<vmem_shared>>
      %dma_wait3A_63 = tpu.memref_squeeze %dma_wait3A_62 : memref<1x640xi32, #tpu.memory_space<vmem_shared>> -> memref<640xi32, #tpu.memory_space<vmem_shared>>
      %dma_wait3A_64 = arith.constant 6400 : i32
      %dma_wait3A_65 = tpu.memref_slice %arg17[%dma_wait3A_64] : memref<10240xi32, #tpu.memory_space<vmem>> -> memref<640xi32, #tpu.memory_space<vmem>>
      %dma_wait3A_66 = tpu.memref_slice %arg20[%run_scoped3A_42, %mul3A_32] : memref<16x10240xi32, #tpu.memory_space<vmem_shared>> -> memref<1x640xi32, #tpu.memory_space<vmem_shared>>
      %dma_wait3A_67 = tpu.memref_squeeze %dma_wait3A_66 : memref<1x640xi32, #tpu.memory_space<vmem_shared>> -> memref<640xi32, #tpu.memory_space<vmem_shared>>
      tpu.wait_dma2 semaphore(%run_scoped3A_53 : memref<!tpu.dma_semaphore, #tpu.memory_space<semaphore_mem>>) src(%dma_wait3A_67 : memref<640xi32, #tpu.memory_space<vmem_shared>>) dst(%dma_wait3A_65 : memref<640xi32, #tpu.memory_space<vmem>>)
      tpu.yield
    }) : () -> ()
    %run_scoped3A_43 = arith.constant 11 : i32
    "tpu.region"() ({
      %run_scoped3A_53 = tpu.sem_alloc : memref<!tpu.dma_semaphore, #tpu.memory_space<semaphore_mem>>
      %dma_start3A = arith.constant 7040 : i32
      %dma_start3A_54 = tpu.memref_slice %arg17[%dma_start3A] : memref<10240xi32, #tpu.memory_space<vmem>> -> memref<640xi32, #tpu.memory_space<vmem>>
      %dma_start3A_55 = tpu.memref_slice %arg20[%run_scoped3A_43, %mul3A_32] : memref<16x10240xi32, #tpu.memory_space<vmem_shared>> -> memref<1x640xi32, #tpu.memory_space<vmem_shared>>
      %dma_start3A_56 = tpu.memref_squeeze %dma_start3A_55 : memref<1x640xi32, #tpu.memory_space<vmem_shared>> -> memref<640xi32, #tpu.memory_space<vmem_shared>>
      %dma_start3A_57 = arith.constant 7040 : i32
      %dma_start3A_58 = tpu.memref_slice %arg17[%dma_start3A_57] : memref<10240xi32, #tpu.memory_space<vmem>> -> memref<640xi32, #tpu.memory_space<vmem>>
      %dma_start3A_59 = tpu.memref_slice %arg20[%run_scoped3A_43, %mul3A_32] : memref<16x10240xi32, #tpu.memory_space<vmem_shared>> -> memref<1x640xi32, #tpu.memory_space<vmem_shared>>
      %dma_start3A_60 = tpu.memref_squeeze %dma_start3A_59 : memref<1x640xi32, #tpu.memory_space<vmem_shared>> -> memref<640xi32, #tpu.memory_space<vmem_shared>>
      tpu.enqueue_dma source(%dma_start3A_60 : memref<640xi32, #tpu.memory_space<vmem_shared>>) target(%dma_start3A_58 : memref<640xi32, #tpu.memory_space<vmem>>) target_semaphore(%run_scoped3A_53 : memref<!tpu.dma_semaphore, #tpu.memory_space<semaphore_mem>>)
      %dma_wait3A = arith.constant 7040 : i32
      %dma_wait3A_61 = tpu.memref_slice %arg17[%dma_wait3A] : memref<10240xi32, #tpu.memory_space<vmem>> -> memref<640xi32, #tpu.memory_space<vmem>>
      %dma_wait3A_62 = tpu.memref_slice %arg20[%run_scoped3A_43, %mul3A_32] : memref<16x10240xi32, #tpu.memory_space<vmem_shared>> -> memref<1x640xi32, #tpu.memory_space<vmem_shared>>
      %dma_wait3A_63 = tpu.memref_squeeze %dma_wait3A_62 : memref<1x640xi32, #tpu.memory_space<vmem_shared>> -> memref<640xi32, #tpu.memory_space<vmem_shared>>
      %dma_wait3A_64 = arith.constant 7040 : i32
      %dma_wait3A_65 = tpu.memref_slice %arg17[%dma_wait3A_64] : memref<10240xi32, #tpu.memory_space<vmem>> -> memref<640xi32, #tpu.memory_space<vmem>>
      %dma_wait3A_66 = tpu.memref_slice %arg20[%run_scoped3A_43, %mul3A_32] : memref<16x10240xi32, #tpu.memory_space<vmem_shared>> -> memref<1x640xi32, #tpu.memory_space<vmem_shared>>
      %dma_wait3A_67 = tpu.memref_squeeze %dma_wait3A_66 : memref<1x640xi32, #tpu.memory_space<vmem_shared>> -> memref<640xi32, #tpu.memory_space<vmem_shared>>
      tpu.wait_dma2 semaphore(%run_scoped3A_53 : memref<!tpu.dma_semaphore, #tpu.memory_space<semaphore_mem>>) src(%dma_wait3A_67 : memref<640xi32, #tpu.memory_space<vmem_shared>>) dst(%dma_wait3A_65 : memref<640xi32, #tpu.memory_space<vmem>>)
      tpu.yield
    }) : () -> ()
    %run_scoped3A_44 = arith.constant 12 : i32
    "tpu.region"() ({
      %run_scoped3A_53 = tpu.sem_alloc : memref<!tpu.dma_semaphore, #tpu.memory_space<semaphore_mem>>
      %dma_start3A = arith.constant 7680 : i32
      %dma_start3A_54 = tpu.memref_slice %arg17[%dma_start3A] : memref<10240xi32, #tpu.memory_space<vmem>> -> memref<640xi32, #tpu.memory_space<vmem>>
      %dma_start3A_55 = tpu.memref_slice %arg20[%run_scoped3A_44, %mul3A_32] : memref<16x10240xi32, #tpu.memory_space<vmem_shared>> -> memref<1x640xi32, #tpu.memory_space<vmem_shared>>
      %dma_start3A_56 = tpu.memref_squeeze %dma_start3A_55 : memref<1x640xi32, #tpu.memory_space<vmem_shared>> -> memref<640xi32, #tpu.memory_space<vmem_shared>>
      %dma_start3A_57 = arith.constant 7680 : i32
      %dma_start3A_58 = tpu.memref_slice %arg17[%dma_start3A_57] : memref<10240xi32, #tpu.memory_space<vmem>> -> memref<640xi32, #tpu.memory_space<vmem>>
      %dma_start3A_59 = tpu.memref_slice %arg20[%run_scoped3A_44, %mul3A_32] : memref<16x10240xi32, #tpu.memory_space<vmem_shared>> -> memref<1x640xi32, #tpu.memory_space<vmem_shared>>
      %dma_start3A_60 = tpu.memref_squeeze %dma_start3A_59 : memref<1x640xi32, #tpu.memory_space<vmem_shared>> -> memref<640xi32, #tpu.memory_space<vmem_shared>>
      tpu.enqueue_dma source(%dma_start3A_60 : memref<640xi32, #tpu.memory_space<vmem_shared>>) target(%dma_start3A_58 : memref<640xi32, #tpu.memory_space<vmem>>) target_semaphore(%run_scoped3A_53 : memref<!tpu.dma_semaphore, #tpu.memory_space<semaphore_mem>>)
      %dma_wait3A = arith.constant 7680 : i32
      %dma_wait3A_61 = tpu.memref_slice %arg17[%dma_wait3A] : memref<10240xi32, #tpu.memory_space<vmem>> -> memref<640xi32, #tpu.memory_space<vmem>>
      %dma_wait3A_62 = tpu.memref_slice %arg20[%run_scoped3A_44, %mul3A_32] : memref<16x10240xi32, #tpu.memory_space<vmem_shared>> -> memref<1x640xi32, #tpu.memory_space<vmem_shared>>
      %dma_wait3A_63 = tpu.memref_squeeze %dma_wait3A_62 : memref<1x640xi32, #tpu.memory_space<vmem_shared>> -> memref<640xi32, #tpu.memory_space<vmem_shared>>
      %dma_wait3A_64 = arith.constant 7680 : i32
      %dma_wait3A_65 = tpu.memref_slice %arg17[%dma_wait3A_64] : memref<10240xi32, #tpu.memory_space<vmem>> -> memref<640xi32, #tpu.memory_space<vmem>>
      %dma_wait3A_66 = tpu.memref_slice %arg20[%run_scoped3A_44, %mul3A_32] : memref<16x10240xi32, #tpu.memory_space<vmem_shared>> -> memref<1x640xi32, #tpu.memory_space<vmem_shared>>
      %dma_wait3A_67 = tpu.memref_squeeze %dma_wait3A_66 : memref<1x640xi32, #tpu.memory_space<vmem_shared>> -> memref<640xi32, #tpu.memory_space<vmem_shared>>
      tpu.wait_dma2 semaphore(%run_scoped3A_53 : memref<!tpu.dma_semaphore, #tpu.memory_space<semaphore_mem>>) src(%dma_wait3A_67 : memref<640xi32, #tpu.memory_space<vmem_shared>>) dst(%dma_wait3A_65 : memref<640xi32, #tpu.memory_space<vmem>>)
      tpu.yield
    }) : () -> ()
    %run_scoped3A_45 = arith.constant 13 : i32
    "tpu.region"() ({
      %run_scoped3A_53 = tpu.sem_alloc : memref<!tpu.dma_semaphore, #tpu.memory_space<semaphore_mem>>
      %dma_start3A = arith.constant 8320 : i32
      %dma_start3A_54 = tpu.memref_slice %arg17[%dma_start3A] : memref<10240xi32, #tpu.memory_space<vmem>> -> memref<640xi32, #tpu.memory_space<vmem>>
      %dma_start3A_55 = tpu.memref_slice %arg20[%run_scoped3A_45, %mul3A_32] : memref<16x10240xi32, #tpu.memory_space<vmem_shared>> -> memref<1x640xi32, #tpu.memory_space<vmem_shared>>
      %dma_start3A_56 = tpu.memref_squeeze %dma_start3A_55 : memref<1x640xi32, #tpu.memory_space<vmem_shared>> -> memref<640xi32, #tpu.memory_space<vmem_shared>>
      %dma_start3A_57 = arith.constant 8320 : i32
      %dma_start3A_58 = tpu.memref_slice %arg17[%dma_start3A_57] : memref<10240xi32, #tpu.memory_space<vmem>> -> memref<640xi32, #tpu.memory_space<vmem>>
      %dma_start3A_59 = tpu.memref_slice %arg20[%run_scoped3A_45, %mul3A_32] : memref<16x10240xi32, #tpu.memory_space<vmem_shared>> -> memref<1x640xi32, #tpu.memory_space<vmem_shared>>
      %dma_start3A_60 = tpu.memref_squeeze %dma_start3A_59 : memref<1x640xi32, #tpu.memory_space<vmem_shared>> -> memref<640xi32, #tpu.memory_space<vmem_shared>>
      tpu.enqueue_dma source(%dma_start3A_60 : memref<640xi32, #tpu.memory_space<vmem_shared>>) target(%dma_start3A_58 : memref<640xi32, #tpu.memory_space<vmem>>) target_semaphore(%run_scoped3A_53 : memref<!tpu.dma_semaphore, #tpu.memory_space<semaphore_mem>>)
      %dma_wait3A = arith.constant 8320 : i32
      %dma_wait3A_61 = tpu.memref_slice %arg17[%dma_wait3A] : memref<10240xi32, #tpu.memory_space<vmem>> -> memref<640xi32, #tpu.memory_space<vmem>>
      %dma_wait3A_62 = tpu.memref_slice %arg20[%run_scoped3A_45, %mul3A_32] : memref<16x10240xi32, #tpu.memory_space<vmem_shared>> -> memref<1x640xi32, #tpu.memory_space<vmem_shared>>
      %dma_wait3A_63 = tpu.memref_squeeze %dma_wait3A_62 : memref<1x640xi32, #tpu.memory_space<vmem_shared>> -> memref<640xi32, #tpu.memory_space<vmem_shared>>
      %dma_wait3A_64 = arith.constant 8320 : i32
      %dma_wait3A_65 = tpu.memref_slice %arg17[%dma_wait3A_64] : memref<10240xi32, #tpu.memory_space<vmem>> -> memref<640xi32, #tpu.memory_space<vmem>>
      %dma_wait3A_66 = tpu.memref_slice %arg20[%run_scoped3A_45, %mul3A_32] : memref<16x10240xi32, #tpu.memory_space<vmem_shared>> -> memref<1x640xi32, #tpu.memory_space<vmem_shared>>
      %dma_wait3A_67 = tpu.memref_squeeze %dma_wait3A_66 : memref<1x640xi32, #tpu.memory_space<vmem_shared>> -> memref<640xi32, #tpu.memory_space<vmem_shared>>
      tpu.wait_dma2 semaphore(%run_scoped3A_53 : memref<!tpu.dma_semaphore, #tpu.memory_space<semaphore_mem>>) src(%dma_wait3A_67 : memref<640xi32, #tpu.memory_space<vmem_shared>>) dst(%dma_wait3A_65 : memref<640xi32, #tpu.memory_space<vmem>>)
      tpu.yield
    }) : () -> ()
    %run_scoped3A_46 = arith.constant 14 : i32
    "tpu.region"() ({
      %run_scoped3A_53 = tpu.sem_alloc : memref<!tpu.dma_semaphore, #tpu.memory_space<semaphore_mem>>
      %dma_start3A = arith.constant 8960 : i32
      %dma_start3A_54 = tpu.memref_slice %arg17[%dma_start3A] : memref<10240xi32, #tpu.memory_space<vmem>> -> memref<640xi32, #tpu.memory_space<vmem>>
      %dma_start3A_55 = tpu.memref_slice %arg20[%run_scoped3A_46, %mul3A_32] : memref<16x10240xi32, #tpu.memory_space<vmem_shared>> -> memref<1x640xi32, #tpu.memory_space<vmem_shared>>
      %dma_start3A_56 = tpu.memref_squeeze %dma_start3A_55 : memref<1x640xi32, #tpu.memory_space<vmem_shared>> -> memref<640xi32, #tpu.memory_space<vmem_shared>>
      %dma_start3A_57 = arith.constant 8960 : i32
      %dma_start3A_58 = tpu.memref_slice %arg17[%dma_start3A_57] : memref<10240xi32, #tpu.memory_space<vmem>> -> memref<640xi32, #tpu.memory_space<vmem>>
      %dma_start3A_59 = tpu.memref_slice %arg20[%run_scoped3A_46, %mul3A_32] : memref<16x10240xi32, #tpu.memory_space<vmem_shared>> -> memref<1x640xi32, #tpu.memory_space<vmem_shared>>
      %dma_start3A_60 = tpu.memref_squeeze %dma_start3A_59 : memref<1x640xi32, #tpu.memory_space<vmem_shared>> -> memref<640xi32, #tpu.memory_space<vmem_shared>>
      tpu.enqueue_dma source(%dma_start3A_60 : memref<640xi32, #tpu.memory_space<vmem_shared>>) target(%dma_start3A_58 : memref<640xi32, #tpu.memory_space<vmem>>) target_semaphore(%run_scoped3A_53 : memref<!tpu.dma_semaphore, #tpu.memory_space<semaphore_mem>>)
      %dma_wait3A = arith.constant 8960 : i32
      %dma_wait3A_61 = tpu.memref_slice %arg17[%dma_wait3A] : memref<10240xi32, #tpu.memory_space<vmem>> -> memref<640xi32, #tpu.memory_space<vmem>>
      %dma_wait3A_62 = tpu.memref_slice %arg20[%run_scoped3A_46, %mul3A_32] : memref<16x10240xi32, #tpu.memory_space<vmem_shared>> -> memref<1x640xi32, #tpu.memory_space<vmem_shared>>
      %dma_wait3A_63 = tpu.memref_squeeze %dma_wait3A_62 : memref<1x640xi32, #tpu.memory_space<vmem_shared>> -> memref<640xi32, #tpu.memory_space<vmem_shared>>
      %dma_wait3A_64 = arith.constant 8960 : i32
      %dma_wait3A_65 = tpu.memref_slice %arg17[%dma_wait3A_64] : memref<10240xi32, #tpu.memory_space<vmem>> -> memref<640xi32, #tpu.memory_space<vmem>>
      %dma_wait3A_66 = tpu.memref_slice %arg20[%run_scoped3A_46, %mul3A_32] : memref<16x10240xi32, #tpu.memory_space<vmem_shared>> -> memref<1x640xi32, #tpu.memory_space<vmem_shared>>
      %dma_wait3A_67 = tpu.memref_squeeze %dma_wait3A_66 : memref<1x640xi32, #tpu.memory_space<vmem_shared>> -> memref<640xi32, #tpu.memory_space<vmem_shared>>
      tpu.wait_dma2 semaphore(%run_scoped3A_53 : memref<!tpu.dma_semaphore, #tpu.memory_space<semaphore_mem>>) src(%dma_wait3A_67 : memref<640xi32, #tpu.memory_space<vmem_shared>>) dst(%dma_wait3A_65 : memref<640xi32, #tpu.memory_space<vmem>>)
      tpu.yield
    }) : () -> ()
    %run_scoped3A_47 = arith.constant 15 : i32
    "tpu.region"() ({
      %run_scoped3A_53 = tpu.sem_alloc : memref<!tpu.dma_semaphore, #tpu.memory_space<semaphore_mem>>
      %dma_start3A = arith.constant 9600 : i32
      %dma_start3A_54 = tpu.memref_slice %arg17[%dma_start3A] : memref<10240xi32, #tpu.memory_space<vmem>> -> memref<640xi32, #tpu.memory_space<vmem>>
      %dma_start3A_55 = tpu.memref_slice %arg20[%run_scoped3A_47, %mul3A_32] : memref<16x10240xi32, #tpu.memory_space<vmem_shared>> -> memref<1x640xi32, #tpu.memory_space<vmem_shared>>
      %dma_start3A_56 = tpu.memref_squeeze %dma_start3A_55 : memref<1x640xi32, #tpu.memory_space<vmem_shared>> -> memref<640xi32, #tpu.memory_space<vmem_shared>>
      %dma_start3A_57 = arith.constant 9600 : i32
      %dma_start3A_58 = tpu.memref_slice %arg17[%dma_start3A_57] : memref<10240xi32, #tpu.memory_space<vmem>> -> memref<640xi32, #tpu.memory_space<vmem>>
      %dma_start3A_59 = tpu.memref_slice %arg20[%run_scoped3A_47, %mul3A_32] : memref<16x10240xi32, #tpu.memory_space<vmem_shared>> -> memref<1x640xi32, #tpu.memory_space<vmem_shared>>
      %dma_start3A_60 = tpu.memref_squeeze %dma_start3A_59 : memref<1x640xi32, #tpu.memory_space<vmem_shared>> -> memref<640xi32, #tpu.memory_space<vmem_shared>>
      tpu.enqueue_dma source(%dma_start3A_60 : memref<640xi32, #tpu.memory_space<vmem_shared>>) target(%dma_start3A_58 : memref<640xi32, #tpu.memory_space<vmem>>) target_semaphore(%run_scoped3A_53 : memref<!tpu.dma_semaphore, #tpu.memory_space<semaphore_mem>>)
      %dma_wait3A = arith.constant 9600 : i32
      %dma_wait3A_61 = tpu.memref_slice %arg17[%dma_wait3A] : memref<10240xi32, #tpu.memory_space<vmem>> -> memref<640xi32, #tpu.memory_space<vmem>>
      %dma_wait3A_62 = tpu.memref_slice %arg20[%run_scoped3A_47, %mul3A_32] : memref<16x10240xi32, #tpu.memory_space<vmem_shared>> -> memref<1x640xi32, #tpu.memory_space<vmem_shared>>
      %dma_wait3A_63 = tpu.memref_squeeze %dma_wait3A_62 : memref<1x640xi32, #tpu.memory_space<vmem_shared>> -> memref<640xi32, #tpu.memory_space<vmem_shared>>
      %dma_wait3A_64 = arith.constant 9600 : i32
      %dma_wait3A_65 = tpu.memref_slice %arg17[%dma_wait3A_64] : memref<10240xi32, #tpu.memory_space<vmem>> -> memref<640xi32, #tpu.memory_space<vmem>>
      %dma_wait3A_66 = tpu.memref_slice %arg20[%run_scoped3A_47, %mul3A_32] : memref<16x10240xi32, #tpu.memory_space<vmem_shared>> -> memref<1x640xi32, #tpu.memory_space<vmem_shared>>
      %dma_wait3A_67 = tpu.memref_squeeze %dma_wait3A_66 : memref<1x640xi32, #tpu.memory_space<vmem_shared>> -> memref<640xi32, #tpu.memory_space<vmem_shared>>
      tpu.wait_dma2 semaphore(%run_scoped3A_53 : memref<!tpu.dma_semaphore, #tpu.memory_space<semaphore_mem>>) src(%dma_wait3A_67 : memref<640xi32, #tpu.memory_space<vmem_shared>>) dst(%dma_wait3A_65 : memref<640xi32, #tpu.memory_space<vmem>>)
      tpu.yield
    }) : () -> ()
    %scan3A_48 = arith.constant 0 : i32
    %scan3A_49 = arith.constant 40 : i32
    %scan3A_50 = arith.addi %scan3A_48, %scan3A_49 : i32
    %scan3A_51 = arith.constant 1 : i32
    scf.for %scan3A_53 = %scan3A_48 to %scan3A_50 step %scan3A_51  : i32 {
      %mul3A_54 = arith.constant 16 : i32
      %mul3A_55 = arith.muli %scan3A_53, %mul3A_54 : i32
      %add3A_56 = arith.constant 0 : i32
      %add3A_57 = arith.addi %add3A_56, %mul3A_55 : i32
      %get3A = arith.index_cast %add3A_57 : i32 to index
      %get3A_58 = tpu.vector_load %arg17[%get3A] {strides = array<i32>} : memref<10240xi32, #tpu.memory_space<vmem>>, vector<16xi32>,
      %add3A_59 = arith.constant 640 : i32
      %add3A_60 = arith.addi %add3A_59, %add3A_57 : i32
      %get3A_61 = arith.index_cast %add3A_60 : i32 to index
      %get3A_62 = tpu.vector_load %arg17[%get3A_61] {strides = array<i32>} : memref<10240xi32, #tpu.memory_space<vmem>>, vector<16xi32>,
      %add3A_63 = arith.addi %get3A_58, %get3A_62 : vector<16xi32>
      %add3A_64 = arith.constant 1280 : i32
      %add3A_65 = arith.addi %add3A_64, %add3A_57 : i32
      %get3A_66 = arith.index_cast %add3A_65 : i32 to index
      %get3A_67 = tpu.vector_load %arg17[%get3A_66] {strides = array<i32>} : memref<10240xi32, #tpu.memory_space<vmem>>, vector<16xi32>,
      %add3A_68 = arith.addi %add3A_63, %get3A_67 : vector<16xi32>
      %add3A_69 = arith.constant 1920 : i32
      %add3A_70 = arith.addi %add3A_69, %add3A_57 : i32
      %get3A_71 = arith.index_cast %add3A_70 : i32 to index
      %get3A_72 = tpu.vector_load %arg17[%get3A_71] {strides = array<i32>} : memref<10240xi32, #tpu.memory_space<vmem>>, vector<16xi32>,
      %add3A_73 = arith.addi %add3A_68, %get3A_72 : vector<16xi32>
      %add3A_74 = arith.constant 2560 : i32
      %add3A_75 = arith.addi %add3A_74, %add3A_57 : i32
      %get3A_76 = arith.index_cast %add3A_75 : i32 to index
      %get3A_77 = tpu.vector_load %arg17[%get3A_76] {strides = array<i32>} : memref<10240xi32, #tpu.memory_space<vmem>>, vector<16xi32>,
      %add3A_78 = arith.addi %add3A_73, %get3A_77 : vector<16xi32>
      %add3A_79 = arith.constant 3200 : i32
      %add3A_80 = arith.addi %add3A_79, %add3A_57 : i32
      %get3A_81 = arith.index_cast %add3A_80 : i32 to index
      %get3A_82 = tpu.vector_load %arg17[%get3A_81] {strides = array<i32>} : memref<10240xi32, #tpu.memory_space<vmem>>, vector<16xi32>,
      %add3A_83 = arith.addi %add3A_78, %get3A_82 : vector<16xi32>
      %add3A_84 = arith.constant 3840 : i32
      %add3A_85 = arith.addi %add3A_84, %add3A_57 : i32
      %get3A_86 = arith.index_cast %add3A_85 : i32 to index
      %get3A_87 = tpu.vector_load %arg17[%get3A_86] {strides = array<i32>} : memref<10240xi32, #tpu.memory_space<vmem>>, vector<16xi32>,
      %add3A_88 = arith.addi %add3A_83, %get3A_87 : vector<16xi32>
      %add3A_89 = arith.constant 4480 : i32
      %add3A_90 = arith.addi %add3A_89, %add3A_57 : i32
      %get3A_91 = arith.index_cast %add3A_90 : i32 to index
      %get3A_92 = tpu.vector_load %arg17[%get3A_91] {strides = array<i32>} : memref<10240xi32, #tpu.memory_space<vmem>>, vector<16xi32>,
      %add3A_93 = arith.addi %add3A_88, %get3A_92 : vector<16xi32>
      %add3A_94 = arith.constant 5120 : i32
      %add3A_95 = arith.addi %add3A_94, %add3A_57 : i32
      %get3A_96 = arith.index_cast %add3A_95 : i32 to index
      %get3A_97 = tpu.vector_load %arg17[%get3A_96] {strides = array<i32>} : memref<10240xi32, #tpu.memory_space<vmem>>, vector<16xi32>,
      %add3A_98 = arith.addi %add3A_93, %get3A_97 : vector<16xi32>
      %add3A_99 = arith.constant 5760 : i32
      %add3A_100 = arith.addi %add3A_99, %add3A_57 : i32
      %get3A_101 = arith.index_cast %add3A_100 : i32 to index
      %get3A_102 = tpu.vector_load %arg17[%get3A_101] {strides = array<i32>} : memref<10240xi32, #tpu.memory_space<vmem>>, vector<16xi32>,
      %add3A_103 = arith.addi %add3A_98, %get3A_102 : vector<16xi32>
      %add3A_104 = arith.constant 6400 : i32
      %add3A_105 = arith.addi %add3A_104, %add3A_57 : i32
      %get3A_106 = arith.index_cast %add3A_105 : i32 to index
      %get3A_107 = tpu.vector_load %arg17[%get3A_106] {strides = array<i32>} : memref<10240xi32, #tpu.memory_space<vmem>>, vector<16xi32>,
      %add3A_108 = arith.addi %add3A_103, %get3A_107 : vector<16xi32>
      %add3A_109 = arith.constant 7040 : i32
      %add3A_110 = arith.addi %add3A_109, %add3A_57 : i32
      %get3A_111 = arith.index_cast %add3A_110 : i32 to index
      %get3A_112 = tpu.vector_load %arg17[%get3A_111] {strides = array<i32>} : memref<10240xi32, #tpu.memory_space<vmem>>, vector<16xi32>,
      %add3A_113 = arith.addi %add3A_108, %get3A_112 : vector<16xi32>
      %add3A_114 = arith.constant 7680 : i32
      %add3A_115 = arith.addi %add3A_114, %add3A_57 : i32
      %get3A_116 = arith.index_cast %add3A_115 : i32 to index
      %get3A_117 = tpu.vector_load %arg17[%get3A_116] {strides = array<i32>} : memref<10240xi32, #tpu.memory_space<vmem>>, vector<16xi32>,
      %add3A_118 = arith.addi %add3A_113, %get3A_117 : vector<16xi32>
      %add3A_119 = arith.constant 8320 : i32
      %add3A_120 = arith.addi %add3A_119, %add3A_57 : i32
      %get3A_121 = arith.index_cast %add3A_120 : i32 to index
      %get3A_122 = tpu.vector_load %arg17[%get3A_121] {strides = array<i32>} : memref<10240xi32, #tpu.memory_space<vmem>>, vector<16xi32>,
      %add3A_123 = arith.addi %add3A_118, %get3A_122 : vector<16xi32>
      %add3A_124 = arith.constant 8960 : i32
      %add3A_125 = arith.addi %add3A_124, %add3A_57 : i32
      %get3A_126 = arith.index_cast %add3A_125 : i32 to index
      %get3A_127 = tpu.vector_load %arg17[%get3A_126] {strides = array<i32>} : memref<10240xi32, #tpu.memory_space<vmem>>, vector<16xi32>,
      %add3A_128 = arith.addi %add3A_123, %get3A_127 : vector<16xi32>
      %add3A_129 = arith.constant 9600 : i32
      %add3A_130 = arith.addi %add3A_129, %add3A_57 : i32
      %get3A_131 = arith.index_cast %add3A_130 : i32 to index
      %get3A_132 = tpu.vector_load %arg17[%get3A_131] {strides = array<i32>} : memref<10240xi32, #tpu.memory_space<vmem>>, vector<16xi32>,
      %add3A_133 = arith.addi %add3A_128, %get3A_132 : vector<16xi32>
      %swap3A_134 = arith.index_cast %add3A_57 : i32 to index
      %swap3A_135 = tpu.vector_load %arg18[%swap3A_134] {strides = array<i32>} : memref<640xi32, #tpu.memory_space<vmem>>, vector<16xi32>,
      tpu.vector_store %arg18[%swap3A_134], %add3A_133 {strides = array<i32>} : memref<640xi32, #tpu.memory_space<vmem>>, vector<16xi32>,
    }
    %scan3A_52 = arith.constant 40 : i32
    "tpu.region"() ({
      %run_scoped3A_53 = tpu.sem_alloc : memref<!tpu.dma_semaphore, #tpu.memory_space<semaphore_mem>>
      %dma_start3A = arith.constant 0 : i32
      %dma_start3A_54 = tpu.memref_slice %arg9[%arg0, %dma_start3A] : memref<2x10240xi32, #tpu.memory_space<hbm>> -> memref<1x10240xi32, #tpu.memory_space<hbm>>
      %dma_start3A_55 = tpu.memref_squeeze %dma_start3A_54 : memref<1x10240xi32, #tpu.memory_space<hbm>> -> memref<10240xi32, #tpu.memory_space<hbm>>
      %dma_start3A_56 = tpu.memref_slice %dma_start3A_55[%mul3A_32] : memref<10240xi32, #tpu.memory_space<hbm>> -> memref<640xi32, #tpu.memory_space<hbm>>
      %dma_start3A_57 = arith.constant 0 : i32
      %dma_start3A_58 = tpu.memref_slice %arg9[%arg0, %dma_start3A_57] : memref<2x10240xi32, #tpu.memory_space<hbm>> -> memref<1x10240xi32, #tpu.memory_space<hbm>>
      %dma_start3A_59 = tpu.memref_squeeze %dma_start3A_58 : memref<1x10240xi32, #tpu.memory_space<hbm>> -> memref<10240xi32, #tpu.memory_space<hbm>>
      %dma_start3A_60 = tpu.memref_slice %dma_start3A_59[%mul3A_32] : memref<10240xi32, #tpu.memory_space<hbm>> -> memref<640xi32, #tpu.memory_space<hbm>>
      tpu.enqueue_dma source(%arg18 : memref<640xi32, #tpu.memory_space<vmem>>) target(%dma_start3A_60 : memref<640xi32, #tpu.memory_space<hbm>>) target_semaphore(%run_scoped3A_53 : memref<!tpu.dma_semaphore, #tpu.memory_space<semaphore_mem>>)
      %dma_wait3A = arith.constant 0 : i32
      %dma_wait3A_61 = tpu.memref_slice %arg9[%arg0, %dma_wait3A] : memref<2x10240xi32, #tpu.memory_space<hbm>> -> memref<1x10240xi32, #tpu.memory_space<hbm>>
      %dma_wait3A_62 = tpu.memref_squeeze %dma_wait3A_61 : memref<1x10240xi32, #tpu.memory_space<hbm>> -> memref<10240xi32, #tpu.memory_space<hbm>>
      %dma_wait3A_63 = tpu.memref_slice %dma_wait3A_62[%mul3A_32] : memref<10240xi32, #tpu.memory_space<hbm>> -> memref<640xi32, #tpu.memory_space<hbm>>
      %dma_wait3A_64 = arith.constant 0 : i32
      %dma_wait3A_65 = tpu.memref_slice %arg9[%arg0, %dma_wait3A_64] : memref<2x10240xi32, #tpu.memory_space<hbm>> -> memref<1x10240xi32, #tpu.memory_space<hbm>>
      %dma_wait3A_66 = tpu.memref_squeeze %dma_wait3A_65 : memref<1x10240xi32, #tpu.memory_space<hbm>> -> memref<10240xi32, #tpu.memory_space<hbm>>
      %dma_wait3A_67 = tpu.memref_slice %dma_wait3A_66[%mul3A_32] : memref<10240xi32, #tpu.memory_space<hbm>> -> memref<640xi32, #tpu.memory_space<hbm>>
      tpu.wait_dma2 semaphore(%run_scoped3A_53 : memref<!tpu.dma_semaphore, #tpu.memory_space<semaphore_mem>>) src(%arg18 : memref<640xi32, #tpu.memory_space<vmem>>) dst(%dma_wait3A_67 : memref<640xi32, #tpu.memory_space<hbm>>)
      tpu.yield
    }) : () -> ()
    return
  }
}

module attributes {stable_mosaic.version = 14 : i64} {
  func.func @_pre_body(%arg0: i32, %arg1: memref<2560x128xf32, #tpu.memory_space<vmem>>, %arg2: memref<2560x1xf32, #tpu.memory_space<vmem>>, %arg3: memref<64x128xf32, #tpu.memory_space<vmem>>, %arg4: memref<64x128xf32, #tpu.memory_space<vmem>>, %arg5: memref<128x128xf32, #tpu.memory_space<vmem>>, %arg6: memref<128x128xf32, #tpu.memory_space<vmem>>, %arg7: memref<2560x128xf32, #tpu.memory_space<vmem>>, %arg8: memref<2560x128xf32, #tpu.memory_space<vmem>>, %arg9: memref<2560x128xf32, #tpu.memory_space<vmem>>, %arg10: memref<1x128xf32, #tpu.memory_space<vmem>>, %arg11: memref<1x128xf32, #tpu.memory_space<vmem>>, %arg12: memref<1x1xf32, #tpu.memory_space<vmem>>) attributes {dimension_semantics = [#tpu.dimension_semantics<arbitrary>], iteration_bounds = array<i64: 4>, scalar_prefetch = 0 : i64, scratch_operands = 0 : i64, tpu.core_type = #tpu.core_type<tc>, window_params = [{transform_indices = @transform_0, window_bounds = array<i64: 2560, 128>}, {transform_indices = @transform_1, window_bounds = array<i64: 2560, 1>}, {pipeline_mode = #tpu.pipeline_mode<synchronous>, transform_indices = @transform_2, window_bounds = array<i64: 64, 128>}, {pipeline_mode = #tpu.pipeline_mode<synchronous>, transform_indices = @transform_3, window_bounds = array<i64: 64, 128>}, {pipeline_mode = #tpu.pipeline_mode<synchronous>, transform_indices = @transform_4, window_bounds = array<i64: 128, 128>}, {pipeline_mode = #tpu.pipeline_mode<synchronous>, transform_indices = @transform_5, window_bounds = array<i64: 128, 128>}, {transform_indices = @transform_6, window_bounds = array<i64: 2560, 128>}, {transform_indices = @transform_7, window_bounds = array<i64: 2560, 128>}, {transform_indices = @transform_8, window_bounds = array<i64: 2560, 128>}, {pipeline_mode = #tpu.pipeline_mode<synchronous>, transform_indices = @transform_9, window_bounds = array<i64: 1, 128>}, {pipeline_mode = #tpu.pipeline_mode<synchronous>, transform_indices = @transform_10, window_bounds = array<i64: 1, 128>}, {pipeline_mode = #tpu.pipeline_mode<synchronous>, transform_indices = @transform_11, window_bounds = array<i64: 1, 1>}]} {
    %get3A = arith.constant 0 : index
    %get3A_0 = arith.constant 0 : index
    %get3A_1 = vector.load %arg1[%get3A, %get3A_0] : memref<2560x128xf32, #tpu.memory_space<vmem>>, vector<2560x128xf32>
    %get3A_2 = arith.constant 0 : index
    %get3A_3 = arith.constant 0 : index
    %get3A_4 = vector.load %arg2[%get3A_2, %get3A_3] : memref<2560x1xf32, #tpu.memory_space<vmem>>, vector<2560x1xf32>
    %slice3A = vector.extract_strided_slice %get3A_1 {offsets = [0, 0], sizes = [2560, 64], strides = [1, 1]} : vector<2560x128xf32> to vector<2560x64xf32>
    %get3A_5 = arith.constant 0 : index
    %get3A_6 = arith.constant 0 : index
    %get3A_7 = vector.load %arg3[%get3A_5, %get3A_6] : memref<64x128xf32, #tpu.memory_space<vmem>>, vector<64x128xf32>
    %dot_general3A = arith.constant dense<0.000000e+00> : vector<2560x128xf32>
    %dot_general3A_8 = tpu.matmul %slice3A, %get3A_7, %dot_general3A {dimension_numbers = #tpu.dot_dimension_numbers<[1], [0], [0], [1], [0, 0, 1, 1], [], []>, precision = #tpu.contract_precision<fp32>, transpose_lhs_hint = false} : vector<2560x64xf32>, vector<64x128xf32>, vector<2560x128xf32> -> vector<2560x128xf32>
    %slice3A_9 = vector.extract_strided_slice %get3A_1 {offsets = [0, 64], sizes = [2560, 64], strides = [1, 1]} : vector<2560x128xf32> to vector<2560x64xf32>
    %get3A_10 = arith.constant 0 : index
    %get3A_11 = arith.constant 0 : index
    %get3A_12 = vector.load %arg4[%get3A_10, %get3A_11] : memref<64x128xf32, #tpu.memory_space<vmem>>, vector<64x128xf32>
    %dot_general3A_13 = arith.constant dense<0.000000e+00> : vector<2560x128xf32>
    %dot_general3A_14 = tpu.matmul %slice3A_9, %get3A_12, %dot_general3A_13 {dimension_numbers = #tpu.dot_dimension_numbers<[1], [0], [0], [1], [0, 0, 1, 1], [], []>, precision = #tpu.contract_precision<fp32>, transpose_lhs_hint = false} : vector<2560x64xf32>, vector<64x128xf32>, vector<2560x128xf32> -> vector<2560x128xf32>
    %swap3A = arith.constant 0 : index
    %swap3A_15 = arith.constant 0 : index
    %swap3A_16 = vector.load %arg7[%swap3A, %swap3A_15] : memref<2560x128xf32, #tpu.memory_space<vmem>>, vector<2560x128xf32>
    tpu.vector_store %arg7[%swap3A, %swap3A_15], %dot_general3A_8 {strides = array<i32>} : memref<2560x128xf32, #tpu.memory_space<vmem>>, vector<2560x128xf32>,
    %swap3A_17 = arith.constant 0 : index
    %swap3A_18 = arith.constant 0 : index
    %swap3A_19 = vector.load %arg8[%swap3A_17, %swap3A_18] : memref<2560x128xf32, #tpu.memory_space<vmem>>, vector<2560x128xf32>
    tpu.vector_store %arg8[%swap3A_17, %swap3A_18], %dot_general3A_14 {strides = array<i32>} : memref<2560x128xf32, #tpu.memory_space<vmem>>, vector<2560x128xf32>,
    %get3A_20 = arith.constant 0 : index
    %get3A_21 = arith.constant 0 : index
    %get3A_22 = vector.load %arg5[%get3A_20, %get3A_21] : memref<128x128xf32, #tpu.memory_space<vmem>>, vector<128x128xf32>
    %dot_general3A_23 = arith.constant dense<0.000000e+00> : vector<2560x128xf32>
    %dot_general3A_24 = tpu.matmul %dot_general3A_8, %get3A_22, %dot_general3A_23 {dimension_numbers = #tpu.dot_dimension_numbers<[1], [0], [0], [1], [0, 0, 1, 1], [], []>, precision = #tpu.contract_precision<fp32>, transpose_lhs_hint = false} : vector<2560x128xf32>, vector<128x128xf32>, vector<2560x128xf32> -> vector<2560x128xf32>
    %get3A_25 = arith.constant 0 : index
    %get3A_26 = arith.constant 0 : index
    %get3A_27 = vector.load %arg6[%get3A_25, %get3A_26] : memref<128x128xf32, #tpu.memory_space<vmem>>, vector<128x128xf32>
    %dot_general3A_28 = arith.constant dense<0.000000e+00> : vector<2560x128xf32>
    %dot_general3A_29 = tpu.matmul %dot_general3A_14, %get3A_27, %dot_general3A_28 {dimension_numbers = #tpu.dot_dimension_numbers<[1], [0], [0], [1], [0, 0, 1, 1], [], []>, precision = #tpu.contract_precision<fp32>, transpose_lhs_hint = false} : vector<2560x128xf32>, vector<128x128xf32>, vector<2560x128xf32> -> vector<2560x128xf32>
    %add3A = arith.addf %dot_general3A_24, %dot_general3A_29 : vector<2560x128xf32>
    %swap3A_30 = arith.constant 0 : index
    %swap3A_31 = arith.constant 0 : index
    %swap3A_32 = vector.load %arg9[%swap3A_30, %swap3A_31] : memref<2560x128xf32, #tpu.memory_space<vmem>>, vector<2560x128xf32>
    tpu.vector_store %arg9[%swap3A_30, %swap3A_31], %add3A {strides = array<i32>} : memref<2560x128xf32, #tpu.memory_space<vmem>>, vector<2560x128xf32>,
    %eq3A = arith.constant 0 : i32
    %eq3A_33 = arith.cmpi eq, %arg0, %eq3A : i32
    %convert_element_type3A = arith.extui %eq3A_33 : i1 to i32
    %cond3A = arith.constant 0 : i32
    %cond3A_34 = arith.cmpi ne, %convert_element_type3A, %cond3A : i32
    scf.if %cond3A_34 {
      %broadcast_in_dim3A_71 = arith.constant 0.000000e+00 : f32
      %broadcast_in_dim3A_72 = vector.broadcast %broadcast_in_dim3A_71 : f32 to vector<1x128xf32>
      %swap3A_73 = arith.constant 0 : index
      %swap3A_74 = arith.constant 0 : index
      %swap3A_75 = vector.load %arg10[%swap3A_73, %swap3A_74] : memref<1x128xf32, #tpu.memory_space<vmem>>, vector<1x128xf32>
      tpu.vector_store %arg10[%swap3A_73, %swap3A_74], %broadcast_in_dim3A_72 {strides = array<i32>} : memref<1x128xf32, #tpu.memory_space<vmem>>, vector<1x128xf32>,
      %broadcast_in_dim3A_76 = arith.constant 0.000000e+00 : f32
      %broadcast_in_dim3A_77 = vector.broadcast %broadcast_in_dim3A_76 : f32 to vector<1x128xf32>
      %swap3A_78 = arith.constant 0 : index
      %swap3A_79 = arith.constant 0 : index
      %swap3A_80 = vector.load %arg11[%swap3A_78, %swap3A_79] : memref<1x128xf32, #tpu.memory_space<vmem>>, vector<1x128xf32>
      tpu.vector_store %arg11[%swap3A_78, %swap3A_79], %broadcast_in_dim3A_77 {strides = array<i32>} : memref<1x128xf32, #tpu.memory_space<vmem>>, vector<1x128xf32>,
      %broadcast_in_dim3A_81 = arith.constant 0.000000e+00 : f32
      %broadcast_in_dim3A_82 = vector.broadcast %broadcast_in_dim3A_81 : f32 to vector<1x1xf32>
      %swap3A_83 = arith.constant 0 : index
      %swap3A_84 = arith.constant 0 : index
      %swap3A_85 = vector.load %arg12[%swap3A_83, %swap3A_84] : memref<1x1xf32, #tpu.memory_space<vmem>>, vector<1x1xf32>
      tpu.vector_store %arg12[%swap3A_83, %swap3A_84], %broadcast_in_dim3A_82 {strides = array<i32>} : memref<1x1xf32, #tpu.memory_space<vmem>>, vector<1x1xf32>,
    } else {
    }
    %get3A_35 = arith.constant 0 : index
    %get3A_36 = arith.constant 0 : index
    %get3A_37 = vector.load %arg10[%get3A_35, %get3A_36] : memref<1x128xf32, #tpu.memory_space<vmem>>, vector<1x128xf32>
    %mul3A = vector.broadcast %get3A_4 : vector<2560x1xf32> to vector<2560x128xf32>
    %mul3A_38 = arith.mulf %dot_general3A_8, %mul3A : vector<2560x128xf32>
    %reduce_sum3A = arith.constant dense<0.000000e+00> : vector<128xf32>
    %reduce_sum3A_39 = vector.multi_reduction <add>, %mul3A_38, %reduce_sum3A [0] : vector<2560x128xf32> to vector<128xf32>
    %broadcast_in_dim3A = vector.shape_cast %reduce_sum3A_39 : vector<128xf32> to vector<1x128xf32>
    %add3A_40 = arith.addf %get3A_37, %broadcast_in_dim3A : vector<1x128xf32>
    %swap3A_41 = arith.constant 0 : index
    %swap3A_42 = arith.constant 0 : index
    %swap3A_43 = vector.load %arg10[%swap3A_41, %swap3A_42] : memref<1x128xf32, #tpu.memory_space<vmem>>, vector<1x128xf32>
    tpu.vector_store %arg10[%swap3A_41, %swap3A_42], %add3A_40 {strides = array<i32>} : memref<1x128xf32, #tpu.memory_space<vmem>>, vector<1x128xf32>,
    %get3A_44 = arith.constant 0 : index
    %get3A_45 = arith.constant 0 : index
    %get3A_46 = vector.load %arg11[%get3A_44, %get3A_45] : memref<1x128xf32, #tpu.memory_space<vmem>>, vector<1x128xf32>
    %sub3A = arith.constant 1.000000e+00 : f32
    %sub3A_47 = vector.broadcast %sub3A : f32 to vector<2560x1xf32>
    %sub3A_48 = arith.subf %sub3A_47, %get3A_4 : vector<2560x1xf32>
    %mul3A_49 = vector.broadcast %sub3A_48 : vector<2560x1xf32> to vector<2560x128xf32>
    %mul3A_50 = arith.mulf %dot_general3A_8, %mul3A_49 : vector<2560x128xf32>
    %reduce_sum3A_51 = arith.constant dense<0.000000e+00> : vector<128xf32>
    %reduce_sum3A_52 = vector.multi_reduction <add>, %mul3A_50, %reduce_sum3A_51 [0] : vector<2560x128xf32> to vector<128xf32>
    %broadcast_in_dim3A_53 = vector.shape_cast %reduce_sum3A_52 : vector<128xf32> to vector<1x128xf32>
    %add3A_54 = arith.addf %get3A_46, %broadcast_in_dim3A_53 : vector<1x128xf32>
    %swap3A_55 = arith.constant 0 : index
    %swap3A_56 = arith.constant 0 : index
    %swap3A_57 = vector.load %arg11[%swap3A_55, %swap3A_56] : memref<1x128xf32, #tpu.memory_space<vmem>>, vector<1x128xf32>
    tpu.vector_store %arg11[%swap3A_55, %swap3A_56], %add3A_54 {strides = array<i32>} : memref<1x128xf32, #tpu.memory_space<vmem>>, vector<1x128xf32>,
    %get3A_58 = arith.constant 0 : index
    %get3A_59 = arith.constant 0 : index
    %get3A_60 = vector.load %arg12[%get3A_58, %get3A_59] : memref<1x1xf32, #tpu.memory_space<vmem>>, vector<1x1xf32>
    %reduce_sum3A_61 = vector.shape_cast %get3A_4 : vector<2560x1xf32> to vector<1x2560x1xf32>
    %reduce_sum3A_62 = arith.constant dense<0.000000e+00> : vector<1xf32>
    %reduce_sum3A_63 = vector.multi_reduction <add>, %reduce_sum3A_61, %reduce_sum3A_62 [1, 2] : vector<1x2560x1xf32> to vector<1xf32>
    %reduce_sum3A_64 = vector.shape_cast %reduce_sum3A_63 : vector<1xf32> to vector<1x1x1xf32>
    %reduce_sum3A_65 = vector.extract %reduce_sum3A_64[0, 0, 0] : f32 from vector<1x1x1xf32>
    %broadcast_in_dim3A_66 = vector.broadcast %reduce_sum3A_65 : f32 to vector<1x1xf32>
    %add3A_67 = arith.addf %get3A_60, %broadcast_in_dim3A_66 : vector<1x1xf32>
    %swap3A_68 = arith.constant 0 : index
    %swap3A_69 = arith.constant 0 : index
    %swap3A_70 = vector.load %arg12[%swap3A_68, %swap3A_69] : memref<1x1xf32, #tpu.memory_space<vmem>>, vector<1x1xf32>
    tpu.vector_store %arg12[%swap3A_68, %swap3A_69], %add3A_67 {strides = array<i32>} : memref<1x1xf32, #tpu.memory_space<vmem>>, vector<1x1xf32>,
    return
  }
  func.func @transform_0(%arg0: i32) -> (i32, i32) {
    %c0_i32 = arith.constant 0 : i32
    %c0_i32_0 = arith.constant 0 : i32
    return %arg0, %c0_i32 : i32, i32
  }
  func.func @transform_1(%arg0: i32) -> (i32, i32) {
    %c0_i32 = arith.constant 0 : i32
    %c0_i32_0 = arith.constant 0 : i32
    return %arg0, %c0_i32 : i32, i32
  }
  func.func @transform_2(%arg0: i32) -> (i32, i32) {
    %c0_i32 = arith.constant 0 : i32
    %c0_i32_0 = arith.constant 0 : i32
    %c0_i32_1 = arith.constant 0 : i32
    return %c0_i32, %c0_i32_0 : i32, i32
  }
  func.func @transform_3(%arg0: i32) -> (i32, i32) {
    %c0_i32 = arith.constant 0 : i32
    %c0_i32_0 = arith.constant 0 : i32
    %c0_i32_1 = arith.constant 0 : i32
    return %c0_i32, %c0_i32_0 : i32, i32
  }
  func.func @transform_4(%arg0: i32) -> (i32, i32) {
    %c0_i32 = arith.constant 0 : i32
    %c0_i32_0 = arith.constant 0 : i32
    %c0_i32_1 = arith.constant 0 : i32
    return %c0_i32, %c0_i32_0 : i32, i32
  }
  func.func @transform_5(%arg0: i32) -> (i32, i32) {
    %c0_i32 = arith.constant 0 : i32
    %c0_i32_0 = arith.constant 0 : i32
    %c0_i32_1 = arith.constant 0 : i32
    return %c0_i32, %c0_i32_0 : i32, i32
  }
  func.func @transform_6(%arg0: i32) -> (i32, i32) {
    %c0_i32 = arith.constant 0 : i32
    %c0_i32_0 = arith.constant 0 : i32
    return %arg0, %c0_i32 : i32, i32
  }
  func.func @transform_7(%arg0: i32) -> (i32, i32) {
    %c0_i32 = arith.constant 0 : i32
    %c0_i32_0 = arith.constant 0 : i32
    return %arg0, %c0_i32 : i32, i32
  }
  func.func @transform_8(%arg0: i32) -> (i32, i32) {
    %c0_i32 = arith.constant 0 : i32
    %c0_i32_0 = arith.constant 0 : i32
    return %arg0, %c0_i32 : i32, i32
  }
  func.func @transform_9(%arg0: i32) -> (i32, i32) {
    %c0_i32 = arith.constant 0 : i32
    %c0_i32_0 = arith.constant 0 : i32
    %c0_i32_1 = arith.constant 0 : i32
    return %c0_i32, %c0_i32_0 : i32, i32
  }
  func.func @transform_10(%arg0: i32) -> (i32, i32) {
    %c0_i32 = arith.constant 0 : i32
    %c0_i32_0 = arith.constant 0 : i32
    %c0_i32_1 = arith.constant 0 : i32
    return %c0_i32, %c0_i32_0 : i32, i32
  }
  func.func @transform_11(%arg0: i32) -> (i32, i32) {
    %c0_i32 = arith.constant 0 : i32
    %c0_i32_0 = arith.constant 0 : i32
    %c0_i32_1 = arith.constant 0 : i32
    return %c0_i32, %c0_i32_0 : i32, i32
  }
}

module attributes {stable_mosaic.version = 14 : i64} {
  func.func @_t1_body(%arg0: memref<2x10240xi32, #tpu.memory_space<vmem>>, %arg1: memref<1x10240xi32, #tpu.memory_space<vmem>>, %arg2: memref<1x10240xi32, #tpu.memory_space<vmem>>, %arg3: memref<1x10240xi32, #tpu.memory_space<vmem>>) attributes {dimension_semantics = [], scalar_prefetch = 0 : i64, scratch_operands = 0 : i64, tpu.core_type = #tpu.core_type<tc>} {
    %get3A = arith.constant 0 : index
    %get3A_0 = arith.constant 0 : index
    %get3A_1 = vector.load %arg0[%get3A, %get3A_0] : memref<2x10240xi32, #tpu.memory_space<vmem>>, vector<1x10240xi32>
    %get3A_2 = arith.constant 1 : index
    %get3A_3 = arith.constant 0 : index
    %get3A_4 = vector.load %arg0[%get3A_2, %get3A_3] : memref<2x10240xi32, #tpu.memory_space<vmem>>, vector<1x10240xi32>
    %add3A = arith.addi %get3A_1, %get3A_4 : vector<1x10240xi32>
    %get3A_5 = arith.constant 0 : index
    %get3A_6 = arith.constant 0 : index
    %get3A_7 = vector.load %arg1[%get3A_5, %get3A_6] : memref<1x10240xi32, #tpu.memory_space<vmem>>, vector<1x10240xi32>
    %broadcast_in_dim3A = arith.constant 1 : i32
    %broadcast_in_dim3A_8 = vector.broadcast %broadcast_in_dim3A : i32 to vector<1x10240xi32>
    %broadcast_in_dim3A_9 = arith.constant 0 : i32
    %broadcast_in_dim3A_10 = vector.broadcast %broadcast_in_dim3A_9 : i32 to vector<1x10240xi32>
    %gt3A = arith.constant 0 : i32
    %gt3A_11 = vector.broadcast %gt3A : i32 to vector<1x10240xi32>
    %gt3A_12 = arith.cmpi sgt, %add3A, %gt3A_11 : vector<1x10240xi32>
    %select_n3A = arith.select %gt3A_12, %broadcast_in_dim3A_8, %broadcast_in_dim3A_10 : vector<1x10240xi1>, vector<1x10240xi32>
    %swap3A = arith.constant 0 : index
    %swap3A_13 = arith.constant 0 : index
    %swap3A_14 = vector.load %arg2[%swap3A, %swap3A_13] : memref<1x10240xi32, #tpu.memory_space<vmem>>, vector<1x10240xi32>
    tpu.vector_store %arg2[%swap3A, %swap3A_13], %select_n3A {strides = array<i32>} : memref<1x10240xi32, #tpu.memory_space<vmem>>, vector<1x10240xi32>,
    %eq3A = arith.constant 0 : i32
    %eq3A_15 = vector.broadcast %eq3A : i32 to vector<1x10240xi32>
    %eq3A_16 = arith.cmpi eq, %add3A, %eq3A_15 : vector<1x10240xi32>
    %eq3A_17 = arith.constant 0 : i32
    %eq3A_18 = vector.broadcast %eq3A_17 : i32 to vector<1x10240xi32>
    %eq3A_19 = arith.cmpi eq, %get3A_7, %eq3A_18 : vector<1x10240xi32>
    %and3A = arith.andi %eq3A_16, %eq3A_19 : vector<1x10240xi1>
    %select_n3A_20 = arith.select %and3A, %broadcast_in_dim3A_8, %broadcast_in_dim3A_10 : vector<1x10240xi1>, vector<1x10240xi32>
    %swap3A_21 = arith.constant 0 : index
    %swap3A_22 = arith.constant 0 : index
    %swap3A_23 = vector.load %arg3[%swap3A_21, %swap3A_22] : memref<1x10240xi32, #tpu.memory_space<vmem>>, vector<1x10240xi32>
    tpu.vector_store %arg3[%swap3A_21, %swap3A_22], %select_n3A_20 {strides = array<i32>} : memref<1x10240xi32, #tpu.memory_space<vmem>>, vector<1x10240xi32>,
    return
  }
}

module attributes {stable_mosaic.version = 14 : i64} {
  func.func @_mid_body(%arg0: i32, %arg1: memref<2560x128xf32, #tpu.memory_space<vmem>>, %arg2: memref<2560x128xf32, #tpu.memory_space<vmem>>, %arg3: memref<2x2560x128xf32, #tpu.memory_space<vmem>>, %arg4: memref<2x2560x1xi32, #tpu.memory_space<vmem>>, %arg5: memref<1x128xf32, #tpu.memory_space<vmem>>, %arg6: memref<1x128xf32, #tpu.memory_space<vmem>>, %arg7: memref<1x1xf32, #tpu.memory_space<vmem>>, %arg8: memref<128x128xf32, #tpu.memory_space<vmem>>, %arg9: memref<128x128xf32, #tpu.memory_space<vmem>>, %arg10: memref<128x128xf32, #tpu.memory_space<vmem>>, %arg11: memref<2560x128xf32, #tpu.memory_space<vmem>>, %arg12: memref<2560x128xf32, #tpu.memory_space<vmem>>) attributes {dimension_semantics = [#tpu.dimension_semantics<arbitrary>], iteration_bounds = array<i64: 4>, scalar_prefetch = 0 : i64, scratch_operands = 0 : i64, tpu.core_type = #tpu.core_type<tc>, window_params = [{transform_indices = @transform_0, window_bounds = array<i64: 2560, 128>}, {transform_indices = @transform_1, window_bounds = array<i64: 2560, 128>}, {transform_indices = @transform_2, window_bounds = array<i64: 2, 2560, 128>}, {transform_indices = @transform_3, window_bounds = array<i64: 2, 2560, 1>}, {pipeline_mode = #tpu.pipeline_mode<synchronous>, transform_indices = @transform_4, window_bounds = array<i64: 1, 128>}, {pipeline_mode = #tpu.pipeline_mode<synchronous>, transform_indices = @transform_5, window_bounds = array<i64: 1, 128>}, {pipeline_mode = #tpu.pipeline_mode<synchronous>, transform_indices = @transform_6, window_bounds = array<i64: 1, 1>}, {pipeline_mode = #tpu.pipeline_mode<synchronous>, transform_indices = @transform_7, window_bounds = array<i64: 128, 128>}, {pipeline_mode = #tpu.pipeline_mode<synchronous>, transform_indices = @transform_8, window_bounds = array<i64: 128, 128>}, {pipeline_mode = #tpu.pipeline_mode<synchronous>, transform_indices = @transform_9, window_bounds = array<i64: 128, 128>}, {transform_indices = @transform_10, window_bounds = array<i64: 2560, 128>}, {transform_indices = @transform_11, window_bounds = array<i64: 2560, 128>}]} {
    %get3A = arith.constant 0 : index
    %get3A_0 = arith.constant 0 : index
    %get3A_1 = vector.load %arg7[%get3A, %get3A_0] : memref<1x1xf32, #tpu.memory_space<vmem>>, vector<1x1xf32>
    %get3A_2 = vector.extract %get3A_1[0, 0] : f32 from vector<1x1xf32>
    %max3A = arith.constant 1.000000e+00 : f32
    %max3A_3 = arith.maximumf %get3A_2, %max3A : f32
    %get3A_4 = arith.constant 0 : index
    %get3A_5 = arith.constant 0 : index
    %get3A_6 = vector.load %arg7[%get3A_4, %get3A_5] : memref<1x1xf32, #tpu.memory_space<vmem>>, vector<1x1xf32>
    %get3A_7 = vector.extract %get3A_6[0, 0] : f32 from vector<1x1xf32>
    %sub3A = arith.constant 1.000000e+04 : f32
    %sub3A_8 = arith.subf %sub3A, %get3A_7 : f32
    %max3A_9 = arith.constant 1.000000e+00 : f32
    %max3A_10 = arith.maximumf %sub3A_8, %max3A_9 : f32
    %get3A_11 = arith.constant 0 : index
    %get3A_12 = arith.constant 0 : index
    %get3A_13 = vector.load %arg5[%get3A_11, %get3A_12] : memref<1x128xf32, #tpu.memory_space<vmem>>, vector<1x128xf32>
    %div3A = vector.broadcast %max3A_3 : f32 to vector<1x128xf32>
    %div3A_14 = arith.divf %get3A_13, %div3A : vector<1x128xf32>
    %get3A_15 = arith.constant 0 : index
    %get3A_16 = arith.constant 0 : index
    %get3A_17 = vector.load %arg6[%get3A_15, %get3A_16] : memref<1x128xf32, #tpu.memory_space<vmem>>, vector<1x128xf32>
    %div3A_18 = vector.broadcast %max3A_10 : f32 to vector<1x128xf32>
    %div3A_19 = arith.divf %get3A_17, %div3A_18 : vector<1x128xf32>
    %sub3A_20 = arith.subf %div3A_14, %div3A_19 : vector<1x128xf32>
    %get3A_21 = arith.constant 0 : index
    %get3A_22 = arith.constant 0 : index
    %get3A_23 = vector.load %arg8[%get3A_21, %get3A_22] : memref<128x128xf32, #tpu.memory_space<vmem>>, vector<128x128xf32>
    %dot_general3A = arith.constant dense<0.000000e+00> : vector<1x128xf32>
    %dot_general3A_24 = tpu.matmul %sub3A_20, %get3A_23, %dot_general3A {dimension_numbers = #tpu.dot_dimension_numbers<[1], [0], [0], [1], [0, 0, 1, 1], [], []>, precision = #tpu.contract_precision<fp32>, transpose_lhs_hint = false} : vector<1x128xf32>, vector<128x128xf32>, vector<1x128xf32> -> vector<1x128xf32>
    %get3A_25 = arith.constant 0 : index
    %get3A_26 = arith.constant 0 : index
    %get3A_27 = arith.constant 0 : index
    %get3A_28 = vector.load %arg4[%get3A_25, %get3A_26, %get3A_27] : memref<2x2560x1xi32, #tpu.memory_space<vmem>>, vector<1x2560x1xi32>
    %get3A_29 = vector.shape_cast %get3A_28 : vector<1x2560x1xi32> to vector<2560x1xi32>
    %get3A_30 = arith.constant 1 : index
    %get3A_31 = arith.constant 0 : index
    %get3A_32 = arith.constant 0 : index
    %get3A_33 = vector.load %arg4[%get3A_30, %get3A_31, %get3A_32] : memref<2x2560x1xi32, #tpu.memory_space<vmem>>, vector<1x2560x1xi32>
    %get3A_34 = vector.shape_cast %get3A_33 : vector<1x2560x1xi32> to vector<2560x1xi32>
    %add3A = arith.addi %get3A_29, %get3A_34 : vector<2560x1xi32>
    %convert_element_type3A = arith.sitofp %add3A : vector<2560x1xi32> to vector<2560x1xf32>
    %get3A_35 = arith.constant 0 : index
    %get3A_36 = arith.constant 0 : index
    %get3A_37 = arith.constant 0 : index
    %get3A_38 = vector.load %arg3[%get3A_35, %get3A_36, %get3A_37] : memref<2x2560x128xf32, #tpu.memory_space<vmem>>, vector<1x2560x128xf32>
    %get3A_39 = vector.shape_cast %get3A_38 : vector<1x2560x128xf32> to vector<2560x128xf32>
    %get3A_40 = arith.constant 1 : index
    %get3A_41 = arith.constant 0 : index
    %get3A_42 = arith.constant 0 : index
    %get3A_43 = vector.load %arg3[%get3A_40, %get3A_41, %get3A_42] : memref<2x2560x128xf32, #tpu.memory_space<vmem>>, vector<1x2560x128xf32>
    %get3A_44 = vector.shape_cast %get3A_43 : vector<1x2560x128xf32> to vector<2560x128xf32>
    %add3A_45 = arith.addf %get3A_39, %get3A_44 : vector<2560x128xf32>
    %max3A_46 = arith.constant 1.000000e+00 : f32
    %max3A_47 = vector.broadcast %max3A_46 : f32 to vector<2560x1xf32>
    %max3A_48 = arith.maximumf %convert_element_type3A, %max3A_47 : vector<2560x1xf32>
    %div3A_49 = vector.broadcast %max3A_48 : vector<2560x1xf32> to vector<2560x128xf32>
    %div3A_50 = arith.divf %add3A_45, %div3A_49 : vector<2560x128xf32>
    %get3A_51 = arith.constant 0 : index
    %get3A_52 = arith.constant 0 : index
    %get3A_53 = vector.load %arg2[%get3A_51, %get3A_52] : memref<2560x128xf32, #tpu.memory_space<vmem>>, vector<2560x128xf32>
    %add3A_54 = arith.addf %get3A_53, %div3A_50 : vector<2560x128xf32>
    %add3A_55 = vector.broadcast %dot_general3A_24 : vector<1x128xf32> to vector<2560x128xf32>
    %add3A_56 = arith.addf %add3A_54, %add3A_55 : vector<2560x128xf32>
    %swap3A = arith.constant 0 : index
    %swap3A_57 = arith.constant 0 : index
    %swap3A_58 = vector.load %arg11[%swap3A, %swap3A_57] : memref<2560x128xf32, #tpu.memory_space<vmem>>, vector<2560x128xf32>
    tpu.vector_store %arg11[%swap3A, %swap3A_57], %add3A_56 {strides = array<i32>} : memref<2560x128xf32, #tpu.memory_space<vmem>>, vector<2560x128xf32>,
    %get3A_59 = arith.constant 0 : index
    %get3A_60 = arith.constant 0 : index
    %get3A_61 = vector.load %arg1[%get3A_59, %get3A_60] : memref<2560x128xf32, #tpu.memory_space<vmem>>, vector<2560x128xf32>
    %get3A_62 = arith.constant 0 : index
    %get3A_63 = arith.constant 0 : index
    %get3A_64 = vector.load %arg9[%get3A_62, %get3A_63] : memref<128x128xf32, #tpu.memory_space<vmem>>, vector<128x128xf32>
    %dot_general3A_65 = arith.constant dense<0.000000e+00> : vector<2560x128xf32>
    %dot_general3A_66 = tpu.matmul %get3A_61, %get3A_64, %dot_general3A_65 {dimension_numbers = #tpu.dot_dimension_numbers<[1], [0], [0], [1], [0, 0, 1, 1], [], []>, precision = #tpu.contract_precision<fp32>, transpose_lhs_hint = false} : vector<2560x128xf32>, vector<128x128xf32>, vector<2560x128xf32> -> vector<2560x128xf32>
    %get3A_67 = arith.constant 0 : index
    %get3A_68 = arith.constant 0 : index
    %get3A_69 = vector.load %arg10[%get3A_67, %get3A_68] : memref<128x128xf32, #tpu.memory_space<vmem>>, vector<128x128xf32>
    %dot_general3A_70 = arith.constant dense<0.000000e+00> : vector<2560x128xf32>
    %dot_general3A_71 = tpu.matmul %add3A_56, %get3A_69, %dot_general3A_70 {dimension_numbers = #tpu.dot_dimension_numbers<[1], [0], [0], [1], [0, 0, 1, 1], [], []>, precision = #tpu.contract_precision<fp32>, transpose_lhs_hint = false} : vector<2560x128xf32>, vector<128x128xf32>, vector<2560x128xf32> -> vector<2560x128xf32>
    %add3A_72 = arith.addf %dot_general3A_66, %dot_general3A_71 : vector<2560x128xf32>
    %swap3A_73 = arith.constant 0 : index
    %swap3A_74 = arith.constant 0 : index
    %swap3A_75 = vector.load %arg12[%swap3A_73, %swap3A_74] : memref<2560x128xf32, #tpu.memory_space<vmem>>, vector<2560x128xf32>
    tpu.vector_store %arg12[%swap3A_73, %swap3A_74], %add3A_72 {strides = array<i32>} : memref<2560x128xf32, #tpu.memory_space<vmem>>, vector<2560x128xf32>,
    return
  }
  func.func @transform_0(%arg0: i32) -> (i32, i32) {
    %c0_i32 = arith.constant 0 : i32
    %c0_i32_0 = arith.constant 0 : i32
    return %arg0, %c0_i32 : i32, i32
  }
  func.func @transform_1(%arg0: i32) -> (i32, i32) {
    %c0_i32 = arith.constant 0 : i32
    %c0_i32_0 = arith.constant 0 : i32
    return %arg0, %c0_i32 : i32, i32
  }
  func.func @transform_2(%arg0: i32) -> (i32, i32, i32) {
    %c0_i32 = arith.constant 0 : i32
    %c0_i32_0 = arith.constant 0 : i32
    %c0_i32_1 = arith.constant 0 : i32
    return %c0_i32, %arg0, %c0_i32_0 : i32, i32, i32
  }
  func.func @transform_3(%arg0: i32) -> (i32, i32, i32) {
    %c0_i32 = arith.constant 0 : i32
    %c0_i32_0 = arith.constant 0 : i32
    %c0_i32_1 = arith.constant 0 : i32
    return %c0_i32, %arg0, %c0_i32_0 : i32, i32, i32
  }
  func.func @transform_4(%arg0: i32) -> (i32, i32) {
    %c0_i32 = arith.constant 0 : i32
    %c0_i32_0 = arith.constant 0 : i32
    %c0_i32_1 = arith.constant 0 : i32
    return %c0_i32, %c0_i32_0 : i32, i32
  }
  func.func @transform_5(%arg0: i32) -> (i32, i32) {
    %c0_i32 = arith.constant 0 : i32
    %c0_i32_0 = arith.constant 0 : i32
    %c0_i32_1 = arith.constant 0 : i32
    return %c0_i32, %c0_i32_0 : i32, i32
  }
  func.func @transform_6(%arg0: i32) -> (i32, i32) {
    %c0_i32 = arith.constant 0 : i32
    %c0_i32_0 = arith.constant 0 : i32
    %c0_i32_1 = arith.constant 0 : i32
    return %c0_i32, %c0_i32_0 : i32, i32
  }
  func.func @transform_7(%arg0: i32) -> (i32, i32) {
    %c0_i32 = arith.constant 0 : i32
    %c0_i32_0 = arith.constant 0 : i32
    %c0_i32_1 = arith.constant 0 : i32
    return %c0_i32, %c0_i32_0 : i32, i32
  }
  func.func @transform_8(%arg0: i32) -> (i32, i32) {
    %c0_i32 = arith.constant 0 : i32
    %c0_i32_0 = arith.constant 0 : i32
    %c0_i32_1 = arith.constant 0 : i32
    return %c0_i32, %c0_i32_0 : i32, i32
  }
  func.func @transform_9(%arg0: i32) -> (i32, i32) {
    %c0_i32 = arith.constant 0 : i32
    %c0_i32_0 = arith.constant 0 : i32
    %c0_i32_1 = arith.constant 0 : i32
    return %c0_i32, %c0_i32_0 : i32, i32
  }
  func.func @transform_10(%arg0: i32) -> (i32, i32) {
    %c0_i32 = arith.constant 0 : i32
    %c0_i32_0 = arith.constant 0 : i32
    return %arg0, %c0_i32 : i32, i32
  }
  func.func @transform_11(%arg0: i32) -> (i32, i32) {
    %c0_i32 = arith.constant 0 : i32
    %c0_i32_0 = arith.constant 0 : i32
    return %arg0, %c0_i32 : i32, i32
  }
}

module attributes {stable_mosaic.version = 14 : i64} {
  func.func @_post_body(%arg0: i32, %arg1: memref<2560x128xf32, #tpu.memory_space<vmem>>, %arg2: memref<2560x128xf32, #tpu.memory_space<vmem>>, %arg3: memref<2560x128xf32, #tpu.memory_space<vmem>>, %arg4: memref<2x2560x128xf32, #tpu.memory_space<vmem>>, %arg5: memref<2x2560x1xi32, #tpu.memory_space<vmem>>, %arg6: memref<2560x1xf32, #tpu.memory_space<vmem>>, %arg7: memref<2560x256xf32, #tpu.memory_space<vmem>>) attributes {dimension_semantics = [#tpu.dimension_semantics<arbitrary>], iteration_bounds = array<i64: 4>, scalar_prefetch = 0 : i64, scratch_operands = 0 : i64, tpu.core_type = #tpu.core_type<tc>, window_params = [{transform_indices = @transform_0, window_bounds = array<i64: 2560, 128>}, {transform_indices = @transform_1, window_bounds = array<i64: 2560, 128>}, {transform_indices = @transform_2, window_bounds = array<i64: 2560, 128>}, {transform_indices = @transform_3, window_bounds = array<i64: 2, 2560, 128>}, {transform_indices = @transform_4, window_bounds = array<i64: 2, 2560, 1>}, {transform_indices = @transform_5, window_bounds = array<i64: 2560, 1>}, {transform_indices = @transform_6, window_bounds = array<i64: 2560, 256>}]} {
    %get3A = arith.constant 0 : index
    %get3A_0 = arith.constant 0 : index
    %get3A_1 = arith.constant 0 : index
    %get3A_2 = vector.load %arg5[%get3A, %get3A_0, %get3A_1] : memref<2x2560x1xi32, #tpu.memory_space<vmem>>, vector<1x2560x1xi32>
    %get3A_3 = vector.shape_cast %get3A_2 : vector<1x2560x1xi32> to vector<2560x1xi32>
    %get3A_4 = arith.constant 1 : index
    %get3A_5 = arith.constant 0 : index
    %get3A_6 = arith.constant 0 : index
    %get3A_7 = vector.load %arg5[%get3A_4, %get3A_5, %get3A_6] : memref<2x2560x1xi32, #tpu.memory_space<vmem>>, vector<1x2560x1xi32>
    %get3A_8 = vector.shape_cast %get3A_7 : vector<1x2560x1xi32> to vector<2560x1xi32>
    %add3A = arith.addi %get3A_3, %get3A_8 : vector<2560x1xi32>
    %convert_element_type3A = arith.sitofp %add3A : vector<2560x1xi32> to vector<2560x1xf32>
    %get3A_9 = arith.constant 0 : index
    %get3A_10 = arith.constant 0 : index
    %get3A_11 = vector.load %arg3[%get3A_9, %get3A_10] : memref<2560x128xf32, #tpu.memory_space<vmem>>, vector<2560x128xf32>
    %get3A_12 = arith.constant 0 : index
    %get3A_13 = arith.constant 0 : index
    %get3A_14 = arith.constant 0 : index
    %get3A_15 = vector.load %arg4[%get3A_12, %get3A_13, %get3A_14] : memref<2x2560x128xf32, #tpu.memory_space<vmem>>, vector<1x2560x128xf32>
    %get3A_16 = vector.shape_cast %get3A_15 : vector<1x2560x128xf32> to vector<2560x128xf32>
    %get3A_17 = arith.constant 1 : index
    %get3A_18 = arith.constant 0 : index
    %get3A_19 = arith.constant 0 : index
    %get3A_20 = vector.load %arg4[%get3A_17, %get3A_18, %get3A_19] : memref<2x2560x128xf32, #tpu.memory_space<vmem>>, vector<1x2560x128xf32>
    %get3A_21 = vector.shape_cast %get3A_20 : vector<1x2560x128xf32> to vector<2560x128xf32>
    %add3A_22 = arith.addf %get3A_16, %get3A_21 : vector<2560x128xf32>
    %max3A = arith.constant 1.000000e+00 : f32
    %max3A_23 = vector.broadcast %max3A : f32 to vector<2560x1xf32>
    %max3A_24 = arith.maximumf %convert_element_type3A, %max3A_23 : vector<2560x1xf32>
    %div3A = vector.broadcast %max3A_24 : vector<2560x1xf32> to vector<2560x128xf32>
    %div3A_25 = arith.divf %add3A_22, %div3A : vector<2560x128xf32>
    %add3A_26 = arith.addf %get3A_11, %div3A_25 : vector<2560x128xf32>
    %get3A_27 = arith.constant 0 : index
    %get3A_28 = arith.constant 0 : index
    %get3A_29 = vector.load %arg6[%get3A_27, %get3A_28] : memref<2560x1xf32, #tpu.memory_space<vmem>>, vector<2560x1xf32>
    %gt3A = arith.constant 0.000000e+00 : f32
    %gt3A_30 = vector.broadcast %gt3A : f32 to vector<2560x1xf32>
    %gt3A_31 = arith.cmpf ogt, %get3A_29, %gt3A_30 : vector<2560x1xf32>
    %get3A_32 = arith.constant 0 : index
    %get3A_33 = arith.constant 0 : index
    %get3A_34 = vector.load %arg2[%get3A_32, %get3A_33] : memref<2560x128xf32, #tpu.memory_space<vmem>>, vector<2560x128xf32>
    %broadcast_in_dim3A = vector.shape_cast %gt3A_31 : vector<2560x1xi1> to vector<2560x1xi1>
    %broadcast_in_dim3A_35 = vector.broadcast %broadcast_in_dim3A : vector<2560x1xi1> to vector<2560x128xi1>
    %select_n3A = arith.select %broadcast_in_dim3A_35, %get3A_34, %add3A_26 : vector<2560x128xi1>, vector<2560x128xf32>
    %get3A_36 = arith.constant 0 : index
    %get3A_37 = arith.constant 0 : index
    %get3A_38 = vector.load %arg1[%get3A_36, %get3A_37] : memref<2560x128xf32, #tpu.memory_space<vmem>>, vector<2560x128xf32>
    %concatenate3A = tpu.concatenate %get3A_38, %select_n3A in 1 : vector<2560x128xf32>, vector<2560x128xf32> -> vector<2560x256xf32>
    %swap3A = arith.constant 0 : index
    %swap3A_39 = arith.constant 0 : index
    %swap3A_40 = vector.load %arg7[%swap3A, %swap3A_39] : memref<2560x256xf32, #tpu.memory_space<vmem>>, vector<2560x256xf32>
    tpu.vector_store %arg7[%swap3A, %swap3A_39], %concatenate3A {strides = array<i32>} : memref<2560x256xf32, #tpu.memory_space<vmem>>, vector<2560x256xf32>,
    return
  }
  func.func @transform_0(%arg0: i32) -> (i32, i32) {
    %c0_i32 = arith.constant 0 : i32
    %c0_i32_0 = arith.constant 0 : i32
    return %arg0, %c0_i32 : i32, i32
  }
  func.func @transform_1(%arg0: i32) -> (i32, i32) {
    %c0_i32 = arith.constant 0 : i32
    %c0_i32_0 = arith.constant 0 : i32
    return %arg0, %c0_i32 : i32, i32
  }
  func.func @transform_2(%arg0: i32) -> (i32, i32) {
    %c0_i32 = arith.constant 0 : i32
    %c0_i32_0 = arith.constant 0 : i32
    return %arg0, %c0_i32 : i32, i32
  }
  func.func @transform_3(%arg0: i32) -> (i32, i32, i32) {
    %c0_i32 = arith.constant 0 : i32
    %c0_i32_0 = arith.constant 0 : i32
    %c0_i32_1 = arith.constant 0 : i32
    return %c0_i32, %arg0, %c0_i32_0 : i32, i32, i32
  }
  func.func @transform_4(%arg0: i32) -> (i32, i32, i32) {
    %c0_i32 = arith.constant 0 : i32
    %c0_i32_0 = arith.constant 0 : i32
    %c0_i32_1 = arith.constant 0 : i32
    return %c0_i32, %arg0, %c0_i32_0 : i32, i32, i32
  }
  func.func @transform_5(%arg0: i32) -> (i32, i32) {
    %c0_i32 = arith.constant 0 : i32
    %c0_i32_0 = arith.constant 0 : i32
    return %arg0, %c0_i32 : i32, i32
  }
  func.func @transform_6(%arg0: i32) -> (i32, i32) {
    %c0_i32 = arith.constant 0 : i32
    %c0_i32_0 = arith.constant 0 : i32
    return %arg0, %c0_i32 : i32, i32
  }
}

</mosaic_0001>

<sc_bundles>
// kernel: sc_gather_segsum.4.cloned.1.call-start
scs
__scs_entry_jumppad:
0x0: {  	(pc) =	sbr.rel $0x88, $3  }
0x1: {  	(tag) =	ssettag $0x0;
	lr =	simm.s32 $0x1  }
0x2: {  	[smem:$0x3F97] =	sst lr;
	_ =	strace $0xD0000000  }
0x3: {  	_ = 	snop  }
0x4: {  	_ = 	snop  }
0x5: {  	_ = 	snop  }
0x6: {  	_ = 	snop  }
0x7: {  	_ = 	snop  }
__scs_overlays_trampoline_lowered:
0x8: {  	[smem:$0x3FA6] =	sst s0  }
0x9: {  	[smem:$0x3FA7] =	sst s1  }
0xa: {  	[smem:$0x3FA8] =	sst s2  }
0xb: {  	[smem:$0x3FA9] =	sst s3  }
0xc: {  	[smem:$0x3FAA] =	sst s4  }
0xd: {  	[smem:$0x3FAB] =	sst s5  }
0xe: {  	[smem:$0x3FAC] =	sst s6  }
0xf: {  	[smem:$0x3FAD] =	sst s7  }
0x10: {  	[smem:$0x3FAE] =	sst s8  }
0x11: {  	[smem:$0x3FAF] =	sst s9;
	s0 =	simm.s32 @!p0 $0x0  }
0x12: {  	s1 =	sld [smem:$0x3F95];
	s0 =	simm.s32 @p0 $0x1  }
0x13: {  	[smem:$0x3FB0] =	sst s0;
	s0 =	simm.s32 @!p1 $0x0  }
0x14: {  	s2 =	sld [smem:$0x3F94];
	s0 =	simm.s32 @p1 $0x1  }
0x15: {  	[smem:$0x3FB1] =	sst s0;
	s0 =	simm.s32 @!p2 $0x0  }
0x16: {  	s3 =	sld [smem:$0x3FDB];
	s0 =	simm.s32 @p2 $0x1  }
0x17: {  	s4 =	simm.s32 $0x1BF5;
	[smem:$0x3FB3] =	sst s0  }
0x18: {  	s0 =	sld [smem:$0x3F96];
	_ =	swait.ge [sflag:s4], $0x0  }
0x19: {  	s7 =	sld [smem:$0x3F97]  }
0x1a: {  	s8 =	sadd.s32 $0xFFFFE003, lr  }
0x1b: {  	s9 =	sadd.s32 $0xFFFFFEF7, lr;
	s5 =	simm.s32 $0xFFFFFFFF;
	p2 =	slt.u32 s8, $0xFFFFF086  }
0x1c: {  	p1 =	slt.u32 s9, $0xF7A;
	s5 =	simm.s32 @!p2 $0x0  }
0x1d: {  	s5 =	simm.s32 @p1 $0x1;
	p0 =	seq.s32 s7, s2  }
0x1e: {  	s7 =	smul.u32 @!p0 $0xF7A, s2;
	p2 =	seq.s32 @!p0 s5, $0x0  }
0x1f: {  	s9 =	smul.u32 $0xF7A, s1;
	s8 =	simm.s32 @!p0 $0x1BF5;
	p2 =	por !p2, p0  }
0x20: {  	[sflag:s8] =	ssyncset.s32 @!p0 $0xFFFFF086;
	s6 =	sadd.s32 @!p0 s3, s7;
	s7 =	simm.s32 @!p0 $0x108  }
0x21: {  	s3 =	sadd.s32 s3, s9;
	s6 =	sadd.s32 @!p0 $0x88, s6;
	s7 =	simm.s32 @p2 $0x1082  }
0x22: {  	[simem:s7], [sflag:s8] =	dma.local @!p0 [hbm:s6], $0xF7A  }
0x23: {  	s9 =	sor.u32 $0xD0000000, s2;
	s6 =	simm.s32 $0x108;
	_ =	swait.ge @!p0 [sflag:s8], $0x0  }
0x24: {  	s3 =	sadd.s32 $0x88, s3;
	s6 =	simm.s32 @!p1 $0x1082;
	[sflag:s4] =	ssyncset.s32 $0xFFFFF086  }
0x25: {  	[simem:s6], [sflag:s4] =	dma.local [hbm:s3], $0xF7A  }
0x26: {  	[smem:$0x3F97] =	sst s1;
	(tag) =	ssettag s2;
	_ =	strace s9  }
0x27: {  	s1 =	sld [smem:$0x3FA7]  }
0x28: {  	s2 =	sld [smem:$0x3FA8]  }
0x29: {  	s4 =	sld [smem:$0x3FAA]  }
0x2a: {  	p0 =	seq.s32 s5, $0x0;
	s5 =	sld [smem:$0x3FAB]  }
0x2b: {  	s6 =	sld [smem:$0x3FAC]  }
0x2c: {  	s7 =	sld [smem:$0x3FAD]  }
0x2d: {  	s3 =	simm.s32 $0x108;
	s8 =	sld [smem:$0x3FAE]  }
0x2e: {  	s3 =	simm.s32 @!p0 $0x1082;
	s9 =	sld [smem:$0x3FAF]  }
0x2f: {  	lr =	sadd.s32 s0, s3;
	s0 =	sld [smem:$0x3FA6]  }
0x30: {  	s3 =	sld [smem:$0x3FA9]  }
0x31: {  	[smem:$0x3FB2] =	sst s10  }
0x32: {  	s10 =	sld [smem:$0x3FB0];
	_ =	sdelay $0x3  }
0x33: {  	p0 =	seq.s32 s10, $0x1;
	s10 =	sld [smem:$0x3FB2];
	_ =	sdelay $0x3  }
0x34: {  	[smem:$0x3FB2] =	sst s10  }
0x35: {  	s10 =	sld [smem:$0x3FB1];
	_ =	sdelay $0x3  }
0x36: {  	p1 =	seq.s32 s10, $0x1;
	s10 =	sld [smem:$0x3FB2];
	_ =	sdelay $0x3  }
0x37: {  	[smem:$0x3FB2] =	sst s10  }
0x38: {  	s10 =	sld [smem:$0x3FB3]  }
0x39: {  	_ = 	snop;
	(pc) =	sbr.ind lr, $3  }
0x3a: {  	_ = 	snop  }
0x3b: {  	_ = 	snop  }
0x3c: {  	p2 =	seq.s32 s10, $0x1;
	s10 =	sld [smem:$0x3FB2]  }
0x3d: {  	_ =	shalt  }
0x3e: {  	_ =	shalt  }
0x3f: {  	_ =	shalt  }
0x40: {  	_ =	shalt  }
0x41: {  	_ =	shalt  }
0x42: {  	_ =	shalt  }
0x43: {  	_ =	shalt  }
0x44: {  	_ =	shalt  }
0x45: {  	_ =	shalt  }
0x46: {  	_ =	shalt  }
0x47: {  	_ =	shalt  }
0x48: {  	_ =	shalt  }
0x49: {  	_ =	shalt  }
0x4a: {  	_ =	shalt  }
0x4b: {  	_ =	shalt  }
0x4c: {  	_ =	shalt  }
0x4d: {  	_ =	shalt  }
0x4e: {  	_ =	shalt  }
0x4f: {  	_ =	shalt  }
0x50: {  	_ =	shalt  }
0x51: {  	_ =	shalt  }
0x52: {  	_ =	shalt  }
0x53: {  	_ =	shalt  }
0x54: {  	_ =	shalt  }
0x55: {  	_ =	shalt  }
0x56: {  	_ =	shalt  }
0x57: {  	_ =	shalt  }
0x58: {  	_ =	shalt  }
0x59: {  	_ =	shalt  }
0x5a: {  	_ =	shalt  }
0x5b: {  	_ =	shalt  }
0x5c: {  	_ =	shalt  }
0x5d: {  	_ =	shalt  }
0x5e: {  	_ =	shalt  }
0x5f: {  	_ =	shalt  }
0x60: {  	_ =	shalt  }
0x61: {  	_ =	shalt  }
0x62: {  	_ =	shalt  }
0x63: {  	_ =	shalt  }
0x64: {  	_ =	shalt  }
0x65: {  	_ =	shalt  }
0x66: {  	_ =	shalt  }
0x67: {  	_ =	shalt  }
0x68: {  	_ =	shalt  }
0x69: {  	_ =	shalt  }
0x6a: {  	_ =	shalt  }
0x6b: {  	_ =	shalt  }
0x6c: {  	_ =	shalt  }
0x6d: {  	_ =	shalt  }
0x6e: {  	_ =	shalt  }
0x6f: {  	_ =	shalt  }
0x70: {  	_ =	shalt  }
0x71: {  	_ =	shalt  }
0x72: {  	_ =	shalt  }
0x73: {  	_ =	shalt  }
0x74: {  	_ =	shalt  }
0x75: {  	_ =	shalt  }
0x76: {  	_ =	shalt  }
0x77: {  	_ =	shalt  }
0x78: {  	_ =	shalt  }
0x79: {  	_ =	shalt  }
0x7a: {  	_ =	shalt  }
0x7b: {  	_ =	shalt  }
0x7c: {  	_ =	shalt  }
0x7d: {  	_ =	shalt  }
0x7e: {  	_ =	shalt  }
0x7f: {  	_ =	shalt  }
0x80: {  	_ =	shalt  }
0x81: {  	_ =	shalt  }
0x82: {  	_ =	shalt  }
0x83: {  	_ =	shalt  }
0x84: {  	_ =	shalt  }
0x85: {  	_ =	shalt  }
0x86: {  	_ =	shalt  }
0x87: {  	_ =	shalt  }
.Lfunc_end0:
.L_simem_size_0:
called_computation.1_lowered:
.L_overlay_start_0:
0x88: {  	s2 =	sld [smem:$0x3FD9]  }
0x89: {  	s3 =	sld [smem:$0x3FFE];
	_ =	sdelay $0x1  }
0x8a: {  	s1 =	srdreg.scid  }
0x8b: {  	s0 =	sand.u32 $0x1, s1  }
0x8c: {  	s16 =	sshll.u32 s0, $0xA;
	s2 =	sadd.s32 s3, s2  }
0x8d: {  	s2 =	sadd.s32 s2, s16  }
0x8e: {  	[smem:$0x3FBE] =	sst s2  }
0x8f: {  	_ = 	snop  }
0x90: {  	(tm) =	ssettm $0x1  }
0x91: {  	s17 =	sld [smem:$0x3FFB];
	_ =	sdelay $0x3  }
0x92: {  	_ =	strace s17  }
0x93: {  	s2 =	sld [smem:$0x3FFC];
	_ =	sdelay $0x3  }
0x94: {  	_ =	strace s2  }
0x95: {  	s2 =	sld [smem:$0x3FFD];
	_ =	sdelay $0x3  }
0x96: {  	_ =	strace s2  }
0x97: {  	_ =	strace $0x8FFFFFFF  }
0x98: {  	s18 =	sld [smem:$0x3FDB];
	_ =	sdelay $0x1  }
0x99: {  	s19 =	simm.s32 $_scs_section_size  }
0x9a: {  	s4 =	simm.s32 $_size__tile_overlayer_lowered;
	s5 =	simm.s32 $_tile_overlayer_lowered  }
0x9b: {  	s22 =	simm.s32 $0x1BFF;
	s21 =	sshll.u32 s5, $0x1;
	s2 =	sadd.s32 s19, s18  }
0x9c: {  	s6 =	simm.s32 $0x0;
	s20 =	sshll.u32 s4, $0x1;
	s4 =	sadd.s32 s21, s2  }
0x9d: {  	[timem:s6], [sflag:s22] =	dma.local [hbm:s4], s20  }
0x9e: {  	_ =	swait.ge [sflag:s22], s20  }
0x9f: {  	s3 =	ssub.s32 $0x0, s20;
	[sflag:s22] =	ssyncset.done $0x0  }
0xa0: {  	[sflag:s22] =	ssyncadd.s32 s3;
	_ =	sdelay $0x1  }
0xa1: {  	s23 =	simm.s32 $0x1B8B  }
0xa2: {  	_ =	swait.ge [sflag:s23], $0x1  }
0xa3: {  	[sflag:s23] =	ssyncset.done $0x0  }
0xa4: {  	s25 =	simm.s32 $0x1B8E;
	s24 =	sld [smem:$0x3FFE];
	[sflag:s23] =	ssyncadd.s32 $0xFFFFFFFF  }
0xa5: {  	s26 =	simm.s32 $execute0_lowered;
	[smem:$0x3FD2] =	sst s25  }
0xa6: {  	s4 =	sshll.u32 s26, $0x1;
	_ =	strace $0x80000049;
	[dreg:$0x1] =	wrdreg $0xFFFFFFFF  }
0xa7: {  	s28 =	simm.s32 $_size_execute0_lowered;
	s2 =	sadd.s32 s2, s4;
	[dreg:$0x0] =	wrdreg $0x0  }
0xa8: {  	s4 =	sshll.u32 s28, $0x1;
	[dreg:$0x2] =	wrdreg s2  }
0xa9: {  	[dreg:$0x3] =	wrdreg s4  }
0xaa: {  	[dreg:$0x4] =	wrdreg $0xC0  }
0xab: {  	_ =	task [dreg:s6], $0x5FFFF  }
0xac: {  	[dreg:$0x1] =	wrdreg $0xFFFFFFFF  }
0xad: {  	[dreg:$0x0] =	wrdreg $0x60  }
0xae: {  	[dreg:$0x2] =	wrdreg s24  }
0xaf: {  	[dreg:$0x3] =	wrdreg $0xBA800  }
0xb0: {  	[dreg:$0x4] =	wrdreg $0x9  }
0xb1: {  	_ =	task.clear_ibuf [dreg:s6], $0x5FFFF;
	_ =	strace $0x90000049  }
0xb2: {  	s29 =	simm.s32 $0x9;
	_ =	strace $0x8000004B  }
0xb3: {  	_ =	swait.ge [sflag:s29], $0x1  }
0xb4: {  	[sflag:s29] =	ssyncadd.s32 $0xFFFFFFFF  }
0xb5: {  	_ =	strace $0x9000004B  }
0xb6: {  	_ =	sfence  }
0xb7: {  	s30 =	sld [smem:$0x0];
	_ =	sdelay $0x2  }
0xb8: {  	s31 =	sshll.u32 s1, $0xD;
	s1 =	sshrl.u32 s1, $0x2  }
0xb9: {  	s3 =	sand.u32 $0x4000, s31;
	s1 =	sadd.s32 s1, s30  }
0xba: {  	s0 =	sor.u32 s3, s0;
	s1 =	sshll.u32 s1, $0x11  }
0xbb: {  	s0 =	sor.u32 s1, s0  }
0xbc: {  	s0 =	sadd.s32 $0x8F2B, s0  }
0xbd: {  	[sflag:s0] =	ssyncadd.remote.s32 $0x1  }
0xbe: {  	_ =	sfence.sel $0xFFFF  }
0xbf: {  	[dreg:$0x0] =	wrdreg $0xFFFFFFFF;
	(pc) =	sbr.abs _section_cstart, $3  }
0xc0: {  	[dreg:$0x1] =	wrdreg $0xFFFFFFFF  }
0xc1: {  	_ =	task.clear_ibuf [dreg:s6], $0x2FFFF;
	_ =	strace $0x9FFFFFFF  }
0xc2: {  	(tm) =	ssettm $0x7FFFFFFF  }
0xc3: {  	_ =	shalt  }
tec
execute0_lowered:
.L_overlay_start_1:
0x0: {  	(tag) =	ssettag $0x1  }
0x1: {  	s0 =	srdreg.scid  }
0x2: {  	s1 =	rddreg [dreg:$0x0];
	s25 =	stileid.u32  }
0x3: {  	s2 =	rddreg [dreg:$0x1];
	s0 =	sand.u32 $0x1, s0;
	s17 =	smul.u32 $0x50000, s25  }
0x4: {  	s5 =	sadd.s32 $0x2EC00, s1;
	s8 =	sshll.u32 s25, $0x4;
	s19 =	smul.u32 $0x2800, s25  }
0x5: {  	s29 =	sadd.s32 $0x7EC00, s1;
	s24 =	smul.u32 $0x2900, s25;
	s3 =	sshll.u32 s0, $0x4  }
0x6: {  	s8 =	sand.u32 $0x70, s8;
	s9 =	smul.u32 $0x28000, s0;
	s11 =	ssub.s32 $0x2, s0  }
0x7: {  	s0 =	smul.u32 $0x29000, s0;
	s4 =	sor.u32 s25, s3;
	s3 =	simm.s32 $0x0  }
0x8: {  	s10 =	sadd.s32 s8, s1;
	s12 =	sshrl.u32 s11, $0x1;
	s8 =	sshrl.u32 s17, $0x2  }
0x9: {  	s28 =	smul.u32 $0x2900, s4;
	[smem:$0x7FF] =	sst s3;
	s9 =	sadd.s32 s9, s1  }
0xa: {  	s4 =	sshll.u32 s4, $0x4;
	s8 =	sadd.s32 s8, s2;
	s0 =	sadd.s32 s24, s0  }
0xb: {  	_ =	strace $0x8000004A;
	s20 =	sadd.s32 $0x1000, s8;
	[dreg:$0xc] =	wrdreg s0  }
0xc: {  	s12 =	ssub.s32 s11, s12;
	s21 =	sadd.s32 $0x2000, s8;
	[dreg:$0x3] =	wrdreg s20  }
0xd: {  	s11 =	sadd.s32 $0x24410, s1;
	s22 =	sadd.s32 $0x3000, s8;
	[dreg:$0x4] =	wrdreg s21  }
0xe: {  	s4 =	sand.u32 $0x180, s4;
	s23 =	sadd.s32 $0x4000, s8;
	[dreg:$0x5] =	wrdreg s22  }
0xf: {  	s26 =	smax.u32 s12, $0x1;
	s12 =	sadd.s32 $0x6000, s8;
	[dreg:$0x6] =	wrdreg s23  }
0x10: {  	s18 =	sadd.s32 $0x7EE00, s9;
	s13 =	sadd.s32 $0x7000, s8;
	[dreg:$0x8] =	wrdreg s12  }
0x11: {  	s14 =	sadd.s32 $0x8000, s8;
	s15 =	sadd.s32 $0x9000, s8;
	[dreg:$0x9] =	wrdreg s13  }
0x12: {  	s16 =	sadd.s32 $0xB000, s8;
	s17 =	sadd.s32 $0xC000, s8;
	[dreg:$0xa] =	wrdreg s14  }
0x13: {  	s24 =	sadd.s32 $0x13000, s8;
	s9 =	simm.s32 $0x5;
	[dreg:$0xb] =	wrdreg s15  }
0x14: {  	s6 =	sshrl.u32 s28, $0x3;
	s4 =	sadd.s32 s4, s10;
	[dreg:$0xf] =	wrdreg s16  }
0x15: {  	s10 =	sadd.s32 $0x5000, s8;
	[dreg:$0x10] =	wrdreg s17;
	s20 =	sadd.s32 $0xF000, s8  }
0x16: {  	s21 =	sadd.s32 $0x10000, s8;
	s22 =	sadd.s32 $0x11000, s8;
	s23 =	sadd.s32 $0x12000, s8  }
0x17: {  	[dreg:$0x17] =	wrdreg s24;
	s12 =	simm.s32 $0x80;
	s13 =	simm.s32 $0x2A80  }
0x18: {  	s14 =	simm.s32 $0x2980;
	s15 =	simm.s32 $0x6A80;
	[dreg:$0xd] =	wrdreg s26  }
0x19: {  	s16 =	simm.s32 $0x3;
	s17 =	simm.s32 $0x1;
	[dreg:$0x7] =	wrdreg s10  }
0x1a: {  	s7 =	sadd.s32 s6, s1;
	s6 =	sadd.s32 $0x24400, s1;
	[dreg:$0x13] =	wrdreg s20  }
0x1b: {  	s30 =	sadd.s32 $0x2E800, s4;
	s1 =	sadd.s32 s19, s18;
	[dreg:$0x14] =	wrdreg s21  }
.Ltmp0:
0x1c: {  	s18 =	sadd.s32 $0xD000, s8;
	[dreg:$0x15] =	wrdreg s22;
	(pc) =	sbr.rel .LBB2_1-.Ltmp0, $4  }
0x1d: {  	s19 =	sadd.s32 $0xE000, s8;
	[dreg:$0x16] =	wrdreg s23;
	s4 =	simm.s32 $0xAA80  }
0x1e: {  	s10 =	simm.s32 $0x2900;
	s20 =	simm.s32 $0x0;
	[dreg:$0x11] =	wrdreg s18  }
0x1f: {  	s31 =	sadd.s32 $0x1A000, s7;
	s7 =	sadd.s32 $0xA000, s8;
	[dreg:$0x12] =	wrdreg s19  }
0x20: {  	s18 =	simm.s32 $0x4;
	s19 =	simm.s32 $0x2;
	[dreg:$0xe] =	wrdreg s7  }
.LBB2_3:
0x21: {  	s23 =	simm.s32 $0x80;
	s7 =	rddreg [dreg:$0xe]  }
.LBB2_8:
0x22: {  	s24 =	sadd.s32 s6, s26;
	[sflag:s9] =	ssyncadd.s32 @p0 $0xFFFFC000  }
0x23: {  	[tilespmem:s10], [sflag:$0x3] =	stream.linear.gather [hbm4b:s24+s3], $0x80, $0x38;
	[tilespmem:$0x1FA80] =	vst v63  }
0x24: {  	s23 =	sadd.s32 @p0 $0x100, s23;
	s24 =	simm.s32 $0x80  }
0x25: {  	s24 =	smov.u32 @p0 s23  }
0x26: {  	s23 =	sadd.s32 $0xFFFFFF80, s24  }
0x27: {  	[tilespmem:s13], [sflag:$0x1] =	stream.indirect.gather [hbm4b:s5+s12], $0x80, s23, s12, $0xb8;
	[tilespmem:$0x1FA80] =	vst v63  }
0x28: {  	s26 =	sadd.s32 s26, s11  }
0x29: {  	[tilespmem:s14], [sflag:$0x4] =	stream.linear.gather [hbm4b:s26+s3], $0x80, $0x38;
	[tilespmem:$0x1FA80] =	vst v63  }
0x2a: {  	_ = 	snop  }
0x2b: {  	[tilespmem:s15], [sflag:$0x2] =	stream.indirect.gather [hbm4b:s5+s12], $0x80, s24, s12, $0xb8;
	[tilespmem:$0x1FA80] =	vst v63  }
0x2c: {  	_ =	swait.ge [sflag:s16], $0x80  }
0x2d: {  	[sflag:s16] =	ssyncset.done $0x0  }
0x2e: {  	[sflag:s16] =	ssyncadd.s32 $0xFFFFFF80  }
0x2f: {  	_ =	swait.ge [sflag:s17], $0x4000  }
0x30: {  	[sflag:s17] =	ssyncset.done $0x0  }
0x31: {  	[sflag:s17] =	ssyncadd.s32 $0xFFFFC000  }
0x32: {  	[spmem:s2] =	stream.indirect.scatter.add.f32 [tilespmem:s13], [sflag:$0x5], $0x80, s10, s12, $0xb8;
	[tilespmem:$0x1FA80] =	vst v63  }
0x33: {  	_ =	swait.ge [sflag:s9], $0x4000  }
0x34: {  	[sflag:s9] =	ssyncset.done $0x0  }
0x35: {  	[sflag:s9] =	ssyncadd.s32 $0xFFFFC000  }
0x36: {  	_ =	swait.ge [sflag:s18], $0x80  }
0x37: {  	[sflag:s18] =	ssyncset.done $0x0  }
0x38: {  	[sflag:s18] =	ssyncadd.s32 $0xFFFFFF80  }
0x39: {  	_ =	swait.ge [sflag:s19], $0x4000  }
0x3a: {  	[sflag:s19] =	ssyncset.done $0x0  }
0x3b: {  	[sflag:s19] =	ssyncadd.s32 $0xFFFFC000  }
0x3c: {  	[spmem:s2] =	stream.indirect.scatter.add.f32 [tilespmem:s15], [sflag:$0x5], $0x80, s14, s12, $0xb8;
	[tilespmem:$0x1FA80] =	vst v63  }
0x3d: {  	_ =	swait.ge [sflag:s9], $0x4000  }
0x3e: {  	[sflag:s9] =	ssyncset.done $0x0  }
0x3f: {  	s26 =	rddreg [dreg:$0xd];
	[sflag:s9] =	ssyncadd.s32 $0xFFFFC000  }
.LBB2_9:
0x40: {  	s23 =	sand.u32 $0xFFFFFFFE, s22  }
0x41: {  	p0 =	seq.s32 s23, s22  }
0x42: {  	s22 =	sshll.u32 @!p0 s23, $0x7  }
0x43: {  	s22 =	sadd.s32 @!p0 s28, s22  }
0x44: {  	s23 =	simm.s32 @!p0 $0x0;
	s22 =	sshrl.u32 @!p0 s22, $0x3  }
0x45: {  	s24 =	simm.s32 @!p0 $0x2900;
	s21 =	sshll.u32 @!p0 s21, $0x7;
	s22 =	sadd.s32 @!p0 s6, s22  }
0x46: {  	[tilespmem:s24], [sflag:$0x3] =	stream.linear.gather @!p0 [hbm4b:s22+s23], $0x80, $0x38;
	[tilespmem:$0x1FA80] =	vst v63  }
0x47: {  	s21 =	sand.u32 @!p0 $0xFFFFFF00, s21;
	s22 =	simm.s32 @!p0 $0x80;
	s23 =	simm.s32 @!p0 $0x2A80  }
0x48: {  	[tilespmem:s23], [sflag:$0x1] =	stream.indirect.gather @!p0 [hbm4b:s5+s22], $0x80, s21, s22, $0xb8;
	[tilespmem:$0x1FA80] =	vst v63  }
0x49: {  	s21 =	simm.s32 @!p0 $0x3  }
0x4a: {  	_ =	swait.ge @!p0 [sflag:s21], $0x80  }
0x4b: {  	[sflag:s21] =	ssyncset.done @!p0 $0x0  }
0x4c: {  	[sflag:s21] =	ssyncadd.s32 @!p0 $0xFFFFFF80;
	s21 =	simm.s32 @!p0 $0x1  }
0x4d: {  	_ =	swait.ge @!p0 [sflag:s21], $0x4000  }
0x4e: {  	[sflag:s21] =	ssyncset.done @!p0 $0x0  }
0x4f: {  	[sflag:s21] =	ssyncadd.s32 @!p0 $0xFFFFC000;
	s21 =	simm.s32 @!p0 $0x5  }
0x50: {  	[spmem:s2] =	stream.indirect.scatter.add.f32 @!p0 [tilespmem:s23], [sflag:$0x5], $0x80, s24, s22, $0xb8;
	[tilespmem:$0x1FA80] =	vst v63  }
0x51: {  	_ =	swait.ge @!p0 [sflag:s21], $0x4000  }
0x52: {  	s20 =	sadd.s32 $0x1, s20;
	s23 =	sshll.u32 s25, $0x6;
	[sflag:s21] =	ssyncset.done @!p0 $0x0  }
0x53: {  	s24 =	sshrl.u32 s8, $0x3;
	[sflag:s21] =	ssyncadd.s32 @!p0 $0xFFFFC000;
	p0 =	sne.s32 s20, s26  }
.Ltmp1:
0x54: {  	s21 =	sor.u32 $0x1C05, s23;
	[bflag:$0x0] =	sbarrier.arrive $0xFFFF;
	(pc) =	sbr.rel @!p0 .LBB2_10-.Ltmp1, $4  }
0x55: {  	[hbm:s1], [sflag:s21] =	dma.local [spmem:s24], $0x2800  }
0x56: {  	_ =	swait.ge [sflag:s9], $0x2800  }
0x57: {  	[sflag:s9] =	ssyncset.done $0x0  }
0x58: {  	[sflag:s9] =	ssyncadd.s32 $0xFFFFD800  }
.LBB2_1:
0x59: {  	[tilespmem:s4], [sflag:$0x5] =	stream.linear.gather [hbm4b:s29+s3], $0x1000, $0x38;
	[tilespmem:$0x1FA80] =	vst v63  }
0x5a: {  	_ =	swait.ge [sflag:s9], $0x1000  }
0x5b: {  	[sflag:s9] =	ssyncset.done $0x0  }
0x5c: {  	[sflag:s9] =	ssyncadd.s32 $0xFFFFF000  }
0x5d: {  	[spmem:s8] =	stream.linear.scatter [tilespmem:s4], [sflag:$0x5], $0x1000, $0x38;
	[tilespmem:$0x1FA80] =	vst v63  }
0x5e: {  	_ =	swait.ge [sflag:s9], $0x1000  }
0x5f: {  	[sflag:s9] =	ssyncset.done $0x0  }
0x60: {  	s0 =	rddreg [dreg:$0x3];
	[sflag:s9] =	ssyncadd.s32 $0xFFFFF000  }
0x61: {  	[spmem:s0] =	stream.linear.scatter [tilespmem:s4], [sflag:$0x5], $0x1000, $0x38;
	[tilespmem:$0x1FA80] =	vst v63  }
0x62: {  	_ =	swait.ge [sflag:s9], $0x1000  }
0x63: {  	[sflag:s9] =	ssyncset.done $0x0  }
0x64: {  	s23 =	rddreg [dreg:$0x4];
	[sflag:s9] =	ssyncadd.s32 $0xFFFFF000  }
0x65: {  	[spmem:s23] =	stream.linear.scatter [tilespmem:s4], [sflag:$0x5], $0x1000, $0x38;
	[tilespmem:$0x1FA80] =	vst v63  }
0x66: {  	_ =	swait.ge [sflag:s9], $0x1000  }
0x67: {  	[sflag:s9] =	ssyncset.done $0x0  }
0x68: {  	s24 =	rddreg [dreg:$0x5];
	[sflag:s9] =	ssyncadd.s32 $0xFFFFF000  }
0x69: {  	[spmem:s24] =	stream.linear.scatter [tilespmem:s4], [sflag:$0x5], $0x1000, $0x38;
	[tilespmem:$0x1FA80] =	vst v63  }
0x6a: {  	_ =	swait.ge [sflag:s9], $0x1000  }
0x6b: {  	[sflag:s9] =	ssyncset.done $0x0  }
0x6c: {  	s21 =	rddreg [dreg:$0x6];
	[sflag:s9] =	ssyncadd.s32 $0xFFFFF000  }
0x6d: {  	[spmem:s21] =	stream.linear.scatter [tilespmem:s4], [sflag:$0x5], $0x1000, $0x38;
	[tilespmem:$0x1FA80] =	vst v63  }
0x6e: {  	_ =	swait.ge [sflag:s9], $0x1000  }
0x6f: {  	[sflag:s9] =	ssyncset.done $0x0  }
0x70: {  	s22 =	rddreg [dreg:$0x7];
	[sflag:s9] =	ssyncadd.s32 $0xFFFFF000  }
0x71: {  	[spmem:s22] =	stream.linear.scatter [tilespmem:s4], [sflag:$0x5], $0x1000, $0x38;
	[tilespmem:$0x1FA80] =	vst v63  }
0x72: {  	_ =	swait.ge [sflag:s9], $0x1000  }
0x73: {  	[sflag:s9] =	ssyncset.done $0x0  }
0x74: {  	s23 =	rddreg [dreg:$0x8];
	[sflag:s9] =	ssyncadd.s32 $0xFFFFF000  }
0x75: {  	[spmem:s23] =	stream.linear.scatter [tilespmem:s4], [sflag:$0x5], $0x1000, $0x38;
	[tilespmem:$0x1FA80] =	vst v63  }
0x76: {  	_ =	swait.ge [sflag:s9], $0x1000  }
0x77: {  	[sflag:s9] =	ssyncset.done $0x0  }
0x78: {  	s24 =	rddreg [dreg:$0x9];
	[sflag:s9] =	ssyncadd.s32 $0xFFFFF000  }
0x79: {  	[spmem:s24] =	stream.linear.scatter [tilespmem:s4], [sflag:$0x5], $0x1000, $0x38;
	[tilespmem:$0x1FA80] =	vst v63  }
0x7a: {  	_ =	swait.ge [sflag:s9], $0x1000  }
0x7b: {  	[sflag:s9] =	ssyncset.done $0x0  }
0x7c: {  	s21 =	rddreg [dreg:$0xa];
	[sflag:s9] =	ssyncadd.s32 $0xFFFFF000  }
0x7d: {  	[spmem:s21] =	stream.linear.scatter [tilespmem:s4], [sflag:$0x5], $0x1000, $0x38;
	[tilespmem:$0x1FA80] =	vst v63  }
0x7e: {  	_ =	swait.ge [sflag:s9], $0x1000  }
0x7f: {  	[sflag:s9] =	ssyncset.done $0x0  }
0x80: {  	s22 =	rddreg [dreg:$0xb];
	[sflag:s9] =	ssyncadd.s32 $0xFFFFF000  }
0x81: {  	[spmem:s22] =	stream.linear.scatter [tilespmem:s4], [sflag:$0x5], $0x1000, $0x38;
	[tilespmem:$0x1FA80] =	vst v63  }
0x82: {  	_ =	swait.ge [sflag:s9], $0x1000  }
0x83: {  	[sflag:s9] =	ssyncset.done $0x0  }
0x84: {  	[sflag:s9] =	ssyncadd.s32 $0xFFFFF000  }
0x85: {  	[spmem:s7] =	stream.linear.scatter [tilespmem:s4], [sflag:$0x5], $0x1000, $0x38;
	[tilespmem:$0x1FA80] =	vst v63  }
0x86: {  	_ =	swait.ge [sflag:s9], $0x1000  }
0x87: {  	[sflag:s9] =	ssyncset.done $0x0  }
0x88: {  	s23 =	rddreg [dreg:$0xf];
	[sflag:s9] =	ssyncadd.s32 $0xFFFFF000  }
0x89: {  	[spmem:s23] =	stream.linear.scatter [tilespmem:s4], [sflag:$0x5], $0x1000, $0x38;
	[tilespmem:$0x1FA80] =	vst v63  }
0x8a: {  	_ =	swait.ge [sflag:s9], $0x1000  }
0x8b: {  	[sflag:s9] =	ssyncset.done $0x0  }
0x8c: {  	s24 =	rddreg [dreg:$0x10];
	[sflag:s9] =	ssyncadd.s32 $0xFFFFF000  }
0x8d: {  	[spmem:s24] =	stream.linear.scatter [tilespmem:s4], [sflag:$0x5], $0x1000, $0x38;
	[tilespmem:$0x1FA80] =	vst v63  }
0x8e: {  	_ =	swait.ge [sflag:s9], $0x1000  }
0x8f: {  	[sflag:s9] =	ssyncset.done $0x0  }
0x90: {  	s21 =	rddreg [dreg:$0x11];
	[sflag:s9] =	ssyncadd.s32 $0xFFFFF000  }
0x91: {  	[spmem:s21] =	stream.linear.scatter [tilespmem:s4], [sflag:$0x5], $0x1000, $0x38;
	[tilespmem:$0x1FA80] =	vst v63  }
0x92: {  	_ =	swait.ge [sflag:s9], $0x1000  }
0x93: {  	[sflag:s9] =	ssyncset.done $0x0  }
0x94: {  	s22 =	rddreg [dreg:$0x12];
	[sflag:s9] =	ssyncadd.s32 $0xFFFFF000  }
0x95: {  	[spmem:s22] =	stream.linear.scatter [tilespmem:s4], [sflag:$0x5], $0x1000, $0x38;
	[tilespmem:$0x1FA80] =	vst v63  }
0x96: {  	_ =	swait.ge [sflag:s9], $0x1000  }
0x97: {  	[sflag:s9] =	ssyncset.done $0x0  }
0x98: {  	s23 =	rddreg [dreg:$0x13];
	[sflag:s9] =	ssyncadd.s32 $0xFFFFF000  }
0x99: {  	[spmem:s23] =	stream.linear.scatter [tilespmem:s4], [sflag:$0x5], $0x1000, $0x38;
	[tilespmem:$0x1FA80] =	vst v63  }
0x9a: {  	_ =	swait.ge [sflag:s9], $0x1000  }
0x9b: {  	[sflag:s9] =	ssyncset.done $0x0  }
0x9c: {  	s24 =	rddreg [dreg:$0x14];
	[sflag:s9] =	ssyncadd.s32 $0xFFFFF000  }
0x9d: {  	[spmem:s24] =	stream.linear.scatter [tilespmem:s4], [sflag:$0x5], $0x1000, $0x38;
	[tilespmem:$0x1FA80] =	vst v63  }
0x9e: {  	_ =	swait.ge [sflag:s9], $0x1000  }
0x9f: {  	[sflag:s9] =	ssyncset.done $0x0  }
0xa0: {  	s21 =	rddreg [dreg:$0x15];
	[sflag:s9] =	ssyncadd.s32 $0xFFFFF000  }
0xa1: {  	[spmem:s21] =	stream.linear.scatter [tilespmem:s4], [sflag:$0x5], $0x1000, $0x38;
	[tilespmem:$0x1FA80] =	vst v63  }
0xa2: {  	_ =	swait.ge [sflag:s9], $0x1000  }
0xa3: {  	[sflag:s9] =	ssyncset.done $0x0  }
0xa4: {  	s22 =	rddreg [dreg:$0x16];
	[sflag:s9] =	ssyncadd.s32 $0xFFFFF000  }
0xa5: {  	[spmem:s22] =	stream.linear.scatter [tilespmem:s4], [sflag:$0x5], $0x1000, $0x38;
	[tilespmem:$0x1FA80] =	vst v63  }
0xa6: {  	_ =	swait.ge [sflag:s9], $0x1000  }
0xa7: {  	[sflag:s9] =	ssyncset.done $0x0  }
0xa8: {  	s23 =	rddreg [dreg:$0x17];
	[sflag:s9] =	ssyncadd.s32 $0xFFFFF000  }
0xa9: {  	[spmem:s23] =	stream.linear.scatter [tilespmem:s4], [sflag:$0x5], $0x1000, $0x38;
	[tilespmem:$0x1FA80] =	vst v63  }
0xaa: {  	_ =	swait.ge [sflag:s9], $0x1000  }
0xab: {  	[sflag:s9] =	ssyncset.done $0x0  }
0xac: {  	s24 =	simm.s32 $0x2A00;
	[sflag:s9] =	ssyncadd.s32 $0xFFFFF000  }
0xad: {  	[tilespmem:s24], [sflag:$0x5] =	stream.linear.gather [hbm4b:s30+s3], $0x80, $0x38;
	[tilespmem:$0x1FA80] =	vst v63  }
0xae: {  	_ =	swait.ge [sflag:s9], $0x80  }
0xaf: {  	[sflag:s9] =	ssyncset.done $0x0  }
0xb0: {  	[sflag:s9] =	ssyncadd.s32 $0xFFFFFF80  }
0xb1: {  	[tilespmem:s3], [sflag:$0x5] =	stream.linear.gather [hbm4b:s31+s3], $0x2900, $0x38;
	[tilespmem:$0x1FA80] =	vst v63  }
0xb2: {  	_ =	swait.ge [sflag:s9], $0x2900  }
0xb3: {  	[sflag:s9] =	ssyncset.done $0x0  }
0xb4: {  	[sflag:s9] =	ssyncadd.s32 $0xFFFFD700  }
0xb5: {  	v0 =	vld [tilespmem:$0x2A00];
	_ =	sdelay $0x4  }
0xb6: {  	v0 =	vxor.u32 $0x80000000, v0  }
0xb7: {  	(xrf0) =	vmax.scan.msk.u32 $0xffff, v0;
	_ =	sdelay $0x5  }
0xb8: {  	v0, _, _ =	vpop (xrf0)  }
0xb9: {  	(v2sf) =	vpush v0, $0xF;
	_ =	sdelay $0xe  }
0xba: {  	s21 =	spop (v2sf)  }
0xbb: {  	s22 =	sxor.u32 $0x80000000, s21  }
0xbc: {  	s23 =	sor.u32 $0x1, s22  }
0xbd: {  	p0 =	slt.s32 s23, $0x2  }
.Ltmp2:
0xbe: {  	_ = 	snop;
	(pc) =	sbr.rel @p0 .LBB2_9-.Ltmp2, $2  }
0xbf: {  	_ =	sdelay $0x1  }
0xc0: {  	[bflag:$0x0] =	sbarrier.arrive $0xFFFF;
	_ =	sdelay $0x1  }
0xc1: {  	s24 =	sshrl.u32 s22, $0x1F  }
0xc2: {  	s23 =	sadd.s32 s24, s23  }
0xc3: {  	s23 =	sshra.s32 s23, $0x1  }
0xc4: {  	p1 =	sne.s32 s23, $0x1  }
.Ltmp3:
0xc5: {  	_ = 	snop;
	(pc) =	sbr.rel @!p1 .LBB2_3-.Ltmp3, $3  }
0xc6: {  	_ =	sdelay $0x1  }
0xc7: {  	s7 =	rddreg [dreg:$0xc]  }
0xc8: {  	p0 =	por $0x0, $0x0;
	s26 =	sshrl.u32 s7, $0x3;
	s23 =	sadd.s32 $0xFFFFFFFF, s23  }
0xc9: {  	s0 =	smov.u32 s8;
	s24 =	sadd.s32 s6, s26  }
0xca: {  	[tilespmem:s10], [sflag:$0x3] =	stream.linear.gather [hbm4b:s24+s3], $0x80, $0x38;
	[tilespmem:$0x1FA80] =	vst v63  }
0xcb: {  	s8 =	smov.u32 s1;
	s1 =	smov.u32 s30;
	s25 =	simm.s32 $0x0  }
0xcc: {  	[tilespmem:s13], [sflag:$0x1] =	stream.indirect.gather [hbm4b:s5+s12], $0x80, s25, s12, $0xb8;
	[tilespmem:$0x1FA80] =	vst v63  }
0xcd: {  	s30 =	smov.u32 s29;
	s29 =	smov.u32 s28;
	s28 =	sadd.s32 s26, s11  }
0xce: {  	[tilespmem:s14], [sflag:$0x4] =	stream.linear.gather [hbm4b:s28+s3], $0x80, $0x38;
	[tilespmem:$0x1FA80] =	vst v63  }
0xcf: {  	_ = 	snop  }
0xd0: {  	[tilespmem:s15], [sflag:$0x2] =	stream.indirect.gather [hbm4b:s5+s12], $0x80, s12, s12, $0xb8;
	[tilespmem:$0x1FA80] =	vst v63  }
0xd1: {  	_ =	swait.ge [sflag:s16], $0x80  }
0xd2: {  	[sflag:s16] =	ssyncset.done $0x0  }
0xd3: {  	[sflag:s16] =	ssyncadd.s32 $0xFFFFFF80  }
0xd4: {  	_ =	swait.ge [sflag:s17], $0x4000  }
0xd5: {  	[sflag:s17] =	ssyncset.done $0x0  }
0xd6: {  	[sflag:s17] =	ssyncadd.s32 $0xFFFFC000  }
0xd7: {  	[spmem:s2] =	stream.indirect.scatter.add.f32 [tilespmem:s13], [sflag:$0x5], $0x80, s10, s12, $0xb8;
	[tilespmem:$0x1FA80] =	vst v63  }
0xd8: {  	_ =	swait.ge [sflag:s9], $0x4000  }
0xd9: {  	[sflag:s9] =	ssyncset.done $0x0  }
0xda: {  	[sflag:s9] =	ssyncadd.s32 $0xFFFFC000  }
0xdb: {  	_ =	swait.ge [sflag:s18], $0x80  }
0xdc: {  	[sflag:s18] =	ssyncset.done $0x0  }
0xdd: {  	[sflag:s18] =	ssyncadd.s32 $0xFFFFFF80  }
0xde: {  	p1 =	sne.s32 s23, $0x1;
	_ =	swait.ge [sflag:s19], $0x4000  }
.Ltmp4:
0xdf: {  	[sflag:s19] =	ssyncset.done $0x0;
	(pc) =	sbr.rel @!p1 .LBB2_5-.Ltmp4, $4  }
0xe0: {  	s24 =	sadd.s32 $0x100, s7;
	[sflag:s19] =	ssyncadd.s32 $0xFFFFC000  }
0xe1: {  	[spmem:s2] =	stream.indirect.scatter.add.f32 [tilespmem:s15], [sflag:$0x5], $0x80, s14, s12, $0xb8;
	[tilespmem:$0x1FA80] =	vst v63  }
0xe2: {  	p0 =	por $0x1, $0x1;
	s26 =	sshrl.u32 s24, $0x3;
	_ =	swait.ge [sflag:s9], $0x4000  }
0xe3: {  	s25 =	sadd.s32 $0xFFFFFFFF, s23;
	s23 =	simm.s32 $0x80;
	[sflag:s9] =	ssyncset.done $0x0  }
.LBB2_6:
0xe4: {  	s28 =	sadd.s32 s6, s26;
	[sflag:s9] =	ssyncadd.s32 $0xFFFFC000;
	s23 =	sadd.s32 $0x100, s23  }
0xe5: {  	[tilespmem:s10], [sflag:$0x3] =	stream.linear.gather [hbm4b:s28+s3], $0x80, $0x38;
	[tilespmem:$0x1FA80] =	vst v63  }
0xe6: {  	p1 =	sne.s32 s25, $0x1;
	s25 =	sadd.s32 $0xFFFFFFFF, s25;
	s28 =	sadd.s32 $0xFFFFFF80, s23  }
0xe7: {  	[tilespmem:s13], [sflag:$0x1] =	stream.indirect.gather [hbm4b:s5+s12], $0x80, s28, s12, $0xb8;
	[tilespmem:$0x1FA80] =	vst v63  }
0xe8: {  	s26 =	sadd.s32 s26, s11  }
0xe9: {  	[tilespmem:s14], [sflag:$0x4] =	stream.linear.gather [hbm4b:s26+s3], $0x80, $0x38;
	[tilespmem:$0x1FA80] =	vst v63  }
0xea: {  	_ = 	snop  }
0xeb: {  	[tilespmem:s15], [sflag:$0x2] =	stream.indirect.gather [hbm4b:s5+s12], $0x80, s23, s12, $0xb8;
	[tilespmem:$0x1FA80] =	vst v63  }
0xec: {  	_ =	swait.ge [sflag:s16], $0x80  }
0xed: {  	[sflag:s16] =	ssyncset.done $0x0  }
0xee: {  	[sflag:s16] =	ssyncadd.s32 $0xFFFFFF80  }
0xef: {  	_ =	swait.ge [sflag:s17], $0x4000  }
0xf0: {  	[sflag:s17] =	ssyncset.done $0x0  }
0xf1: {  	[sflag:s17] =	ssyncadd.s32 $0xFFFFC000  }
0xf2: {  	[spmem:s2] =	stream.indirect.scatter.add.f32 [tilespmem:s13], [sflag:$0x5], $0x80, s10, s12, $0xb8;
	[tilespmem:$0x1FA80] =	vst v63  }
0xf3: {  	_ =	swait.ge [sflag:s9], $0x4000  }
0xf4: {  	[sflag:s9] =	ssyncset.done $0x0  }
0xf5: {  	[sflag:s9] =	ssyncadd.s32 $0xFFFFC000  }
0xf6: {  	_ =	swait.ge [sflag:s18], $0x80  }
0xf7: {  	[sflag:s18] =	ssyncset.done $0x0  }
0xf8: {  	[sflag:s18] =	ssyncadd.s32 $0xFFFFFF80  }
0xf9: {  	_ =	swait.ge [sflag:s19], $0x4000  }
.Ltmp5:
0xfa: {  	[sflag:s19] =	ssyncset.done $0x0;
	(pc) =	sbr.rel @p1 .LBB2_6-.Ltmp5, $4  }
0xfb: {  	[sflag:s19] =	ssyncadd.s32 $0xFFFFC000  }
0xfc: {  	[spmem:s2] =	stream.indirect.scatter.add.f32 [tilespmem:s15], [sflag:$0x5], $0x80, s14, s12, $0xb8;
	[tilespmem:$0x1FA80] =	vst v63  }
0xfd: {  	s24 =	sadd.s32 $0x100, s24;
	_ =	swait.ge [sflag:s9], $0x4000  }
0xfe: {  	s26 =	sshrl.u32 s24, $0x3;
	[sflag:s9] =	ssyncset.done $0x0  }
.Ltmp6:
0xff: {  	(pc) =	sbr.rel .LBB2_8-.Ltmp6, $4  }
0x100: {  	_ = 	snop  }
0x101: {  	s25 =	stileid.u32  }
0x102: {  	s28 =	smov.u32 s29;
	s29 =	smov.u32 s30;
	s30 =	smov.u32 s1  }
0x103: {  	s7 =	rddreg [dreg:$0xe];
	s1 =	smov.u32 s8;
	s8 =	smov.u32 s0  }
.LBB2_5:
.Ltmp7:
0x104: {  	(pc) =	sbr.rel .LBB2_8-.Ltmp7, $4  }
0x105: {  	_ = 	snop  }
0x106: {  	s23 =	simm.s32 $0x80;
	s25 =	stileid.u32  }
0x107: {  	s28 =	smov.u32 s29;
	s29 =	smov.u32 s30;
	s30 =	smov.u32 s1  }
0x108: {  	s7 =	rddreg [dreg:$0xe];
	s1 =	smov.u32 s8;
	s8 =	smov.u32 s0  }
.LBB2_10:
0x109: {  	_ =	sfence.sel $0x180000  }
0x10a: {  	[bflag:$0x0] =	sbarrier.arrive $0xFFFF  }
0x10b: {  	_ =	strace $0x9000004A  }
0x10c: {  	[bflag:$0x2] =	sbarrier.arrive $0xFFFF  }
0x10d: {  	p0 =	sne.s32 s25, $0x0;
	s0 =	rddreg [dreg:$0x2]  }
0x10e: {  	s0 =	sadd.s32 @!p0 $0x100000, s0  }
0x10f: {  	[sflag:s0] =	ssyncadd.tile.s32 @!p0 $0x1;
	_ =	shalt  }
.Lfunc_end2:
_tile_overlayer_lowered:
.L_overlay_start_2:
0x110: {  	(tag) =	ssettag $0x2  }
0x111: {  	s0 =	rddreg [dreg:$0x0];
	s2 =	stileid.u32  }
0x112: {  	s1 =	rddreg [dreg:$0x1];
	p0 =	sne.s32 s2, $0x0  }
0x113: {  	s3 =	rddreg [dreg:$0x2];
	[bflag:$0x3] =	sbarrier.arrive $0xFFFF;
	s2 =	simm.s32 @!p0 $0x1C05  }
0x114: {  	[timem:s3], [sflag:s2] =	dma.local @!p0 [hbm:s0], s1  }
0x115: {  	s0 =	simm.s32 @!p0 $0x5  }
0x116: {  	_ =	swait.ge @!p0 [sflag:s0], s1  }
0x117: {  	s1 =	ssub.s32 @!p0 $0x0, s1;
	[sflag:s0] =	ssyncset.done @!p0 $0x0  }
0x118: {  	[sflag:s0] =	ssyncadd.s32 @!p0 s1  }
0x119: {  	[bflag:$0x3] =	sbarrier.arrive $0xFFFF  }
0x11a: {  	_ =	shalt  }

// kernel: sc_gather_segsum.7.cloned.1.call-start
scs
__scs_entry_jumppad:
0x0: {  	(pc) =	sbr.rel $0x88, $3  }
0x1: {  	(tag) =	ssettag $0x0;
	lr =	simm.s32 $0x1  }
0x2: {  	[smem:$0x3F97] =	sst lr;
	_ =	strace $0xD0000000  }
0x3: {  	_ = 	snop  }
0x4: {  	_ = 	snop  }
0x5: {  	_ = 	snop  }
0x6: {  	_ = 	snop  }
0x7: {  	_ = 	snop  }
__scs_overlays_trampoline_lowered:
0x8: {  	[smem:$0x3FA6] =	sst s0  }
0x9: {  	[smem:$0x3FA7] =	sst s1  }
0xa: {  	[smem:$0x3FA8] =	sst s2  }
0xb: {  	[smem:$0x3FA9] =	sst s3  }
0xc: {  	[smem:$0x3FAA] =	sst s4  }
0xd: {  	[smem:$0x3FAB] =	sst s5  }
0xe: {  	[smem:$0x3FAC] =	sst s6  }
0xf: {  	[smem:$0x3FAD] =	sst s7  }
0x10: {  	[smem:$0x3FAE] =	sst s8  }
0x11: {  	[smem:$0x3FAF] =	sst s9;
	s0 =	simm.s32 @!p0 $0x0  }
0x12: {  	s1 =	sld [smem:$0x3F95];
	s0 =	simm.s32 @p0 $0x1  }
0x13: {  	[smem:$0x3FB0] =	sst s0;
	s0 =	simm.s32 @!p1 $0x0  }
0x14: {  	s2 =	sld [smem:$0x3F94];
	s0 =	simm.s32 @p1 $0x1  }
0x15: {  	[smem:$0x3FB1] =	sst s0;
	s0 =	simm.s32 @!p2 $0x0  }
0x16: {  	s3 =	sld [smem:$0x3FDB];
	s0 =	simm.s32 @p2 $0x1  }
0x17: {  	s4 =	simm.s32 $0x1BF5;
	[smem:$0x3FB3] =	sst s0  }
0x18: {  	s0 =	sld [smem:$0x3F96];
	_ =	swait.ge [sflag:s4], $0x0  }
0x19: {  	s7 =	sld [smem:$0x3F97]  }
0x1a: {  	s8 =	sadd.s32 $0xFFFFE003, lr  }
0x1b: {  	s9 =	sadd.s32 $0xFFFFFEF7, lr;
	s5 =	simm.s32 $0xFFFFFFFF;
	p2 =	slt.u32 s8, $0xFFFFF086  }
0x1c: {  	p1 =	slt.u32 s9, $0xF7A;
	s5 =	simm.s32 @!p2 $0x0  }
0x1d: {  	s5 =	simm.s32 @p1 $0x1;
	p0 =	seq.s32 s7, s2  }
0x1e: {  	s7 =	smul.u32 @!p0 $0xF7A, s2;
	p2 =	seq.s32 @!p0 s5, $0x0  }
0x1f: {  	s9 =	smul.u32 $0xF7A, s1;
	s8 =	simm.s32 @!p0 $0x1BF5;
	p2 =	por !p2, p0  }
0x20: {  	[sflag:s8] =	ssyncset.s32 @!p0 $0xFFFFF086;
	s6 =	sadd.s32 @!p0 s3, s7;
	s7 =	simm.s32 @!p0 $0x108  }
0x21: {  	s3 =	sadd.s32 s3, s9;
	s6 =	sadd.s32 @!p0 $0x88, s6;
	s7 =	simm.s32 @p2 $0x1082  }
0x22: {  	[simem:s7], [sflag:s8] =	dma.local @!p0 [hbm:s6], $0xF7A  }
0x23: {  	s9 =	sor.u32 $0xD0000000, s2;
	s6 =	simm.s32 $0x108;
	_ =	swait.ge @!p0 [sflag:s8], $0x0  }
0x24: {  	s3 =	sadd.s32 $0x88, s3;
	s6 =	simm.s32 @!p1 $0x1082;
	[sflag:s4] =	ssyncset.s32 $0xFFFFF086  }
0x25: {  	[simem:s6], [sflag:s4] =	dma.local [hbm:s3], $0xF7A  }
0x26: {  	[smem:$0x3F97] =	sst s1;
	(tag) =	ssettag s2;
	_ =	strace s9  }
0x27: {  	s1 =	sld [smem:$0x3FA7]  }
0x28: {  	s2 =	sld [smem:$0x3FA8]  }
0x29: {  	s4 =	sld [smem:$0x3FAA]  }
0x2a: {  	p0 =	seq.s32 s5, $0x0;
	s5 =	sld [smem:$0x3FAB]  }
0x2b: {  	s6 =	sld [smem:$0x3FAC]  }
0x2c: {  	s7 =	sld [smem:$0x3FAD]  }
0x2d: {  	s3 =	simm.s32 $0x108;
	s8 =	sld [smem:$0x3FAE]  }
0x2e: {  	s3 =	simm.s32 @!p0 $0x1082;
	s9 =	sld [smem:$0x3FAF]  }
0x2f: {  	lr =	sadd.s32 s0, s3;
	s0 =	sld [smem:$0x3FA6]  }
0x30: {  	s3 =	sld [smem:$0x3FA9]  }
0x31: {  	[smem:$0x3FB2] =	sst s10  }
0x32: {  	s10 =	sld [smem:$0x3FB0];
	_ =	sdelay $0x3  }
0x33: {  	p0 =	seq.s32 s10, $0x1;
	s10 =	sld [smem:$0x3FB2];
	_ =	sdelay $0x3  }
0x34: {  	[smem:$0x3FB2] =	sst s10  }
0x35: {  	s10 =	sld [smem:$0x3FB1];
	_ =	sdelay $0x3  }
0x36: {  	p1 =	seq.s32 s10, $0x1;
	s10 =	sld [smem:$0x3FB2];
	_ =	sdelay $0x3  }
0x37: {  	[smem:$0x3FB2] =	sst s10  }
0x38: {  	s10 =	sld [smem:$0x3FB3]  }
0x39: {  	_ = 	snop;
	(pc) =	sbr.ind lr, $3  }
0x3a: {  	_ = 	snop  }
0x3b: {  	_ = 	snop  }
0x3c: {  	p2 =	seq.s32 s10, $0x1;
	s10 =	sld [smem:$0x3FB2]  }
0x3d: {  	_ =	shalt  }
0x3e: {  	_ =	shalt  }
0x3f: {  	_ =	shalt  }
0x40: {  	_ =	shalt  }
0x41: {  	_ =	shalt  }
0x42: {  	_ =	shalt  }
0x43: {  	_ =	shalt  }
0x44: {  	_ =	shalt  }
0x45: {  	_ =	shalt  }
0x46: {  	_ =	shalt  }
0x47: {  	_ =	shalt  }
0x48: {  	_ =	shalt  }
0x49: {  	_ =	shalt  }
0x4a: {  	_ =	shalt  }
0x4b: {  	_ =	shalt  }
0x4c: {  	_ =	shalt  }
0x4d: {  	_ =	shalt  }
0x4e: {  	_ =	shalt  }
0x4f: {  	_ =	shalt  }
0x50: {  	_ =	shalt  }
0x51: {  	_ =	shalt  }
0x52: {  	_ =	shalt  }
0x53: {  	_ =	shalt  }
0x54: {  	_ =	shalt  }
0x55: {  	_ =	shalt  }
0x56: {  	_ =	shalt  }
0x57: {  	_ =	shalt  }
0x58: {  	_ =	shalt  }
0x59: {  	_ =	shalt  }
0x5a: {  	_ =	shalt  }
0x5b: {  	_ =	shalt  }
0x5c: {  	_ =	shalt  }
0x5d: {  	_ =	shalt  }
0x5e: {  	_ =	shalt  }
0x5f: {  	_ =	shalt  }
0x60: {  	_ =	shalt  }
0x61: {  	_ =	shalt  }
0x62: {  	_ =	shalt  }
0x63: {  	_ =	shalt  }
0x64: {  	_ =	shalt  }
0x65: {  	_ =	shalt  }
0x66: {  	_ =	shalt  }
0x67: {  	_ =	shalt  }
0x68: {  	_ =	shalt  }
0x69: {  	_ =	shalt  }
0x6a: {  	_ =	shalt  }
0x6b: {  	_ =	shalt  }
0x6c: {  	_ =	shalt  }
0x6d: {  	_ =	shalt  }
0x6e: {  	_ =	shalt  }
0x6f: {  	_ =	shalt  }
0x70: {  	_ =	shalt  }
0x71: {  	_ =	shalt  }
0x72: {  	_ =	shalt  }
0x73: {  	_ =	shalt  }
0x74: {  	_ =	shalt  }
0x75: {  	_ =	shalt  }
0x76: {  	_ =	shalt  }
0x77: {  	_ =	shalt  }
0x78: {  	_ =	shalt  }
0x79: {  	_ =	shalt  }
0x7a: {  	_ =	shalt  }
0x7b: {  	_ =	shalt  }
0x7c: {  	_ =	shalt  }
0x7d: {  	_ =	shalt  }
0x7e: {  	_ =	shalt  }
0x7f: {  	_ =	shalt  }
0x80: {  	_ =	shalt  }
0x81: {  	_ =	shalt  }
0x82: {  	_ =	shalt  }
0x83: {  	_ =	shalt  }
0x84: {  	_ =	shalt  }
0x85: {  	_ =	shalt  }
0x86: {  	_ =	shalt  }
0x87: {  	_ =	shalt  }
.Lfunc_end0:
.L_simem_size_0:
called_computation.3_lowered:
.L_overlay_start_0:
0x88: {  	s2 =	sld [smem:$0x3FD9]  }
0x89: {  	s3 =	sld [smem:$0x3FFE];
	_ =	sdelay $0x1  }
0x8a: {  	s1 =	srdreg.scid  }
0x8b: {  	s0 =	sand.u32 $0x1, s1  }
0x8c: {  	s16 =	sshll.u32 s0, $0xA;
	s2 =	sadd.s32 s3, s2  }
0x8d: {  	s2 =	sadd.s32 s2, s16  }
0x8e: {  	[smem:$0x3FBE] =	sst s2  }
0x8f: {  	_ = 	snop  }
0x90: {  	(tm) =	ssettm $0x1  }
0x91: {  	s17 =	sld [smem:$0x3FFB];
	_ =	sdelay $0x3  }
0x92: {  	_ =	strace s17  }
0x93: {  	s2 =	sld [smem:$0x3FFC];
	_ =	sdelay $0x3  }
0x94: {  	_ =	strace s2  }
0x95: {  	s2 =	sld [smem:$0x3FFD];
	_ =	sdelay $0x3  }
0x96: {  	_ =	strace s2  }
0x97: {  	_ =	strace $0x8FFFFFFF  }
0x98: {  	s18 =	sld [smem:$0x3FDB];
	_ =	sdelay $0x1  }
0x99: {  	s19 =	simm.s32 $_scs_section_size  }
0x9a: {  	s4 =	simm.s32 $_size__tile_overlayer_lowered;
	s5 =	simm.s32 $_tile_overlayer_lowered  }
0x9b: {  	s22 =	simm.s32 $0x1BFF;
	s21 =	sshll.u32 s5, $0x1;
	s2 =	sadd.s32 s19, s18  }
0x9c: {  	s6 =	simm.s32 $0x0;
	s20 =	sshll.u32 s4, $0x1;
	s4 =	sadd.s32 s21, s2  }
0x9d: {  	[timem:s6], [sflag:s22] =	dma.local [hbm:s4], s20  }
0x9e: {  	_ =	swait.ge [sflag:s22], s20  }
0x9f: {  	s3 =	ssub.s32 $0x0, s20;
	[sflag:s22] =	ssyncset.done $0x0  }
0xa0: {  	[sflag:s22] =	ssyncadd.s32 s3;
	_ =	sdelay $0x1  }
0xa1: {  	s23 =	simm.s32 $0x1B8B  }
0xa2: {  	_ =	swait.ge [sflag:s23], $0x1  }
0xa3: {  	[sflag:s23] =	ssyncset.done $0x0  }
0xa4: {  	s25 =	simm.s32 $0x1B8E;
	s24 =	sld [smem:$0x3FFE];
	[sflag:s23] =	ssyncadd.s32 $0xFFFFFFFF  }
0xa5: {  	s26 =	simm.s32 $execute0_lowered;
	[smem:$0x3FD2] =	sst s25  }
0xa6: {  	s4 =	sshll.u32 s26, $0x1;
	_ =	strace $0x8000004F;
	[dreg:$0x1] =	wrdreg $0xFFFFFFFF  }
0xa7: {  	s28 =	simm.s32 $_size_execute0_lowered;
	s2 =	sadd.s32 s2, s4;
	[dreg:$0x0] =	wrdreg $0x0  }
0xa8: {  	s4 =	sshll.u32 s28, $0x1;
	[dreg:$0x2] =	wrdreg s2  }
0xa9: {  	[dreg:$0x3] =	wrdreg s4  }
0xaa: {  	[dreg:$0x4] =	wrdreg $0xC0  }
0xab: {  	_ =	task [dreg:s6], $0x5FFFF  }
0xac: {  	[dreg:$0x1] =	wrdreg $0xFFFFFFFF  }
0xad: {  	[dreg:$0x0] =	wrdreg $0x60  }
0xae: {  	[dreg:$0x2] =	wrdreg s24  }
0xaf: {  	[dreg:$0x3] =	wrdreg $0xBA800  }
0xb0: {  	[dreg:$0x4] =	wrdreg $0x9  }
0xb1: {  	_ =	task.clear_ibuf [dreg:s6], $0x5FFFF;
	_ =	strace $0x9000004F  }
0xb2: {  	s29 =	simm.s32 $0x9;
	_ =	strace $0x80000051  }
0xb3: {  	_ =	swait.ge [sflag:s29], $0x1  }
0xb4: {  	[sflag:s29] =	ssyncadd.s32 $0xFFFFFFFF  }
0xb5: {  	_ =	strace $0x90000051  }
0xb6: {  	_ =	sfence  }
0xb7: {  	s30 =	sld [smem:$0x0];
	_ =	sdelay $0x2  }
0xb8: {  	s31 =	sshll.u32 s1, $0xD;
	s1 =	sshrl.u32 s1, $0x2  }
0xb9: {  	s3 =	sand.u32 $0x4000, s31;
	s1 =	sadd.s32 s1, s30  }
0xba: {  	s0 =	sor.u32 s3, s0;
	s1 =	sshll.u32 s1, $0x11  }
0xbb: {  	s0 =	sor.u32 s1, s0  }
0xbc: {  	s0 =	sadd.s32 $0x8F2B, s0  }
0xbd: {  	[sflag:s0] =	ssyncadd.remote.s32 $0x1  }
0xbe: {  	_ =	sfence.sel $0xFFFF  }
0xbf: {  	[dreg:$0x0] =	wrdreg $0xFFFFFFFF;
	(pc) =	sbr.abs _section_cstart, $3  }
0xc0: {  	[dreg:$0x1] =	wrdreg $0xFFFFFFFF  }
0xc1: {  	_ =	task.clear_ibuf [dreg:s6], $0x2FFFF;
	_ =	strace $0x9FFFFFFF  }
0xc2: {  	(tm) =	ssettm $0x7FFFFFFF  }
0xc3: {  	_ =	shalt  }
tec
execute0_lowered:
.L_overlay_start_1:
0x0: {  	(tag) =	ssettag $0x1  }
0x1: {  	s0 =	srdreg.scid  }
0x2: {  	s1 =	rddreg [dreg:$0x0];
	s25 =	stileid.u32  }
0x3: {  	s2 =	rddreg [dreg:$0x1];
	s0 =	sand.u32 $0x1, s0;
	s17 =	smul.u32 $0x50000, s25  }
0x4: {  	s5 =	sadd.s32 $0x7EE00, s1;
	s8 =	sshll.u32 s25, $0x4;
	s19 =	smul.u32 $0x2800, s25  }
0x5: {  	s29 =	sadd.s32 $0x7EC00, s1;
	s24 =	smul.u32 $0x2900, s25;
	s3 =	sshll.u32 s0, $0x4  }
0x6: {  	s8 =	sand.u32 $0x70, s8;
	s9 =	smul.u32 $0x28000, s0;
	s11 =	ssub.s32 $0x2, s0  }
0x7: {  	s0 =	smul.u32 $0x29000, s0;
	s4 =	sor.u32 s25, s3;
	s3 =	simm.s32 $0x0  }
0x8: {  	s10 =	sadd.s32 s8, s1;
	s12 =	sshrl.u32 s11, $0x1;
	s8 =	sshrl.u32 s17, $0x2  }
0x9: {  	s28 =	smul.u32 $0x2900, s4;
	[smem:$0x7FF] =	sst s3;
	s9 =	sadd.s32 s9, s1  }
0xa: {  	s4 =	sshll.u32 s4, $0x4;
	s8 =	sadd.s32 s8, s2;
	s0 =	sadd.s32 s24, s0  }
0xb: {  	_ =	strace $0x80000050;
	s20 =	sadd.s32 $0x1000, s8;
	[dreg:$0xc] =	wrdreg s0  }
0xc: {  	s12 =	ssub.s32 s11, s12;
	s21 =	sadd.s32 $0x2000, s8;
	[dreg:$0x3] =	wrdreg s20  }
0xd: {  	s11 =	sadd.s32 $0xD9C10, s1;
	s22 =	sadd.s32 $0x3000, s8;
	[dreg:$0x4] =	wrdreg s21  }
0xe: {  	s4 =	sand.u32 $0x180, s4;
	s23 =	sadd.s32 $0x4000, s8;
	[dreg:$0x5] =	wrdreg s22  }
0xf: {  	s26 =	smax.u32 s12, $0x1;
	s12 =	sadd.s32 $0x6000, s8;
	[dreg:$0x6] =	wrdreg s23  }
0x10: {  	s18 =	sadd.s32 $0x19E00, s9;
	s13 =	sadd.s32 $0x7000, s8;
	[dreg:$0x8] =	wrdreg s12  }
0x11: {  	s14 =	sadd.s32 $0x8000, s8;
	s15 =	sadd.s32 $0x9000, s8;
	[dreg:$0x9] =	wrdreg s13  }
0x12: {  	s16 =	sadd.s32 $0xB000, s8;
	s17 =	sadd.s32 $0xC000, s8;
	[dreg:$0xa] =	wrdreg s14  }
0x13: {  	s24 =	sadd.s32 $0x13000, s8;
	s9 =	simm.s32 $0x5;
	[dreg:$0xb] =	wrdreg s15  }
0x14: {  	s6 =	sshrl.u32 s28, $0x3;
	s4 =	sadd.s32 s4, s10;
	[dreg:$0xf] =	wrdreg s16  }
0x15: {  	s10 =	sadd.s32 $0x5000, s8;
	[dreg:$0x10] =	wrdreg s17;
	s20 =	sadd.s32 $0xF000, s8  }
0x16: {  	s21 =	sadd.s32 $0x10000, s8;
	s22 =	sadd.s32 $0x11000, s8;
	s23 =	sadd.s32 $0x12000, s8  }
0x17: {  	[dreg:$0x17] =	wrdreg s24;
	s12 =	simm.s32 $0x80;
	s13 =	simm.s32 $0x2A80  }
0x18: {  	s14 =	simm.s32 $0x2980;
	s15 =	simm.s32 $0x6A80;
	[dreg:$0xd] =	wrdreg s26  }
0x19: {  	s16 =	simm.s32 $0x3;
	s17 =	simm.s32 $0x1;
	[dreg:$0x7] =	wrdreg s10  }
0x1a: {  	s7 =	sadd.s32 s6, s1;
	s6 =	sadd.s32 $0xD9C00, s1;
	[dreg:$0x13] =	wrdreg s20  }
0x1b: {  	s30 =	sadd.s32 $0x19C00, s4;
	s1 =	sadd.s32 s19, s18;
	[dreg:$0x14] =	wrdreg s21  }
.Ltmp0:
0x1c: {  	s18 =	sadd.s32 $0xD000, s8;
	[dreg:$0x15] =	wrdreg s22;
	(pc) =	sbr.rel .LBB2_1-.Ltmp0, $4  }
0x1d: {  	s19 =	sadd.s32 $0xE000, s8;
	[dreg:$0x16] =	wrdreg s23;
	s4 =	simm.s32 $0xAA80  }
0x1e: {  	s10 =	simm.s32 $0x2900;
	s20 =	simm.s32 $0x0;
	[dreg:$0x11] =	wrdreg s18  }
0x1f: {  	s31 =	sadd.s32 $0xCF800, s7;
	s7 =	sadd.s32 $0xA000, s8;
	[dreg:$0x12] =	wrdreg s19  }
0x20: {  	s18 =	simm.s32 $0x4;
	s19 =	simm.s32 $0x2;
	[dreg:$0xe] =	wrdreg s7  }
.LBB2_3:
0x21: {  	s23 =	simm.s32 $0x80;
	s7 =	rddreg [dreg:$0xe]  }
.LBB2_8:
0x22: {  	s24 =	sadd.s32 s6, s26;
	[sflag:s9] =	ssyncadd.s32 @p0 $0xFFFFC000  }
0x23: {  	[tilespmem:s10], [sflag:$0x3] =	stream.linear.gather [hbm4b:s24+s3], $0x80, $0x38;
	[tilespmem:$0x1FA80] =	vst v63  }
0x24: {  	s23 =	sadd.s32 @p0 $0x100, s23;
	s24 =	simm.s32 $0x80  }
0x25: {  	s24 =	smov.u32 @p0 s23  }
0x26: {  	s23 =	sadd.s32 $0xFFFFFF80, s24  }
0x27: {  	[tilespmem:s13], [sflag:$0x1] =	stream.indirect.gather [hbm4b:s5+s12], $0x80, s23, s12, $0xb8;
	[tilespmem:$0x1FA80] =	vst v63  }
0x28: {  	s26 =	sadd.s32 s26, s11  }
0x29: {  	[tilespmem:s14], [sflag:$0x4] =	stream.linear.gather [hbm4b:s26+s3], $0x80, $0x38;
	[tilespmem:$0x1FA80] =	vst v63  }
0x2a: {  	_ = 	snop  }
0x2b: {  	[tilespmem:s15], [sflag:$0x2] =	stream.indirect.gather [hbm4b:s5+s12], $0x80, s24, s12, $0xb8;
	[tilespmem:$0x1FA80] =	vst v63  }
0x2c: {  	_ =	swait.ge [sflag:s16], $0x80  }
0x2d: {  	[sflag:s16] =	ssyncset.done $0x0  }
0x2e: {  	[sflag:s16] =	ssyncadd.s32 $0xFFFFFF80  }
0x2f: {  	_ =	swait.ge [sflag:s17], $0x4000  }
0x30: {  	[sflag:s17] =	ssyncset.done $0x0  }
0x31: {  	[sflag:s17] =	ssyncadd.s32 $0xFFFFC000  }
0x32: {  	[spmem:s2] =	stream.indirect.scatter.add.f32 [tilespmem:s13], [sflag:$0x5], $0x80, s10, s12, $0xb8;
	[tilespmem:$0x1FA80] =	vst v63  }
0x33: {  	_ =	swait.ge [sflag:s9], $0x4000  }
0x34: {  	[sflag:s9] =	ssyncset.done $0x0  }
0x35: {  	[sflag:s9] =	ssyncadd.s32 $0xFFFFC000  }
0x36: {  	_ =	swait.ge [sflag:s18], $0x80  }
0x37: {  	[sflag:s18] =	ssyncset.done $0x0  }
0x38: {  	[sflag:s18] =	ssyncadd.s32 $0xFFFFFF80  }
0x39: {  	_ =	swait.ge [sflag:s19], $0x4000  }
0x3a: {  	[sflag:s19] =	ssyncset.done $0x0  }
0x3b: {  	[sflag:s19] =	ssyncadd.s32 $0xFFFFC000  }
0x3c: {  	[spmem:s2] =	stream.indirect.scatter.add.f32 [tilespmem:s15], [sflag:$0x5], $0x80, s14, s12, $0xb8;
	[tilespmem:$0x1FA80] =	vst v63  }
0x3d: {  	_ =	swait.ge [sflag:s9], $0x4000  }
0x3e: {  	[sflag:s9] =	ssyncset.done $0x0  }
0x3f: {  	s26 =	rddreg [dreg:$0xd];
	[sflag:s9] =	ssyncadd.s32 $0xFFFFC000  }
.LBB2_9:
0x40: {  	s23 =	sand.u32 $0xFFFFFFFE, s22  }
0x41: {  	p0 =	seq.s32 s23, s22  }
0x42: {  	s22 =	sshll.u32 @!p0 s23, $0x7  }
0x43: {  	s22 =	sadd.s32 @!p0 s28, s22  }
0x44: {  	s23 =	simm.s32 @!p0 $0x0;
	s22 =	sshrl.u32 @!p0 s22, $0x3  }
0x45: {  	s24 =	simm.s32 @!p0 $0x2900;
	s21 =	sshll.u32 @!p0 s21, $0x7;
	s22 =	sadd.s32 @!p0 s6, s22  }
0x46: {  	[tilespmem:s24], [sflag:$0x3] =	stream.linear.gather @!p0 [hbm4b:s22+s23], $0x80, $0x38;
	[tilespmem:$0x1FA80] =	vst v63  }
0x47: {  	s21 =	sand.u32 @!p0 $0xFFFFFF00, s21;
	s22 =	simm.s32 @!p0 $0x80;
	s23 =	simm.s32 @!p0 $0x2A80  }
0x48: {  	[tilespmem:s23], [sflag:$0x1] =	stream.indirect.gather @!p0 [hbm4b:s5+s22], $0x80, s21, s22, $0xb8;
	[tilespmem:$0x1FA80] =	vst v63  }
0x49: {  	s21 =	simm.s32 @!p0 $0x3  }
0x4a: {  	_ =	swait.ge @!p0 [sflag:s21], $0x80  }
0x4b: {  	[sflag:s21] =	ssyncset.done @!p0 $0x0  }
0x4c: {  	[sflag:s21] =	ssyncadd.s32 @!p0 $0xFFFFFF80;
	s21 =	simm.s32 @!p0 $0x1  }
0x4d: {  	_ =	swait.ge @!p0 [sflag:s21], $0x4000  }
0x4e: {  	[sflag:s21] =	ssyncset.done @!p0 $0x0  }
0x4f: {  	[sflag:s21] =	ssyncadd.s32 @!p0 $0xFFFFC000;
	s21 =	simm.s32 @!p0 $0x5  }
0x50: {  	[spmem:s2] =	stream.indirect.scatter.add.f32 @!p0 [tilespmem:s23], [sflag:$0x5], $0x80, s24, s22, $0xb8;
	[tilespmem:$0x1FA80] =	vst v63  }
0x51: {  	_ =	swait.ge @!p0 [sflag:s21], $0x4000  }
0x52: {  	s20 =	sadd.s32 $0x1, s20;
	s23 =	sshll.u32 s25, $0x6;
	[sflag:s21] =	ssyncset.done @!p0 $0x0  }
0x53: {  	s24 =	sshrl.u32 s8, $0x3;
	[sflag:s21] =	ssyncadd.s32 @!p0 $0xFFFFC000;
	p0 =	sne.s32 s20, s26  }
.Ltmp1:
0x54: {  	s21 =	sor.u32 $0x1C05, s23;
	[bflag:$0x0] =	sbarrier.arrive $0xFFFF;
	(pc) =	sbr.rel @!p0 .LBB2_10-.Ltmp1, $4  }
0x55: {  	[hbm:s1], [sflag:s21] =	dma.local [spmem:s24], $0x2800  }
0x56: {  	_ =	swait.ge [sflag:s9], $0x2800  }
0x57: {  	[sflag:s9] =	ssyncset.done $0x0  }
0x58: {  	[sflag:s9] =	ssyncadd.s32 $0xFFFFD800  }
.LBB2_1:
0x59: {  	[tilespmem:s4], [sflag:$0x5] =	stream.linear.gather [hbm4b:s29+s3], $0x1000, $0x38;
	[tilespmem:$0x1FA80] =	vst v63  }
0x5a: {  	_ =	swait.ge [sflag:s9], $0x1000  }
0x5b: {  	[sflag:s9] =	ssyncset.done $0x0  }
0x5c: {  	[sflag:s9] =	ssyncadd.s32 $0xFFFFF000  }
0x5d: {  	[spmem:s8] =	stream.linear.scatter [tilespmem:s4], [sflag:$0x5], $0x1000, $0x38;
	[tilespmem:$0x1FA80] =	vst v63  }
0x5e: {  	_ =	swait.ge [sflag:s9], $0x1000  }
0x5f: {  	[sflag:s9] =	ssyncset.done $0x0  }
0x60: {  	s0 =	rddreg [dreg:$0x3];
	[sflag:s9] =	ssyncadd.s32 $0xFFFFF000  }
0x61: {  	[spmem:s0] =	stream.linear.scatter [tilespmem:s4], [sflag:$0x5], $0x1000, $0x38;
	[tilespmem:$0x1FA80] =	vst v63  }
0x62: {  	_ =	swait.ge [sflag:s9], $0x1000  }
0x63: {  	[sflag:s9] =	ssyncset.done $0x0  }
0x64: {  	s23 =	rddreg [dreg:$0x4];
	[sflag:s9] =	ssyncadd.s32 $0xFFFFF000  }
0x65: {  	[spmem:s23] =	stream.linear.scatter [tilespmem:s4], [sflag:$0x5], $0x1000, $0x38;
	[tilespmem:$0x1FA80] =	vst v63  }
0x66: {  	_ =	swait.ge [sflag:s9], $0x1000  }
0x67: {  	[sflag:s9] =	ssyncset.done $0x0  }
0x68: {  	s24 =	rddreg [dreg:$0x5];
	[sflag:s9] =	ssyncadd.s32 $0xFFFFF000  }
0x69: {  	[spmem:s24] =	stream.linear.scatter [tilespmem:s4], [sflag:$0x5], $0x1000, $0x38;
	[tilespmem:$0x1FA80] =	vst v63  }
0x6a: {  	_ =	swait.ge [sflag:s9], $0x1000  }
0x6b: {  	[sflag:s9] =	ssyncset.done $0x0  }
0x6c: {  	s21 =	rddreg [dreg:$0x6];
	[sflag:s9] =	ssyncadd.s32 $0xFFFFF000  }
0x6d: {  	[spmem:s21] =	stream.linear.scatter [tilespmem:s4], [sflag:$0x5], $0x1000, $0x38;
	[tilespmem:$0x1FA80] =	vst v63  }
0x6e: {  	_ =	swait.ge [sflag:s9], $0x1000  }
0x6f: {  	[sflag:s9] =	ssyncset.done $0x0  }
0x70: {  	s22 =	rddreg [dreg:$0x7];
	[sflag:s9] =	ssyncadd.s32 $0xFFFFF000  }
0x71: {  	[spmem:s22] =	stream.linear.scatter [tilespmem:s4], [sflag:$0x5], $0x1000, $0x38;
	[tilespmem:$0x1FA80] =	vst v63  }
0x72: {  	_ =	swait.ge [sflag:s9], $0x1000  }
0x73: {  	[sflag:s9] =	ssyncset.done $0x0  }
0x74: {  	s23 =	rddreg [dreg:$0x8];
	[sflag:s9] =	ssyncadd.s32 $0xFFFFF000  }
0x75: {  	[spmem:s23] =	stream.linear.scatter [tilespmem:s4], [sflag:$0x5], $0x1000, $0x38;
	[tilespmem:$0x1FA80] =	vst v63  }
0x76: {  	_ =	swait.ge [sflag:s9], $0x1000  }
0x77: {  	[sflag:s9] =	ssyncset.done $0x0  }
0x78: {  	s24 =	rddreg [dreg:$0x9];
	[sflag:s9] =	ssyncadd.s32 $0xFFFFF000  }
0x79: {  	[spmem:s24] =	stream.linear.scatter [tilespmem:s4], [sflag:$0x5], $0x1000, $0x38;
	[tilespmem:$0x1FA80] =	vst v63  }
0x7a: {  	_ =	swait.ge [sflag:s9], $0x1000  }
0x7b: {  	[sflag:s9] =	ssyncset.done $0x0  }
0x7c: {  	s21 =	rddreg [dreg:$0xa];
	[sflag:s9] =	ssyncadd.s32 $0xFFFFF000  }
0x7d: {  	[spmem:s21] =	stream.linear.scatter [tilespmem:s4], [sflag:$0x5], $0x1000, $0x38;
	[tilespmem:$0x1FA80] =	vst v63  }
0x7e: {  	_ =	swait.ge [sflag:s9], $0x1000  }
0x7f: {  	[sflag:s9] =	ssyncset.done $0x0  }
0x80: {  	s22 =	rddreg [dreg:$0xb];
	[sflag:s9] =	ssyncadd.s32 $0xFFFFF000  }
0x81: {  	[spmem:s22] =	stream.linear.scatter [tilespmem:s4], [sflag:$0x5], $0x1000, $0x38;
	[tilespmem:$0x1FA80] =	vst v63  }
0x82: {  	_ =	swait.ge [sflag:s9], $0x1000  }
0x83: {  	[sflag:s9] =	ssyncset.done $0x0  }
0x84: {  	[sflag:s9] =	ssyncadd.s32 $0xFFFFF000  }
0x85: {  	[spmem:s7] =	stream.linear.scatter [tilespmem:s4], [sflag:$0x5], $0x1000, $0x38;
	[tilespmem:$0x1FA80] =	vst v63  }
0x86: {  	_ =	swait.ge [sflag:s9], $0x1000  }
0x87: {  	[sflag:s9] =	ssyncset.done $0x0  }
0x88: {  	s23 =	rddreg [dreg:$0xf];
	[sflag:s9] =	ssyncadd.s32 $0xFFFFF000  }
0x89: {  	[spmem:s23] =	stream.linear.scatter [tilespmem:s4], [sflag:$0x5], $0x1000, $0x38;
	[tilespmem:$0x1FA80] =	vst v63  }
0x8a: {  	_ =	swait.ge [sflag:s9], $0x1000  }
0x8b: {  	[sflag:s9] =	ssyncset.done $0x0  }
0x8c: {  	s24 =	rddreg [dreg:$0x10];
	[sflag:s9] =	ssyncadd.s32 $0xFFFFF000  }
0x8d: {  	[spmem:s24] =	stream.linear.scatter [tilespmem:s4], [sflag:$0x5], $0x1000, $0x38;
	[tilespmem:$0x1FA80] =	vst v63  }
0x8e: {  	_ =	swait.ge [sflag:s9], $0x1000  }
0x8f: {  	[sflag:s9] =	ssyncset.done $0x0  }
0x90: {  	s21 =	rddreg [dreg:$0x11];
	[sflag:s9] =	ssyncadd.s32 $0xFFFFF000  }
0x91: {  	[spmem:s21] =	stream.linear.scatter [tilespmem:s4], [sflag:$0x5], $0x1000, $0x38;
	[tilespmem:$0x1FA80] =	vst v63  }
0x92: {  	_ =	swait.ge [sflag:s9], $0x1000  }
0x93: {  	[sflag:s9] =	ssyncset.done $0x0  }
0x94: {  	s22 =	rddreg [dreg:$0x12];
	[sflag:s9] =	ssyncadd.s32 $0xFFFFF000  }
0x95: {  	[spmem:s22] =	stream.linear.scatter [tilespmem:s4], [sflag:$0x5], $0x1000, $0x38;
	[tilespmem:$0x1FA80] =	vst v63  }
0x96: {  	_ =	swait.ge [sflag:s9], $0x1000  }
0x97: {  	[sflag:s9] =	ssyncset.done $0x0  }
0x98: {  	s23 =	rddreg [dreg:$0x13];
	[sflag:s9] =	ssyncadd.s32 $0xFFFFF000  }
0x99: {  	[spmem:s23] =	stream.linear.scatter [tilespmem:s4], [sflag:$0x5], $0x1000, $0x38;
	[tilespmem:$0x1FA80] =	vst v63  }
0x9a: {  	_ =	swait.ge [sflag:s9], $0x1000  }
0x9b: {  	[sflag:s9] =	ssyncset.done $0x0  }
0x9c: {  	s24 =	rddreg [dreg:$0x14];
	[sflag:s9] =	ssyncadd.s32 $0xFFFFF000  }
0x9d: {  	[spmem:s24] =	stream.linear.scatter [tilespmem:s4], [sflag:$0x5], $0x1000, $0x38;
	[tilespmem:$0x1FA80] =	vst v63  }
0x9e: {  	_ =	swait.ge [sflag:s9], $0x1000  }
0x9f: {  	[sflag:s9] =	ssyncset.done $0x0  }
0xa0: {  	s21 =	rddreg [dreg:$0x15];
	[sflag:s9] =	ssyncadd.s32 $0xFFFFF000  }
0xa1: {  	[spmem:s21] =	stream.linear.scatter [tilespmem:s4], [sflag:$0x5], $0x1000, $0x38;
	[tilespmem:$0x1FA80] =	vst v63  }
0xa2: {  	_ =	swait.ge [sflag:s9], $0x1000  }
0xa3: {  	[sflag:s9] =	ssyncset.done $0x0  }
0xa4: {  	s22 =	rddreg [dreg:$0x16];
	[sflag:s9] =	ssyncadd.s32 $0xFFFFF000  }
0xa5: {  	[spmem:s22] =	stream.linear.scatter [tilespmem:s4], [sflag:$0x5], $0x1000, $0x38;
	[tilespmem:$0x1FA80] =	vst v63  }
0xa6: {  	_ =	swait.ge [sflag:s9], $0x1000  }
0xa7: {  	[sflag:s9] =	ssyncset.done $0x0  }
0xa8: {  	s23 =	rddreg [dreg:$0x17];
	[sflag:s9] =	ssyncadd.s32 $0xFFFFF000  }
0xa9: {  	[spmem:s23] =	stream.linear.scatter [tilespmem:s4], [sflag:$0x5], $0x1000, $0x38;
	[tilespmem:$0x1FA80] =	vst v63  }
0xaa: {  	_ =	swait.ge [sflag:s9], $0x1000  }
0xab: {  	[sflag:s9] =	ssyncset.done $0x0  }
0xac: {  	s24 =	simm.s32 $0x2A00;
	[sflag:s9] =	ssyncadd.s32 $0xFFFFF000  }
0xad: {  	[tilespmem:s24], [sflag:$0x5] =	stream.linear.gather [hbm4b:s30+s3], $0x80, $0x38;
	[tilespmem:$0x1FA80] =	vst v63  }
0xae: {  	_ =	swait.ge [sflag:s9], $0x80  }
0xaf: {  	[sflag:s9] =	ssyncset.done $0x0  }
0xb0: {  	[sflag:s9] =	ssyncadd.s32 $0xFFFFFF80  }
0xb1: {  	[tilespmem:s3], [sflag:$0x5] =	stream.linear.gather [hbm4b:s31+s3], $0x2900, $0x38;
	[tilespmem:$0x1FA80] =	vst v63  }
0xb2: {  	_ =	swait.ge [sflag:s9], $0x2900  }
0xb3: {  	[sflag:s9] =	ssyncset.done $0x0  }
0xb4: {  	[sflag:s9] =	ssyncadd.s32 $0xFFFFD700  }
0xb5: {  	v0 =	vld [tilespmem:$0x2A00];
	_ =	sdelay $0x4  }
0xb6: {  	v0 =	vxor.u32 $0x80000000, v0  }
0xb7: {  	(xrf0) =	vmax.scan.msk.u32 $0xffff, v0;
	_ =	sdelay $0x5  }
0xb8: {  	v0, _, _ =	vpop (xrf0)  }
0xb9: {  	(v2sf) =	vpush v0, $0xF;
	_ =	sdelay $0xe  }
0xba: {  	s21 =	spop (v2sf)  }
0xbb: {  	s22 =	sxor.u32 $0x80000000, s21  }
0xbc: {  	s23 =	sor.u32 $0x1, s22  }
0xbd: {  	p0 =	slt.s32 s23, $0x2  }
.Ltmp2:
0xbe: {  	_ = 	snop;
	(pc) =	sbr.rel @p0 .LBB2_9-.Ltmp2, $2  }
0xbf: {  	_ =	sdelay $0x1  }
0xc0: {  	[bflag:$0x0] =	sbarrier.arrive $0xFFFF;
	_ =	sdelay $0x1  }
0xc1: {  	s24 =	sshrl.u32 s22, $0x1F  }
0xc2: {  	s23 =	sadd.s32 s24, s23  }
0xc3: {  	s23 =	sshra.s32 s23, $0x1  }
0xc4: {  	p1 =	sne.s32 s23, $0x1  }
.Ltmp3:
0xc5: {  	_ = 	snop;
	(pc) =	sbr.rel @!p1 .LBB2_3-.Ltmp3, $3  }
0xc6: {  	_ =	sdelay $0x1  }
0xc7: {  	s7 =	rddreg [dreg:$0xc]  }
0xc8: {  	p0 =	por $0x0, $0x0;
	s26 =	sshrl.u32 s7, $0x3;
	s23 =	sadd.s32 $0xFFFFFFFF, s23  }
0xc9: {  	s0 =	smov.u32 s8;
	s24 =	sadd.s32 s6, s26  }
0xca: {  	[tilespmem:s10], [sflag:$0x3] =	stream.linear.gather [hbm4b:s24+s3], $0x80, $0x38;
	[tilespmem:$0x1FA80] =	vst v63  }
0xcb: {  	s8 =	smov.u32 s1;
	s1 =	smov.u32 s30;
	s25 =	simm.s32 $0x0  }
0xcc: {  	[tilespmem:s13], [sflag:$0x1] =	stream.indirect.gather [hbm4b:s5+s12], $0x80, s25, s12, $0xb8;
	[tilespmem:$0x1FA80] =	vst v63  }
0xcd: {  	s30 =	smov.u32 s29;
	s29 =	smov.u32 s28;
	s28 =	sadd.s32 s26, s11  }
0xce: {  	[tilespmem:s14], [sflag:$0x4] =	stream.linear.gather [hbm4b:s28+s3], $0x80, $0x38;
	[tilespmem:$0x1FA80] =	vst v63  }
0xcf: {  	_ = 	snop  }
0xd0: {  	[tilespmem:s15], [sflag:$0x2] =	stream.indirect.gather [hbm4b:s5+s12], $0x80, s12, s12, $0xb8;
	[tilespmem:$0x1FA80] =	vst v63  }
0xd1: {  	_ =	swait.ge [sflag:s16], $0x80  }
0xd2: {  	[sflag:s16] =	ssyncset.done $0x0  }
0xd3: {  	[sflag:s16] =	ssyncadd.s32 $0xFFFFFF80  }
0xd4: {  	_ =	swait.ge [sflag:s17], $0x4000  }
0xd5: {  	[sflag:s17] =	ssyncset.done $0x0  }
0xd6: {  	[sflag:s17] =	ssyncadd.s32 $0xFFFFC000  }
0xd7: {  	[spmem:s2] =	stream.indirect.scatter.add.f32 [tilespmem:s13], [sflag:$0x5], $0x80, s10, s12, $0xb8;
	[tilespmem:$0x1FA80] =	vst v63  }
0xd8: {  	_ =	swait.ge [sflag:s9], $0x4000  }
0xd9: {  	[sflag:s9] =	ssyncset.done $0x0  }
0xda: {  	[sflag:s9] =	ssyncadd.s32 $0xFFFFC000  }
0xdb: {  	_ =	swait.ge [sflag:s18], $0x80  }
0xdc: {  	[sflag:s18] =	ssyncset.done $0x0  }
0xdd: {  	[sflag:s18] =	ssyncadd.s32 $0xFFFFFF80  }
0xde: {  	p1 =	sne.s32 s23, $0x1;
	_ =	swait.ge [sflag:s19], $0x4000  }
.Ltmp4:
0xdf: {  	[sflag:s19] =	ssyncset.done $0x0;
	(pc) =	sbr.rel @!p1 .LBB2_5-.Ltmp4, $4  }
0xe0: {  	s24 =	sadd.s32 $0x100, s7;
	[sflag:s19] =	ssyncadd.s32 $0xFFFFC000  }
0xe1: {  	[spmem:s2] =	stream.indirect.scatter.add.f32 [tilespmem:s15], [sflag:$0x5], $0x80, s14, s12, $0xb8;
	[tilespmem:$0x1FA80] =	vst v63  }
0xe2: {  	p0 =	por $0x1, $0x1;
	s26 =	sshrl.u32 s24, $0x3;
	_ =	swait.ge [sflag:s9], $0x4000  }
0xe3: {  	s25 =	sadd.s32 $0xFFFFFFFF, s23;
	s23 =	simm.s32 $0x80;
	[sflag:s9] =	ssyncset.done $0x0  }
.LBB2_6:
0xe4: {  	s28 =	sadd.s32 s6, s26;
	[sflag:s9] =	ssyncadd.s32 $0xFFFFC000;
	s23 =	sadd.s32 $0x100, s23  }
0xe5: {  	[tilespmem:s10], [sflag:$0x3] =	stream.linear.gather [hbm4b:s28+s3], $0x80, $0x38;
	[tilespmem:$0x1FA80] =	vst v63  }
0xe6: {  	p1 =	sne.s32 s25, $0x1;
	s25 =	sadd.s32 $0xFFFFFFFF, s25;
	s28 =	sadd.s32 $0xFFFFFF80, s23  }
0xe7: {  	[tilespmem:s13], [sflag:$0x1] =	stream.indirect.gather [hbm4b:s5+s12], $0x80, s28, s12, $0xb8;
	[tilespmem:$0x1FA80] =	vst v63  }
0xe8: {  	s26 =	sadd.s32 s26, s11  }
0xe9: {  	[tilespmem:s14], [sflag:$0x4] =	stream.linear.gather [hbm4b:s26+s3], $0x80, $0x38;
	[tilespmem:$0x1FA80] =	vst v63  }
0xea: {  	_ = 	snop  }
0xeb: {  	[tilespmem:s15], [sflag:$0x2] =	stream.indirect.gather [hbm4b:s5+s12], $0x80, s23, s12, $0xb8;
	[tilespmem:$0x1FA80] =	vst v63  }
0xec: {  	_ =	swait.ge [sflag:s16], $0x80  }
0xed: {  	[sflag:s16] =	ssyncset.done $0x0  }
0xee: {  	[sflag:s16] =	ssyncadd.s32 $0xFFFFFF80  }
0xef: {  	_ =	swait.ge [sflag:s17], $0x4000  }
0xf0: {  	[sflag:s17] =	ssyncset.done $0x0  }
0xf1: {  	[sflag:s17] =	ssyncadd.s32 $0xFFFFC000  }
0xf2: {  	[spmem:s2] =	stream.indirect.scatter.add.f32 [tilespmem:s13], [sflag:$0x5], $0x80, s10, s12, $0xb8;
	[tilespmem:$0x1FA80] =	vst v63  }
0xf3: {  	_ =	swait.ge [sflag:s9], $0x4000  }
0xf4: {  	[sflag:s9] =	ssyncset.done $0x0  }
0xf5: {  	[sflag:s9] =	ssyncadd.s32 $0xFFFFC000  }
0xf6: {  	_ =	swait.ge [sflag:s18], $0x80  }
0xf7: {  	[sflag:s18] =	ssyncset.done $0x0  }
0xf8: {  	[sflag:s18] =	ssyncadd.s32 $0xFFFFFF80  }
0xf9: {  	_ =	swait.ge [sflag:s19], $0x4000  }
.Ltmp5:
0xfa: {  	[sflag:s19] =	ssyncset.done $0x0;
	(pc) =	sbr.rel @p1 .LBB2_6-.Ltmp5, $4  }
0xfb: {  	[sflag:s19] =	ssyncadd.s32 $0xFFFFC000  }
0xfc: {  	[spmem:s2] =	stream.indirect.scatter.add.f32 [tilespmem:s15], [sflag:$0x5], $0x80, s14, s12, $0xb8;
	[tilespmem:$0x1FA80] =	vst v63  }
0xfd: {  	s24 =	sadd.s32 $0x100, s24;
	_ =	swait.ge [sflag:s9], $0x4000  }
0xfe: {  	s26 =	sshrl.u32 s24, $0x3;
	[sflag:s9] =	ssyncset.done $0x0  }
.Ltmp6:
0xff: {  	(pc) =	sbr.rel .LBB2_8-.Ltmp6, $4  }
0x100: {  	_ = 	snop  }
0x101: {  	s25 =	stileid.u32  }
0x102: {  	s28 =	smov.u32 s29;
	s29 =	smov.u32 s30;
	s30 =	smov.u32 s1  }
0x103: {  	s7 =	rddreg [dreg:$0xe];
	s1 =	smov.u32 s8;
	s8 =	smov.u32 s0  }
.LBB2_5:
.Ltmp7:
0x104: {  	(pc) =	sbr.rel .LBB2_8-.Ltmp7, $4  }
0x105: {  	_ = 	snop  }
0x106: {  	s23 =	simm.s32 $0x80;
	s25 =	stileid.u32  }
0x107: {  	s28 =	smov.u32 s29;
	s29 =	smov.u32 s30;
	s30 =	smov.u32 s1  }
0x108: {  	s7 =	rddreg [dreg:$0xe];
	s1 =	smov.u32 s8;
	s8 =	smov.u32 s0  }
.LBB2_10:
0x109: {  	_ =	sfence.sel $0x180000  }
0x10a: {  	[bflag:$0x0] =	sbarrier.arrive $0xFFFF  }
0x10b: {  	_ =	strace $0x90000050  }
0x10c: {  	[bflag:$0x2] =	sbarrier.arrive $0xFFFF  }
0x10d: {  	p0 =	sne.s32 s25, $0x0;
	s0 =	rddreg [dreg:$0x2]  }
0x10e: {  	s0 =	sadd.s32 @!p0 $0x100000, s0  }
0x10f: {  	[sflag:s0] =	ssyncadd.tile.s32 @!p0 $0x1;
	_ =	shalt  }
.Lfunc_end2:
_tile_overlayer_lowered:
.L_overlay_start_2:
0x110: {  	(tag) =	ssettag $0x2  }
0x111: {  	s0 =	rddreg [dreg:$0x0];
	s2 =	stileid.u32  }
0x112: {  	s1 =	rddreg [dreg:$0x1];
	p0 =	sne.s32 s2, $0x0  }
0x113: {  	s3 =	rddreg [dreg:$0x2];
	[bflag:$0x3] =	sbarrier.arrive $0xFFFF;
	s2 =	simm.s32 @!p0 $0x1C05  }
0x114: {  	[timem:s3], [sflag:s2] =	dma.local @!p0 [hbm:s0], s1  }
0x115: {  	s0 =	simm.s32 @!p0 $0x5  }
0x116: {  	_ =	swait.ge @!p0 [sflag:s0], s1  }
0x117: {  	s1 =	ssub.s32 @!p0 $0x0, s1;
	[sflag:s0] =	ssyncset.done @!p0 $0x0  }
0x118: {  	[sflag:s0] =	ssyncadd.s32 @!p0 s1  }
0x119: {  	[bflag:$0x3] =	sbarrier.arrive $0xFFFF  }
0x11a: {  	_ =	shalt  }

// kernel: sc_mask_step1.3.cloned.1.call-start
scs
__scs_entry_jumppad:
0x0: {  	(pc) =	sbr.rel $0x88, $3  }
0x1: {  	(tag) =	ssettag $0x0;
	lr =	simm.s32 $0x1  }
0x2: {  	[smem:$0x3F97] =	sst lr;
	_ =	strace $0xD0000000  }
0x3: {  	_ = 	snop  }
0x4: {  	_ = 	snop  }
0x5: {  	_ = 	snop  }
0x6: {  	_ = 	snop  }
0x7: {  	_ = 	snop  }
__scs_overlays_trampoline_lowered:
0x8: {  	[smem:$0x3FA6] =	sst s0  }
0x9: {  	[smem:$0x3FA7] =	sst s1  }
0xa: {  	[smem:$0x3FA8] =	sst s2  }
0xb: {  	[smem:$0x3FA9] =	sst s3  }
0xc: {  	[smem:$0x3FAA] =	sst s4  }
0xd: {  	[smem:$0x3FAB] =	sst s5  }
0xe: {  	[smem:$0x3FAC] =	sst s6  }
0xf: {  	[smem:$0x3FAD] =	sst s7  }
0x10: {  	[smem:$0x3FAE] =	sst s8  }
0x11: {  	[smem:$0x3FAF] =	sst s9;
	s0 =	simm.s32 @!p0 $0x0  }
0x12: {  	s1 =	sld [smem:$0x3F95];
	s0 =	simm.s32 @p0 $0x1  }
0x13: {  	[smem:$0x3FB0] =	sst s0;
	s0 =	simm.s32 @!p1 $0x0  }
0x14: {  	s2 =	sld [smem:$0x3F94];
	s0 =	simm.s32 @p1 $0x1  }
0x15: {  	[smem:$0x3FB1] =	sst s0;
	s0 =	simm.s32 @!p2 $0x0  }
0x16: {  	s3 =	sld [smem:$0x3FDB];
	s0 =	simm.s32 @p2 $0x1  }
0x17: {  	s4 =	simm.s32 $0x1BF5;
	[smem:$0x3FB3] =	sst s0  }
0x18: {  	s0 =	sld [smem:$0x3F96];
	_ =	swait.ge [sflag:s4], $0x0  }
0x19: {  	s7 =	sld [smem:$0x3F97]  }
0x1a: {  	s8 =	sadd.s32 $0xFFFFE003, lr  }
0x1b: {  	s9 =	sadd.s32 $0xFFFFFEF7, lr;
	s5 =	simm.s32 $0xFFFFFFFF;
	p2 =	slt.u32 s8, $0xFFFFF086  }
0x1c: {  	p1 =	slt.u32 s9, $0xF7A;
	s5 =	simm.s32 @!p2 $0x0  }
0x1d: {  	s5 =	simm.s32 @p1 $0x1;
	p0 =	seq.s32 s7, s2  }
0x1e: {  	s7 =	smul.u32 @!p0 $0xF7A, s2;
	p2 =	seq.s32 @!p0 s5, $0x0  }
0x1f: {  	s9 =	smul.u32 $0xF7A, s1;
	s8 =	simm.s32 @!p0 $0x1BF5;
	p2 =	por !p2, p0  }
0x20: {  	[sflag:s8] =	ssyncset.s32 @!p0 $0xFFFFF086;
	s6 =	sadd.s32 @!p0 s3, s7;
	s7 =	simm.s32 @!p0 $0x108  }
0x21: {  	s3 =	sadd.s32 s3, s9;
	s6 =	sadd.s32 @!p0 $0x88, s6;
	s7 =	simm.s32 @p2 $0x1082  }
0x22: {  	[simem:s7], [sflag:s8] =	dma.local @!p0 [hbm:s6], $0xF7A  }
0x23: {  	s9 =	sor.u32 $0xD0000000, s2;
	s6 =	simm.s32 $0x108;
	_ =	swait.ge @!p0 [sflag:s8], $0x0  }
0x24: {  	s3 =	sadd.s32 $0x88, s3;
	s6 =	simm.s32 @!p1 $0x1082;
	[sflag:s4] =	ssyncset.s32 $0xFFFFF086  }
0x25: {  	[simem:s6], [sflag:s4] =	dma.local [hbm:s3], $0xF7A  }
0x26: {  	[smem:$0x3F97] =	sst s1;
	(tag) =	ssettag s2;
	_ =	strace s9  }
0x27: {  	s1 =	sld [smem:$0x3FA7]  }
0x28: {  	s2 =	sld [smem:$0x3FA8]  }
0x29: {  	s4 =	sld [smem:$0x3FAA]  }
0x2a: {  	p0 =	seq.s32 s5, $0x0;
	s5 =	sld [smem:$0x3FAB]  }
0x2b: {  	s6 =	sld [smem:$0x3FAC]  }
0x2c: {  	s7 =	sld [smem:$0x3FAD]  }
0x2d: {  	s3 =	simm.s32 $0x108;
	s8 =	sld [smem:$0x3FAE]  }
0x2e: {  	s3 =	simm.s32 @!p0 $0x1082;
	s9 =	sld [smem:$0x3FAF]  }
0x2f: {  	lr =	sadd.s32 s0, s3;
	s0 =	sld [smem:$0x3FA6]  }
0x30: {  	s3 =	sld [smem:$0x3FA9]  }
0x31: {  	[smem:$0x3FB2] =	sst s10  }
0x32: {  	s10 =	sld [smem:$0x3FB0];
	_ =	sdelay $0x3  }
0x33: {  	p0 =	seq.s32 s10, $0x1;
	s10 =	sld [smem:$0x3FB2];
	_ =	sdelay $0x3  }
0x34: {  	[smem:$0x3FB2] =	sst s10  }
0x35: {  	s10 =	sld [smem:$0x3FB1];
	_ =	sdelay $0x3  }
0x36: {  	p1 =	seq.s32 s10, $0x1;
	s10 =	sld [smem:$0x3FB2];
	_ =	sdelay $0x3  }
0x37: {  	[smem:$0x3FB2] =	sst s10  }
0x38: {  	s10 =	sld [smem:$0x3FB3]  }
0x39: {  	_ = 	snop;
	(pc) =	sbr.ind lr, $3  }
0x3a: {  	_ = 	snop  }
0x3b: {  	_ = 	snop  }
0x3c: {  	p2 =	seq.s32 s10, $0x1;
	s10 =	sld [smem:$0x3FB2]  }
0x3d: {  	_ =	shalt  }
0x3e: {  	_ =	shalt  }
0x3f: {  	_ =	shalt  }
0x40: {  	_ =	shalt  }
0x41: {  	_ =	shalt  }
0x42: {  	_ =	shalt  }
0x43: {  	_ =	shalt  }
0x44: {  	_ =	shalt  }
0x45: {  	_ =	shalt  }
0x46: {  	_ =	shalt  }
0x47: {  	_ =	shalt  }
0x48: {  	_ =	shalt  }
0x49: {  	_ =	shalt  }
0x4a: {  	_ =	shalt  }
0x4b: {  	_ =	shalt  }
0x4c: {  	_ =	shalt  }
0x4d: {  	_ =	shalt  }
0x4e: {  	_ =	shalt  }
0x4f: {  	_ =	shalt  }
0x50: {  	_ =	shalt  }
0x51: {  	_ =	shalt  }
0x52: {  	_ =	shalt  }
0x53: {  	_ =	shalt  }
0x54: {  	_ =	shalt  }
0x55: {  	_ =	shalt  }
0x56: {  	_ =	shalt  }
0x57: {  	_ =	shalt  }
0x58: {  	_ =	shalt  }
0x59: {  	_ =	shalt  }
0x5a: {  	_ =	shalt  }
0x5b: {  	_ =	shalt  }
0x5c: {  	_ =	shalt  }
0x5d: {  	_ =	shalt  }
0x5e: {  	_ =	shalt  }
0x5f: {  	_ =	shalt  }
0x60: {  	_ =	shalt  }
0x61: {  	_ =	shalt  }
0x62: {  	_ =	shalt  }
0x63: {  	_ =	shalt  }
0x64: {  	_ =	shalt  }
0x65: {  	_ =	shalt  }
0x66: {  	_ =	shalt  }
0x67: {  	_ =	shalt  }
0x68: {  	_ =	shalt  }
0x69: {  	_ =	shalt  }
0x6a: {  	_ =	shalt  }
0x6b: {  	_ =	shalt  }
0x6c: {  	_ =	shalt  }
0x6d: {  	_ =	shalt  }
0x6e: {  	_ =	shalt  }
0x6f: {  	_ =	shalt  }
0x70: {  	_ =	shalt  }
0x71: {  	_ =	shalt  }
0x72: {  	_ =	shalt  }
0x73: {  	_ =	shalt  }
0x74: {  	_ =	shalt  }
0x75: {  	_ =	shalt  }
0x76: {  	_ =	shalt  }
0x77: {  	_ =	shalt  }
0x78: {  	_ =	shalt  }
0x79: {  	_ =	shalt  }
0x7a: {  	_ =	shalt  }
0x7b: {  	_ =	shalt  }
0x7c: {  	_ =	shalt  }
0x7d: {  	_ =	shalt  }
0x7e: {  	_ =	shalt  }
0x7f: {  	_ =	shalt  }
0x80: {  	_ =	shalt  }
0x81: {  	_ =	shalt  }
0x82: {  	_ =	shalt  }
0x83: {  	_ =	shalt  }
0x84: {  	_ =	shalt  }
0x85: {  	_ =	shalt  }
0x86: {  	_ =	shalt  }
0x87: {  	_ =	shalt  }
.Lfunc_end0:
.L_simem_size_0:
called_computation_lowered:
.L_overlay_start_0:
0x88: {  	s2 =	sld [smem:$0x3FD9]  }
0x89: {  	s3 =	sld [smem:$0x3FFE];
	_ =	sdelay $0x1  }
0x8a: {  	s1 =	srdreg.scid  }
0x8b: {  	s0 =	sand.u32 $0x1, s1  }
0x8c: {  	s16 =	sshll.u32 s0, $0xA;
	s2 =	sadd.s32 s3, s2  }
0x8d: {  	s2 =	sadd.s32 s2, s16  }
0x8e: {  	[smem:$0x3FBE] =	sst s2  }
0x8f: {  	_ = 	snop  }
0x90: {  	(tm) =	ssettm $0x1  }
0x91: {  	s17 =	sld [smem:$0x3FFB];
	_ =	sdelay $0x3  }
0x92: {  	_ =	strace s17  }
0x93: {  	s2 =	sld [smem:$0x3FFC];
	_ =	sdelay $0x3  }
0x94: {  	_ =	strace s2  }
0x95: {  	s2 =	sld [smem:$0x3FFD];
	_ =	sdelay $0x3  }
0x96: {  	_ =	strace s2  }
0x97: {  	_ =	strace $0x8FFFFFFF  }
0x98: {  	s18 =	sld [smem:$0x3FDB];
	_ =	sdelay $0x1  }
0x99: {  	s19 =	simm.s32 $_scs_section_size  }
0x9a: {  	s4 =	simm.s32 $_size__tile_overlayer_lowered;
	s5 =	simm.s32 $_tile_overlayer_lowered  }
0x9b: {  	s22 =	simm.s32 $0x1BFF;
	s21 =	sshll.u32 s5, $0x1;
	s2 =	sadd.s32 s19, s18  }
0x9c: {  	s6 =	simm.s32 $0x0;
	s20 =	sshll.u32 s4, $0x1;
	s4 =	sadd.s32 s21, s2  }
0x9d: {  	[timem:s6], [sflag:s22] =	dma.local [hbm:s4], s20  }
0x9e: {  	_ =	swait.ge [sflag:s22], s20  }
0x9f: {  	s3 =	ssub.s32 $0x0, s20;
	[sflag:s22] =	ssyncset.done $0x0  }
0xa0: {  	[sflag:s22] =	ssyncadd.s32 s3;
	_ =	sdelay $0x1  }
0xa1: {  	s23 =	simm.s32 $0x1B8B  }
0xa2: {  	_ =	swait.ge [sflag:s23], $0x1  }
0xa3: {  	[sflag:s23] =	ssyncset.done $0x0  }
0xa4: {  	s25 =	simm.s32 $0x1B8E;
	s24 =	sld [smem:$0x3FFE];
	[sflag:s23] =	ssyncadd.s32 $0xFFFFFFFF  }
0xa5: {  	s26 =	simm.s32 $execute0_lowered;
	[smem:$0x3FD2] =	sst s25  }
0xa6: {  	s4 =	sshll.u32 s26, $0x1;
	_ =	strace $0x80000046;
	[dreg:$0x1] =	wrdreg $0xFFFFFFFF  }
0xa7: {  	s28 =	simm.s32 $_size_execute0_lowered;
	s2 =	sadd.s32 s2, s4;
	[dreg:$0x0] =	wrdreg $0x0  }
0xa8: {  	s4 =	sshll.u32 s28, $0x1;
	[dreg:$0x2] =	wrdreg s2  }
0xa9: {  	[dreg:$0x3] =	wrdreg s4  }
0xaa: {  	[dreg:$0x4] =	wrdreg $0xC0  }
0xab: {  	_ =	task [dreg:s6], $0x5FFFF  }
0xac: {  	[dreg:$0x1] =	wrdreg $0xFFFFFFFF  }
0xad: {  	[dreg:$0x0] =	wrdreg $0x60  }
0xae: {  	[dreg:$0x2] =	wrdreg s24  }
0xaf: {  	[dreg:$0x3] =	wrdreg $0x11D000  }
0xb0: {  	[dreg:$0x4] =	wrdreg $0x9  }
0xb1: {  	_ =	task.clear_ibuf [dreg:s6], $0x5FFFF;
	_ =	strace $0x90000046  }
0xb2: {  	s29 =	simm.s32 $0x9;
	_ =	strace $0x80000048  }
0xb3: {  	_ =	swait.ge [sflag:s29], $0x1  }
0xb4: {  	[sflag:s29] =	ssyncadd.s32 $0xFFFFFFFF  }
0xb5: {  	_ =	strace $0x90000048  }
0xb6: {  	_ =	sfence  }
0xb7: {  	s30 =	sld [smem:$0x0];
	_ =	sdelay $0x2  }
0xb8: {  	s31 =	sshll.u32 s1, $0xD;
	s1 =	sshrl.u32 s1, $0x2  }
0xb9: {  	s3 =	sand.u32 $0x4000, s31;
	s1 =	sadd.s32 s1, s30  }
0xba: {  	s0 =	sor.u32 s3, s0;
	s1 =	sshll.u32 s1, $0x11  }
0xbb: {  	s0 =	sor.u32 s1, s0  }
0xbc: {  	s0 =	sadd.s32 $0x8F2B, s0  }
0xbd: {  	[sflag:s0] =	ssyncadd.remote.s32 $0x1  }
0xbe: {  	_ =	sfence.sel $0xFFFF  }
0xbf: {  	[dreg:$0x0] =	wrdreg $0xFFFFFFFF;
	(pc) =	sbr.abs _section_cstart, $3  }
0xc0: {  	[dreg:$0x1] =	wrdreg $0xFFFFFFFF  }
0xc1: {  	_ =	task.clear_ibuf [dreg:s6], $0x2FFFF;
	_ =	strace $0x9FFFFFFF  }
0xc2: {  	(tm) =	ssettm $0x7FFFFFFF  }
0xc3: {  	_ =	shalt  }
tec
execute0_lowered:
.L_overlay_start_1:
0x0: {  	(tag) =	ssettag $0x1  }
0x1: {  	s0 =	rddreg [dreg:$0x0]  }
0x2: {  	s1 =	rddreg [dreg:$0x1];
	s3 =	srdreg.scid;
	s2 =	simm.s32 $0x0  }
0x3: {  	s20 =	stileid.u32;
	s29 =	simm.s32 $0x1;
	s30 =	simm.s32 $0x400  }
0x4: {  	s31 =	simm.s32 $0x0;
	s3 =	sand.u32 $0x1, s3;
	[smem:$0x7FF] =	sst s2  }
0x5: {  	s8 =	sshll.u32 s20, $0x7;
	s15 =	sadd.s32 $0x19000, s0;
	s19 =	smul.u32 $0x5000, s20  }
0x6: {  	s16 =	sshrl.u32 s20, $0x3;
	s26 =	smul.u32 $0xA0, s20;
	s4 =	sshll.u32 s3, $0x4  }
0x7: {  	_ =	strace $0x80000047;
	s10 =	sand.u32 $0x380, s8;
	[dreg:$0x3] =	wrdreg s15  }
0x8: {  	s3 =	ssub.s32 $0x2, s3;
	s17 =	smul.u32 $0x50000, s16;
	s5 =	sor.u32 s20, s4  }
0x9: {  	s18 =	sshrl.u32 s3, $0x1;
	s25 =	sshrl.u32 s19, $0x2;
	s6 =	smul.u32 $0x500, s5  }
0xa: {  	s7 =	sshll.u32 s5, $0x7;
	s5 =	smul.u32 $0x520, s5;
	s3 =	ssub.s32 s3, s18  }
0xb: {  	s24 =	sshrl.u32 s17, $0x2;
	s8 =	sadd.s32 s25, s1;
	s7 =	sand.u32 $0xC00, s7  }
0xc: {  	s11 =	sadd.s32 $0x80, s8;
	s12 =	sadd.s32 $0x100, s8;
	s13 =	sadd.s32 $0x180, s8  }
0xd: {  	s14 =	sadd.s32 $0x200, s8;
	s15 =	sadd.s32 $0x280, s8;
	s16 =	sadd.s32 $0x300, s8  }
0xe: {  	s17 =	sadd.s32 $0x380, s8;
	s18 =	sadd.s32 $0x14000, s8;
	s19 =	sadd.s32 $0x14080, s8  }
0xf: {  	s20 =	sadd.s32 $0x14100, s8;
	s25 =	smax.u32 s3, $0x1;
	s6 =	sadd.s32 s6, s0  }
0x10: {  	s28 =	sadd.s32 $0x14380, s8;
	s7 =	sor.u32 s10, s7;
	s21 =	sadd.s32 $0x5000, s6  }
0x11: {  	s5 =	sadd.s32 s5, s0;
	s22 =	sadd.s32 $0xF000, s6;
	[dreg:$0x4] =	wrdreg s21  }
0x12: {  	s7 =	sshrl.u32 s7, $0x3;
	s23 =	sadd.s32 $0x1A000, s5;
	[dreg:$0x5] =	wrdreg s22  }
0x13: {  	s9 =	sadd.s32 s7, s0;
	s0 =	sadd.s32 s4, s0;
	[dreg:$0x6] =	wrdreg s23  }
0x14: {  	s7 =	sadd.s32 $0x24400, s5;
	s4 =	sadd.s32 s24, s1;
	s21 =	sadd.s32 $0x14180, s8  }
0x15: {  	s22 =	sadd.s32 $0x14200, s8;
	s24 =	sadd.s32 $0x14280, s8;
	s1 =	simm.s32 $0x80  }
0x16: {  	s9 =	sadd.s32 $0x2E800, s9;
	s10 =	sadd.s32 s10, s4;
	s0 =	sadd.s32 $0x19600, s0  }
0x17: {  	v0 =	vimm.s32 $0x0;
	v1 =	vimm.s32 $0x1;
	v2 =	vlaneseq.u32;
	s23 =	sadd.s32 s26, s0;
	s26 =	sadd.s32 $0x14300, s8;
	s0 =	simm.s32 $0xCA00  }
.LBB2_1:
0x18: {  	s3 =	rddreg [dreg:$0x3]  }
0x19: {  	[tilespmem:s2], [sflag:$0x1] =	stream.linear.gather [hbm4b:s3+s2], $0x2800, $0x38;
	[tilespmem:$0x14500] =	vst v63  }
0x1a: {  	_ =	swait.ge [sflag:s29], $0x2800  }
0x1b: {  	[sflag:s29] =	ssyncset.done $0x0  }
0x1c: {  	s4 =	simm.s32 $0x2800;
	s6 =	rddreg [dreg:$0x4];
	[sflag:s29] =	ssyncadd.s32 $0xFFFFD800  }
0x1d: {  	[tilespmem:s4], [sflag:$0x1] =	stream.linear.gather [hbm4b:s6+s2], $0x2800, $0x38;
	[tilespmem:$0x14500] =	vst v63  }
0x1e: {  	_ =	swait.ge [sflag:s29], $0x2800  }
0x1f: {  	[sflag:s29] =	ssyncset.done $0x0  }
0x20: {  	s6 =	simm.s32 $0x5000;
	s5 =	rddreg [dreg:$0x5];
	[sflag:s29] =	ssyncadd.s32 $0xFFFFD800  }
0x21: {  	[tilespmem:s6], [sflag:$0x1] =	stream.linear.gather [hbm4b:s5+s2], $0x2800, $0x38;
	[tilespmem:$0x14500] =	vst v63  }
0x22: {  	_ =	swait.ge [sflag:s29], $0x2800  }
0x23: {  	[sflag:s29] =	ssyncset.done $0x0  }
0x24: {  	s3 =	simm.s32 $0x0;
	[sflag:s29] =	ssyncadd.s32 $0xFFFFD800  }
.LBB2_2:
0x25: {  	p0 =	sne.s32 s3, $0x9FC0  }
.Ltmp0:
0x26: {  	_ = 	snop;
	(pc) =	sbr.rel @p0 .LBB2_2-.Ltmp0, $3  }
0x27: {  	_ =	sdelay $0x1  }
0x28: {  	s4 =	sshra.s32 s3, $0x2  }
0x29: {  	s3 =	sadd.s32 $0x40, s3;
	[tilespmem:s4+$0xCA00] =	vst v0  }
0x2a: {  	s3 =	simm.s32 $0x0  }
0x2b: {  	v3 =	vld [tilespmem:s3+$0x5000]  }
0x2c: {  	v4 =	vld [tilespmem:s3+$0x2800];
	_ =	sdelay $0x6  }
0x2d: {  	v5 =	vld.idx.msk [tilespmem:v3+s2+$0x0], $0xffff  }
0x2e: {  	v6 =	vld.idx.msk [tilespmem:v4+s2+$0x0], $0xffff;
	_ =	sdelay $0x4  }
0x2f: {  	vm0 =	vgt.s32 v6, $0x0;
	vm1 =	veq.s32 v5, $0x0  }
0x30: {  	s3 =	simm.s32 $0x0;
	vm0 =	vmand vm0, vm1  }
0x31: {  	[tilespmem:s3+$0x7800] =	vst.msk vm0, v4;
	v4 =	vsel vm0, $0x1, v0  }
0x32: {  	(xrf0) =	vadd.scan.msk.s32 $0xffff, v4;
	_ =	sdelay $0x2  }
0x33: {  	[tilespmem:s3+$0xA100] =	vst.msk vm0, v3  }
0x34: {  	s5 =	simm.s32 $0x10;
	[tilespmem:v3+s0+$0x0] =	vst.idx.add.s32.msk vm0, v1  }
0x35: {  	s4 =	simm.s32 $0x80;
	v3 =	vld [tilespmem:s5+$0x5000]  }
.LBB2_4:
0x36: {  	p0 =	sne.s32 s4, $0x9FC0;
	v4 =	vld [tilespmem:s5+$0x2800];
	v5, _, _ =	vpop (xrf0)  }
0x37: {  	(v2sf) =	vpush v5, $0xF;
	_ =	sdelay $0x5  }
0x38: {  	v5 =	vld.idx.msk [tilespmem:v3+s2+$0x0], $0xffff  }
0x39: {  	v6 =	vld.idx.msk [tilespmem:v4+s2+$0x0], $0xffff;
	_ =	sdelay $0x5  }
0x3a: {  	vm1 =	veq.s32 v5, $0x0;
	vm0 =	vgt.s32 v6, $0x0  }
0x3b: {  	vm0 =	vmand vm0, vm1  }
0x3c: {  	v5 =	vsel vm0, $0x1, v0;
	s5 =	spop (v2sf)  }
0x3d: {  	(xrf0) =	vadd.scan.msk.s32 $0xffff, v5;
	s3 =	sadd.s32 s3, s5  }
.Ltmp1:
0x3e: {  	[tilespmem:s3+$0x7800] =	vst.msk vm0, v4;
	(pc) =	sbr.rel @p0 .LBB2_4-.Ltmp1, $3  }
0x3f: {  	[tilespmem:s3+$0xA100] =	vst.msk vm0, v3;
	_ =	sdelay $0x1  }
0x40: {  	s5 =	sshra.s32 s4, $0x2;
	[tilespmem:v3+s0+$0x0] =	vst.idx.add.s32.msk vm0, v1  }
0x41: {  	s4 =	sadd.s32 $0x40, s4;
	v3 =	vld [tilespmem:s5+$0x5000]  }
0x42: {  	_ = 	snop  }
0x43: {  	v4 =	vld [tilespmem:s5+$0x2800];
	_ =	sdelay $0x6  }
0x44: {  	v5 =	vld.idx.msk [tilespmem:v3+s2+$0x0], $0xffff  }
0x45: {  	v6 =	vld.idx.msk [tilespmem:v4+s2+$0x0], $0xffff;
	_ =	sdelay $0x4  }
0x46: {  	vm1 =	veq.s32 v5, $0x0;
	vm0 =	vgt.s32 v6, $0x0  }
0x47: {  	vm0 =	vmand vm0, vm1  }
0x48: {  	v60 =	vsel vm0, $0x1, v0  }
0x49: {  	(xrf0) =	vadd.scan.msk.s32 $0xffff, v60;
	_ =	sdelay $0x4  }
0x4a: {  	v61, _, _ =	vpop (xrf0)  }
0x4b: {  	(v2sf) =	vpush v61, $0xF;
	v62, _, _ =	vpop (xrf0)  }
0x4c: {  	(v2sf) =	vpush v62, $0xF;
	_ =	sdelay $0xd  }
0x4d: {  	s4 =	spop (v2sf)  }
0x4e: {  	s5 =	sadd.s32 s3, s4;
	s6 =	spop (v2sf)  }
0x4f: {  	s4 =	simm.s32 $0x0;
	s3 =	sadd.s32 s5, s6  }
0x50: {  	[tilespmem:s5+$0x7800] =	vst.msk vm0, v4;
	v63 =	vor.u32 s4, v2;
	s3 =	sshll.u32 s3, $0x2  }
0x51: {  	[tilespmem:s5+$0xA100] =	vst.msk vm0, v3;
	v4 =	vand.u32 $0x7F, v63;
	s4 =	sshra.s32 s3, $0x2  }
0x52: {  	[tilespmem:v3+s0+$0x0] =	vst.idx.add.s32.msk vm0, v1;
	v3 =	vadd.s32 $0x2710, v4;
	s3 =	sadd.s32 $0x7800, s4  }
0x53: {  	s4 =	sadd.s32 $0xA100, s4;
	[tilespmem:s3+$0x0] =	vst v3  }
0x54: {  	s5 =	sadd.s32 s5, s6;
	s6 =	simm.s32 $0x10;
	[tilespmem:s4+$0x0] =	vst v3  }
.LBB2_6:
0x55: {  	p0 =	sne.s32 s6, $0xF0  }
.Ltmp2:
0x56: {  	v3 =	vor.u32 s6, v2;
	(pc) =	sbr.rel @p0 .LBB2_6-.Ltmp2, $4  }
0x57: {  	s6 =	sadd.s32 $0x10, s6;
	v3 =	vand.u32 $0x7F, v3  }
0x58: {  	s3 =	sadd.s32 $0x10, s3;
	v3 =	vadd.s32 $0x2710, v3  }
0x59: {  	s4 =	sadd.s32 $0x10, s4;
	[tilespmem:s3+$0x0] =	vst v3  }
0x5a: {  	[tilespmem:s4+$0x0] =	vst v3  }
0x5b: {  	s3 =	sadd.s32 $0x7F, s5  }
0x5c: {  	s3 =	sshrl.u32 s3, $0x7  }
0x5d: {  	v3 =	vmov s3  }
0x5e: {  	s4 =	rddreg [dreg:$0x6];
	s6 =	simm.s32 $0x7800;
	s3 =	simm.s32 $0x0;
	[tilespmem:$0x11C80] =	vst v3  }
0x5f: {  	[hbm4b:s4+s3] =	stream.linear.scatter [tilespmem:s6], [sflag:$0x1], $0x2900, $0x38;
	[tilespmem:$0x14500] =	vst v63  }
0x60: {  	_ =	swait.ge [sflag:s29], $0x2900  }
0x61: {  	[sflag:s29] =	ssyncset.done $0x0  }
0x62: {  	s6 =	simm.s32 $0xA100;
	[sflag:s29] =	ssyncadd.s32 $0xFFFFD700  }
0x63: {  	[hbm4b:s7+s3] =	stream.linear.scatter [tilespmem:s6], [sflag:$0x1], $0x2900, $0x38;
	[tilespmem:$0x14500] =	vst v63  }
0x64: {  	_ =	swait.ge [sflag:s29], $0x2900  }
0x65: {  	[sflag:s29] =	ssyncset.done $0x0  }
0x66: {  	s5 =	simm.s32 $0x11C80;
	[sflag:s29] =	ssyncadd.s32 $0xFFFFD700  }
0x67: {  	[hbm4b:s9+s3] =	stream.linear.scatter [tilespmem:s5], [sflag:$0x1], $0x80, $0x38;
	[tilespmem:$0x14500] =	vst v63  }
0x68: {  	_ =	swait.ge [sflag:s29], $0x80  }
0x69: {  	[sflag:s29] =	ssyncset.done $0x0  }
0x6a: {  	[sflag:s29] =	ssyncadd.s32 $0xFFFFFF80  }
0x6b: {  	[spmem:s10] =	stream.strided.scatter [tilespmem:s0], [sflag:$0x1], $0x2800, s30, s1, $0x38;
	[tilespmem:$0x14500] =	vst v63  }
0x6c: {  	_ =	swait.ge [sflag:s29], $0x2800  }
0x6d: {  	[sflag:s29] =	ssyncset.done $0x0  }
0x6e: {  	[sflag:s29] =	ssyncadd.s32 $0xFFFFD800  }
0x6f: {  	s4 =	simm.s32 $0xF200;
	[bflag:$0x0] =	sbarrier.arrive $0xFFFF  }
0x70: {  	[tilespmem:s4], [sflag:$0x1] =	stream.strided.gather [spmem:s8], $0x280, s30, s1, $0x38;
	[tilespmem:$0x14500] =	vst v63  }
0x71: {  	_ =	swait.ge [sflag:s29], $0x280  }
0x72: {  	[sflag:s29] =	ssyncset.done $0x0  }
0x73: {  	s6 =	simm.s32 $0xF480;
	[sflag:s29] =	ssyncadd.s32 $0xFFFFFD80  }
0x74: {  	[tilespmem:s6], [sflag:$0x1] =	stream.strided.gather [spmem:s11], $0x280, s30, s1, $0x38;
	[tilespmem:$0x14500] =	vst v63  }
0x75: {  	_ =	swait.ge [sflag:s29], $0x280  }
0x76: {  	[sflag:s29] =	ssyncset.done $0x0  }
0x77: {  	s6 =	simm.s32 $0xF700;
	[sflag:s29] =	ssyncadd.s32 $0xFFFFFD80  }
0x78: {  	[tilespmem:s6], [sflag:$0x1] =	stream.strided.gather [spmem:s12], $0x280, s30, s1, $0x38;
	[tilespmem:$0x14500] =	vst v63  }
0x79: {  	_ =	swait.ge [sflag:s29], $0x280  }
0x7a: {  	[sflag:s29] =	ssyncset.done $0x0  }
0x7b: {  	s6 =	simm.s32 $0xF980;
	[sflag:s29] =	ssyncadd.s32 $0xFFFFFD80  }
0x7c: {  	[tilespmem:s6], [sflag:$0x1] =	stream.strided.gather [spmem:s13], $0x280, s30, s1, $0x38;
	[tilespmem:$0x14500] =	vst v63  }
0x7d: {  	_ =	swait.ge [sflag:s29], $0x280  }
0x7e: {  	[sflag:s29] =	ssyncset.done $0x0  }
0x7f: {  	s6 =	simm.s32 $0xFC00;
	[sflag:s29] =	ssyncadd.s32 $0xFFFFFD80  }
0x80: {  	[tilespmem:s6], [sflag:$0x1] =	stream.strided.gather [spmem:s14], $0x280, s30, s1, $0x38;
	[tilespmem:$0x14500] =	vst v63  }
0x81: {  	_ =	swait.ge [sflag:s29], $0x280  }
0x82: {  	[sflag:s29] =	ssyncset.done $0x0  }
0x83: {  	s6 =	simm.s32 $0xFE80;
	[sflag:s29] =	ssyncadd.s32 $0xFFFFFD80  }
0x84: {  	[tilespmem:s6], [sflag:$0x1] =	stream.strided.gather [spmem:s15], $0x280, s30, s1, $0x38;
	[tilespmem:$0x14500] =	vst v63  }
0x85: {  	_ =	swait.ge [sflag:s29], $0x280  }
0x86: {  	[sflag:s29] =	ssyncset.done $0x0  }
0x87: {  	s6 =	simm.s32 $0x10100;
	[sflag:s29] =	ssyncadd.s32 $0xFFFFFD80  }
0x88: {  	[tilespmem:s6], [sflag:$0x1] =	stream.strided.gather [spmem:s16], $0x280, s30, s1, $0x38;
	[tilespmem:$0x14500] =	vst v63  }
0x89: {  	_ =	swait.ge [sflag:s29], $0x280  }
0x8a: {  	[sflag:s29] =	ssyncset.done $0x0  }
0x8b: {  	s6 =	simm.s32 $0x10380;
	[sflag:s29] =	ssyncadd.s32 $0xFFFFFD80  }
0x8c: {  	[tilespmem:s6], [sflag:$0x1] =	stream.strided.gather [spmem:s17], $0x280, s30, s1, $0x38;
	[tilespmem:$0x14500] =	vst v63  }
0x8d: {  	_ =	swait.ge [sflag:s29], $0x280  }
0x8e: {  	[sflag:s29] =	ssyncset.done $0x0  }
0x8f: {  	s6 =	simm.s32 $0x10600;
	[sflag:s29] =	ssyncadd.s32 $0xFFFFFD80  }
0x90: {  	[tilespmem:s6], [sflag:$0x1] =	stream.strided.gather [spmem:s18], $0x280, s30, s1, $0x38;
	[tilespmem:$0x14500] =	vst v63  }
0x91: {  	_ =	swait.ge [sflag:s29], $0x280  }
0x92: {  	[sflag:s29] =	ssyncset.done $0x0  }
0x93: {  	s6 =	simm.s32 $0x10880;
	[sflag:s29] =	ssyncadd.s32 $0xFFFFFD80  }
0x94: {  	[tilespmem:s6], [sflag:$0x1] =	stream.strided.gather [spmem:s19], $0x280, s30, s1, $0x38;
	[tilespmem:$0x14500] =	vst v63  }
0x95: {  	_ =	swait.ge [sflag:s29], $0x280  }
0x96: {  	[sflag:s29] =	ssyncset.done $0x0  }
0x97: {  	s6 =	simm.s32 $0x10B00;
	[sflag:s29] =	ssyncadd.s32 $0xFFFFFD80  }
0x98: {  	[tilespmem:s6], [sflag:$0x1] =	stream.strided.gather [spmem:s20], $0x280, s30, s1, $0x38;
	[tilespmem:$0x14500] =	vst v63  }
0x99: {  	_ =	swait.ge [sflag:s29], $0x280  }
0x9a: {  	[sflag:s29] =	ssyncset.done $0x0  }
0x9b: {  	s6 =	simm.s32 $0x10D80;
	[sflag:s29] =	ssyncadd.s32 $0xFFFFFD80  }
0x9c: {  	[tilespmem:s6], [sflag:$0x1] =	stream.strided.gather [spmem:s21], $0x280, s30, s1, $0x38;
	[tilespmem:$0x14500] =	vst v63  }
0x9d: {  	_ =	swait.ge [sflag:s29], $0x280  }
0x9e: {  	[sflag:s29] =	ssyncset.done $0x0  }
0x9f: {  	s6 =	simm.s32 $0x11000;
	[sflag:s29] =	ssyncadd.s32 $0xFFFFFD80  }
0xa0: {  	[tilespmem:s6], [sflag:$0x1] =	stream.strided.gather [spmem:s22], $0x280, s30, s1, $0x38;
	[tilespmem:$0x14500] =	vst v63  }
0xa1: {  	_ =	swait.ge [sflag:s29], $0x280  }
0xa2: {  	[sflag:s29] =	ssyncset.done $0x0  }
0xa3: {  	s6 =	simm.s32 $0x11280;
	[sflag:s29] =	ssyncadd.s32 $0xFFFFFD80  }
0xa4: {  	[tilespmem:s6], [sflag:$0x1] =	stream.strided.gather [spmem:s24], $0x280, s30, s1, $0x38;
	[tilespmem:$0x14500] =	vst v63  }
0xa5: {  	_ =	swait.ge [sflag:s29], $0x280  }
0xa6: {  	[sflag:s29] =	ssyncset.done $0x0  }
0xa7: {  	s6 =	simm.s32 $0x11500;
	[sflag:s29] =	ssyncadd.s32 $0xFFFFFD80  }
0xa8: {  	[tilespmem:s6], [sflag:$0x1] =	stream.strided.gather [spmem:s26], $0x280, s30, s1, $0x38;
	[tilespmem:$0x14500] =	vst v63  }
0xa9: {  	_ =	swait.ge [sflag:s29], $0x280  }
0xaa: {  	[sflag:s29] =	ssyncset.done $0x0  }
0xab: {  	s6 =	simm.s32 $0x11780;
	[sflag:s29] =	ssyncadd.s32 $0xFFFFFD80  }
0xac: {  	[tilespmem:s6], [sflag:$0x1] =	stream.strided.gather [spmem:s28], $0x280, s30, s1, $0x38;
	[tilespmem:$0x14500] =	vst v63  }
0xad: {  	_ =	swait.ge [sflag:s29], $0x280  }
0xae: {  	[sflag:s29] =	ssyncset.done $0x0  }
0xaf: {  	s3 =	sand.u32 $0x3F0, s3;
	[sflag:s29] =	ssyncadd.s32 $0xFFFFFD80  }
0xb0: {  	v3 =	vld [tilespmem:s3+$0xF480]  }
0xb1: {  	v4 =	vld [tilespmem:s4+$0x0]  }
0xb2: {  	v5 =	vld [tilespmem:s3+$0xF700]  }
0xb3: {  	v6 =	vld [tilespmem:s3+$0xF980]  }
0xb4: {  	v7 =	vld [tilespmem:s3+$0xFC00]  }
0xb5: {  	v8 =	vld [tilespmem:s3+$0xFE80]  }
0xb6: {  	v3 =	vadd.s32 v4, v3;
	v4 =	vld [tilespmem:s3+$0x10100]  }
0xb7: {  	v3 =	vadd.s32 v5, v3;
	v5 =	vld [tilespmem:s3+$0x10380]  }
0xb8: {  	v58 =	vld [tilespmem:s3+$0x10600];
	v3 =	vadd.s32 v6, v3  }
0xb9: {  	v59 =	vld [tilespmem:s3+$0x10880];
	v3 =	vadd.s32 v7, v3  }
0xba: {  	v60 =	vld [tilespmem:s3+$0x10B00];
	v3 =	vadd.s32 v8, v3  }
0xbb: {  	v3 =	vadd.s32 v4, v3;
	v4 =	vld [tilespmem:s3+$0x10D80]  }
0xbc: {  	v3 =	vadd.s32 v5, v3;
	v5 =	vld [tilespmem:s3+$0x11000]  }
0xbd: {  	v61 =	vld [tilespmem:s3+$0x11280];
	v3 =	vadd.s32 v58, v3  }
0xbe: {  	v62 =	vld [tilespmem:s3+$0x11500];
	v3 =	vadd.s32 v59, v3  }
0xbf: {  	v63 =	vld [tilespmem:s3+$0x11780];
	v3 =	vadd.s32 v60, v3  }
0xc0: {  	v3 =	vadd.s32 v4, v3  }
0xc1: {  	v3 =	vadd.s32 v5, v3  }
0xc2: {  	v3 =	vadd.s32 v61, v3  }
0xc3: {  	v3 =	vadd.s32 v62, v3  }
0xc4: {  	s6 =	simm.s32 $0x10;
	s3 =	simm.s32 $0x11A00;
	v3 =	vadd.s32 v63, v3  }
0xc5: {  	s4 =	sand.u32 $0x3F0, s6;
	[tilespmem:s3+$0x0] =	vst v3  }
0xc6: {  	s5 =	simm.s32 $0xF210;
	s6 =	simm.s32 $0x20;
	v3 =	vld [tilespmem:s4+$0xF480]  }
.LBB2_8:
0xc7: {  	p0 =	sne.s32 s6, $0x270;
	v4 =	vld [tilespmem:s5+$0x0]  }
0xc8: {  	v5 =	vld [tilespmem:s4+$0xF700]  }
0xc9: {  	v6 =	vld [tilespmem:s4+$0xF980]  }
0xca: {  	v7 =	vld [tilespmem:s4+$0xFC00]  }
0xcb: {  	v8 =	vld [tilespmem:s4+$0xFE80]  }
0xcc: {  	v3 =	vadd.s32 v4, v3;
	v4 =	vld [tilespmem:s4+$0x10100]  }
0xcd: {  	v3 =	vadd.s32 v5, v3;
	v5 =	vld [tilespmem:s4+$0x10380]  }
0xce: {  	v3 =	vadd.s32 v6, v3;
	v6 =	vld [tilespmem:s4+$0x10600]  }
0xcf: {  	v3 =	vadd.s32 v7, v3;
	v7 =	vld [tilespmem:s4+$0x10880]  }
0xd0: {  	v3 =	vadd.s32 v8, v3;
	v8 =	vld [tilespmem:s4+$0x10B00]  }
0xd1: {  	v3 =	vadd.s32 v4, v3;
	v4 =	vld [tilespmem:s4+$0x10D80]  }
0xd2: {  	v3 =	vadd.s32 v5, v3;
	v5 =	vld [tilespmem:s4+$0x11000]  }
0xd3: {  	v3 =	vadd.s32 v6, v3;
	v6 =	vld [tilespmem:s4+$0x11280]  }
0xd4: {  	v3 =	vadd.s32 v7, v3;
	v7 =	vld [tilespmem:s4+$0x11500]  }
0xd5: {  	v3 =	vadd.s32 v8, v3;
	v8 =	vld [tilespmem:s4+$0x11780]  }
0xd6: {  	v3 =	vadd.s32 v4, v3  }
0xd7: {  	v3 =	vadd.s32 v5, v3  }
.Ltmp3:
0xd8: {  	v3 =	vadd.s32 v6, v3;
	(pc) =	sbr.rel @p0 .LBB2_8-.Ltmp3, $4  }
0xd9: {  	v3 =	vadd.s32 v7, v3  }
0xda: {  	s3 =	sadd.s32 $0x10, s3;
	v3 =	vadd.s32 v8, v3  }
0xdb: {  	s4 =	sand.u32 $0x3F0, s6;
	[tilespmem:s3+$0x0] =	vst v3  }
0xdc: {  	s5 =	sadd.s32 $0x10, s5;
	s6 =	sadd.s32 $0x10, s6;
	v3 =	vld [tilespmem:s4+$0xF480]  }
0xdd: {  	v4 =	vld [tilespmem:s5+$0x0]  }
0xde: {  	v5 =	vld [tilespmem:s4+$0xF700]  }
0xdf: {  	v6 =	vld [tilespmem:s4+$0xF980]  }
0xe0: {  	v7 =	vld [tilespmem:s4+$0xFC00]  }
0xe1: {  	v8 =	vld [tilespmem:s4+$0xFE80]  }
0xe2: {  	v54 =	vld [tilespmem:s4+$0x10100];
	v3 =	vadd.s32 v4, v3  }
0xe3: {  	v55 =	vld [tilespmem:s4+$0x10380];
	v3 =	vadd.s32 v5, v3  }
0xe4: {  	v56 =	vld [tilespmem:s4+$0x10600];
	v3 =	vadd.s32 v6, v3  }
0xe5: {  	v57 =	vld [tilespmem:s4+$0x10880];
	v3 =	vadd.s32 v7, v3  }
0xe6: {  	v58 =	vld [tilespmem:s4+$0x10B00];
	v3 =	vadd.s32 v8, v3  }
0xe7: {  	v59 =	vld [tilespmem:s4+$0x10D80];
	v3 =	vadd.s32 v54, v3  }
0xe8: {  	v60 =	vld [tilespmem:s4+$0x11000];
	v3 =	vadd.s32 v55, v3  }
0xe9: {  	v61 =	vld [tilespmem:s4+$0x11280];
	v3 =	vadd.s32 v56, v3  }
0xea: {  	v62 =	vld [tilespmem:s4+$0x11500];
	v3 =	vadd.s32 v57, v3  }
0xeb: {  	v63 =	vld [tilespmem:s4+$0x11780];
	v3 =	vadd.s32 v58, v3  }
0xec: {  	v3 =	vadd.s32 v59, v3  }
0xed: {  	v3 =	vadd.s32 v60, v3  }
0xee: {  	v3 =	vadd.s32 v61, v3  }
0xef: {  	s31 =	sadd.s32 $0x1, s31;
	v3 =	vadd.s32 v62, v3  }
0xf0: {  	s3 =	sadd.s32 $0x10, s3;
	p0 =	sne.s32 s31, s25;
	v3 =	vadd.s32 v63, v3  }
.Ltmp4:
0xf1: {  	s5 =	simm.s32 $0x100;
	s6 =	simm.s32 $0x11A00;
	[tilespmem:s3+$0x0] =	vst v3;
	(pc) =	sbr.rel @p0 .LBB2_1-.Ltmp4, $4  }
0xf2: {  	[hbm4b:s23+s1] =	stream.strided.scatter [tilespmem:s6], [sflag:$0x1], $0x280, s5, s1, $0x38;
	[tilespmem:$0x14500] =	vst v63  }
0xf3: {  	_ =	swait.ge [sflag:s29], $0x280  }
0xf4: {  	[sflag:s29] =	ssyncset.done $0x0  }
0xf5: {  	[sflag:s29] =	ssyncadd.s32 $0xFFFFFD80  }
0xf6: {  	_ =	sfence.sel $0x180000  }
0xf7: {  	[bflag:$0x0] =	sbarrier.arrive $0xFFFF  }
0xf8: {  	_ =	strace $0x90000047  }
0xf9: {  	s0 =	stileid.u32;
	[bflag:$0x2] =	sbarrier.arrive $0xFFFF  }
0xfa: {  	p0 =	sne.s32 s0, $0x0;
	s0 =	rddreg [dreg:$0x2]  }
0xfb: {  	s0 =	sadd.s32 @!p0 $0x100000, s0  }
0xfc: {  	[sflag:s0] =	ssyncadd.tile.s32 @!p0 $0x1;
	_ =	shalt  }
.Lfunc_end2:
_tile_overlayer_lowered:
.L_overlay_start_2:
0xfd: {  	(tag) =	ssettag $0x2  }
0xfe: {  	s0 =	rddreg [dreg:$0x0];
	s2 =	stileid.u32  }
0xff: {  	s1 =	rddreg [dreg:$0x1];
	p0 =	sne.s32 s2, $0x0  }
0x100: {  	s3 =	rddreg [dreg:$0x2];
	[bflag:$0x3] =	sbarrier.arrive $0xFFFF;
	s2 =	simm.s32 @!p0 $0x1C01  }
0x101: {  	[timem:s3], [sflag:s2] =	dma.local @!p0 [hbm:s0], s1  }
0x102: {  	s0 =	simm.s32 @!p0 $0x1  }
0x103: {  	_ =	swait.ge @!p0 [sflag:s0], s1  }
0x104: {  	s1 =	ssub.s32 @!p0 $0x0, s1;
	[sflag:s0] =	ssyncset.done @!p0 $0x0  }
0x105: {  	[sflag:s0] =	ssyncadd.s32 @!p0 s1  }
0x106: {  	[bflag:$0x3] =	sbarrier.arrive $0xFFFF  }
0x107: {  	_ =	shalt  }

// kernel: sc_mask_step2.3.cloned.1.call-start
scs
__scs_entry_jumppad:
0x0: {  	(pc) =	sbr.rel $0x88, $3  }
0x1: {  	(tag) =	ssettag $0x0;
	lr =	simm.s32 $0x1  }
0x2: {  	[smem:$0x3F97] =	sst lr;
	_ =	strace $0xD0000000  }
0x3: {  	_ = 	snop  }
0x4: {  	_ = 	snop  }
0x5: {  	_ = 	snop  }
0x6: {  	_ = 	snop  }
0x7: {  	_ = 	snop  }
__scs_overlays_trampoline_lowered:
0x8: {  	[smem:$0x3FA6] =	sst s0  }
0x9: {  	[smem:$0x3FA7] =	sst s1  }
0xa: {  	[smem:$0x3FA8] =	sst s2  }
0xb: {  	[smem:$0x3FA9] =	sst s3  }
0xc: {  	[smem:$0x3FAA] =	sst s4  }
0xd: {  	[smem:$0x3FAB] =	sst s5  }
0xe: {  	[smem:$0x3FAC] =	sst s6  }
0xf: {  	[smem:$0x3FAD] =	sst s7  }
0x10: {  	[smem:$0x3FAE] =	sst s8  }
0x11: {  	[smem:$0x3FAF] =	sst s9;
	s0 =	simm.s32 @!p0 $0x0  }
0x12: {  	s1 =	sld [smem:$0x3F95];
	s0 =	simm.s32 @p0 $0x1  }
0x13: {  	[smem:$0x3FB0] =	sst s0;
	s0 =	simm.s32 @!p1 $0x0  }
0x14: {  	s2 =	sld [smem:$0x3F94];
	s0 =	simm.s32 @p1 $0x1  }
0x15: {  	[smem:$0x3FB1] =	sst s0;
	s0 =	simm.s32 @!p2 $0x0  }
0x16: {  	s3 =	sld [smem:$0x3FDB];
	s0 =	simm.s32 @p2 $0x1  }
0x17: {  	s4 =	simm.s32 $0x1BF5;
	[smem:$0x3FB3] =	sst s0  }
0x18: {  	s0 =	sld [smem:$0x3F96];
	_ =	swait.ge [sflag:s4], $0x0  }
0x19: {  	s7 =	sld [smem:$0x3F97]  }
0x1a: {  	s8 =	sadd.s32 $0xFFFFE003, lr  }
0x1b: {  	s9 =	sadd.s32 $0xFFFFFEF7, lr;
	s5 =	simm.s32 $0xFFFFFFFF;
	p2 =	slt.u32 s8, $0xFFFFF086  }
0x1c: {  	p1 =	slt.u32 s9, $0xF7A;
	s5 =	simm.s32 @!p2 $0x0  }
0x1d: {  	s5 =	simm.s32 @p1 $0x1;
	p0 =	seq.s32 s7, s2  }
0x1e: {  	s7 =	smul.u32 @!p0 $0xF7A, s2;
	p2 =	seq.s32 @!p0 s5, $0x0  }
0x1f: {  	s9 =	smul.u32 $0xF7A, s1;
	s8 =	simm.s32 @!p0 $0x1BF5;
	p2 =	por !p2, p0  }
0x20: {  	[sflag:s8] =	ssyncset.s32 @!p0 $0xFFFFF086;
	s6 =	sadd.s32 @!p0 s3, s7;
	s7 =	simm.s32 @!p0 $0x108  }
0x21: {  	s3 =	sadd.s32 s3, s9;
	s6 =	sadd.s32 @!p0 $0x88, s6;
	s7 =	simm.s32 @p2 $0x1082  }
0x22: {  	[simem:s7], [sflag:s8] =	dma.local @!p0 [hbm:s6], $0xF7A  }
0x23: {  	s9 =	sor.u32 $0xD0000000, s2;
	s6 =	simm.s32 $0x108;
	_ =	swait.ge @!p0 [sflag:s8], $0x0  }
0x24: {  	s3 =	sadd.s32 $0x88, s3;
	s6 =	simm.s32 @!p1 $0x1082;
	[sflag:s4] =	ssyncset.s32 $0xFFFFF086  }
0x25: {  	[simem:s6], [sflag:s4] =	dma.local [hbm:s3], $0xF7A  }
0x26: {  	[smem:$0x3F97] =	sst s1;
	(tag) =	ssettag s2;
	_ =	strace s9  }
0x27: {  	s1 =	sld [smem:$0x3FA7]  }
0x28: {  	s2 =	sld [smem:$0x3FA8]  }
0x29: {  	s4 =	sld [smem:$0x3FAA]  }
0x2a: {  	p0 =	seq.s32 s5, $0x0;
	s5 =	sld [smem:$0x3FAB]  }
0x2b: {  	s6 =	sld [smem:$0x3FAC]  }
0x2c: {  	s7 =	sld [smem:$0x3FAD]  }
0x2d: {  	s3 =	simm.s32 $0x108;
	s8 =	sld [smem:$0x3FAE]  }
0x2e: {  	s3 =	simm.s32 @!p0 $0x1082;
	s9 =	sld [smem:$0x3FAF]  }
0x2f: {  	lr =	sadd.s32 s0, s3;
	s0 =	sld [smem:$0x3FA6]  }
0x30: {  	s3 =	sld [smem:$0x3FA9]  }
0x31: {  	[smem:$0x3FB2] =	sst s10  }
0x32: {  	s10 =	sld [smem:$0x3FB0];
	_ =	sdelay $0x3  }
0x33: {  	p0 =	seq.s32 s10, $0x1;
	s10 =	sld [smem:$0x3FB2];
	_ =	sdelay $0x3  }
0x34: {  	[smem:$0x3FB2] =	sst s10  }
0x35: {  	s10 =	sld [smem:$0x3FB1];
	_ =	sdelay $0x3  }
0x36: {  	p1 =	seq.s32 s10, $0x1;
	s10 =	sld [smem:$0x3FB2];
	_ =	sdelay $0x3  }
0x37: {  	[smem:$0x3FB2] =	sst s10  }
0x38: {  	s10 =	sld [smem:$0x3FB3]  }
0x39: {  	_ = 	snop;
	(pc) =	sbr.ind lr, $3  }
0x3a: {  	_ = 	snop  }
0x3b: {  	_ = 	snop  }
0x3c: {  	p2 =	seq.s32 s10, $0x1;
	s10 =	sld [smem:$0x3FB2]  }
0x3d: {  	_ =	shalt  }
0x3e: {  	_ =	shalt  }
0x3f: {  	_ =	shalt  }
0x40: {  	_ =	shalt  }
0x41: {  	_ =	shalt  }
0x42: {  	_ =	shalt  }
0x43: {  	_ =	shalt  }
0x44: {  	_ =	shalt  }
0x45: {  	_ =	shalt  }
0x46: {  	_ =	shalt  }
0x47: {  	_ =	shalt  }
0x48: {  	_ =	shalt  }
0x49: {  	_ =	shalt  }
0x4a: {  	_ =	shalt  }
0x4b: {  	_ =	shalt  }
0x4c: {  	_ =	shalt  }
0x4d: {  	_ =	shalt  }
0x4e: {  	_ =	shalt  }
0x4f: {  	_ =	shalt  }
0x50: {  	_ =	shalt  }
0x51: {  	_ =	shalt  }
0x52: {  	_ =	shalt  }
0x53: {  	_ =	shalt  }
0x54: {  	_ =	shalt  }
0x55: {  	_ =	shalt  }
0x56: {  	_ =	shalt  }
0x57: {  	_ =	shalt  }
0x58: {  	_ =	shalt  }
0x59: {  	_ =	shalt  }
0x5a: {  	_ =	shalt  }
0x5b: {  	_ =	shalt  }
0x5c: {  	_ =	shalt  }
0x5d: {  	_ =	shalt  }
0x5e: {  	_ =	shalt  }
0x5f: {  	_ =	shalt  }
0x60: {  	_ =	shalt  }
0x61: {  	_ =	shalt  }
0x62: {  	_ =	shalt  }
0x63: {  	_ =	shalt  }
0x64: {  	_ =	shalt  }
0x65: {  	_ =	shalt  }
0x66: {  	_ =	shalt  }
0x67: {  	_ =	shalt  }
0x68: {  	_ =	shalt  }
0x69: {  	_ =	shalt  }
0x6a: {  	_ =	shalt  }
0x6b: {  	_ =	shalt  }
0x6c: {  	_ =	shalt  }
0x6d: {  	_ =	shalt  }
0x6e: {  	_ =	shalt  }
0x6f: {  	_ =	shalt  }
0x70: {  	_ =	shalt  }
0x71: {  	_ =	shalt  }
0x72: {  	_ =	shalt  }
0x73: {  	_ =	shalt  }
0x74: {  	_ =	shalt  }
0x75: {  	_ =	shalt  }
0x76: {  	_ =	shalt  }
0x77: {  	_ =	shalt  }
0x78: {  	_ =	shalt  }
0x79: {  	_ =	shalt  }
0x7a: {  	_ =	shalt  }
0x7b: {  	_ =	shalt  }
0x7c: {  	_ =	shalt  }
0x7d: {  	_ =	shalt  }
0x7e: {  	_ =	shalt  }
0x7f: {  	_ =	shalt  }
0x80: {  	_ =	shalt  }
0x81: {  	_ =	shalt  }
0x82: {  	_ =	shalt  }
0x83: {  	_ =	shalt  }
0x84: {  	_ =	shalt  }
0x85: {  	_ =	shalt  }
0x86: {  	_ =	shalt  }
0x87: {  	_ =	shalt  }
.Lfunc_end0:
.L_simem_size_0:
called_computation.2_lowered:
.L_overlay_start_0:
0x88: {  	s2 =	sld [smem:$0x3FD9]  }
0x89: {  	s3 =	sld [smem:$0x3FFE];
	_ =	sdelay $0x1  }
0x8a: {  	s1 =	srdreg.scid  }
0x8b: {  	s0 =	sand.u32 $0x1, s1  }
0x8c: {  	s17 =	sshll.u32 s0, $0xA;
	s2 =	sadd.s32 s3, s2  }
0x8d: {  	s2 =	sadd.s32 s2, s17  }
0x8e: {  	[smem:$0x3FBE] =	sst s2  }
0x8f: {  	_ = 	snop  }
0x90: {  	(tm) =	ssettm $0x1  }
0x91: {  	s18 =	sld [smem:$0x3FFB];
	_ =	sdelay $0x3  }
0x92: {  	_ =	strace s18  }
0x93: {  	s2 =	sld [smem:$0x3FFC];
	_ =	sdelay $0x3  }
0x94: {  	_ =	strace s2  }
0x95: {  	s2 =	sld [smem:$0x3FFD];
	_ =	sdelay $0x3  }
0x96: {  	_ =	strace s2  }
0x97: {  	_ =	strace $0x8FFFFFFF  }
0x98: {  	s19 =	sld [smem:$0x3FDB];
	_ =	sdelay $0x1  }
0x99: {  	s20 =	simm.s32 $_scs_section_size  }
0x9a: {  	s4 =	simm.s32 $_size__tile_overlayer_lowered;
	s5 =	simm.s32 $_tile_overlayer_lowered  }
0x9b: {  	s6 =	simm.s32 $0x1BFF;
	s21 =	sshll.u32 s5, $0x1;
	s3 =	sadd.s32 s20, s19  }
0x9c: {  	s22 =	simm.s32 $0x0;
	s4 =	sshll.u32 s4, $0x1;
	s5 =	sadd.s32 s21, s3  }
0x9d: {  	[timem:s22], [sflag:s6] =	dma.local [hbm:s5], s4  }
0x9e: {  	_ =	swait.ge [sflag:s6], s4  }
0x9f: {  	s4 =	ssub.s32 $0x0, s4;
	[sflag:s6] =	ssyncset.done $0x0  }
0xa0: {  	[sflag:s6] =	ssyncadd.s32 s4;
	_ =	sdelay $0x1  }
0xa1: {  	s23 =	simm.s32 $0x1B8B  }
0xa2: {  	_ =	swait.ge [sflag:s23], $0x1  }
0xa3: {  	[sflag:s23] =	ssyncset.done $0x0  }
0xa4: {  	[sflag:s23] =	ssyncadd.s32 $0xFFFFFFFF  }
0xa5: {  	s4 =	sld [smem:$0x0]  }
0xa6: {  	s5 =	sand.u32 $0xFFFFFFFE, s1  }
0xa7: {  	p0 =	sne.s32 s1, s5  }
0xa8: {  	s5 =	sshll.u32 @p0 s5, $0xE  }
0xa9: {  	s5 =	sadd.s32 @p0 $0x11B8D, s5;
	s6 =	sshll.u32 @p0 s4, $0x11  }
0xaa: {  	s5 =	sor.u32 @p0 s6, s5  }
0xab: {  	[sflag:s5] =	ssyncadd.remote.s32 @p0 $0x1;
	_ =	sdelay $0x1  }
0xac: {  	s5 =	simm.s32 @p0 $0x1B8D  }
0xad: {  	_ =	swait.eq @p0 [sflag:s5], $0x1  }
0xae: {  	[sflag:s5] =	ssyncadd.s32 @p0 $0xFFFFFFFF  }
0xaf: {  	s6 =	sshll.u32 @!p0 s1, $0xE  }
0xb0: {  	s6 =	sor.u32 @!p0 $0x4000, s6;
	s5 =	simm.s32 @!p0 $0x1B8D  }
0xb1: {  	s4 =	sshll.u32 @!p0 s4, $0x11;
	s6 =	sadd.s32 @!p0 $0x11B8D, s6;
	_ =	swait.eq @!p0 [sflag:s5], $0x1  }
0xb2: {  	s4 =	sor.u32 @!p0 s4, s6;
	[sflag:s5] =	ssyncadd.s32 @!p0 $0xFFFFFFFF  }
0xb3: {  	s25 =	simm.s32 $0x1B8E;
	s24 =	sld [smem:$0x3FFE];
	[sflag:s4] =	ssyncadd.remote.s32 @!p0 $0x1  }
0xb4: {  	s26 =	simm.s32 $execute0_lowered;
	[smem:$0x3FD2] =	sst s25  }
0xb5: {  	s5 =	sshll.u32 s26, $0x1;
	_ =	strace $0x8000004C;
	[dreg:$0x1] =	wrdreg $0xFFFFFFFF  }
0xb6: {  	s28 =	simm.s32 $_size_execute0_lowered;
	s3 =	sadd.s32 s3, s5;
	[dreg:$0x0] =	wrdreg $0x0  }
0xb7: {  	s5 =	sshll.u32 s28, $0x1;
	[dreg:$0x2] =	wrdreg s3  }
0xb8: {  	[dreg:$0x3] =	wrdreg s5  }
0xb9: {  	[dreg:$0x4] =	wrdreg $0xC0  }
0xba: {  	_ =	task [dreg:s22], $0x5FFFF  }
0xbb: {  	[dreg:$0x1] =	wrdreg $0xFFFFFFFF  }
0xbc: {  	[dreg:$0x0] =	wrdreg $0x60  }
0xbd: {  	[dreg:$0x2] =	wrdreg s24  }
0xbe: {  	[dreg:$0x3] =	wrdreg $0x145000  }
0xbf: {  	[dreg:$0x4] =	wrdreg $0xA  }
0xc0: {  	_ =	task.clear_ibuf [dreg:s22], $0x5FFFF;
	_ =	strace $0x9000004C  }
0xc1: {  	s29 =	simm.s32 $0xA;
	_ =	strace $0x8000004E  }
0xc2: {  	_ =	swait.ge [sflag:s29], $0x1  }
0xc3: {  	[sflag:s29] =	ssyncadd.s32 $0xFFFFFFFF  }
0xc4: {  	_ =	strace $0x9000004E  }
0xc5: {  	_ =	sfence  }
0xc6: {  	s30 =	sld [smem:$0x0];
	_ =	sdelay $0x2  }
0xc7: {  	s31 =	sshll.u32 s1, $0xD;
	s1 =	sshrl.u32 s1, $0x2  }
0xc8: {  	s4 =	sand.u32 $0x4000, s31;
	s1 =	sadd.s32 s1, s30  }
0xc9: {  	s0 =	sor.u32 s4, s0;
	s1 =	sshll.u32 s1, $0x11  }
0xca: {  	s0 =	sor.u32 s1, s0  }
0xcb: {  	s0 =	sadd.s32 $0x8F2B, s0  }
0xcc: {  	[sflag:s0] =	ssyncadd.remote.s32 $0x1  }
0xcd: {  	_ =	sfence.sel $0xFFFF  }
0xce: {  	[dreg:$0x0] =	wrdreg $0xFFFFFFFF;
	(pc) =	sbr.abs _section_cstart, $3  }
0xcf: {  	[dreg:$0x1] =	wrdreg $0xFFFFFFFF  }
0xd0: {  	_ =	task.clear_ibuf [dreg:s22], $0x2FFFF;
	_ =	strace $0x9FFFFFFF  }
0xd1: {  	(tm) =	ssettm $0x7FFFFFFF  }
tec
execute0_lowered:
.L_overlay_start_1:
0x0: {  	(tag) =	ssettag $0x1  }
0x1: {  	s0 =	srdreg.scid;
	s1 =	rddreg [dreg:$0x0]  }
0x2: {  	s19 =	stileid.u32;
	s4 =	rddreg [dreg:$0x1];
	s2 =	simm.s32 $0x0  }
0x3: {  	s30 =	simm.s32 $0x1;
	s31 =	simm.s32 $0x2800;
	s0 =	sand.u32 $0x1, s0  }
0x4: {  	[smem:$0x7FF] =	sst s2;
	s8 =	sshll.u32 s19, $0x7;
	s9 =	sadd.s32 $0x19000, s1  }
0x5: {  	s17 =	sadd.s32 $0x19600, s1;
	s18 =	sshrl.u32 s19, $0x3;
	s20 =	smul.u32 $0x5000, s19  }
0x6: {  	s26 =	smul.u32 $0xA0, s19;
	s3 =	sshll.u32 s0, $0x4;
	_ =	strace $0x8000004D  }
0x7: {  	[dreg:$0x3] =	wrdreg s9;
	s9 =	smul.u32 $0x50000, s18;
	s5 =	sor.u32 s19, s3  }
0x8: {  	s8 =	sand.u32 $0x380, s8;
	s0 =	ssub.s32 $0x2, s0;
	s6 =	smul.u32 $0x500, s5  }
0x9: {  	[dreg:$0x4] =	wrdreg s17;
	s10 =	sshrl.u32 s0, $0x1;
	s7 =	smul.u32 $0x520, s5  }
0xa: {  	s5 =	sshll.u32 s5, $0x7;
	s0 =	ssub.s32 s0, s10;
	s24 =	sshrl.u32 s9, $0x2  }
0xb: {  	s5 =	sand.u32 $0xC00, s5;
	s25 =	sadd.s32 s24, s4;
	s6 =	sadd.s32 s6, s1  }
0xc: {  	s7 =	sadd.s32 s7, s1;
	s5 =	sor.u32 s8, s5;
	s11 =	sadd.s32 s8, s25  }
0xd: {  	s25 =	smax.u32 s0, $0x1;
	s0 =	simm.s32 $0x80;
	s21 =	sadd.s32 $0x5000, s6  }
0xe: {  	s5 =	sshrl.u32 s5, $0x3;
	s6 =	sadd.s32 $0xF000, s6;
	[dreg:$0x5] =	wrdreg s21  }
0xf: {  	s22 =	sadd.s32 $0xCF800, s7;
	s23 =	sadd.s32 $0xD9C00, s7;
	[dreg:$0x6] =	wrdreg s6  }
0x10: {  	s5 =	sadd.s32 s5, s1;
	s1 =	sadd.s32 s3, s1;
	[dreg:$0x7] =	wrdreg s22  }
0x11: {  	[dreg:$0x8] =	wrdreg s23;
	s3 =	sshrl.u32 s20, $0x2;
	s9 =	sadd.s32 $0x19C00, s5  }
0x12: {  	s10 =	sadd.s32 s3, s4;
	s1 =	sadd.s32 $0xCEE00, s1;
	s3 =	simm.s32 $0x400  }
0x13: {  	s4 =	simm.s32 $0x0;
	s12 =	sadd.s32 $0x80, s10;
	s13 =	sadd.s32 $0x100, s10  }
0x14: {  	s14 =	sadd.s32 $0x180, s10;
	s15 =	sadd.s32 $0x200, s10;
	s16 =	sadd.s32 $0x280, s10  }
0x15: {  	s17 =	sadd.s32 $0x300, s10;
	s18 =	sadd.s32 $0x380, s10;
	s19 =	sadd.s32 $0x14000, s10  }
0x16: {  	s20 =	sadd.s32 $0x14080, s10;
	s21 =	sadd.s32 $0x14100, s10;
	s22 =	sadd.s32 $0x14180, s10  }
0x17: {  	s23 =	sadd.s32 s26, s1;
	s24 =	sadd.s32 $0x14200, s10;
	s26 =	sadd.s32 $0x14280, s10  }
0x18: {  	v0 =	vimm.s32 $0x0;
	v1 =	vimm.s32 $0x1;
	v2 =	vlaneseq.u32;
	s28 =	sadd.s32 $0x14300, s10;
	s29 =	sadd.s32 $0x14380, s10;
	s1 =	simm.s32 $0xF200  }
.LBB2_1:
0x19: {  	s5 =	rddreg [dreg:$0x3]  }
0x1a: {  	[tilespmem:s2], [sflag:$0x1] =	stream.linear.gather [hbm4b:s5+s2], $0x2800, $0x38;
	[tilespmem:$0x16D00] =	vst v63  }
0x1b: {  	_ =	swait.ge [sflag:s30], $0x2800  }
0x1c: {  	[sflag:s30] =	ssyncset.done $0x0  }
0x1d: {  	s7 =	rddreg [dreg:$0x4];
	[sflag:s30] =	ssyncadd.s32 $0xFFFFD800  }
0x1e: {  	[tilespmem:s31], [sflag:$0x1] =	stream.linear.gather [hbm4b:s7+s2], $0x2800, $0x38;
	[tilespmem:$0x16D00] =	vst v63  }
0x1f: {  	_ =	swait.ge [sflag:s30], $0x2800  }
0x20: {  	[sflag:s30] =	ssyncset.done $0x0  }
0x21: {  	s6 =	simm.s32 $0x5000;
	s8 =	rddreg [dreg:$0x5];
	[sflag:s30] =	ssyncadd.s32 $0xFFFFD800  }
0x22: {  	[tilespmem:s6], [sflag:$0x1] =	stream.linear.gather [hbm4b:s8+s2], $0x2800, $0x38;
	[tilespmem:$0x16D00] =	vst v63  }
0x23: {  	_ =	swait.ge [sflag:s30], $0x2800  }
0x24: {  	[sflag:s30] =	ssyncset.done $0x0  }
0x25: {  	s8 =	simm.s32 $0x7800;
	s7 =	rddreg [dreg:$0x6];
	[sflag:s30] =	ssyncadd.s32 $0xFFFFD800  }
0x26: {  	[tilespmem:s8], [sflag:$0x1] =	stream.linear.gather [hbm4b:s7+s2], $0x2800, $0x38;
	[tilespmem:$0x16D00] =	vst v63  }
0x27: {  	_ =	swait.ge [sflag:s30], $0x2800  }
0x28: {  	[sflag:s30] =	ssyncset.done $0x0  }
0x29: {  	s5 =	simm.s32 $0x0;
	[sflag:s30] =	ssyncadd.s32 $0xFFFFD800  }
.LBB2_2:
0x2a: {  	p0 =	sne.s32 s5, $0x9FC0  }
.Ltmp0:
0x2b: {  	_ = 	snop;
	(pc) =	sbr.rel @p0 .LBB2_2-.Ltmp0, $3  }
0x2c: {  	_ =	sdelay $0x1  }
0x2d: {  	s6 =	sshra.s32 s5, $0x2  }
0x2e: {  	s5 =	sadd.s32 $0x40, s5;
	[tilespmem:s6+$0xF200] =	vst v0  }
0x2f: {  	s5 =	simm.s32 $0x0  }
0x30: {  	v3 =	vld [tilespmem:s5+$0x7800]  }
0x31: {  	v4 =	vld [tilespmem:s5+$0x5000];
	_ =	sdelay $0x6  }
0x32: {  	v5 =	vld.idx.msk [tilespmem:v3+s31+$0x0], $0xffff  }
0x33: {  	v6 =	vld.idx.msk [tilespmem:v4+s2+$0x0], $0xffff;
	_ =	sdelay $0x4  }
0x34: {  	vm0 =	vgt.s32 v6, $0x0;
	vm1 =	vgt.s32 v5, $0x0  }
0x35: {  	s5 =	simm.s32 $0x0;
	vm0 =	vmand vm0, vm1  }
0x36: {  	[tilespmem:s5+$0xA000] =	vst.msk vm0, v4;
	v4 =	vsel vm0, $0x1, v0  }
0x37: {  	(xrf0) =	vadd.scan.msk.s32 $0xffff, v4;
	_ =	sdelay $0x2  }
0x38: {  	[tilespmem:s5+$0xC900] =	vst.msk vm0, v3  }
0x39: {  	s7 =	simm.s32 $0x10;
	[tilespmem:v3+s1+$0x0] =	vst.idx.add.s32.msk vm0, v1  }
0x3a: {  	s6 =	simm.s32 $0x80;
	v3 =	vld [tilespmem:s7+$0x7800]  }
.LBB2_4:
0x3b: {  	p0 =	sne.s32 s6, $0x9FC0;
	v4 =	vld [tilespmem:s7+$0x5000];
	v5, _, _ =	vpop (xrf0)  }
0x3c: {  	(v2sf) =	vpush v5, $0xF;
	_ =	sdelay $0x5  }
0x3d: {  	v5 =	vld.idx.msk [tilespmem:v3+s31+$0x0], $0xffff  }
0x3e: {  	v6 =	vld.idx.msk [tilespmem:v4+s2+$0x0], $0xffff;
	_ =	sdelay $0x5  }
0x3f: {  	vm1 =	vgt.s32 v5, $0x0;
	vm0 =	vgt.s32 v6, $0x0  }
0x40: {  	vm0 =	vmand vm0, vm1  }
0x41: {  	v5 =	vsel vm0, $0x1, v0;
	s7 =	spop (v2sf)  }
0x42: {  	(xrf0) =	vadd.scan.msk.s32 $0xffff, v5;
	s5 =	sadd.s32 s5, s7  }
.Ltmp1:
0x43: {  	[tilespmem:s5+$0xA000] =	vst.msk vm0, v4;
	(pc) =	sbr.rel @p0 .LBB2_4-.Ltmp1, $3  }
0x44: {  	[tilespmem:s5+$0xC900] =	vst.msk vm0, v3;
	_ =	sdelay $0x1  }
0x45: {  	s7 =	sshra.s32 s6, $0x2;
	[tilespmem:v3+s1+$0x0] =	vst.idx.add.s32.msk vm0, v1  }
0x46: {  	s6 =	sadd.s32 $0x40, s6;
	v3 =	vld [tilespmem:s7+$0x7800]  }
0x47: {  	_ = 	snop  }
0x48: {  	v4 =	vld [tilespmem:s7+$0x5000];
	_ =	sdelay $0x6  }
0x49: {  	v5 =	vld.idx.msk [tilespmem:v3+s31+$0x0], $0xffff  }
0x4a: {  	v6 =	vld.idx.msk [tilespmem:v4+s2+$0x0], $0xffff;
	_ =	sdelay $0x4  }
0x4b: {  	vm1 =	vgt.s32 v5, $0x0;
	vm0 =	vgt.s32 v6, $0x0  }
0x4c: {  	vm0 =	vmand vm0, vm1  }
0x4d: {  	v60 =	vsel vm0, $0x1, v0  }
0x4e: {  	(xrf0) =	vadd.scan.msk.s32 $0xffff, v60;
	_ =	sdelay $0x4  }
0x4f: {  	v61, _, _ =	vpop (xrf0)  }
0x50: {  	(v2sf) =	vpush v61, $0xF;
	v62, _, _ =	vpop (xrf0)  }
0x51: {  	(v2sf) =	vpush v62, $0xF;
	_ =	sdelay $0xd  }
0x52: {  	s6 =	spop (v2sf)  }
0x53: {  	s7 =	sadd.s32 s5, s6;
	s8 =	spop (v2sf)  }
0x54: {  	s6 =	simm.s32 $0x0;
	s5 =	sadd.s32 s7, s8  }
0x55: {  	[tilespmem:s7+$0xA000] =	vst.msk vm0, v4;
	v63 =	vor.u32 s6, v2;
	s5 =	sshll.u32 s5, $0x2  }
0x56: {  	[tilespmem:s7+$0xC900] =	vst.msk vm0, v3;
	v4 =	vand.u32 $0x7F, v63;
	s6 =	sshra.s32 s5, $0x2  }
0x57: {  	[tilespmem:v3+s1+$0x0] =	vst.idx.add.s32.msk vm0, v1;
	v3 =	vadd.s32 $0x2710, v4;
	s5 =	sadd.s32 $0xA000, s6  }
0x58: {  	s6 =	sadd.s32 $0xC900, s6;
	[tilespmem:s5+$0x0] =	vst v3  }
0x59: {  	s7 =	sadd.s32 s7, s8;
	s8 =	simm.s32 $0x10;
	[tilespmem:s6+$0x0] =	vst v3  }
.LBB2_6:
0x5a: {  	p0 =	sne.s32 s8, $0xF0  }
.Ltmp2:
0x5b: {  	v3 =	vor.u32 s8, v2;
	(pc) =	sbr.rel @p0 .LBB2_6-.Ltmp2, $4  }
0x5c: {  	s8 =	sadd.s32 $0x10, s8;
	v3 =	vand.u32 $0x7F, v3  }
0x5d: {  	s5 =	sadd.s32 $0x10, s5;
	v3 =	vadd.s32 $0x2710, v3  }
0x5e: {  	s6 =	sadd.s32 $0x10, s6;
	[tilespmem:s5+$0x0] =	vst v3  }
0x5f: {  	[tilespmem:s6+$0x0] =	vst v3  }
0x60: {  	s5 =	sadd.s32 $0x7F, s7  }
0x61: {  	s5 =	sshrl.u32 s5, $0x7  }
0x62: {  	v3 =	vmov s5  }
0x63: {  	s6 =	rddreg [dreg:$0x7];
	s8 =	simm.s32 $0xA000;
	s5 =	simm.s32 $0x0;
	[tilespmem:$0x14480] =	vst v3  }
0x64: {  	[hbm4b:s6+s5] =	stream.linear.scatter [tilespmem:s8], [sflag:$0x1], $0x2900, $0x38;
	[tilespmem:$0x16D00] =	vst v63  }
0x65: {  	_ =	swait.ge [sflag:s30], $0x2900  }
0x66: {  	[sflag:s30] =	ssyncset.done $0x0  }
0x67: {  	s8 =	simm.s32 $0xC900;
	s7 =	rddreg [dreg:$0x8];
	[sflag:s30] =	ssyncadd.s32 $0xFFFFD700  }
0x68: {  	[hbm4b:s7+s5] =	stream.linear.scatter [tilespmem:s8], [sflag:$0x1], $0x2900, $0x38;
	[tilespmem:$0x16D00] =	vst v63  }
0x69: {  	_ =	swait.ge [sflag:s30], $0x2900  }
0x6a: {  	[sflag:s30] =	ssyncset.done $0x0  }
0x6b: {  	s7 =	simm.s32 $0x14480;
	[sflag:s30] =	ssyncadd.s32 $0xFFFFD700  }
0x6c: {  	[hbm4b:s9+s5] =	stream.linear.scatter [tilespmem:s7], [sflag:$0x1], $0x80, $0x38;
	[tilespmem:$0x16D00] =	vst v63  }
0x6d: {  	_ =	swait.ge [sflag:s30], $0x80  }
0x6e: {  	[sflag:s30] =	ssyncset.done $0x0  }
0x6f: {  	[sflag:s30] =	ssyncadd.s32 $0xFFFFFF80  }
0x70: {  	[spmem:s11] =	stream.strided.scatter [tilespmem:s1], [sflag:$0x1], $0x2800, s3, s0, $0x38;
	[tilespmem:$0x16D00] =	vst v63  }
0x71: {  	_ =	swait.ge [sflag:s30], $0x2800  }
0x72: {  	[sflag:s30] =	ssyncset.done $0x0  }
0x73: {  	[sflag:s30] =	ssyncadd.s32 $0xFFFFD800  }
0x74: {  	s6 =	simm.s32 $0x11A00;
	[bflag:$0x0] =	sbarrier.arrive $0xFFFF  }
0x75: {  	[tilespmem:s6], [sflag:$0x1] =	stream.strided.gather [spmem:s10], $0x280, s3, s0, $0x38;
	[tilespmem:$0x16D00] =	vst v63  }
0x76: {  	_ =	swait.ge [sflag:s30], $0x280  }
0x77: {  	[sflag:s30] =	ssyncset.done $0x0  }
0x78: {  	s8 =	simm.s32 $0x11C80;
	[sflag:s30] =	ssyncadd.s32 $0xFFFFFD80  }
0x79: {  	[tilespmem:s8], [sflag:$0x1] =	stream.strided.gather [spmem:s12], $0x280, s3, s0, $0x38;
	[tilespmem:$0x16D00] =	vst v63  }
0x7a: {  	_ =	swait.ge [sflag:s30], $0x280  }
0x7b: {  	[sflag:s30] =	ssyncset.done $0x0  }
0x7c: {  	s8 =	simm.s32 $0x11F00;
	[sflag:s30] =	ssyncadd.s32 $0xFFFFFD80  }
0x7d: {  	[tilespmem:s8], [sflag:$0x1] =	stream.strided.gather [spmem:s13], $0x280, s3, s0, $0x38;
	[tilespmem:$0x16D00] =	vst v63  }
0x7e: {  	_ =	swait.ge [sflag:s30], $0x280  }
0x7f: {  	[sflag:s30] =	ssyncset.done $0x0  }
0x80: {  	s8 =	simm.s32 $0x12180;
	[sflag:s30] =	ssyncadd.s32 $0xFFFFFD80  }
0x81: {  	[tilespmem:s8], [sflag:$0x1] =	stream.strided.gather [spmem:s14], $0x280, s3, s0, $0x38;
	[tilespmem:$0x16D00] =	vst v63  }
0x82: {  	_ =	swait.ge [sflag:s30], $0x280  }
0x83: {  	[sflag:s30] =	ssyncset.done $0x0  }
0x84: {  	s8 =	simm.s32 $0x12400;
	[sflag:s30] =	ssyncadd.s32 $0xFFFFFD80  }
0x85: {  	[tilespmem:s8], [sflag:$0x1] =	stream.strided.gather [spmem:s15], $0x280, s3, s0, $0x38;
	[tilespmem:$0x16D00] =	vst v63  }
0x86: {  	_ =	swait.ge [sflag:s30], $0x280  }
0x87: {  	[sflag:s30] =	ssyncset.done $0x0  }
0x88: {  	s8 =	simm.s32 $0x12680;
	[sflag:s30] =	ssyncadd.s32 $0xFFFFFD80  }
0x89: {  	[tilespmem:s8], [sflag:$0x1] =	stream.strided.gather [spmem:s16], $0x280, s3, s0, $0x38;
	[tilespmem:$0x16D00] =	vst v63  }
0x8a: {  	_ =	swait.ge [sflag:s30], $0x280  }
0x8b: {  	[sflag:s30] =	ssyncset.done $0x0  }
0x8c: {  	s8 =	simm.s32 $0x12900;
	[sflag:s30] =	ssyncadd.s32 $0xFFFFFD80  }
0x8d: {  	[tilespmem:s8], [sflag:$0x1] =	stream.strided.gather [spmem:s17], $0x280, s3, s0, $0x38;
	[tilespmem:$0x16D00] =	vst v63  }
0x8e: {  	_ =	swait.ge [sflag:s30], $0x280  }
0x8f: {  	[sflag:s30] =	ssyncset.done $0x0  }
0x90: {  	s8 =	simm.s32 $0x12B80;
	[sflag:s30] =	ssyncadd.s32 $0xFFFFFD80  }
0x91: {  	[tilespmem:s8], [sflag:$0x1] =	stream.strided.gather [spmem:s18], $0x280, s3, s0, $0x38;
	[tilespmem:$0x16D00] =	vst v63  }
0x92: {  	_ =	swait.ge [sflag:s30], $0x280  }
0x93: {  	[sflag:s30] =	ssyncset.done $0x0  }
0x94: {  	s8 =	simm.s32 $0x12E00;
	[sflag:s30] =	ssyncadd.s32 $0xFFFFFD80  }
0x95: {  	[tilespmem:s8], [sflag:$0x1] =	stream.strided.gather [spmem:s19], $0x280, s3, s0, $0x38;
	[tilespmem:$0x16D00] =	vst v63  }
0x96: {  	_ =	swait.ge [sflag:s30], $0x280  }
0x97: {  	[sflag:s30] =	ssyncset.done $0x0  }
0x98: {  	s8 =	simm.s32 $0x13080;
	[sflag:s30] =	ssyncadd.s32 $0xFFFFFD80  }
0x99: {  	[tilespmem:s8], [sflag:$0x1] =	stream.strided.gather [spmem:s20], $0x280, s3, s0, $0x38;
	[tilespmem:$0x16D00] =	vst v63  }
0x9a: {  	_ =	swait.ge [sflag:s30], $0x280  }
0x9b: {  	[sflag:s30] =	ssyncset.done $0x0  }
0x9c: {  	s8 =	simm.s32 $0x13300;
	[sflag:s30] =	ssyncadd.s32 $0xFFFFFD80  }
0x9d: {  	[tilespmem:s8], [sflag:$0x1] =	stream.strided.gather [spmem:s21], $0x280, s3, s0, $0x38;
	[tilespmem:$0x16D00] =	vst v63  }
0x9e: {  	_ =	swait.ge [sflag:s30], $0x280  }
0x9f: {  	[sflag:s30] =	ssyncset.done $0x0  }
0xa0: {  	s8 =	simm.s32 $0x13580;
	[sflag:s30] =	ssyncadd.s32 $0xFFFFFD80  }
0xa1: {  	[tilespmem:s8], [sflag:$0x1] =	stream.strided.gather [spmem:s22], $0x280, s3, s0, $0x38;
	[tilespmem:$0x16D00] =	vst v63  }
0xa2: {  	_ =	swait.ge [sflag:s30], $0x280  }
0xa3: {  	[sflag:s30] =	ssyncset.done $0x0  }
0xa4: {  	s8 =	simm.s32 $0x13800;
	[sflag:s30] =	ssyncadd.s32 $0xFFFFFD80  }
0xa5: {  	[tilespmem:s8], [sflag:$0x1] =	stream.strided.gather [spmem:s24], $0x280, s3, s0, $0x38;
	[tilespmem:$0x16D00] =	vst v63  }
0xa6: {  	_ =	swait.ge [sflag:s30], $0x280  }
0xa7: {  	[sflag:s30] =	ssyncset.done $0x0  }
0xa8: {  	s8 =	simm.s32 $0x13A80;
	[sflag:s30] =	ssyncadd.s32 $0xFFFFFD80  }
0xa9: {  	[tilespmem:s8], [sflag:$0x1] =	stream.strided.gather [spmem:s26], $0x280, s3, s0, $0x38;
	[tilespmem:$0x16D00] =	vst v63  }
0xaa: {  	_ =	swait.ge [sflag:s30], $0x280  }
0xab: {  	[sflag:s30] =	ssyncset.done $0x0  }
0xac: {  	s8 =	simm.s32 $0x13D00;
	[sflag:s30] =	ssyncadd.s32 $0xFFFFFD80  }
0xad: {  	[tilespmem:s8], [sflag:$0x1] =	stream.strided.gather [spmem:s28], $0x280, s3, s0, $0x38;
	[tilespmem:$0x16D00] =	vst v63  }
0xae: {  	_ =	swait.ge [sflag:s30], $0x280  }
0xaf: {  	[sflag:s30] =	ssyncset.done $0x0  }
0xb0: {  	s8 =	simm.s32 $0x13F80;
	[sflag:s30] =	ssyncadd.s32 $0xFFFFFD80  }
0xb1: {  	[tilespmem:s8], [sflag:$0x1] =	stream.strided.gather [spmem:s29], $0x280, s3, s0, $0x38;
	[tilespmem:$0x16D00] =	vst v63  }
0xb2: {  	_ =	swait.ge [sflag:s30], $0x280  }
0xb3: {  	[sflag:s30] =	ssyncset.done $0x0  }
0xb4: {  	s5 =	sand.u32 $0x3F0, s5;
	[sflag:s30] =	ssyncadd.s32 $0xFFFFFD80  }
0xb5: {  	v3 =	vld [tilespmem:s5+$0x11C80]  }
0xb6: {  	v4 =	vld [tilespmem:s6+$0x0]  }
0xb7: {  	v5 =	vld [tilespmem:s5+$0x11F00]  }
0xb8: {  	v6 =	vld [tilespmem:s5+$0x12180]  }
0xb9: {  	v7 =	vld [tilespmem:s5+$0x12400]  }
0xba: {  	v8 =	vld [tilespmem:s5+$0x12680]  }
0xbb: {  	v3 =	vadd.s32 v4, v3;
	v4 =	vld [tilespmem:s5+$0x12900]  }
0xbc: {  	v3 =	vadd.s32 v5, v3;
	v5 =	vld [tilespmem:s5+$0x12B80]  }
0xbd: {  	v58 =	vld [tilespmem:s5+$0x12E00];
	v3 =	vadd.s32 v6, v3  }
0xbe: {  	v59 =	vld [tilespmem:s5+$0x13080];
	v3 =	vadd.s32 v7, v3  }
0xbf: {  	v60 =	vld [tilespmem:s5+$0x13300];
	v3 =	vadd.s32 v8, v3  }
0xc0: {  	v3 =	vadd.s32 v4, v3;
	v4 =	vld [tilespmem:s5+$0x13580]  }
0xc1: {  	v3 =	vadd.s32 v5, v3;
	v5 =	vld [tilespmem:s5+$0x13800]  }
0xc2: {  	v61 =	vld [tilespmem:s5+$0x13A80];
	v3 =	vadd.s32 v58, v3  }
0xc3: {  	v62 =	vld [tilespmem:s5+$0x13D00];
	v3 =	vadd.s32 v59, v3  }
0xc4: {  	v63 =	vld [tilespmem:s5+$0x13F80];
	v3 =	vadd.s32 v60, v3  }
0xc5: {  	v3 =	vadd.s32 v4, v3  }
0xc6: {  	v3 =	vadd.s32 v5, v3  }
0xc7: {  	v3 =	vadd.s32 v61, v3  }
0xc8: {  	v3 =	vadd.s32 v62, v3  }
0xc9: {  	s8 =	simm.s32 $0x10;
	s5 =	simm.s32 $0x14200;
	v3 =	vadd.s32 v63, v3  }
0xca: {  	s6 =	sand.u32 $0x3F0, s8;
	[tilespmem:s5+$0x0] =	vst v3  }
0xcb: {  	s7 =	simm.s32 $0x11A10;
	s8 =	simm.s32 $0x20;
	v3 =	vld [tilespmem:s6+$0x11C80]  }
.LBB2_8:
0xcc: {  	p0 =	sne.s32 s8, $0x270;
	v4 =	vld [tilespmem:s7+$0x0]  }
0xcd: {  	v5 =	vld [tilespmem:s6+$0x11F00]  }
0xce: {  	v6 =	vld [tilespmem:s6+$0x12180]  }
0xcf: {  	v7 =	vld [tilespmem:s6+$0x12400]  }
0xd0: {  	v8 =	vld [tilespmem:s6+$0x12680]  }
0xd1: {  	v3 =	vadd.s32 v4, v3;
	v4 =	vld [tilespmem:s6+$0x12900]  }
0xd2: {  	v3 =	vadd.s32 v5, v3;
	v5 =	vld [tilespmem:s6+$0x12B80]  }
0xd3: {  	v3 =	vadd.s32 v6, v3;
	v6 =	vld [tilespmem:s6+$0x12E00]  }
0xd4: {  	v3 =	vadd.s32 v7, v3;
	v7 =	vld [tilespmem:s6+$0x13080]  }
0xd5: {  	v3 =	vadd.s32 v8, v3;
	v8 =	vld [tilespmem:s6+$0x13300]  }
0xd6: {  	v3 =	vadd.s32 v4, v3;
	v4 =	vld [tilespmem:s6+$0x13580]  }
0xd7: {  	v3 =	vadd.s32 v5, v3;
	v5 =	vld [tilespmem:s6+$0x13800]  }
0xd8: {  	v3 =	vadd.s32 v6, v3;
	v6 =	vld [tilespmem:s6+$0x13A80]  }
0xd9: {  	v3 =	vadd.s32 v7, v3;
	v7 =	vld [tilespmem:s6+$0x13D00]  }
0xda: {  	v3 =	vadd.s32 v8, v3;
	v8 =	vld [tilespmem:s6+$0x13F80]  }
0xdb: {  	v3 =	vadd.s32 v4, v3  }
0xdc: {  	v3 =	vadd.s32 v5, v3  }
.Ltmp3:
0xdd: {  	v3 =	vadd.s32 v6, v3;
	(pc) =	sbr.rel @p0 .LBB2_8-.Ltmp3, $4  }
0xde: {  	v3 =	vadd.s32 v7, v3  }
0xdf: {  	s5 =	sadd.s32 $0x10, s5;
	v3 =	vadd.s32 v8, v3  }
0xe0: {  	s6 =	sand.u32 $0x3F0, s8;
	[tilespmem:s5+$0x0] =	vst v3  }
0xe1: {  	s7 =	sadd.s32 $0x10, s7;
	s8 =	sadd.s32 $0x10, s8;
	v3 =	vld [tilespmem:s6+$0x11C80]  }
0xe2: {  	v4 =	vld [tilespmem:s7+$0x0]  }
0xe3: {  	v5 =	vld [tilespmem:s6+$0x11F00]  }
0xe4: {  	v6 =	vld [tilespmem:s6+$0x12180]  }
0xe5: {  	v7 =	vld [tilespmem:s6+$0x12400]  }
0xe6: {  	v8 =	vld [tilespmem:s6+$0x12680]  }
0xe7: {  	v54 =	vld [tilespmem:s6+$0x12900];
	v3 =	vadd.s32 v4, v3  }
0xe8: {  	v55 =	vld [tilespmem:s6+$0x12B80];
	v3 =	vadd.s32 v5, v3  }
0xe9: {  	v56 =	vld [tilespmem:s6+$0x12E00];
	v3 =	vadd.s32 v6, v3  }
0xea: {  	v57 =	vld [tilespmem:s6+$0x13080];
	v3 =	vadd.s32 v7, v3  }
0xeb: {  	v58 =	vld [tilespmem:s6+$0x13300];
	v3 =	vadd.s32 v8, v3  }
0xec: {  	v59 =	vld [tilespmem:s6+$0x13580];
	v3 =	vadd.s32 v54, v3  }
0xed: {  	v60 =	vld [tilespmem:s6+$0x13800];
	v3 =	vadd.s32 v55, v3  }
0xee: {  	v61 =	vld [tilespmem:s6+$0x13A80];
	v3 =	vadd.s32 v56, v3  }
0xef: {  	v62 =	vld [tilespmem:s6+$0x13D00];
	v3 =	vadd.s32 v57, v3  }
0xf0: {  	v63 =	vld [tilespmem:s6+$0x13F80];
	v3 =	vadd.s32 v58, v3  }
0xf1: {  	v3 =	vadd.s32 v59, v3  }
0xf2: {  	v3 =	vadd.s32 v60, v3  }
0xf3: {  	v3 =	vadd.s32 v61, v3  }
0xf4: {  	s4 =	sadd.s32 $0x1, s4;
	v3 =	vadd.s32 v62, v3  }
0xf5: {  	s5 =	sadd.s32 $0x10, s5;
	p0 =	sne.s32 s4, s25;
	v3 =	vadd.s32 v63, v3  }
.Ltmp4:
0xf6: {  	s7 =	simm.s32 $0x100;
	s8 =	simm.s32 $0x14200;
	[tilespmem:s5+$0x0] =	vst v3;
	(pc) =	sbr.rel @p0 .LBB2_1-.Ltmp4, $4  }
0xf7: {  	[hbm4b:s23+s0] =	stream.strided.scatter [tilespmem:s8], [sflag:$0x1], $0x280, s7, s0, $0x38;
	[tilespmem:$0x16D00] =	vst v63  }
0xf8: {  	_ =	swait.ge [sflag:s30], $0x280  }
0xf9: {  	[sflag:s30] =	ssyncset.done $0x0  }
0xfa: {  	[sflag:s30] =	ssyncadd.s32 $0xFFFFFD80  }
0xfb: {  	_ =	sfence.sel $0x180000  }
0xfc: {  	[bflag:$0x0] =	sbarrier.arrive $0xFFFF  }
0xfd: {  	_ =	strace $0x9000004D  }
0xfe: {  	s0 =	stileid.u32;
	[bflag:$0x2] =	sbarrier.arrive $0xFFFF  }
0xff: {  	p0 =	sne.s32 s0, $0x0;
	s0 =	rddreg [dreg:$0x2]  }
0x100: {  	s0 =	sadd.s32 @!p0 $0x100000, s0  }
0x101: {  	[sflag:s0] =	ssyncadd.tile.s32 @!p0 $0x1;
	_ =	shalt  }
.Lfunc_end2:
_tile_overlayer_lowered:
.L_overlay_start_2:
0x102: {  	(tag) =	ssettag $0x2  }
0x103: {  	s0 =	rddreg [dreg:$0x0];
	s2 =	stileid.u32  }
0x104: {  	s1 =	rddreg [dreg:$0x1];
	p0 =	sne.s32 s2, $0x0  }
0x105: {  	s3 =	rddreg [dreg:$0x2];
	[bflag:$0x3] =	sbarrier.arrive $0xFFFF;
	s2 =	simm.s32 @!p0 $0x1C01  }
0x106: {  	[timem:s3], [sflag:s2] =	dma.local @!p0 [hbm:s0], s1  }
0x107: {  	s0 =	simm.s32 @!p0 $0x1  }
0x108: {  	_ =	swait.ge @!p0 [sflag:s0], s1  }
0x109: {  	s1 =	ssub.s32 @!p0 $0x0, s1;
	[sflag:s0] =	ssyncset.done @!p0 $0x0  }
0x10a: {  	[sflag:s0] =	ssyncadd.s32 @!p0 s1  }
0x10b: {  	[bflag:$0x3] =	sbarrier.arrive $0xFFFF  }
0x10c: {  	_ =	shalt  }

</sc_bundles>
